<compile_context>
chip_gen: v7x
topology: tpu7x:2x2x1
jax: 0.10.2.dev20260603
libtpu: 0.0.44.dev20260713+nightly
codegen_flags: <defaults>
</compile_context>

<pallas_src>
import functools

import jax
import jax.numpy as jnp
from jax import lax
from jax.experimental import pallas as pl
from jax.experimental.pallas import tpu as pltpu
from jax.experimental.pallas import tpu_sc as plsc

N_ROWS = 16384
N_CLS = 2048
EMB = 1024

NUM_SC = 2
NUM_TILES = 16
NUM_WORKERS = NUM_SC * NUM_TILES
LANES = 16

COL_CH = 128
N_CGRP = EMB // COL_CH
N_QGRP = NUM_WORKERS // N_CGRP
CLS_PER_Q = N_CLS // N_QGRP
K_CH = 128
N_CH = N_ROWS // K_CH


def _sc_body(x_hbm, y2_hbm, seg_hbm,
             y_v, buf0, buf1, acc_v, sem0, sem1, ysem0, ysem1):
    c = lax.axis_index("c")
    s = lax.axis_index("s")
    w = c * NUM_TILES + s
    q = w % N_QGRP
    col0 = pl.multiple_of((w // N_QGRP) * COL_CH, COL_CH)
    cls0 = q * CLS_PER_Q
    zero16 = jnp.zeros((LANES,), jnp.float32)
    lane = lax.iota(jnp.int32, LANES)
    cols = [lane + j * LANES for j in range(COL_CH // LANES)]

    def _zacc(i, carry):
        for j in range(COL_CH // LANES):
            acc_v[i, pl.ds(j * LANES, LANES)] = zero16
        return carry
    lax.fori_loop(0, CLS_PER_Q + 8, _zacc, 0)

    NB = 2
    bufs = (buf0, buf1)
    sems = (sem0, sem1)
    ysems = (ysem0, ysem1)

    def _copy(t, p):
        return pltpu.make_async_copy(
            x_hbm.at[pl.ds(t * K_CH, K_CH), pl.ds(col0, COL_CH)],
            bufs[p], sems[p])

    def _ycopy(t, p):
        return pltpu.make_async_copy(y2_hbm.at[t], y_v.at[p], ysems[p])

    def _consume(t, p):
        buf = bufs[p]

        @plsc.parallel_loop(0, K_CH // LANES, unroll=3)
        def _grp(g16):
            yvec = y_v[p, pl.ds(g16 * LANES, LANES)]
            keep = (yvec >= cls0) & (yvec < cls0 + CLS_PER_Q)
            ylvec = jnp.where(keep, yvec - cls0, CLS_PER_Q)
            for l in range(LANES):
                yl = ylvec[l]
                ylv = jnp.full((LANES,), yl, jnp.int32)
                r = g16 * LANES + l
                for j in range(COL_CH // LANES):
                    plsc.addupdate_scatter(
                        acc_v, [ylv, cols[j]],
                        buf[r, pl.ds(j * LANES, LANES)])

    for t0 in range(NB):
        _copy(t0, t0).start()
        _ycopy(t0, t0).start()

    def _step(i, carry):
        for p in range(NB):
            t = NB * i + p
            _copy(t, p).wait()
            _ycopy(t, p).wait()
            _consume(t, p)

            @pl.when(t + NB < N_CH)
            def _(t=t, p=p):
                _copy(t + NB, p).start()
                _ycopy(t + NB, p).start()
        return carry
    lax.fori_loop(0, N_CH // NB, _step, 0)

    pltpu.sync_copy(acc_v.at[pl.ds(0, CLS_PER_Q)],
                    seg_hbm.at[pl.ds(cls0, CLS_PER_Q), pl.ds(col0, COL_CH)])


_sc_segsum = functools.partial(
    pl.kernel,
    out_type=jax.ShapeDtypeStruct((N_CLS, EMB), jnp.float32),
    mesh=plsc.VectorSubcoreMesh(core_axis_name="c", subcore_axis_name="s",
                                num_cores=NUM_SC, num_subcores=NUM_TILES),
    compiler_params=pltpu.CompilerParams(needs_layout_passes=False),
    scratch_types=[
        pltpu.VMEM((2, K_CH), jnp.int32),
        pltpu.VMEM((K_CH, COL_CH), jnp.float32),
        pltpu.VMEM((K_CH, COL_CH), jnp.float32),
        pltpu.VMEM((CLS_PER_Q + 8, COL_CH), jnp.float32),
        pltpu.SemaphoreType.DMA,
        pltpu.SemaphoreType.DMA,
        pltpu.SemaphoreType.DMA,
        pltpu.SemaphoreType.DMA,
    ],
)(_sc_body)


def _update_body(seg_ref, proto_ref, y_ref, ctr_ref, upd_ref, p2_ref):
    ids = _BCU * pl.program_id(0) + lax.broadcasted_iota(
        jnp.int32, (_BCU, 1), 0)
    cnt = jnp.zeros((_BCU, 1), jnp.float32)
    for k in range(N_ROWS // 2048):
        yk = y_ref[0:1, pl.ds(k * 2048, 2048)]
        cnt = cnt + jnp.sum((yk == ids).astype(jnp.float32), axis=1,
                            keepdims=True)
    ctr = ctr_ref[...]
    seg = seg_ref[...]
    proto = proto_ref[...]
    npb = seg / jnp.maximum(cnt, 1.0)
    tot = ctr + cnt
    upd = jnp.where(cnt > 0.0,
                    (ctr * proto + cnt * npb) / jnp.maximum(tot, 1.0),
                    proto)
    upd_ref[...] = upd.astype(jnp.bfloat16)
    p2_ref[...] = jnp.sum(upd * upd, axis=1, keepdims=True)


_BCU = 256


def _update_call(seg, proto, y2d, ctr2):
    return pl.pallas_call(
        _update_body,
        grid=(N_CLS // _BCU,),
        in_specs=[
            pl.BlockSpec((_BCU, EMB), lambda i: (i, 0)),
            pl.BlockSpec((_BCU, EMB), lambda i: (i, 0)),
            pl.BlockSpec((1, N_ROWS), lambda i: (0, 0)),
            pl.BlockSpec((_BCU, 1), lambda i: (i, 0)),
        ],
        out_specs=[
            pl.BlockSpec((_BCU, EMB), lambda i: (i, 0)),
            pl.BlockSpec((_BCU, 1), lambda i: (i, 0)),
        ],
        out_shape=[jax.ShapeDtypeStruct((N_CLS, EMB), jnp.bfloat16),
                   jax.ShapeDtypeStruct((N_CLS, 1), jnp.float32)],
    )(seg, proto, y2d, ctr2)


_BM = 2048
_BC = 512


def _dist_body(x_ref, u_ref, p2_ref, o_ref):
    x = x_ref[...]
    dot = lax.dot_general(x.astype(jnp.bfloat16), u_ref[...],
                          (((1,), (1,)), ((), ())),
                          preferred_element_type=jnp.float32)
    x2 = jnp.sum(x * x, axis=1, keepdims=True)
    sq = x2 + p2_ref[...] - 2.0 * dot
    o_ref[...] = -jnp.maximum(sq, 0.0)


def _dist_call(x, upd, p2r):
    return pl.pallas_call(
        _dist_body,
        grid=(N_ROWS // _BM, N_CLS // _BC),
        in_specs=[
            pl.BlockSpec((_BM, EMB), lambda m, c: (m, 0)),
            pl.BlockSpec((_BC, EMB), lambda m, c: (c, 0)),
            pl.BlockSpec((1, _BC), lambda m, c: (0, c)),
        ],
        out_specs=pl.BlockSpec((_BM, _BC), lambda m, c: (m, c)),
        out_shape=jax.ShapeDtypeStruct((N_ROWS, N_CLS), jnp.float32),
    )(x, upd, p2r)


def kernel(x, y_true, prototypes, counter):
    y2 = y_true.reshape(N_CH, K_CH)
    seg = _sc_segsum(x, y2)
    upd, p2 = _update_call(seg, prototypes, y_true.reshape(1, N_ROWS),
                           counter.reshape(N_CLS, 1))
    return _dist_call(x, upd, p2.reshape(1, N_CLS))

# --- scband reference (transcript-rebuilt; emitter-appended) ---
"""Pipeline reference for scband-deep-ncm-24610162606421 (READ-ONLY COPY).

The authoritative reference and input builder live on the scoring server;
editing this copy changes nothing except your own understanding.
"""

import jax, jax.numpy as jnp
import numpy as np

N = 16384
NUM_CLASSES = 2048
EMB = 1024


def setup_inputs(seed: int = 0) -> dict:
    key = jax.random.key(seed)
    k1, k2, k3 = jax.random.split(key, 3)
    x = jax.random.normal(k1, (N, EMB), dtype=jnp.float32)
    y_true = jax.random.randint(k2, (N,), 0, NUM_CLASSES, dtype=jnp.int32)
    # learned/buffer state: prototypes ~ U[0,1) per torch.rand; counter starts at 0
    prototypes = jax.random.uniform(k3, (NUM_CLASSES, EMB), dtype=jnp.float32)
    counter = jnp.zeros((NUM_CLASSES,), dtype=jnp.float32)
    return {"x": x, "y_true": y_true, "prototypes": prototypes, "counter": counter}


def reference(x, y_true, prototypes, counter):
    # backbone model = Identity, so embeddings = x (2-D path, two_dim_data=False)
    C = prototypes.shape[0]
    # --- training-mode running-mean prototype update (detached in original) ---
    seg_sum = jax.ops.segment_sum(x, y_true, num_segments=C)
    counts = jnp.bincount(y_true, length=C).astype(jnp.float32)
    # scatter_mean with dim_size=C: classes absent from batch get 0
    new_proto_batch = seg_sum / jnp.maximum(counts, 1.0)[:, None]
    total = counter + counts
    has_cls = counts > 0
    updated = jnp.where(
        has_cls[:, None],
        (counter[:, None] * prototypes + counts[:, None] * new_proto_batch)
        / jnp.maximum(total, 1.0)[:, None],
        prototypes,
    )
    updated = jax.lax.stop_gradient(updated)
    # --- dists = cdist(embeddings, prototypes); return -dists**2 ---
    # computed directly as negative squared euclidean distances
    x2 = jnp.sum(x * x, axis=1, keepdims=True)            # [N,1]
    p2 = jnp.sum(updated * updated, axis=1)[None, :]       # [1,C]
    sq = x2 + p2 - 2.0 * (x @ updated.T)                   # [N,C]
    sq = jnp.maximum(sq, 0.0)
    return -sq


if False:  # reference __main__ guard neutralized (emitter)
    out = reference(**setup_inputs())
    print(out.shape, out.dtype)

if __name__ == "__main__":
    import jax
    _d = setup_inputs()
    print(jax.jit(kernel)(*tuple(_d.values())))

</pallas_src>

<mosaic_0001>
#map = affine_map<(d0, d1) -> (0, 0)>
module attributes {stable_mosaic.version = 14 : i64} {
  func.func @_sc_body(%arg0: i32, %arg1: i32, %arg2: memref<16384x1024xf32, #tpu.memory_space<hbm>>, %arg3: memref<128x128xi32, #tpu.memory_space<hbm>>, %arg4: memref<2048x1024xf32, #tpu.memory_space<hbm>>, %arg5: memref<2x128xi32, #tpu.memory_space<vmem>>, %arg6: memref<128x128xf32, #tpu.memory_space<vmem>>, %arg7: memref<128x128xf32, #tpu.memory_space<vmem>>, %arg8: memref<520x128xf32, #tpu.memory_space<vmem>>, %arg9: memref<!tpu.dma_semaphore, #tpu.memory_space<semaphore_mem>>, %arg10: memref<!tpu.dma_semaphore, #tpu.memory_space<semaphore_mem>>, %arg11: memref<!tpu.dma_semaphore, #tpu.memory_space<semaphore_mem>>, %arg12: memref<!tpu.dma_semaphore, #tpu.memory_space<semaphore_mem>>) attributes {dimension_semantics = [#tpu.dimension_semantics<core_parallel>, #tpu.dimension_semantics<subcore_parallel>], iteration_bounds = array<i64: 2, 16>, scalar_prefetch = 0 : i64, scratch_operands = 8 : i64, tpu.core_type = #tpu.core_type<sc_vector_subcore>, window_params = [{transform_indices = #map}, {transform_indices = #map}, {transform_indices = #map}]} {
    %mul3A = arith.constant 16 : i32
    %mul3A_0 = arith.muli %arg0, %mul3A : i32
    %add3A = arith.addi %mul3A_0, %arg1 : i32
    %jit3A = arith.constant 4 : i32
    %eq3A = arith.constant 0 : i32
    %eq3A_1 = arith.cmpi eq, %jit3A, %eq3A : i32
    %jit3A_2 = arith.constant 1 : i32
    %select_n3A = arith.select %eq3A_1, %jit3A_2, %jit3A : i32
    %rem3A = arith.remsi %add3A, %select_n3A : i32
    %ne3A = arith.constant 0 : i32
    %ne3A_3 = arith.cmpi ne, %rem3A, %ne3A : i32
    %lt3A = arith.constant 0 : i32
    %lt3A_4 = arith.cmpi slt, %rem3A, %lt3A : i32
    %lt3A_5 = arith.constant 0 : i32
    %lt3A_6 = arith.cmpi slt, %select_n3A, %lt3A_5 : i32
    %ne3A_7 = arith.xori %lt3A_4, %lt3A_6 : i1
    %and3A = arith.andi %ne3A_7, %ne3A_3 : i1
    %add3A_8 = arith.addi %rem3A, %select_n3A : i32
    %select_n3A_9 = arith.select %and3A, %add3A_8, %rem3A : i32
    %jit3A_10 = arith.constant 4 : i32
    %div3A = arith.divsi %add3A, %jit3A_10 : i32
    %sign3A = arith.constant 0 : i32
    %sign3A_11 = arith.cmpi sgt, %add3A, %sign3A : i32
    %sign3A_12 = arith.extui %sign3A_11 : i1 to i32
    %sign3A_13 = arith.constant 0 : i32
    %sign3A_14 = arith.cmpi slt, %add3A, %sign3A_13 : i32
    %sign3A_15 = arith.extui %sign3A_14 : i1 to i32
    %sign3A_16 = arith.subi %sign3A_12, %sign3A_15 : i32
    %sign3A_17 = arith.constant 0 : i32
    %sign3A_18 = arith.cmpi sgt, %jit3A_10, %sign3A_17 : i32
    %sign3A_19 = arith.extui %sign3A_18 : i1 to i32
    %sign3A_20 = arith.constant 0 : i32
    %sign3A_21 = arith.cmpi slt, %jit3A_10, %sign3A_20 : i32
    %sign3A_22 = arith.extui %sign3A_21 : i1 to i32
    %sign3A_23 = arith.subi %sign3A_19, %sign3A_22 : i32
    %ne3A_24 = arith.cmpi ne, %sign3A_16, %sign3A_23 : i32
    %rem3A_25 = arith.remsi %add3A, %jit3A_10 : i32
    %ne3A_26 = arith.constant 0 : i32
    %ne3A_27 = arith.cmpi ne, %rem3A_25, %ne3A_26 : i32
    %and3A_28 = arith.andi %ne3A_24, %ne3A_27 : i1
    %sub3A = arith.constant 1 : i32
    %sub3A_29 = arith.subi %div3A, %sub3A : i32
    %select_n3A_30 = arith.select %and3A_28, %sub3A_29, %div3A : i32
    %mul3A_31 = arith.constant 128 : i32
    %mul3A_32 = arith.muli %select_n3A_30, %mul3A_31 : i32
    %multiple_of3A = tpu.assume_multiple %mul3A_32, 128 : i32
    %mul3A_33 = arith.constant 512 : i32
    %mul3A_34 = arith.muli %select_n3A_9, %mul3A_33 : i32
    %broadcast_in_dim3A = arith.constant 0.000000e+00 : f32
    %broadcast_in_dim3A_35 = vector.broadcast %broadcast_in_dim3A : f32 to vector<16xf32>
    %iota3A = tpu.iota {dimensions = array<i32: 0>} : vector<16xi32>
    %add3A_36 = arith.constant 0 : i32
    %add3A_37 = vector.broadcast %add3A_36 : i32 to vector<16xi32>
    %add3A_38 = arith.addi %iota3A, %add3A_37 : vector<16xi32>
    %add3A_39 = arith.constant 16 : i32
    %add3A_40 = vector.broadcast %add3A_39 : i32 to vector<16xi32>
    %add3A_41 = arith.addi %iota3A, %add3A_40 : vector<16xi32>
    %add3A_42 = arith.constant 32 : i32
    %add3A_43 = vector.broadcast %add3A_42 : i32 to vector<16xi32>
    %add3A_44 = arith.addi %iota3A, %add3A_43 : vector<16xi32>
    %add3A_45 = arith.constant 48 : i32
    %add3A_46 = vector.broadcast %add3A_45 : i32 to vector<16xi32>
    %add3A_47 = arith.addi %iota3A, %add3A_46 : vector<16xi32>
    %add3A_48 = arith.constant 64 : i32
    %add3A_49 = vector.broadcast %add3A_48 : i32 to vector<16xi32>
    %add3A_50 = arith.addi %iota3A, %add3A_49 : vector<16xi32>
    %add3A_51 = arith.constant 80 : i32
    %add3A_52 = vector.broadcast %add3A_51 : i32 to vector<16xi32>
    %add3A_53 = arith.addi %iota3A, %add3A_52 : vector<16xi32>
    %add3A_54 = arith.constant 96 : i32
    %add3A_55 = vector.broadcast %add3A_54 : i32 to vector<16xi32>
    %add3A_56 = arith.addi %iota3A, %add3A_55 : vector<16xi32>
    %add3A_57 = arith.constant 112 : i32
    %add3A_58 = vector.broadcast %add3A_57 : i32 to vector<16xi32>
    %add3A_59 = arith.addi %iota3A, %add3A_58 : vector<16xi32>
    %scan3A = arith.constant 0 : i32
    %scan3A_60 = arith.constant 0 : i32
    %scan3A_61 = arith.constant 520 : i32
    %scan3A_62 = arith.addi %scan3A_60, %scan3A_61 : i32
    %scan3A_63 = arith.constant 1 : i32
    scf.for %scan3A_106 = %scan3A_60 to %scan3A_62 step %scan3A_63  : i32 {
      %swap3A = arith.index_cast %scan3A_106 : i32 to index
      %swap3A_107 = arith.constant 0 : index
      %swap3A_108 = tpu.vector_load %arg8[%swap3A, %swap3A_107] {strides = array<i32>} : memref<520x128xf32, #tpu.memory_space<vmem>>, vector<16xf32>,
      tpu.vector_store %arg8[%swap3A, %swap3A_107], %broadcast_in_dim3A_35 {strides = array<i32>} : memref<520x128xf32, #tpu.memory_space<vmem>>, vector<16xf32>,
      %swap3A_109 = arith.index_cast %scan3A_106 : i32 to index
      %swap3A_110 = arith.constant 16 : index
      %swap3A_111 = tpu.vector_load %arg8[%swap3A_109, %swap3A_110] {strides = array<i32>} : memref<520x128xf32, #tpu.memory_space<vmem>>, vector<16xf32>,
      tpu.vector_store %arg8[%swap3A_109, %swap3A_110], %broadcast_in_dim3A_35 {strides = array<i32>} : memref<520x128xf32, #tpu.memory_space<vmem>>, vector<16xf32>,
      %swap3A_112 = arith.index_cast %scan3A_106 : i32 to index
      %swap3A_113 = arith.constant 32 : index
      %swap3A_114 = tpu.vector_load %arg8[%swap3A_112, %swap3A_113] {strides = array<i32>} : memref<520x128xf32, #tpu.memory_space<vmem>>, vector<16xf32>,
      tpu.vector_store %arg8[%swap3A_112, %swap3A_113], %broadcast_in_dim3A_35 {strides = array<i32>} : memref<520x128xf32, #tpu.memory_space<vmem>>, vector<16xf32>,
      %swap3A_115 = arith.index_cast %scan3A_106 : i32 to index
      %swap3A_116 = arith.constant 48 : index
      %swap3A_117 = tpu.vector_load %arg8[%swap3A_115, %swap3A_116] {strides = array<i32>} : memref<520x128xf32, #tpu.memory_space<vmem>>, vector<16xf32>,
      tpu.vector_store %arg8[%swap3A_115, %swap3A_116], %broadcast_in_dim3A_35 {strides = array<i32>} : memref<520x128xf32, #tpu.memory_space<vmem>>, vector<16xf32>,
      %swap3A_118 = arith.index_cast %scan3A_106 : i32 to index
      %swap3A_119 = arith.constant 64 : index
      %swap3A_120 = tpu.vector_load %arg8[%swap3A_118, %swap3A_119] {strides = array<i32>} : memref<520x128xf32, #tpu.memory_space<vmem>>, vector<16xf32>,
      tpu.vector_store %arg8[%swap3A_118, %swap3A_119], %broadcast_in_dim3A_35 {strides = array<i32>} : memref<520x128xf32, #tpu.memory_space<vmem>>, vector<16xf32>,
      %swap3A_121 = arith.index_cast %scan3A_106 : i32 to index
      %swap3A_122 = arith.constant 80 : index
      %swap3A_123 = tpu.vector_load %arg8[%swap3A_121, %swap3A_122] {strides = array<i32>} : memref<520x128xf32, #tpu.memory_space<vmem>>, vector<16xf32>,
      tpu.vector_store %arg8[%swap3A_121, %swap3A_122], %broadcast_in_dim3A_35 {strides = array<i32>} : memref<520x128xf32, #tpu.memory_space<vmem>>, vector<16xf32>,
      %swap3A_124 = arith.index_cast %scan3A_106 : i32 to index
      %swap3A_125 = arith.constant 96 : index
      %swap3A_126 = tpu.vector_load %arg8[%swap3A_124, %swap3A_125] {strides = array<i32>} : memref<520x128xf32, #tpu.memory_space<vmem>>, vector<16xf32>,
      tpu.vector_store %arg8[%swap3A_124, %swap3A_125], %broadcast_in_dim3A_35 {strides = array<i32>} : memref<520x128xf32, #tpu.memory_space<vmem>>, vector<16xf32>,
      %swap3A_127 = arith.index_cast %scan3A_106 : i32 to index
      %swap3A_128 = arith.constant 112 : index
      %swap3A_129 = tpu.vector_load %arg8[%swap3A_127, %swap3A_128] {strides = array<i32>} : memref<520x128xf32, #tpu.memory_space<vmem>>, vector<16xf32>,
      tpu.vector_store %arg8[%swap3A_127, %swap3A_128], %broadcast_in_dim3A_35 {strides = array<i32>} : memref<520x128xf32, #tpu.memory_space<vmem>>, vector<16xf32>,
    }
    %scan3A_64 = arith.constant 520 : i32
    %dma_start3A = arith.constant 0 : i32
    %dma_start3A_65 = tpu.memref_slice %arg2[%dma_start3A, %multiple_of3A] : memref<16384x1024xf32, #tpu.memory_space<hbm>> -> memref<128x128xf32, #tpu.memory_space<hbm>>
    %dma_start3A_66 = arith.constant 0 : i32
    %dma_start3A_67 = tpu.memref_slice %arg2[%dma_start3A_66, %multiple_of3A] : memref<16384x1024xf32, #tpu.memory_space<hbm>> -> memref<128x128xf32, #tpu.memory_space<hbm>>
    tpu.enqueue_dma source(%dma_start3A_67 : memref<128x128xf32, #tpu.memory_space<hbm>>) target(%arg6 : memref<128x128xf32, #tpu.memory_space<vmem>>) target_semaphore(%arg9 : memref<!tpu.dma_semaphore, #tpu.memory_space<semaphore_mem>>)
    %dma_start3A_68 = arith.constant 0 : i32
    %dma_start3A_69 = arith.constant 0 : i32
    %dma_start3A_70 = arith.constant 0 : i32
    %dma_start3A_71 = tpu.memref_slice %arg5[%dma_start3A_69, %dma_start3A_70] : memref<2x128xi32, #tpu.memory_space<vmem>> -> memref<1x128xi32, #tpu.memory_space<vmem>>
    %dma_start3A_72 = tpu.memref_squeeze %dma_start3A_71 : memref<1x128xi32, #tpu.memory_space<vmem>> -> memref<128xi32, #tpu.memory_space<vmem>>
    %dma_start3A_73 = arith.constant 0 : i32
    %dma_start3A_74 = tpu.memref_slice %arg3[%dma_start3A_68, %dma_start3A_73] : memref<128x128xi32, #tpu.memory_space<hbm>> -> memref<1x128xi32, #tpu.memory_space<hbm>>
    %dma_start3A_75 = tpu.memref_squeeze %dma_start3A_74 : memref<1x128xi32, #tpu.memory_space<hbm>> -> memref<128xi32, #tpu.memory_space<hbm>>
    %dma_start3A_76 = arith.constant 0 : i32
    %dma_start3A_77 = tpu.memref_slice %arg5[%dma_start3A_69, %dma_start3A_76] : memref<2x128xi32, #tpu.memory_space<vmem>> -> memref<1x128xi32, #tpu.memory_space<vmem>>
    %dma_start3A_78 = tpu.memref_squeeze %dma_start3A_77 : memref<1x128xi32, #tpu.memory_space<vmem>> -> memref<128xi32, #tpu.memory_space<vmem>>
    %dma_start3A_79 = arith.constant 0 : i32
    %dma_start3A_80 = tpu.memref_slice %arg3[%dma_start3A_68, %dma_start3A_79] : memref<128x128xi32, #tpu.memory_space<hbm>> -> memref<1x128xi32, #tpu.memory_space<hbm>>
    %dma_start3A_81 = tpu.memref_squeeze %dma_start3A_80 : memref<1x128xi32, #tpu.memory_space<hbm>> -> memref<128xi32, #tpu.memory_space<hbm>>
    tpu.enqueue_dma source(%dma_start3A_81 : memref<128xi32, #tpu.memory_space<hbm>>) target(%dma_start3A_78 : memref<128xi32, #tpu.memory_space<vmem>>) target_semaphore(%arg11 : memref<!tpu.dma_semaphore, #tpu.memory_space<semaphore_mem>>)
    %dma_start3A_82 = arith.constant 128 : i32
    %dma_start3A_83 = tpu.memref_slice %arg2[%dma_start3A_82, %multiple_of3A] : memref<16384x1024xf32, #tpu.memory_space<hbm>> -> memref<128x128xf32, #tpu.memory_space<hbm>>
    %dma_start3A_84 = arith.constant 128 : i32
    %dma_start3A_85 = tpu.memref_slice %arg2[%dma_start3A_84, %multiple_of3A] : memref<16384x1024xf32, #tpu.memory_space<hbm>> -> memref<128x128xf32, #tpu.memory_space<hbm>>
    tpu.enqueue_dma source(%dma_start3A_85 : memref<128x128xf32, #tpu.memory_space<hbm>>) target(%arg7 : memref<128x128xf32, #tpu.memory_space<vmem>>) target_semaphore(%arg10 : memref<!tpu.dma_semaphore, #tpu.memory_space<semaphore_mem>>)
    %dma_start3A_86 = arith.constant 1 : i32
    %dma_start3A_87 = arith.constant 1 : i32
    %dma_start3A_88 = arith.constant 0 : i32
    %dma_start3A_89 = tpu.memref_slice %arg5[%dma_start3A_87, %dma_start3A_88] : memref<2x128xi32, #tpu.memory_space<vmem>> -> memref<1x128xi32, #tpu.memory_space<vmem>>
    %dma_start3A_90 = tpu.memref_squeeze %dma_start3A_89 : memref<1x128xi32, #tpu.memory_space<vmem>> -> memref<128xi32, #tpu.memory_space<vmem>>
    %dma_start3A_91 = arith.constant 0 : i32
    %dma_start3A_92 = tpu.memref_slice %arg3[%dma_start3A_86, %dma_start3A_91] : memref<128x128xi32, #tpu.memory_space<hbm>> -> memref<1x128xi32, #tpu.memory_space<hbm>>
    %dma_start3A_93 = tpu.memref_squeeze %dma_start3A_92 : memref<1x128xi32, #tpu.memory_space<hbm>> -> memref<128xi32, #tpu.memory_space<hbm>>
    %dma_start3A_94 = arith.constant 0 : i32
    %dma_start3A_95 = tpu.memref_slice %arg5[%dma_start3A_87, %dma_start3A_94] : memref<2x128xi32, #tpu.memory_space<vmem>> -> memref<1x128xi32, #tpu.memory_space<vmem>>
    %dma_start3A_96 = tpu.memref_squeeze %dma_start3A_95 : memref<1x128xi32, #tpu.memory_space<vmem>> -> memref<128xi32, #tpu.memory_space<vmem>>
    %dma_start3A_97 = arith.constant 0 : i32
    %dma_start3A_98 = tpu.memref_slice %arg3[%dma_start3A_86, %dma_start3A_97] : memref<128x128xi32, #tpu.memory_space<hbm>> -> memref<1x128xi32, #tpu.memory_space<hbm>>
    %dma_start3A_99 = tpu.memref_squeeze %dma_start3A_98 : memref<1x128xi32, #tpu.memory_space<hbm>> -> memref<128xi32, #tpu.memory_space<hbm>>
    tpu.enqueue_dma source(%dma_start3A_99 : memref<128xi32, #tpu.memory_space<hbm>>) target(%dma_start3A_96 : memref<128xi32, #tpu.memory_space<vmem>>) target_semaphore(%arg12 : memref<!tpu.dma_semaphore, #tpu.memory_space<semaphore_mem>>)
    %scan3A_100 = arith.constant 0 : i32
    %scan3A_101 = arith.constant 0 : i32
    %scan3A_102 = arith.constant 64 : i32
    %scan3A_103 = arith.addi %scan3A_101, %scan3A_102 : i32
    %scan3A_104 = arith.constant 1 : i32
    scf.for %scan3A_106 = %scan3A_101 to %scan3A_103 step %scan3A_104  : i32 {
      %mul3A_107 = arith.constant 2 : i32
      %mul3A_108 = arith.muli %mul3A_107, %scan3A_106 : i32
      %add3A_109 = arith.constant 0 : i32
      %add3A_110 = arith.addi %mul3A_108, %add3A_109 : i32
      %mul3A_111 = arith.constant 128 : i32
      %mul3A_112 = arith.muli %add3A_110, %mul3A_111 : i32
      %dma_wait3A = tpu.memref_slice %arg2[%mul3A_112, %multiple_of3A] : memref<16384x1024xf32, #tpu.memory_space<hbm>> -> memref<128x128xf32, #tpu.memory_space<hbm>>
      %dma_wait3A_113 = tpu.memref_slice %arg2[%mul3A_112, %multiple_of3A] : memref<16384x1024xf32, #tpu.memory_space<hbm>> -> memref<128x128xf32, #tpu.memory_space<hbm>>
      tpu.wait_dma2 semaphore(%arg9 : memref<!tpu.dma_semaphore, #tpu.memory_space<semaphore_mem>>) src(%dma_wait3A_113 : memref<128x128xf32, #tpu.memory_space<hbm>>) dst(%arg6 : memref<128x128xf32, #tpu.memory_space<vmem>>)
      %dma_wait3A_114 = arith.constant 0 : i32
      %dma_wait3A_115 = arith.constant 0 : i32
      %dma_wait3A_116 = tpu.memref_slice %arg5[%dma_wait3A_114, %dma_wait3A_115] : memref<2x128xi32, #tpu.memory_space<vmem>> -> memref<1x128xi32, #tpu.memory_space<vmem>>
      %dma_wait3A_117 = tpu.memref_squeeze %dma_wait3A_116 : memref<1x128xi32, #tpu.memory_space<vmem>> -> memref<128xi32, #tpu.memory_space<vmem>>
      %dma_wait3A_118 = arith.constant 0 : i32
      %dma_wait3A_119 = tpu.memref_slice %arg3[%add3A_110, %dma_wait3A_118] : memref<128x128xi32, #tpu.memory_space<hbm>> -> memref<1x128xi32, #tpu.memory_space<hbm>>
      %dma_wait3A_120 = tpu.memref_squeeze %dma_wait3A_119 : memref<1x128xi32, #tpu.memory_space<hbm>> -> memref<128xi32, #tpu.memory_space<hbm>>
      %dma_wait3A_121 = arith.constant 0 : i32
      %dma_wait3A_122 = tpu.memref_slice %arg5[%dma_wait3A_114, %dma_wait3A_121] : memref<2x128xi32, #tpu.memory_space<vmem>> -> memref<1x128xi32, #tpu.memory_space<vmem>>
      %dma_wait3A_123 = tpu.memref_squeeze %dma_wait3A_122 : memref<1x128xi32, #tpu.memory_space<vmem>> -> memref<128xi32, #tpu.memory_space<vmem>>
      %dma_wait3A_124 = arith.constant 0 : i32
      %dma_wait3A_125 = tpu.memref_slice %arg3[%add3A_110, %dma_wait3A_124] : memref<128x128xi32, #tpu.memory_space<hbm>> -> memref<1x128xi32, #tpu.memory_space<hbm>>
      %dma_wait3A_126 = tpu.memref_squeeze %dma_wait3A_125 : memref<1x128xi32, #tpu.memory_space<hbm>> -> memref<128xi32, #tpu.memory_space<hbm>>
      tpu.wait_dma2 semaphore(%arg11 : memref<!tpu.dma_semaphore, #tpu.memory_space<semaphore_mem>>) src(%dma_wait3A_126 : memref<128xi32, #tpu.memory_space<hbm>>) dst(%dma_wait3A_123 : memref<128xi32, #tpu.memory_space<vmem>>)
      %parallel_loop3A = arith.constant 0 : i32
      %parallel_loop3A_127 = arith.constant 8 : i32
      %parallel_loop3A_128 = arith.constant 1 : i32
      scf.for %parallel_loop3A_165 = %parallel_loop3A to %parallel_loop3A_127 step %parallel_loop3A_128  : i32 {
        %parallel_loop3A_166 = arith.constant 16 : i32
        %parallel_loop3A_167 = arith.muli %parallel_loop3A_165, %parallel_loop3A_166 : i32
        %parallel_loop3A_168 = arith.constant 0 : i32
        %parallel_loop3A_169 = arith.index_cast %parallel_loop3A_168 : i32 to index
        %parallel_loop3A_170 = arith.index_cast %parallel_loop3A_167 : i32 to index
        %parallel_loop3A_171 = tpu.vector_load %arg5[%parallel_loop3A_169, %parallel_loop3A_170] {strides = array<i32>} : memref<2x128xi32, #tpu.memory_space<vmem>>, vector<16xi32>,
        %parallel_loop3A_172 = vector.broadcast %mul3A_34 : i32 to vector<16xi32>
        %parallel_loop3A_173 = arith.cmpi sge, %parallel_loop3A_171, %parallel_loop3A_172 : vector<16xi32>
        %parallel_loop3A_174 = arith.constant 512 : i32
        %parallel_loop3A_175 = arith.addi %mul3A_34, %parallel_loop3A_174 : i32
        %parallel_loop3A_176 = vector.broadcast %parallel_loop3A_175 : i32 to vector<16xi32>
        %parallel_loop3A_177 = arith.cmpi slt, %parallel_loop3A_171, %parallel_loop3A_176 : vector<16xi32>
        %parallel_loop3A_178 = arith.andi %parallel_loop3A_173, %parallel_loop3A_177 : vector<16xi1>
        %parallel_loop3A_179 = vector.broadcast %mul3A_34 : i32 to vector<16xi32>
        %parallel_loop3A_180 = arith.subi %parallel_loop3A_171, %parallel_loop3A_179 : vector<16xi32>
        %parallel_loop3A_181 = arith.constant 512 : i32
        %parallel_loop3A_182 = vector.broadcast %parallel_loop3A_181 : i32 to vector<16xi32>
        %parallel_loop3A_183 = arith.select %parallel_loop3A_178, %parallel_loop3A_180, %parallel_loop3A_182 : vector<16xi1>, vector<16xi32>
        %parallel_loop3A_184 = vector.extract_strided_slice %parallel_loop3A_183 {offsets = [0], sizes = [1], strides = [1]} : vector<16xi32> to vector<1xi32>
        %parallel_loop3A_185 = vector.extract %parallel_loop3A_184[0] : i32 from vector<1xi32>
        %parallel_loop3A_186 = vector.broadcast %parallel_loop3A_185 : i32 to vector<16xi32>
        %parallel_loop3A_187 = arith.constant 16 : i32
        %parallel_loop3A_188 = arith.muli %parallel_loop3A_165, %parallel_loop3A_187 : i32
        %parallel_loop3A_189 = arith.constant 0 : i32
        %parallel_loop3A_190 = arith.addi %parallel_loop3A_188, %parallel_loop3A_189 : i32
        %parallel_loop3A_191 = arith.index_cast %parallel_loop3A_190 : i32 to index
        %parallel_loop3A_192 = arith.constant 0 : index
        %parallel_loop3A_193 = tpu.vector_load %arg6[%parallel_loop3A_191, %parallel_loop3A_192] {strides = array<i32>} : memref<128x128xf32, #tpu.memory_space<vmem>>, vector<16xf32>,
        tpu.vector_store_idx %arg8[%parallel_loop3A_186, %add3A_38], %parallel_loop3A_193 {add = true} : memref<520x128xf32, #tpu.memory_space<vmem>>[vector<16xi32>, vector<16xi32>], vector<16xf32>,
        %parallel_loop3A_194 = arith.index_cast %parallel_loop3A_190 : i32 to index
        %parallel_loop3A_195 = arith.constant 16 : index
        %parallel_loop3A_196 = tpu.vector_load %arg6[%parallel_loop3A_194, %parallel_loop3A_195] {strides = array<i32>} : memref<128x128xf32, #tpu.memory_space<vmem>>, vector<16xf32>,
        tpu.vector_store_idx %arg8[%parallel_loop3A_186, %add3A_41], %parallel_loop3A_196 {add = true} : memref<520x128xf32, #tpu.memory_space<vmem>>[vector<16xi32>, vector<16xi32>], vector<16xf32>,
        %parallel_loop3A_197 = arith.index_cast %parallel_loop3A_190 : i32 to index
        %parallel_loop3A_198 = arith.constant 32 : index
        %parallel_loop3A_199 = tpu.vector_load %arg6[%parallel_loop3A_197, %parallel_loop3A_198] {strides = array<i32>} : memref<128x128xf32, #tpu.memory_space<vmem>>, vector<16xf32>,
        tpu.vector_store_idx %arg8[%parallel_loop3A_186, %add3A_44], %parallel_loop3A_199 {add = true} : memref<520x128xf32, #tpu.memory_space<vmem>>[vector<16xi32>, vector<16xi32>], vector<16xf32>,
        %parallel_loop3A_200 = arith.index_cast %parallel_loop3A_190 : i32 to index
        %parallel_loop3A_201 = arith.constant 48 : index
        %parallel_loop3A_202 = tpu.vector_load %arg6[%parallel_loop3A_200, %parallel_loop3A_201] {strides = array<i32>} : memref<128x128xf32, #tpu.memory_space<vmem>>, vector<16xf32>,
        tpu.vector_store_idx %arg8[%parallel_loop3A_186, %add3A_47], %parallel_loop3A_202 {add = true} : memref<520x128xf32, #tpu.memory_space<vmem>>[vector<16xi32>, vector<16xi32>], vector<16xf32>,
        %parallel_loop3A_203 = arith.index_cast %parallel_loop3A_190 : i32 to index
        %parallel_loop3A_204 = arith.constant 64 : index
        %parallel_loop3A_205 = tpu.vector_load %arg6[%parallel_loop3A_203, %parallel_loop3A_204] {strides = array<i32>} : memref<128x128xf32, #tpu.memory_space<vmem>>, vector<16xf32>,
        tpu.vector_store_idx %arg8[%parallel_loop3A_186, %add3A_50], %parallel_loop3A_205 {add = true} : memref<520x128xf32, #tpu.memory_space<vmem>>[vector<16xi32>, vector<16xi32>], vector<16xf32>,
        %parallel_loop3A_206 = arith.index_cast %parallel_loop3A_190 : i32 to index
        %parallel_loop3A_207 = arith.constant 80 : index
        %parallel_loop3A_208 = tpu.vector_load %arg6[%parallel_loop3A_206, %parallel_loop3A_207] {strides = array<i32>} : memref<128x128xf32, #tpu.memory_space<vmem>>, vector<16xf32>,
        tpu.vector_store_idx %arg8[%parallel_loop3A_186, %add3A_53], %parallel_loop3A_208 {add = true} : memref<520x128xf32, #tpu.memory_space<vmem>>[vector<16xi32>, vector<16xi32>], vector<16xf32>,
        %parallel_loop3A_209 = arith.index_cast %parallel_loop3A_190 : i32 to index
        %parallel_loop3A_210 = arith.constant 96 : index
        %parallel_loop3A_211 = tpu.vector_load %arg6[%parallel_loop3A_209, %parallel_loop3A_210] {strides = array<i32>} : memref<128x128xf32, #tpu.memory_space<vmem>>, vector<16xf32>,
        tpu.vector_store_idx %arg8[%parallel_loop3A_186, %add3A_56], %parallel_loop3A_211 {add = true} : memref<520x128xf32, #tpu.memory_space<vmem>>[vector<16xi32>, vector<16xi32>], vector<16xf32>,
        %parallel_loop3A_212 = arith.index_cast %parallel_loop3A_190 : i32 to index
        %parallel_loop3A_213 = arith.constant 112 : index
        %parallel_loop3A_214 = tpu.vector_load %arg6[%parallel_loop3A_212, %parallel_loop3A_213] {strides = array<i32>} : memref<128x128xf32, #tpu.memory_space<vmem>>, vector<16xf32>,
        tpu.vector_store_idx %arg8[%parallel_loop3A_186, %add3A_59], %parallel_loop3A_214 {add = true} : memref<520x128xf32, #tpu.memory_space<vmem>>[vector<16xi32>, vector<16xi32>], vector<16xf32>,
        %parallel_loop3A_215 = vector.extract_strided_slice %parallel_loop3A_183 {offsets = [1], sizes = [1], strides = [1]} : vector<16xi32> to vector<1xi32>
        %parallel_loop3A_216 = vector.extract %parallel_loop3A_215[0] : i32 from vector<1xi32>
        %parallel_loop3A_217 = vector.broadcast %parallel_loop3A_216 : i32 to vector<16xi32>
        %parallel_loop3A_218 = arith.constant 16 : i32
        %parallel_loop3A_219 = arith.muli %parallel_loop3A_165, %parallel_loop3A_218 : i32
        %parallel_loop3A_220 = arith.constant 1 : i32
        %parallel_loop3A_221 = arith.addi %parallel_loop3A_219, %parallel_loop3A_220 : i32
        %parallel_loop3A_222 = arith.index_cast %parallel_loop3A_221 : i32 to index
        %parallel_loop3A_223 = arith.constant 0 : index
        %parallel_loop3A_224 = tpu.vector_load %arg6[%parallel_loop3A_222, %parallel_loop3A_223] {strides = array<i32>} : memref<128x128xf32, #tpu.memory_space<vmem>>, vector<16xf32>,
        tpu.vector_store_idx %arg8[%parallel_loop3A_217, %add3A_38], %parallel_loop3A_224 {add = true} : memref<520x128xf32, #tpu.memory_space<vmem>>[vector<16xi32>, vector<16xi32>], vector<16xf32>,
        %parallel_loop3A_225 = arith.index_cast %parallel_loop3A_221 : i32 to index
        %parallel_loop3A_226 = arith.constant 16 : index
        %parallel_loop3A_227 = tpu.vector_load %arg6[%parallel_loop3A_225, %parallel_loop3A_226] {strides = array<i32>} : memref<128x128xf32, #tpu.memory_space<vmem>>, vector<16xf32>,
        tpu.vector_store_idx %arg8[%parallel_loop3A_217, %add3A_41], %parallel_loop3A_227 {add = true} : memref<520x128xf32, #tpu.memory_space<vmem>>[vector<16xi32>, vector<16xi32>], vector<16xf32>,
        %parallel_loop3A_228 = arith.index_cast %parallel_loop3A_221 : i32 to index
        %parallel_loop3A_229 = arith.constant 32 : index
        %parallel_loop3A_230 = tpu.vector_load %arg6[%parallel_loop3A_228, %parallel_loop3A_229] {strides = array<i32>} : memref<128x128xf32, #tpu.memory_space<vmem>>, vector<16xf32>,
        tpu.vector_store_idx %arg8[%parallel_loop3A_217, %add3A_44], %parallel_loop3A_230 {add = true} : memref<520x128xf32, #tpu.memory_space<vmem>>[vector<16xi32>, vector<16xi32>], vector<16xf32>,
        %parallel_loop3A_231 = arith.index_cast %parallel_loop3A_221 : i32 to index
        %parallel_loop3A_232 = arith.constant 48 : index
        %parallel_loop3A_233 = tpu.vector_load %arg6[%parallel_loop3A_231, %parallel_loop3A_232] {strides = array<i32>} : memref<128x128xf32, #tpu.memory_space<vmem>>, vector<16xf32>,
        tpu.vector_store_idx %arg8[%parallel_loop3A_217, %add3A_47], %parallel_loop3A_233 {add = true} : memref<520x128xf32, #tpu.memory_space<vmem>>[vector<16xi32>, vector<16xi32>], vector<16xf32>,
        %parallel_loop3A_234 = arith.index_cast %parallel_loop3A_221 : i32 to index
        %parallel_loop3A_235 = arith.constant 64 : index
        %parallel_loop3A_236 = tpu.vector_load %arg6[%parallel_loop3A_234, %parallel_loop3A_235] {strides = array<i32>} : memref<128x128xf32, #tpu.memory_space<vmem>>, vector<16xf32>,
        tpu.vector_store_idx %arg8[%parallel_loop3A_217, %add3A_50], %parallel_loop3A_236 {add = true} : memref<520x128xf32, #tpu.memory_space<vmem>>[vector<16xi32>, vector<16xi32>], vector<16xf32>,
        %parallel_loop3A_237 = arith.index_cast %parallel_loop3A_221 : i32 to index
        %parallel_loop3A_238 = arith.constant 80 : index
        %parallel_loop3A_239 = tpu.vector_load %arg6[%parallel_loop3A_237, %parallel_loop3A_238] {strides = array<i32>} : memref<128x128xf32, #tpu.memory_space<vmem>>, vector<16xf32>,
        tpu.vector_store_idx %arg8[%parallel_loop3A_217, %add3A_53], %parallel_loop3A_239 {add = true} : memref<520x128xf32, #tpu.memory_space<vmem>>[vector<16xi32>, vector<16xi32>], vector<16xf32>,
        %parallel_loop3A_240 = arith.index_cast %parallel_loop3A_221 : i32 to index
        %parallel_loop3A_241 = arith.constant 96 : index
        %parallel_loop3A_242 = tpu.vector_load %arg6[%parallel_loop3A_240, %parallel_loop3A_241] {strides = array<i32>} : memref<128x128xf32, #tpu.memory_space<vmem>>, vector<16xf32>,
        tpu.vector_store_idx %arg8[%parallel_loop3A_217, %add3A_56], %parallel_loop3A_242 {add = true} : memref<520x128xf32, #tpu.memory_space<vmem>>[vector<16xi32>, vector<16xi32>], vector<16xf32>,
        %parallel_loop3A_243 = arith.index_cast %parallel_loop3A_221 : i32 to index
        %parallel_loop3A_244 = arith.constant 112 : index
        %parallel_loop3A_245 = tpu.vector_load %arg6[%parallel_loop3A_243, %parallel_loop3A_244] {strides = array<i32>} : memref<128x128xf32, #tpu.memory_space<vmem>>, vector<16xf32>,
        tpu.vector_store_idx %arg8[%parallel_loop3A_217, %add3A_59], %parallel_loop3A_245 {add = true} : memref<520x128xf32, #tpu.memory_space<vmem>>[vector<16xi32>, vector<16xi32>], vector<16xf32>,
        %parallel_loop3A_246 = vector.extract_strided_slice %parallel_loop3A_183 {offsets = [2], sizes = [1], strides = [1]} : vector<16xi32> to vector<1xi32>
        %parallel_loop3A_247 = vector.extract %parallel_loop3A_246[0] : i32 from vector<1xi32>
        %parallel_loop3A_248 = vector.broadcast %parallel_loop3A_247 : i32 to vector<16xi32>
        %parallel_loop3A_249 = arith.constant 16 : i32
        %parallel_loop3A_250 = arith.muli %parallel_loop3A_165, %parallel_loop3A_249 : i32
        %parallel_loop3A_251 = arith.constant 2 : i32
        %parallel_loop3A_252 = arith.addi %parallel_loop3A_250, %parallel_loop3A_251 : i32
        %parallel_loop3A_253 = arith.index_cast %parallel_loop3A_252 : i32 to index
        %parallel_loop3A_254 = arith.constant 0 : index
        %parallel_loop3A_255 = tpu.vector_load %arg6[%parallel_loop3A_253, %parallel_loop3A_254] {strides = array<i32>} : memref<128x128xf32, #tpu.memory_space<vmem>>, vector<16xf32>,
        tpu.vector_store_idx %arg8[%parallel_loop3A_248, %add3A_38], %parallel_loop3A_255 {add = true} : memref<520x128xf32, #tpu.memory_space<vmem>>[vector<16xi32>, vector<16xi32>], vector<16xf32>,
        %parallel_loop3A_256 = arith.index_cast %parallel_loop3A_252 : i32 to index
        %parallel_loop3A_257 = arith.constant 16 : index
        %parallel_loop3A_258 = tpu.vector_load %arg6[%parallel_loop3A_256, %parallel_loop3A_257] {strides = array<i32>} : memref<128x128xf32, #tpu.memory_space<vmem>>, vector<16xf32>,
        tpu.vector_store_idx %arg8[%parallel_loop3A_248, %add3A_41], %parallel_loop3A_258 {add = true} : memref<520x128xf32, #tpu.memory_space<vmem>>[vector<16xi32>, vector<16xi32>], vector<16xf32>,
        %parallel_loop3A_259 = arith.index_cast %parallel_loop3A_252 : i32 to index
        %parallel_loop3A_260 = arith.constant 32 : index
        %parallel_loop3A_261 = tpu.vector_load %arg6[%parallel_loop3A_259, %parallel_loop3A_260] {strides = array<i32>} : memref<128x128xf32, #tpu.memory_space<vmem>>, vector<16xf32>,
        tpu.vector_store_idx %arg8[%parallel_loop3A_248, %add3A_44], %parallel_loop3A_261 {add = true} : memref<520x128xf32, #tpu.memory_space<vmem>>[vector<16xi32>, vector<16xi32>], vector<16xf32>,
        %parallel_loop3A_262 = arith.index_cast %parallel_loop3A_252 : i32 to index
        %parallel_loop3A_263 = arith.constant 48 : index
        %parallel_loop3A_264 = tpu.vector_load %arg6[%parallel_loop3A_262, %parallel_loop3A_263] {strides = array<i32>} : memref<128x128xf32, #tpu.memory_space<vmem>>, vector<16xf32>,
        tpu.vector_store_idx %arg8[%parallel_loop3A_248, %add3A_47], %parallel_loop3A_264 {add = true} : memref<520x128xf32, #tpu.memory_space<vmem>>[vector<16xi32>, vector<16xi32>], vector<16xf32>,
        %parallel_loop3A_265 = arith.index_cast %parallel_loop3A_252 : i32 to index
        %parallel_loop3A_266 = arith.constant 64 : index
        %parallel_loop3A_267 = tpu.vector_load %arg6[%parallel_loop3A_265, %parallel_loop3A_266] {strides = array<i32>} : memref<128x128xf32, #tpu.memory_space<vmem>>, vector<16xf32>,
        tpu.vector_store_idx %arg8[%parallel_loop3A_248, %add3A_50], %parallel_loop3A_267 {add = true} : memref<520x128xf32, #tpu.memory_space<vmem>>[vector<16xi32>, vector<16xi32>], vector<16xf32>,
        %parallel_loop3A_268 = arith.index_cast %parallel_loop3A_252 : i32 to index
        %parallel_loop3A_269 = arith.constant 80 : index
        %parallel_loop3A_270 = tpu.vector_load %arg6[%parallel_loop3A_268, %parallel_loop3A_269] {strides = array<i32>} : memref<128x128xf32, #tpu.memory_space<vmem>>, vector<16xf32>,
        tpu.vector_store_idx %arg8[%parallel_loop3A_248, %add3A_53], %parallel_loop3A_270 {add = true} : memref<520x128xf32, #tpu.memory_space<vmem>>[vector<16xi32>, vector<16xi32>], vector<16xf32>,
        %parallel_loop3A_271 = arith.index_cast %parallel_loop3A_252 : i32 to index
        %parallel_loop3A_272 = arith.constant 96 : index
        %parallel_loop3A_273 = tpu.vector_load %arg6[%parallel_loop3A_271, %parallel_loop3A_272] {strides = array<i32>} : memref<128x128xf32, #tpu.memory_space<vmem>>, vector<16xf32>,
        tpu.vector_store_idx %arg8[%parallel_loop3A_248, %add3A_56], %parallel_loop3A_273 {add = true} : memref<520x128xf32, #tpu.memory_space<vmem>>[vector<16xi32>, vector<16xi32>], vector<16xf32>,
        %parallel_loop3A_274 = arith.index_cast %parallel_loop3A_252 : i32 to index
        %parallel_loop3A_275 = arith.constant 112 : index
        %parallel_loop3A_276 = tpu.vector_load %arg6[%parallel_loop3A_274, %parallel_loop3A_275] {strides = array<i32>} : memref<128x128xf32, #tpu.memory_space<vmem>>, vector<16xf32>,
        tpu.vector_store_idx %arg8[%parallel_loop3A_248, %add3A_59], %parallel_loop3A_276 {add = true} : memref<520x128xf32, #tpu.memory_space<vmem>>[vector<16xi32>, vector<16xi32>], vector<16xf32>,
        %parallel_loop3A_277 = vector.extract_strided_slice %parallel_loop3A_183 {offsets = [3], sizes = [1], strides = [1]} : vector<16xi32> to vector<1xi32>
        %parallel_loop3A_278 = vector.extract %parallel_loop3A_277[0] : i32 from vector<1xi32>
        %parallel_loop3A_279 = vector.broadcast %parallel_loop3A_278 : i32 to vector<16xi32>
        %parallel_loop3A_280 = arith.constant 16 : i32
        %parallel_loop3A_281 = arith.muli %parallel_loop3A_165, %parallel_loop3A_280 : i32
        %parallel_loop3A_282 = arith.constant 3 : i32
        %parallel_loop3A_283 = arith.addi %parallel_loop3A_281, %parallel_loop3A_282 : i32
        %parallel_loop3A_284 = arith.index_cast %parallel_loop3A_283 : i32 to index
        %parallel_loop3A_285 = arith.constant 0 : index
        %parallel_loop3A_286 = tpu.vector_load %arg6[%parallel_loop3A_284, %parallel_loop3A_285] {strides = array<i32>} : memref<128x128xf32, #tpu.memory_space<vmem>>, vector<16xf32>,
        tpu.vector_store_idx %arg8[%parallel_loop3A_279, %add3A_38], %parallel_loop3A_286 {add = true} : memref<520x128xf32, #tpu.memory_space<vmem>>[vector<16xi32>, vector<16xi32>], vector<16xf32>,
        %parallel_loop3A_287 = arith.index_cast %parallel_loop3A_283 : i32 to index
        %parallel_loop3A_288 = arith.constant 16 : index
        %parallel_loop3A_289 = tpu.vector_load %arg6[%parallel_loop3A_287, %parallel_loop3A_288] {strides = array<i32>} : memref<128x128xf32, #tpu.memory_space<vmem>>, vector<16xf32>,
        tpu.vector_store_idx %arg8[%parallel_loop3A_279, %add3A_41], %parallel_loop3A_289 {add = true} : memref<520x128xf32, #tpu.memory_space<vmem>>[vector<16xi32>, vector<16xi32>], vector<16xf32>,
        %parallel_loop3A_290 = arith.index_cast %parallel_loop3A_283 : i32 to index
        %parallel_loop3A_291 = arith.constant 32 : index
        %parallel_loop3A_292 = tpu.vector_load %arg6[%parallel_loop3A_290, %parallel_loop3A_291] {strides = array<i32>} : memref<128x128xf32, #tpu.memory_space<vmem>>, vector<16xf32>,
        tpu.vector_store_idx %arg8[%parallel_loop3A_279, %add3A_44], %parallel_loop3A_292 {add = true} : memref<520x128xf32, #tpu.memory_space<vmem>>[vector<16xi32>, vector<16xi32>], vector<16xf32>,
        %parallel_loop3A_293 = arith.index_cast %parallel_loop3A_283 : i32 to index
        %parallel_loop3A_294 = arith.constant 48 : index
        %parallel_loop3A_295 = tpu.vector_load %arg6[%parallel_loop3A_293, %parallel_loop3A_294] {strides = array<i32>} : memref<128x128xf32, #tpu.memory_space<vmem>>, vector<16xf32>,
        tpu.vector_store_idx %arg8[%parallel_loop3A_279, %add3A_47], %parallel_loop3A_295 {add = true} : memref<520x128xf32, #tpu.memory_space<vmem>>[vector<16xi32>, vector<16xi32>], vector<16xf32>,
        %parallel_loop3A_296 = arith.index_cast %parallel_loop3A_283 : i32 to index
        %parallel_loop3A_297 = arith.constant 64 : index
        %parallel_loop3A_298 = tpu.vector_load %arg6[%parallel_loop3A_296, %parallel_loop3A_297] {strides = array<i32>} : memref<128x128xf32, #tpu.memory_space<vmem>>, vector<16xf32>,
        tpu.vector_store_idx %arg8[%parallel_loop3A_279, %add3A_50], %parallel_loop3A_298 {add = true} : memref<520x128xf32, #tpu.memory_space<vmem>>[vector<16xi32>, vector<16xi32>], vector<16xf32>,
        %parallel_loop3A_299 = arith.index_cast %parallel_loop3A_283 : i32 to index
        %parallel_loop3A_300 = arith.constant 80 : index
        %parallel_loop3A_301 = tpu.vector_load %arg6[%parallel_loop3A_299, %parallel_loop3A_300] {strides = array<i32>} : memref<128x128xf32, #tpu.memory_space<vmem>>, vector<16xf32>,
        tpu.vector_store_idx %arg8[%parallel_loop3A_279, %add3A_53], %parallel_loop3A_301 {add = true} : memref<520x128xf32, #tpu.memory_space<vmem>>[vector<16xi32>, vector<16xi32>], vector<16xf32>,
        %parallel_loop3A_302 = arith.index_cast %parallel_loop3A_283 : i32 to index
        %parallel_loop3A_303 = arith.constant 96 : index
        %parallel_loop3A_304 = tpu.vector_load %arg6[%parallel_loop3A_302, %parallel_loop3A_303] {strides = array<i32>} : memref<128x128xf32, #tpu.memory_space<vmem>>, vector<16xf32>,
        tpu.vector_store_idx %arg8[%parallel_loop3A_279, %add3A_56], %parallel_loop3A_304 {add = true} : memref<520x128xf32, #tpu.memory_space<vmem>>[vector<16xi32>, vector<16xi32>], vector<16xf32>,
        %parallel_loop3A_305 = arith.index_cast %parallel_loop3A_283 : i32 to index
        %parallel_loop3A_306 = arith.constant 112 : index
        %parallel_loop3A_307 = tpu.vector_load %arg6[%parallel_loop3A_305, %parallel_loop3A_306] {strides = array<i32>} : memref<128x128xf32, #tpu.memory_space<vmem>>, vector<16xf32>,
        tpu.vector_store_idx %arg8[%parallel_loop3A_279, %add3A_59], %parallel_loop3A_307 {add = true} : memref<520x128xf32, #tpu.memory_space<vmem>>[vector<16xi32>, vector<16xi32>], vector<16xf32>,
        %parallel_loop3A_308 = vector.extract_strided_slice %parallel_loop3A_183 {offsets = [4], sizes = [1], strides = [1]} : vector<16xi32> to vector<1xi32>
        %parallel_loop3A_309 = vector.extract %parallel_loop3A_308[0] : i32 from vector<1xi32>
        %parallel_loop3A_310 = vector.broadcast %parallel_loop3A_309 : i32 to vector<16xi32>
        %parallel_loop3A_311 = arith.constant 16 : i32
        %parallel_loop3A_312 = arith.muli %parallel_loop3A_165, %parallel_loop3A_311 : i32
        %parallel_loop3A_313 = arith.constant 4 : i32
        %parallel_loop3A_314 = arith.addi %parallel_loop3A_312, %parallel_loop3A_313 : i32
        %parallel_loop3A_315 = arith.index_cast %parallel_loop3A_314 : i32 to index
        %parallel_loop3A_316 = arith.constant 0 : index
        %parallel_loop3A_317 = tpu.vector_load %arg6[%parallel_loop3A_315, %parallel_loop3A_316] {strides = array<i32>} : memref<128x128xf32, #tpu.memory_space<vmem>>, vector<16xf32>,
        tpu.vector_store_idx %arg8[%parallel_loop3A_310, %add3A_38], %parallel_loop3A_317 {add = true} : memref<520x128xf32, #tpu.memory_space<vmem>>[vector<16xi32>, vector<16xi32>], vector<16xf32>,
        %parallel_loop3A_318 = arith.index_cast %parallel_loop3A_314 : i32 to index
        %parallel_loop3A_319 = arith.constant 16 : index
        %parallel_loop3A_320 = tpu.vector_load %arg6[%parallel_loop3A_318, %parallel_loop3A_319] {strides = array<i32>} : memref<128x128xf32, #tpu.memory_space<vmem>>, vector<16xf32>,
        tpu.vector_store_idx %arg8[%parallel_loop3A_310, %add3A_41], %parallel_loop3A_320 {add = true} : memref<520x128xf32, #tpu.memory_space<vmem>>[vector<16xi32>, vector<16xi32>], vector<16xf32>,
        %parallel_loop3A_321 = arith.index_cast %parallel_loop3A_314 : i32 to index
        %parallel_loop3A_322 = arith.constant 32 : index
        %parallel_loop3A_323 = tpu.vector_load %arg6[%parallel_loop3A_321, %parallel_loop3A_322] {strides = array<i32>} : memref<128x128xf32, #tpu.memory_space<vmem>>, vector<16xf32>,
        tpu.vector_store_idx %arg8[%parallel_loop3A_310, %add3A_44], %parallel_loop3A_323 {add = true} : memref<520x128xf32, #tpu.memory_space<vmem>>[vector<16xi32>, vector<16xi32>], vector<16xf32>,
        %parallel_loop3A_324 = arith.index_cast %parallel_loop3A_314 : i32 to index
        %parallel_loop3A_325 = arith.constant 48 : index
        %parallel_loop3A_326 = tpu.vector_load %arg6[%parallel_loop3A_324, %parallel_loop3A_325] {strides = array<i32>} : memref<128x128xf32, #tpu.memory_space<vmem>>, vector<16xf32>,
        tpu.vector_store_idx %arg8[%parallel_loop3A_310, %add3A_47], %parallel_loop3A_326 {add = true} : memref<520x128xf32, #tpu.memory_space<vmem>>[vector<16xi32>, vector<16xi32>], vector<16xf32>,
        %parallel_loop3A_327 = arith.index_cast %parallel_loop3A_314 : i32 to index
        %parallel_loop3A_328 = arith.constant 64 : index
        %parallel_loop3A_329 = tpu.vector_load %arg6[%parallel_loop3A_327, %parallel_loop3A_328] {strides = array<i32>} : memref<128x128xf32, #tpu.memory_space<vmem>>, vector<16xf32>,
        tpu.vector_store_idx %arg8[%parallel_loop3A_310, %add3A_50], %parallel_loop3A_329 {add = true} : memref<520x128xf32, #tpu.memory_space<vmem>>[vector<16xi32>, vector<16xi32>], vector<16xf32>,
        %parallel_loop3A_330 = arith.index_cast %parallel_loop3A_314 : i32 to index
        %parallel_loop3A_331 = arith.constant 80 : index
        %parallel_loop3A_332 = tpu.vector_load %arg6[%parallel_loop3A_330, %parallel_loop3A_331] {strides = array<i32>} : memref<128x128xf32, #tpu.memory_space<vmem>>, vector<16xf32>,
        tpu.vector_store_idx %arg8[%parallel_loop3A_310, %add3A_53], %parallel_loop3A_332 {add = true} : memref<520x128xf32, #tpu.memory_space<vmem>>[vector<16xi32>, vector<16xi32>], vector<16xf32>,
        %parallel_loop3A_333 = arith.index_cast %parallel_loop3A_314 : i32 to index
        %parallel_loop3A_334 = arith.constant 96 : index
        %parallel_loop3A_335 = tpu.vector_load %arg6[%parallel_loop3A_333, %parallel_loop3A_334] {strides = array<i32>} : memref<128x128xf32, #tpu.memory_space<vmem>>, vector<16xf32>,
        tpu.vector_store_idx %arg8[%parallel_loop3A_310, %add3A_56], %parallel_loop3A_335 {add = true} : memref<520x128xf32, #tpu.memory_space<vmem>>[vector<16xi32>, vector<16xi32>], vector<16xf32>,
        %parallel_loop3A_336 = arith.index_cast %parallel_loop3A_314 : i32 to index
        %parallel_loop3A_337 = arith.constant 112 : index
        %parallel_loop3A_338 = tpu.vector_load %arg6[%parallel_loop3A_336, %parallel_loop3A_337] {strides = array<i32>} : memref<128x128xf32, #tpu.memory_space<vmem>>, vector<16xf32>,
        tpu.vector_store_idx %arg8[%parallel_loop3A_310, %add3A_59], %parallel_loop3A_338 {add = true} : memref<520x128xf32, #tpu.memory_space<vmem>>[vector<16xi32>, vector<16xi32>], vector<16xf32>,
        %parallel_loop3A_339 = vector.extract_strided_slice %parallel_loop3A_183 {offsets = [5], sizes = [1], strides = [1]} : vector<16xi32> to vector<1xi32>
        %parallel_loop3A_340 = vector.extract %parallel_loop3A_339[0] : i32 from vector<1xi32>
        %parallel_loop3A_341 = vector.broadcast %parallel_loop3A_340 : i32 to vector<16xi32>
        %parallel_loop3A_342 = arith.constant 16 : i32
        %parallel_loop3A_343 = arith.muli %parallel_loop3A_165, %parallel_loop3A_342 : i32
        %parallel_loop3A_344 = arith.constant 5 : i32
        %parallel_loop3A_345 = arith.addi %parallel_loop3A_343, %parallel_loop3A_344 : i32
        %parallel_loop3A_346 = arith.index_cast %parallel_loop3A_345 : i32 to index
        %parallel_loop3A_347 = arith.constant 0 : index
        %parallel_loop3A_348 = tpu.vector_load %arg6[%parallel_loop3A_346, %parallel_loop3A_347] {strides = array<i32>} : memref<128x128xf32, #tpu.memory_space<vmem>>, vector<16xf32>,
        tpu.vector_store_idx %arg8[%parallel_loop3A_341, %add3A_38], %parallel_loop3A_348 {add = true} : memref<520x128xf32, #tpu.memory_space<vmem>>[vector<16xi32>, vector<16xi32>], vector<16xf32>,
        %parallel_loop3A_349 = arith.index_cast %parallel_loop3A_345 : i32 to index
        %parallel_loop3A_350 = arith.constant 16 : index
        %parallel_loop3A_351 = tpu.vector_load %arg6[%parallel_loop3A_349, %parallel_loop3A_350] {strides = array<i32>} : memref<128x128xf32, #tpu.memory_space<vmem>>, vector<16xf32>,
        tpu.vector_store_idx %arg8[%parallel_loop3A_341, %add3A_41], %parallel_loop3A_351 {add = true} : memref<520x128xf32, #tpu.memory_space<vmem>>[vector<16xi32>, vector<16xi32>], vector<16xf32>,
        %parallel_loop3A_352 = arith.index_cast %parallel_loop3A_345 : i32 to index
        %parallel_loop3A_353 = arith.constant 32 : index
        %parallel_loop3A_354 = tpu.vector_load %arg6[%parallel_loop3A_352, %parallel_loop3A_353] {strides = array<i32>} : memref<128x128xf32, #tpu.memory_space<vmem>>, vector<16xf32>,
        tpu.vector_store_idx %arg8[%parallel_loop3A_341, %add3A_44], %parallel_loop3A_354 {add = true} : memref<520x128xf32, #tpu.memory_space<vmem>>[vector<16xi32>, vector<16xi32>], vector<16xf32>,
        %parallel_loop3A_355 = arith.index_cast %parallel_loop3A_345 : i32 to index
        %parallel_loop3A_356 = arith.constant 48 : index
        %parallel_loop3A_357 = tpu.vector_load %arg6[%parallel_loop3A_355, %parallel_loop3A_356] {strides = array<i32>} : memref<128x128xf32, #tpu.memory_space<vmem>>, vector<16xf32>,
        tpu.vector_store_idx %arg8[%parallel_loop3A_341, %add3A_47], %parallel_loop3A_357 {add = true} : memref<520x128xf32, #tpu.memory_space<vmem>>[vector<16xi32>, vector<16xi32>], vector<16xf32>,
        %parallel_loop3A_358 = arith.index_cast %parallel_loop3A_345 : i32 to index
        %parallel_loop3A_359 = arith.constant 64 : index
        %parallel_loop3A_360 = tpu.vector_load %arg6[%parallel_loop3A_358, %parallel_loop3A_359] {strides = array<i32>} : memref<128x128xf32, #tpu.memory_space<vmem>>, vector<16xf32>,
        tpu.vector_store_idx %arg8[%parallel_loop3A_341, %add3A_50], %parallel_loop3A_360 {add = true} : memref<520x128xf32, #tpu.memory_space<vmem>>[vector<16xi32>, vector<16xi32>], vector<16xf32>,
        %parallel_loop3A_361 = arith.index_cast %parallel_loop3A_345 : i32 to index
        %parallel_loop3A_362 = arith.constant 80 : index
        %parallel_loop3A_363 = tpu.vector_load %arg6[%parallel_loop3A_361, %parallel_loop3A_362] {strides = array<i32>} : memref<128x128xf32, #tpu.memory_space<vmem>>, vector<16xf32>,
        tpu.vector_store_idx %arg8[%parallel_loop3A_341, %add3A_53], %parallel_loop3A_363 {add = true} : memref<520x128xf32, #tpu.memory_space<vmem>>[vector<16xi32>, vector<16xi32>], vector<16xf32>,
        %parallel_loop3A_364 = arith.index_cast %parallel_loop3A_345 : i32 to index
        %parallel_loop3A_365 = arith.constant 96 : index
        %parallel_loop3A_366 = tpu.vector_load %arg6[%parallel_loop3A_364, %parallel_loop3A_365] {strides = array<i32>} : memref<128x128xf32, #tpu.memory_space<vmem>>, vector<16xf32>,
        tpu.vector_store_idx %arg8[%parallel_loop3A_341, %add3A_56], %parallel_loop3A_366 {add = true} : memref<520x128xf32, #tpu.memory_space<vmem>>[vector<16xi32>, vector<16xi32>], vector<16xf32>,
        %parallel_loop3A_367 = arith.index_cast %parallel_loop3A_345 : i32 to index
        %parallel_loop3A_368 = arith.constant 112 : index
        %parallel_loop3A_369 = tpu.vector_load %arg6[%parallel_loop3A_367, %parallel_loop3A_368] {strides = array<i32>} : memref<128x128xf32, #tpu.memory_space<vmem>>, vector<16xf32>,
        tpu.vector_store_idx %arg8[%parallel_loop3A_341, %add3A_59], %parallel_loop3A_369 {add = true} : memref<520x128xf32, #tpu.memory_space<vmem>>[vector<16xi32>, vector<16xi32>], vector<16xf32>,
        %parallel_loop3A_370 = vector.extract_strided_slice %parallel_loop3A_183 {offsets = [6], sizes = [1], strides = [1]} : vector<16xi32> to vector<1xi32>
        %parallel_loop3A_371 = vector.extract %parallel_loop3A_370[0] : i32 from vector<1xi32>
        %parallel_loop3A_372 = vector.broadcast %parallel_loop3A_371 : i32 to vector<16xi32>
        %parallel_loop3A_373 = arith.constant 16 : i32
        %parallel_loop3A_374 = arith.muli %parallel_loop3A_165, %parallel_loop3A_373 : i32
        %parallel_loop3A_375 = arith.constant 6 : i32
        %parallel_loop3A_376 = arith.addi %parallel_loop3A_374, %parallel_loop3A_375 : i32
        %parallel_loop3A_377 = arith.index_cast %parallel_loop3A_376 : i32 to index
        %parallel_loop3A_378 = arith.constant 0 : index
        %parallel_loop3A_379 = tpu.vector_load %arg6[%parallel_loop3A_377, %parallel_loop3A_378] {strides = array<i32>} : memref<128x128xf32, #tpu.memory_space<vmem>>, vector<16xf32>,
        tpu.vector_store_idx %arg8[%parallel_loop3A_372, %add3A_38], %parallel_loop3A_379 {add = true} : memref<520x128xf32, #tpu.memory_space<vmem>>[vector<16xi32>, vector<16xi32>], vector<16xf32>,
        %parallel_loop3A_380 = arith.index_cast %parallel_loop3A_376 : i32 to index
        %parallel_loop3A_381 = arith.constant 16 : index
        %parallel_loop3A_382 = tpu.vector_load %arg6[%parallel_loop3A_380, %parallel_loop3A_381] {strides = array<i32>} : memref<128x128xf32, #tpu.memory_space<vmem>>, vector<16xf32>,
        tpu.vector_store_idx %arg8[%parallel_loop3A_372, %add3A_41], %parallel_loop3A_382 {add = true} : memref<520x128xf32, #tpu.memory_space<vmem>>[vector<16xi32>, vector<16xi32>], vector<16xf32>,
        %parallel_loop3A_383 = arith.index_cast %parallel_loop3A_376 : i32 to index
        %parallel_loop3A_384 = arith.constant 32 : index
        %parallel_loop3A_385 = tpu.vector_load %arg6[%parallel_loop3A_383, %parallel_loop3A_384] {strides = array<i32>} : memref<128x128xf32, #tpu.memory_space<vmem>>, vector<16xf32>,
        tpu.vector_store_idx %arg8[%parallel_loop3A_372, %add3A_44], %parallel_loop3A_385 {add = true} : memref<520x128xf32, #tpu.memory_space<vmem>>[vector<16xi32>, vector<16xi32>], vector<16xf32>,
        %parallel_loop3A_386 = arith.index_cast %parallel_loop3A_376 : i32 to index
        %parallel_loop3A_387 = arith.constant 48 : index
        %parallel_loop3A_388 = tpu.vector_load %arg6[%parallel_loop3A_386, %parallel_loop3A_387] {strides = array<i32>} : memref<128x128xf32, #tpu.memory_space<vmem>>, vector<16xf32>,
        tpu.vector_store_idx %arg8[%parallel_loop3A_372, %add3A_47], %parallel_loop3A_388 {add = true} : memref<520x128xf32, #tpu.memory_space<vmem>>[vector<16xi32>, vector<16xi32>], vector<16xf32>,
        %parallel_loop3A_389 = arith.index_cast %parallel_loop3A_376 : i32 to index
        %parallel_loop3A_390 = arith.constant 64 : index
        %parallel_loop3A_391 = tpu.vector_load %arg6[%parallel_loop3A_389, %parallel_loop3A_390] {strides = array<i32>} : memref<128x128xf32, #tpu.memory_space<vmem>>, vector<16xf32>,
        tpu.vector_store_idx %arg8[%parallel_loop3A_372, %add3A_50], %parallel_loop3A_391 {add = true} : memref<520x128xf32, #tpu.memory_space<vmem>>[vector<16xi32>, vector<16xi32>], vector<16xf32>,
        %parallel_loop3A_392 = arith.index_cast %parallel_loop3A_376 : i32 to index
        %parallel_loop3A_393 = arith.constant 80 : index
        %parallel_loop3A_394 = tpu.vector_load %arg6[%parallel_loop3A_392, %parallel_loop3A_393] {strides = array<i32>} : memref<128x128xf32, #tpu.memory_space<vmem>>, vector<16xf32>,
        tpu.vector_store_idx %arg8[%parallel_loop3A_372, %add3A_53], %parallel_loop3A_394 {add = true} : memref<520x128xf32, #tpu.memory_space<vmem>>[vector<16xi32>, vector<16xi32>], vector<16xf32>,
        %parallel_loop3A_395 = arith.index_cast %parallel_loop3A_376 : i32 to index
        %parallel_loop3A_396 = arith.constant 96 : index
        %parallel_loop3A_397 = tpu.vector_load %arg6[%parallel_loop3A_395, %parallel_loop3A_396] {strides = array<i32>} : memref<128x128xf32, #tpu.memory_space<vmem>>, vector<16xf32>,
        tpu.vector_store_idx %arg8[%parallel_loop3A_372, %add3A_56], %parallel_loop3A_397 {add = true} : memref<520x128xf32, #tpu.memory_space<vmem>>[vector<16xi32>, vector<16xi32>], vector<16xf32>,
        %parallel_loop3A_398 = arith.index_cast %parallel_loop3A_376 : i32 to index
        %parallel_loop3A_399 = arith.constant 112 : index
        %parallel_loop3A_400 = tpu.vector_load %arg6[%parallel_loop3A_398, %parallel_loop3A_399] {strides = array<i32>} : memref<128x128xf32, #tpu.memory_space<vmem>>, vector<16xf32>,
        tpu.vector_store_idx %arg8[%parallel_loop3A_372, %add3A_59], %parallel_loop3A_400 {add = true} : memref<520x128xf32, #tpu.memory_space<vmem>>[vector<16xi32>, vector<16xi32>], vector<16xf32>,
        %parallel_loop3A_401 = vector.extract_strided_slice %parallel_loop3A_183 {offsets = [7], sizes = [1], strides = [1]} : vector<16xi32> to vector<1xi32>
        %parallel_loop3A_402 = vector.extract %parallel_loop3A_401[0] : i32 from vector<1xi32>
        %parallel_loop3A_403 = vector.broadcast %parallel_loop3A_402 : i32 to vector<16xi32>
        %parallel_loop3A_404 = arith.constant 16 : i32
        %parallel_loop3A_405 = arith.muli %parallel_loop3A_165, %parallel_loop3A_404 : i32
        %parallel_loop3A_406 = arith.constant 7 : i32
        %parallel_loop3A_407 = arith.addi %parallel_loop3A_405, %parallel_loop3A_406 : i32
        %parallel_loop3A_408 = arith.index_cast %parallel_loop3A_407 : i32 to index
        %parallel_loop3A_409 = arith.constant 0 : index
        %parallel_loop3A_410 = tpu.vector_load %arg6[%parallel_loop3A_408, %parallel_loop3A_409] {strides = array<i32>} : memref<128x128xf32, #tpu.memory_space<vmem>>, vector<16xf32>,
        tpu.vector_store_idx %arg8[%parallel_loop3A_403, %add3A_38], %parallel_loop3A_410 {add = true} : memref<520x128xf32, #tpu.memory_space<vmem>>[vector<16xi32>, vector<16xi32>], vector<16xf32>,
        %parallel_loop3A_411 = arith.index_cast %parallel_loop3A_407 : i32 to index
        %parallel_loop3A_412 = arith.constant 16 : index
        %parallel_loop3A_413 = tpu.vector_load %arg6[%parallel_loop3A_411, %parallel_loop3A_412] {strides = array<i32>} : memref<128x128xf32, #tpu.memory_space<vmem>>, vector<16xf32>,
        tpu.vector_store_idx %arg8[%parallel_loop3A_403, %add3A_41], %parallel_loop3A_413 {add = true} : memref<520x128xf32, #tpu.memory_space<vmem>>[vector<16xi32>, vector<16xi32>], vector<16xf32>,
        %parallel_loop3A_414 = arith.index_cast %parallel_loop3A_407 : i32 to index
        %parallel_loop3A_415 = arith.constant 32 : index
        %parallel_loop3A_416 = tpu.vector_load %arg6[%parallel_loop3A_414, %parallel_loop3A_415] {strides = array<i32>} : memref<128x128xf32, #tpu.memory_space<vmem>>, vector<16xf32>,
        tpu.vector_store_idx %arg8[%parallel_loop3A_403, %add3A_44], %parallel_loop3A_416 {add = true} : memref<520x128xf32, #tpu.memory_space<vmem>>[vector<16xi32>, vector<16xi32>], vector<16xf32>,
        %parallel_loop3A_417 = arith.index_cast %parallel_loop3A_407 : i32 to index
        %parallel_loop3A_418 = arith.constant 48 : index
        %parallel_loop3A_419 = tpu.vector_load %arg6[%parallel_loop3A_417, %parallel_loop3A_418] {strides = array<i32>} : memref<128x128xf32, #tpu.memory_space<vmem>>, vector<16xf32>,
        tpu.vector_store_idx %arg8[%parallel_loop3A_403, %add3A_47], %parallel_loop3A_419 {add = true} : memref<520x128xf32, #tpu.memory_space<vmem>>[vector<16xi32>, vector<16xi32>], vector<16xf32>,
        %parallel_loop3A_420 = arith.index_cast %parallel_loop3A_407 : i32 to index
        %parallel_loop3A_421 = arith.constant 64 : index
        %parallel_loop3A_422 = tpu.vector_load %arg6[%parallel_loop3A_420, %parallel_loop3A_421] {strides = array<i32>} : memref<128x128xf32, #tpu.memory_space<vmem>>, vector<16xf32>,
        tpu.vector_store_idx %arg8[%parallel_loop3A_403, %add3A_50], %parallel_loop3A_422 {add = true} : memref<520x128xf32, #tpu.memory_space<vmem>>[vector<16xi32>, vector<16xi32>], vector<16xf32>,
        %parallel_loop3A_423 = arith.index_cast %parallel_loop3A_407 : i32 to index
        %parallel_loop3A_424 = arith.constant 80 : index
        %parallel_loop3A_425 = tpu.vector_load %arg6[%parallel_loop3A_423, %parallel_loop3A_424] {strides = array<i32>} : memref<128x128xf32, #tpu.memory_space<vmem>>, vector<16xf32>,
        tpu.vector_store_idx %arg8[%parallel_loop3A_403, %add3A_53], %parallel_loop3A_425 {add = true} : memref<520x128xf32, #tpu.memory_space<vmem>>[vector<16xi32>, vector<16xi32>], vector<16xf32>,
        %parallel_loop3A_426 = arith.index_cast %parallel_loop3A_407 : i32 to index
        %parallel_loop3A_427 = arith.constant 96 : index
        %parallel_loop3A_428 = tpu.vector_load %arg6[%parallel_loop3A_426, %parallel_loop3A_427] {strides = array<i32>} : memref<128x128xf32, #tpu.memory_space<vmem>>, vector<16xf32>,
        tpu.vector_store_idx %arg8[%parallel_loop3A_403, %add3A_56], %parallel_loop3A_428 {add = true} : memref<520x128xf32, #tpu.memory_space<vmem>>[vector<16xi32>, vector<16xi32>], vector<16xf32>,
        %parallel_loop3A_429 = arith.index_cast %parallel_loop3A_407 : i32 to index
        %parallel_loop3A_430 = arith.constant 112 : index
        %parallel_loop3A_431 = tpu.vector_load %arg6[%parallel_loop3A_429, %parallel_loop3A_430] {strides = array<i32>} : memref<128x128xf32, #tpu.memory_space<vmem>>, vector<16xf32>,
        tpu.vector_store_idx %arg8[%parallel_loop3A_403, %add3A_59], %parallel_loop3A_431 {add = true} : memref<520x128xf32, #tpu.memory_space<vmem>>[vector<16xi32>, vector<16xi32>], vector<16xf32>,
        %parallel_loop3A_432 = vector.extract_strided_slice %parallel_loop3A_183 {offsets = [8], sizes = [1], strides = [1]} : vector<16xi32> to vector<1xi32>
        %parallel_loop3A_433 = vector.extract %parallel_loop3A_432[0] : i32 from vector<1xi32>
        %parallel_loop3A_434 = vector.broadcast %parallel_loop3A_433 : i32 to vector<16xi32>
        %parallel_loop3A_435 = arith.constant 16 : i32
        %parallel_loop3A_436 = arith.muli %parallel_loop3A_165, %parallel_loop3A_435 : i32
        %parallel_loop3A_437 = arith.constant 8 : i32
        %parallel_loop3A_438 = arith.addi %parallel_loop3A_436, %parallel_loop3A_437 : i32
        %parallel_loop3A_439 = arith.index_cast %parallel_loop3A_438 : i32 to index
        %parallel_loop3A_440 = arith.constant 0 : index
        %parallel_loop3A_441 = tpu.vector_load %arg6[%parallel_loop3A_439, %parallel_loop3A_440] {strides = array<i32>} : memref<128x128xf32, #tpu.memory_space<vmem>>, vector<16xf32>,
        tpu.vector_store_idx %arg8[%parallel_loop3A_434, %add3A_38], %parallel_loop3A_441 {add = true} : memref<520x128xf32, #tpu.memory_space<vmem>>[vector<16xi32>, vector<16xi32>], vector<16xf32>,
        %parallel_loop3A_442 = arith.index_cast %parallel_loop3A_438 : i32 to index
        %parallel_loop3A_443 = arith.constant 16 : index
        %parallel_loop3A_444 = tpu.vector_load %arg6[%parallel_loop3A_442, %parallel_loop3A_443] {strides = array<i32>} : memref<128x128xf32, #tpu.memory_space<vmem>>, vector<16xf32>,
        tpu.vector_store_idx %arg8[%parallel_loop3A_434, %add3A_41], %parallel_loop3A_444 {add = true} : memref<520x128xf32, #tpu.memory_space<vmem>>[vector<16xi32>, vector<16xi32>], vector<16xf32>,
        %parallel_loop3A_445 = arith.index_cast %parallel_loop3A_438 : i32 to index
        %parallel_loop3A_446 = arith.constant 32 : index
        %parallel_loop3A_447 = tpu.vector_load %arg6[%parallel_loop3A_445, %parallel_loop3A_446] {strides = array<i32>} : memref<128x128xf32, #tpu.memory_space<vmem>>, vector<16xf32>,
        tpu.vector_store_idx %arg8[%parallel_loop3A_434, %add3A_44], %parallel_loop3A_447 {add = true} : memref<520x128xf32, #tpu.memory_space<vmem>>[vector<16xi32>, vector<16xi32>], vector<16xf32>,
        %parallel_loop3A_448 = arith.index_cast %parallel_loop3A_438 : i32 to index
        %parallel_loop3A_449 = arith.constant 48 : index
        %parallel_loop3A_450 = tpu.vector_load %arg6[%parallel_loop3A_448, %parallel_loop3A_449] {strides = array<i32>} : memref<128x128xf32, #tpu.memory_space<vmem>>, vector<16xf32>,
        tpu.vector_store_idx %arg8[%parallel_loop3A_434, %add3A_47], %parallel_loop3A_450 {add = true} : memref<520x128xf32, #tpu.memory_space<vmem>>[vector<16xi32>, vector<16xi32>], vector<16xf32>,
        %parallel_loop3A_451 = arith.index_cast %parallel_loop3A_438 : i32 to index
        %parallel_loop3A_452 = arith.constant 64 : index
        %parallel_loop3A_453 = tpu.vector_load %arg6[%parallel_loop3A_451, %parallel_loop3A_452] {strides = array<i32>} : memref<128x128xf32, #tpu.memory_space<vmem>>, vector<16xf32>,
        tpu.vector_store_idx %arg8[%parallel_loop3A_434, %add3A_50], %parallel_loop3A_453 {add = true} : memref<520x128xf32, #tpu.memory_space<vmem>>[vector<16xi32>, vector<16xi32>], vector<16xf32>,
        %parallel_loop3A_454 = arith.index_cast %parallel_loop3A_438 : i32 to index
        %parallel_loop3A_455 = arith.constant 80 : index
        %parallel_loop3A_456 = tpu.vector_load %arg6[%parallel_loop3A_454, %parallel_loop3A_455] {strides = array<i32>} : memref<128x128xf32, #tpu.memory_space<vmem>>, vector<16xf32>,
        tpu.vector_store_idx %arg8[%parallel_loop3A_434, %add3A_53], %parallel_loop3A_456 {add = true} : memref<520x128xf32, #tpu.memory_space<vmem>>[vector<16xi32>, vector<16xi32>], vector<16xf32>,
        %parallel_loop3A_457 = arith.index_cast %parallel_loop3A_438 : i32 to index
        %parallel_loop3A_458 = arith.constant 96 : index
        %parallel_loop3A_459 = tpu.vector_load %arg6[%parallel_loop3A_457, %parallel_loop3A_458] {strides = array<i32>} : memref<128x128xf32, #tpu.memory_space<vmem>>, vector<16xf32>,
        tpu.vector_store_idx %arg8[%parallel_loop3A_434, %add3A_56], %parallel_loop3A_459 {add = true} : memref<520x128xf32, #tpu.memory_space<vmem>>[vector<16xi32>, vector<16xi32>], vector<16xf32>,
        %parallel_loop3A_460 = arith.index_cast %parallel_loop3A_438 : i32 to index
        %parallel_loop3A_461 = arith.constant 112 : index
        %parallel_loop3A_462 = tpu.vector_load %arg6[%parallel_loop3A_460, %parallel_loop3A_461] {strides = array<i32>} : memref<128x128xf32, #tpu.memory_space<vmem>>, vector<16xf32>,
        tpu.vector_store_idx %arg8[%parallel_loop3A_434, %add3A_59], %parallel_loop3A_462 {add = true} : memref<520x128xf32, #tpu.memory_space<vmem>>[vector<16xi32>, vector<16xi32>], vector<16xf32>,
        %parallel_loop3A_463 = vector.extract_strided_slice %parallel_loop3A_183 {offsets = [9], sizes = [1], strides = [1]} : vector<16xi32> to vector<1xi32>
        %parallel_loop3A_464 = vector.extract %parallel_loop3A_463[0] : i32 from vector<1xi32>
        %parallel_loop3A_465 = vector.broadcast %parallel_loop3A_464 : i32 to vector<16xi32>
        %parallel_loop3A_466 = arith.constant 16 : i32
        %parallel_loop3A_467 = arith.muli %parallel_loop3A_165, %parallel_loop3A_466 : i32
        %parallel_loop3A_468 = arith.constant 9 : i32
        %parallel_loop3A_469 = arith.addi %parallel_loop3A_467, %parallel_loop3A_468 : i32
        %parallel_loop3A_470 = arith.index_cast %parallel_loop3A_469 : i32 to index
        %parallel_loop3A_471 = arith.constant 0 : index
        %parallel_loop3A_472 = tpu.vector_load %arg6[%parallel_loop3A_470, %parallel_loop3A_471] {strides = array<i32>} : memref<128x128xf32, #tpu.memory_space<vmem>>, vector<16xf32>,
        tpu.vector_store_idx %arg8[%parallel_loop3A_465, %add3A_38], %parallel_loop3A_472 {add = true} : memref<520x128xf32, #tpu.memory_space<vmem>>[vector<16xi32>, vector<16xi32>], vector<16xf32>,
        %parallel_loop3A_473 = arith.index_cast %parallel_loop3A_469 : i32 to index
        %parallel_loop3A_474 = arith.constant 16 : index
        %parallel_loop3A_475 = tpu.vector_load %arg6[%parallel_loop3A_473, %parallel_loop3A_474] {strides = array<i32>} : memref<128x128xf32, #tpu.memory_space<vmem>>, vector<16xf32>,
        tpu.vector_store_idx %arg8[%parallel_loop3A_465, %add3A_41], %parallel_loop3A_475 {add = true} : memref<520x128xf32, #tpu.memory_space<vmem>>[vector<16xi32>, vector<16xi32>], vector<16xf32>,
        %parallel_loop3A_476 = arith.index_cast %parallel_loop3A_469 : i32 to index
        %parallel_loop3A_477 = arith.constant 32 : index
        %parallel_loop3A_478 = tpu.vector_load %arg6[%parallel_loop3A_476, %parallel_loop3A_477] {strides = array<i32>} : memref<128x128xf32, #tpu.memory_space<vmem>>, vector<16xf32>,
        tpu.vector_store_idx %arg8[%parallel_loop3A_465, %add3A_44], %parallel_loop3A_478 {add = true} : memref<520x128xf32, #tpu.memory_space<vmem>>[vector<16xi32>, vector<16xi32>], vector<16xf32>,
        %parallel_loop3A_479 = arith.index_cast %parallel_loop3A_469 : i32 to index
        %parallel_loop3A_480 = arith.constant 48 : index
        %parallel_loop3A_481 = tpu.vector_load %arg6[%parallel_loop3A_479, %parallel_loop3A_480] {strides = array<i32>} : memref<128x128xf32, #tpu.memory_space<vmem>>, vector<16xf32>,
        tpu.vector_store_idx %arg8[%parallel_loop3A_465, %add3A_47], %parallel_loop3A_481 {add = true} : memref<520x128xf32, #tpu.memory_space<vmem>>[vector<16xi32>, vector<16xi32>], vector<16xf32>,
        %parallel_loop3A_482 = arith.index_cast %parallel_loop3A_469 : i32 to index
        %parallel_loop3A_483 = arith.constant 64 : index
        %parallel_loop3A_484 = tpu.vector_load %arg6[%parallel_loop3A_482, %parallel_loop3A_483] {strides = array<i32>} : memref<128x128xf32, #tpu.memory_space<vmem>>, vector<16xf32>,
        tpu.vector_store_idx %arg8[%parallel_loop3A_465, %add3A_50], %parallel_loop3A_484 {add = true} : memref<520x128xf32, #tpu.memory_space<vmem>>[vector<16xi32>, vector<16xi32>], vector<16xf32>,
        %parallel_loop3A_485 = arith.index_cast %parallel_loop3A_469 : i32 to index
        %parallel_loop3A_486 = arith.constant 80 : index
        %parallel_loop3A_487 = tpu.vector_load %arg6[%parallel_loop3A_485, %parallel_loop3A_486] {strides = array<i32>} : memref<128x128xf32, #tpu.memory_space<vmem>>, vector<16xf32>,
        tpu.vector_store_idx %arg8[%parallel_loop3A_465, %add3A_53], %parallel_loop3A_487 {add = true} : memref<520x128xf32, #tpu.memory_space<vmem>>[vector<16xi32>, vector<16xi32>], vector<16xf32>,
        %parallel_loop3A_488 = arith.index_cast %parallel_loop3A_469 : i32 to index
        %parallel_loop3A_489 = arith.constant 96 : index
        %parallel_loop3A_490 = tpu.vector_load %arg6[%parallel_loop3A_488, %parallel_loop3A_489] {strides = array<i32>} : memref<128x128xf32, #tpu.memory_space<vmem>>, vector<16xf32>,
        tpu.vector_store_idx %arg8[%parallel_loop3A_465, %add3A_56], %parallel_loop3A_490 {add = true} : memref<520x128xf32, #tpu.memory_space<vmem>>[vector<16xi32>, vector<16xi32>], vector<16xf32>,
        %parallel_loop3A_491 = arith.index_cast %parallel_loop3A_469 : i32 to index
        %parallel_loop3A_492 = arith.constant 112 : index
        %parallel_loop3A_493 = tpu.vector_load %arg6[%parallel_loop3A_491, %parallel_loop3A_492] {strides = array<i32>} : memref<128x128xf32, #tpu.memory_space<vmem>>, vector<16xf32>,
        tpu.vector_store_idx %arg8[%parallel_loop3A_465, %add3A_59], %parallel_loop3A_493 {add = true} : memref<520x128xf32, #tpu.memory_space<vmem>>[vector<16xi32>, vector<16xi32>], vector<16xf32>,
        %parallel_loop3A_494 = vector.extract_strided_slice %parallel_loop3A_183 {offsets = [10], sizes = [1], strides = [1]} : vector<16xi32> to vector<1xi32>
        %parallel_loop3A_495 = vector.extract %parallel_loop3A_494[0] : i32 from vector<1xi32>
        %parallel_loop3A_496 = vector.broadcast %parallel_loop3A_495 : i32 to vector<16xi32>
        %parallel_loop3A_497 = arith.constant 16 : i32
        %parallel_loop3A_498 = arith.muli %parallel_loop3A_165, %parallel_loop3A_497 : i32
        %parallel_loop3A_499 = arith.constant 10 : i32
        %parallel_loop3A_500 = arith.addi %parallel_loop3A_498, %parallel_loop3A_499 : i32
        %parallel_loop3A_501 = arith.index_cast %parallel_loop3A_500 : i32 to index
        %parallel_loop3A_502 = arith.constant 0 : index
        %parallel_loop3A_503 = tpu.vector_load %arg6[%parallel_loop3A_501, %parallel_loop3A_502] {strides = array<i32>} : memref<128x128xf32, #tpu.memory_space<vmem>>, vector<16xf32>,
        tpu.vector_store_idx %arg8[%parallel_loop3A_496, %add3A_38], %parallel_loop3A_503 {add = true} : memref<520x128xf32, #tpu.memory_space<vmem>>[vector<16xi32>, vector<16xi32>], vector<16xf32>,
        %parallel_loop3A_504 = arith.index_cast %parallel_loop3A_500 : i32 to index
        %parallel_loop3A_505 = arith.constant 16 : index
        %parallel_loop3A_506 = tpu.vector_load %arg6[%parallel_loop3A_504, %parallel_loop3A_505] {strides = array<i32>} : memref<128x128xf32, #tpu.memory_space<vmem>>, vector<16xf32>,
        tpu.vector_store_idx %arg8[%parallel_loop3A_496, %add3A_41], %parallel_loop3A_506 {add = true} : memref<520x128xf32, #tpu.memory_space<vmem>>[vector<16xi32>, vector<16xi32>], vector<16xf32>,
        %parallel_loop3A_507 = arith.index_cast %parallel_loop3A_500 : i32 to index
        %parallel_loop3A_508 = arith.constant 32 : index
        %parallel_loop3A_509 = tpu.vector_load %arg6[%parallel_loop3A_507, %parallel_loop3A_508] {strides = array<i32>} : memref<128x128xf32, #tpu.memory_space<vmem>>, vector<16xf32>,
        tpu.vector_store_idx %arg8[%parallel_loop3A_496, %add3A_44], %parallel_loop3A_509 {add = true} : memref<520x128xf32, #tpu.memory_space<vmem>>[vector<16xi32>, vector<16xi32>], vector<16xf32>,
        %parallel_loop3A_510 = arith.index_cast %parallel_loop3A_500 : i32 to index
        %parallel_loop3A_511 = arith.constant 48 : index
        %parallel_loop3A_512 = tpu.vector_load %arg6[%parallel_loop3A_510, %parallel_loop3A_511] {strides = array<i32>} : memref<128x128xf32, #tpu.memory_space<vmem>>, vector<16xf32>,
        tpu.vector_store_idx %arg8[%parallel_loop3A_496, %add3A_47], %parallel_loop3A_512 {add = true} : memref<520x128xf32, #tpu.memory_space<vmem>>[vector<16xi32>, vector<16xi32>], vector<16xf32>,
        %parallel_loop3A_513 = arith.index_cast %parallel_loop3A_500 : i32 to index
        %parallel_loop3A_514 = arith.constant 64 : index
        %parallel_loop3A_515 = tpu.vector_load %arg6[%parallel_loop3A_513, %parallel_loop3A_514] {strides = array<i32>} : memref<128x128xf32, #tpu.memory_space<vmem>>, vector<16xf32>,
        tpu.vector_store_idx %arg8[%parallel_loop3A_496, %add3A_50], %parallel_loop3A_515 {add = true} : memref<520x128xf32, #tpu.memory_space<vmem>>[vector<16xi32>, vector<16xi32>], vector<16xf32>,
        %parallel_loop3A_516 = arith.index_cast %parallel_loop3A_500 : i32 to index
        %parallel_loop3A_517 = arith.constant 80 : index
        %parallel_loop3A_518 = tpu.vector_load %arg6[%parallel_loop3A_516, %parallel_loop3A_517] {strides = array<i32>} : memref<128x128xf32, #tpu.memory_space<vmem>>, vector<16xf32>,
        tpu.vector_store_idx %arg8[%parallel_loop3A_496, %add3A_53], %parallel_loop3A_518 {add = true} : memref<520x128xf32, #tpu.memory_space<vmem>>[vector<16xi32>, vector<16xi32>], vector<16xf32>,
        %parallel_loop3A_519 = arith.index_cast %parallel_loop3A_500 : i32 to index
        %parallel_loop3A_520 = arith.constant 96 : index
        %parallel_loop3A_521 = tpu.vector_load %arg6[%parallel_loop3A_519, %parallel_loop3A_520] {strides = array<i32>} : memref<128x128xf32, #tpu.memory_space<vmem>>, vector<16xf32>,
        tpu.vector_store_idx %arg8[%parallel_loop3A_496, %add3A_56], %parallel_loop3A_521 {add = true} : memref<520x128xf32, #tpu.memory_space<vmem>>[vector<16xi32>, vector<16xi32>], vector<16xf32>,
        %parallel_loop3A_522 = arith.index_cast %parallel_loop3A_500 : i32 to index
        %parallel_loop3A_523 = arith.constant 112 : index
        %parallel_loop3A_524 = tpu.vector_load %arg6[%parallel_loop3A_522, %parallel_loop3A_523] {strides = array<i32>} : memref<128x128xf32, #tpu.memory_space<vmem>>, vector<16xf32>,
        tpu.vector_store_idx %arg8[%parallel_loop3A_496, %add3A_59], %parallel_loop3A_524 {add = true} : memref<520x128xf32, #tpu.memory_space<vmem>>[vector<16xi32>, vector<16xi32>], vector<16xf32>,
        %parallel_loop3A_525 = vector.extract_strided_slice %parallel_loop3A_183 {offsets = [11], sizes = [1], strides = [1]} : vector<16xi32> to vector<1xi32>
        %parallel_loop3A_526 = vector.extract %parallel_loop3A_525[0] : i32 from vector<1xi32>
        %parallel_loop3A_527 = vector.broadcast %parallel_loop3A_526 : i32 to vector<16xi32>
        %parallel_loop3A_528 = arith.constant 16 : i32
        %parallel_loop3A_529 = arith.muli %parallel_loop3A_165, %parallel_loop3A_528 : i32
        %parallel_loop3A_530 = arith.constant 11 : i32
        %parallel_loop3A_531 = arith.addi %parallel_loop3A_529, %parallel_loop3A_530 : i32
        %parallel_loop3A_532 = arith.index_cast %parallel_loop3A_531 : i32 to index
        %parallel_loop3A_533 = arith.constant 0 : index
        %parallel_loop3A_534 = tpu.vector_load %arg6[%parallel_loop3A_532, %parallel_loop3A_533] {strides = array<i32>} : memref<128x128xf32, #tpu.memory_space<vmem>>, vector<16xf32>,
        tpu.vector_store_idx %arg8[%parallel_loop3A_527, %add3A_38], %parallel_loop3A_534 {add = true} : memref<520x128xf32, #tpu.memory_space<vmem>>[vector<16xi32>, vector<16xi32>], vector<16xf32>,
        %parallel_loop3A_535 = arith.index_cast %parallel_loop3A_531 : i32 to index
        %parallel_loop3A_536 = arith.constant 16 : index
        %parallel_loop3A_537 = tpu.vector_load %arg6[%parallel_loop3A_535, %parallel_loop3A_536] {strides = array<i32>} : memref<128x128xf32, #tpu.memory_space<vmem>>, vector<16xf32>,
        tpu.vector_store_idx %arg8[%parallel_loop3A_527, %add3A_41], %parallel_loop3A_537 {add = true} : memref<520x128xf32, #tpu.memory_space<vmem>>[vector<16xi32>, vector<16xi32>], vector<16xf32>,
        %parallel_loop3A_538 = arith.index_cast %parallel_loop3A_531 : i32 to index
        %parallel_loop3A_539 = arith.constant 32 : index
        %parallel_loop3A_540 = tpu.vector_load %arg6[%parallel_loop3A_538, %parallel_loop3A_539] {strides = array<i32>} : memref<128x128xf32, #tpu.memory_space<vmem>>, vector<16xf32>,
        tpu.vector_store_idx %arg8[%parallel_loop3A_527, %add3A_44], %parallel_loop3A_540 {add = true} : memref<520x128xf32, #tpu.memory_space<vmem>>[vector<16xi32>, vector<16xi32>], vector<16xf32>,
        %parallel_loop3A_541 = arith.index_cast %parallel_loop3A_531 : i32 to index
        %parallel_loop3A_542 = arith.constant 48 : index
        %parallel_loop3A_543 = tpu.vector_load %arg6[%parallel_loop3A_541, %parallel_loop3A_542] {strides = array<i32>} : memref<128x128xf32, #tpu.memory_space<vmem>>, vector<16xf32>,
        tpu.vector_store_idx %arg8[%parallel_loop3A_527, %add3A_47], %parallel_loop3A_543 {add = true} : memref<520x128xf32, #tpu.memory_space<vmem>>[vector<16xi32>, vector<16xi32>], vector<16xf32>,
        %parallel_loop3A_544 = arith.index_cast %parallel_loop3A_531 : i32 to index
        %parallel_loop3A_545 = arith.constant 64 : index
        %parallel_loop3A_546 = tpu.vector_load %arg6[%parallel_loop3A_544, %parallel_loop3A_545] {strides = array<i32>} : memref<128x128xf32, #tpu.memory_space<vmem>>, vector<16xf32>,
        tpu.vector_store_idx %arg8[%parallel_loop3A_527, %add3A_50], %parallel_loop3A_546 {add = true} : memref<520x128xf32, #tpu.memory_space<vmem>>[vector<16xi32>, vector<16xi32>], vector<16xf32>,
        %parallel_loop3A_547 = arith.index_cast %parallel_loop3A_531 : i32 to index
        %parallel_loop3A_548 = arith.constant 80 : index
        %parallel_loop3A_549 = tpu.vector_load %arg6[%parallel_loop3A_547, %parallel_loop3A_548] {strides = array<i32>} : memref<128x128xf32, #tpu.memory_space<vmem>>, vector<16xf32>,
        tpu.vector_store_idx %arg8[%parallel_loop3A_527, %add3A_53], %parallel_loop3A_549 {add = true} : memref<520x128xf32, #tpu.memory_space<vmem>>[vector<16xi32>, vector<16xi32>], vector<16xf32>,
        %parallel_loop3A_550 = arith.index_cast %parallel_loop3A_531 : i32 to index
        %parallel_loop3A_551 = arith.constant 96 : index
        %parallel_loop3A_552 = tpu.vector_load %arg6[%parallel_loop3A_550, %parallel_loop3A_551] {strides = array<i32>} : memref<128x128xf32, #tpu.memory_space<vmem>>, vector<16xf32>,
        tpu.vector_store_idx %arg8[%parallel_loop3A_527, %add3A_56], %parallel_loop3A_552 {add = true} : memref<520x128xf32, #tpu.memory_space<vmem>>[vector<16xi32>, vector<16xi32>], vector<16xf32>,
        %parallel_loop3A_553 = arith.index_cast %parallel_loop3A_531 : i32 to index
        %parallel_loop3A_554 = arith.constant 112 : index
        %parallel_loop3A_555 = tpu.vector_load %arg6[%parallel_loop3A_553, %parallel_loop3A_554] {strides = array<i32>} : memref<128x128xf32, #tpu.memory_space<vmem>>, vector<16xf32>,
        tpu.vector_store_idx %arg8[%parallel_loop3A_527, %add3A_59], %parallel_loop3A_555 {add = true} : memref<520x128xf32, #tpu.memory_space<vmem>>[vector<16xi32>, vector<16xi32>], vector<16xf32>,
        %parallel_loop3A_556 = vector.extract_strided_slice %parallel_loop3A_183 {offsets = [12], sizes = [1], strides = [1]} : vector<16xi32> to vector<1xi32>
        %parallel_loop3A_557 = vector.extract %parallel_loop3A_556[0] : i32 from vector<1xi32>
        %parallel_loop3A_558 = vector.broadcast %parallel_loop3A_557 : i32 to vector<16xi32>
        %parallel_loop3A_559 = arith.constant 16 : i32
        %parallel_loop3A_560 = arith.muli %parallel_loop3A_165, %parallel_loop3A_559 : i32
        %parallel_loop3A_561 = arith.constant 12 : i32
        %parallel_loop3A_562 = arith.addi %parallel_loop3A_560, %parallel_loop3A_561 : i32
        %parallel_loop3A_563 = arith.index_cast %parallel_loop3A_562 : i32 to index
        %parallel_loop3A_564 = arith.constant 0 : index
        %parallel_loop3A_565 = tpu.vector_load %arg6[%parallel_loop3A_563, %parallel_loop3A_564] {strides = array<i32>} : memref<128x128xf32, #tpu.memory_space<vmem>>, vector<16xf32>,
        tpu.vector_store_idx %arg8[%parallel_loop3A_558, %add3A_38], %parallel_loop3A_565 {add = true} : memref<520x128xf32, #tpu.memory_space<vmem>>[vector<16xi32>, vector<16xi32>], vector<16xf32>,
        %parallel_loop3A_566 = arith.index_cast %parallel_loop3A_562 : i32 to index
        %parallel_loop3A_567 = arith.constant 16 : index
        %parallel_loop3A_568 = tpu.vector_load %arg6[%parallel_loop3A_566, %parallel_loop3A_567] {strides = array<i32>} : memref<128x128xf32, #tpu.memory_space<vmem>>, vector<16xf32>,
        tpu.vector_store_idx %arg8[%parallel_loop3A_558, %add3A_41], %parallel_loop3A_568 {add = true} : memref<520x128xf32, #tpu.memory_space<vmem>>[vector<16xi32>, vector<16xi32>], vector<16xf32>,
        %parallel_loop3A_569 = arith.index_cast %parallel_loop3A_562 : i32 to index
        %parallel_loop3A_570 = arith.constant 32 : index
        %parallel_loop3A_571 = tpu.vector_load %arg6[%parallel_loop3A_569, %parallel_loop3A_570] {strides = array<i32>} : memref<128x128xf32, #tpu.memory_space<vmem>>, vector<16xf32>,
        tpu.vector_store_idx %arg8[%parallel_loop3A_558, %add3A_44], %parallel_loop3A_571 {add = true} : memref<520x128xf32, #tpu.memory_space<vmem>>[vector<16xi32>, vector<16xi32>], vector<16xf32>,
        %parallel_loop3A_572 = arith.index_cast %parallel_loop3A_562 : i32 to index
        %parallel_loop3A_573 = arith.constant 48 : index
        %parallel_loop3A_574 = tpu.vector_load %arg6[%parallel_loop3A_572, %parallel_loop3A_573] {strides = array<i32>} : memref<128x128xf32, #tpu.memory_space<vmem>>, vector<16xf32>,
        tpu.vector_store_idx %arg8[%parallel_loop3A_558, %add3A_47], %parallel_loop3A_574 {add = true} : memref<520x128xf32, #tpu.memory_space<vmem>>[vector<16xi32>, vector<16xi32>], vector<16xf32>,
        %parallel_loop3A_575 = arith.index_cast %parallel_loop3A_562 : i32 to index
        %parallel_loop3A_576 = arith.constant 64 : index
        %parallel_loop3A_577 = tpu.vector_load %arg6[%parallel_loop3A_575, %parallel_loop3A_576] {strides = array<i32>} : memref<128x128xf32, #tpu.memory_space<vmem>>, vector<16xf32>,
        tpu.vector_store_idx %arg8[%parallel_loop3A_558, %add3A_50], %parallel_loop3A_577 {add = true} : memref<520x128xf32, #tpu.memory_space<vmem>>[vector<16xi32>, vector<16xi32>], vector<16xf32>,
        %parallel_loop3A_578 = arith.index_cast %parallel_loop3A_562 : i32 to index
        %parallel_loop3A_579 = arith.constant 80 : index
        %parallel_loop3A_580 = tpu.vector_load %arg6[%parallel_loop3A_578, %parallel_loop3A_579] {strides = array<i32>} : memref<128x128xf32, #tpu.memory_space<vmem>>, vector<16xf32>,
        tpu.vector_store_idx %arg8[%parallel_loop3A_558, %add3A_53], %parallel_loop3A_580 {add = true} : memref<520x128xf32, #tpu.memory_space<vmem>>[vector<16xi32>, vector<16xi32>], vector<16xf32>,
        %parallel_loop3A_581 = arith.index_cast %parallel_loop3A_562 : i32 to index
        %parallel_loop3A_582 = arith.constant 96 : index
        %parallel_loop3A_583 = tpu.vector_load %arg6[%parallel_loop3A_581, %parallel_loop3A_582] {strides = array<i32>} : memref<128x128xf32, #tpu.memory_space<vmem>>, vector<16xf32>,
        tpu.vector_store_idx %arg8[%parallel_loop3A_558, %add3A_56], %parallel_loop3A_583 {add = true} : memref<520x128xf32, #tpu.memory_space<vmem>>[vector<16xi32>, vector<16xi32>], vector<16xf32>,
        %parallel_loop3A_584 = arith.index_cast %parallel_loop3A_562 : i32 to index
        %parallel_loop3A_585 = arith.constant 112 : index
        %parallel_loop3A_586 = tpu.vector_load %arg6[%parallel_loop3A_584, %parallel_loop3A_585] {strides = array<i32>} : memref<128x128xf32, #tpu.memory_space<vmem>>, vector<16xf32>,
        tpu.vector_store_idx %arg8[%parallel_loop3A_558, %add3A_59], %parallel_loop3A_586 {add = true} : memref<520x128xf32, #tpu.memory_space<vmem>>[vector<16xi32>, vector<16xi32>], vector<16xf32>,
        %parallel_loop3A_587 = vector.extract_strided_slice %parallel_loop3A_183 {offsets = [13], sizes = [1], strides = [1]} : vector<16xi32> to vector<1xi32>
        %parallel_loop3A_588 = vector.extract %parallel_loop3A_587[0] : i32 from vector<1xi32>
        %parallel_loop3A_589 = vector.broadcast %parallel_loop3A_588 : i32 to vector<16xi32>
        %parallel_loop3A_590 = arith.constant 16 : i32
        %parallel_loop3A_591 = arith.muli %parallel_loop3A_165, %parallel_loop3A_590 : i32
        %parallel_loop3A_592 = arith.constant 13 : i32
        %parallel_loop3A_593 = arith.addi %parallel_loop3A_591, %parallel_loop3A_592 : i32
        %parallel_loop3A_594 = arith.index_cast %parallel_loop3A_593 : i32 to index
        %parallel_loop3A_595 = arith.constant 0 : index
        %parallel_loop3A_596 = tpu.vector_load %arg6[%parallel_loop3A_594, %parallel_loop3A_595] {strides = array<i32>} : memref<128x128xf32, #tpu.memory_space<vmem>>, vector<16xf32>,
        tpu.vector_store_idx %arg8[%parallel_loop3A_589, %add3A_38], %parallel_loop3A_596 {add = true} : memref<520x128xf32, #tpu.memory_space<vmem>>[vector<16xi32>, vector<16xi32>], vector<16xf32>,
        %parallel_loop3A_597 = arith.index_cast %parallel_loop3A_593 : i32 to index
        %parallel_loop3A_598 = arith.constant 16 : index
        %parallel_loop3A_599 = tpu.vector_load %arg6[%parallel_loop3A_597, %parallel_loop3A_598] {strides = array<i32>} : memref<128x128xf32, #tpu.memory_space<vmem>>, vector<16xf32>,
        tpu.vector_store_idx %arg8[%parallel_loop3A_589, %add3A_41], %parallel_loop3A_599 {add = true} : memref<520x128xf32, #tpu.memory_space<vmem>>[vector<16xi32>, vector<16xi32>], vector<16xf32>,
        %parallel_loop3A_600 = arith.index_cast %parallel_loop3A_593 : i32 to index
        %parallel_loop3A_601 = arith.constant 32 : index
        %parallel_loop3A_602 = tpu.vector_load %arg6[%parallel_loop3A_600, %parallel_loop3A_601] {strides = array<i32>} : memref<128x128xf32, #tpu.memory_space<vmem>>, vector<16xf32>,
        tpu.vector_store_idx %arg8[%parallel_loop3A_589, %add3A_44], %parallel_loop3A_602 {add = true} : memref<520x128xf32, #tpu.memory_space<vmem>>[vector<16xi32>, vector<16xi32>], vector<16xf32>,
        %parallel_loop3A_603 = arith.index_cast %parallel_loop3A_593 : i32 to index
        %parallel_loop3A_604 = arith.constant 48 : index
        %parallel_loop3A_605 = tpu.vector_load %arg6[%parallel_loop3A_603, %parallel_loop3A_604] {strides = array<i32>} : memref<128x128xf32, #tpu.memory_space<vmem>>, vector<16xf32>,
        tpu.vector_store_idx %arg8[%parallel_loop3A_589, %add3A_47], %parallel_loop3A_605 {add = true} : memref<520x128xf32, #tpu.memory_space<vmem>>[vector<16xi32>, vector<16xi32>], vector<16xf32>,
        %parallel_loop3A_606 = arith.index_cast %parallel_loop3A_593 : i32 to index
        %parallel_loop3A_607 = arith.constant 64 : index
        %parallel_loop3A_608 = tpu.vector_load %arg6[%parallel_loop3A_606, %parallel_loop3A_607] {strides = array<i32>} : memref<128x128xf32, #tpu.memory_space<vmem>>, vector<16xf32>,
        tpu.vector_store_idx %arg8[%parallel_loop3A_589, %add3A_50], %parallel_loop3A_608 {add = true} : memref<520x128xf32, #tpu.memory_space<vmem>>[vector<16xi32>, vector<16xi32>], vector<16xf32>,
        %parallel_loop3A_609 = arith.index_cast %parallel_loop3A_593 : i32 to index
        %parallel_loop3A_610 = arith.constant 80 : index
        %parallel_loop3A_611 = tpu.vector_load %arg6[%parallel_loop3A_609, %parallel_loop3A_610] {strides = array<i32>} : memref<128x128xf32, #tpu.memory_space<vmem>>, vector<16xf32>,
        tpu.vector_store_idx %arg8[%parallel_loop3A_589, %add3A_53], %parallel_loop3A_611 {add = true} : memref<520x128xf32, #tpu.memory_space<vmem>>[vector<16xi32>, vector<16xi32>], vector<16xf32>,
        %parallel_loop3A_612 = arith.index_cast %parallel_loop3A_593 : i32 to index
        %parallel_loop3A_613 = arith.constant 96 : index
        %parallel_loop3A_614 = tpu.vector_load %arg6[%parallel_loop3A_612, %parallel_loop3A_613] {strides = array<i32>} : memref<128x128xf32, #tpu.memory_space<vmem>>, vector<16xf32>,
        tpu.vector_store_idx %arg8[%parallel_loop3A_589, %add3A_56], %parallel_loop3A_614 {add = true} : memref<520x128xf32, #tpu.memory_space<vmem>>[vector<16xi32>, vector<16xi32>], vector<16xf32>,
        %parallel_loop3A_615 = arith.index_cast %parallel_loop3A_593 : i32 to index
        %parallel_loop3A_616 = arith.constant 112 : index
        %parallel_loop3A_617 = tpu.vector_load %arg6[%parallel_loop3A_615, %parallel_loop3A_616] {strides = array<i32>} : memref<128x128xf32, #tpu.memory_space<vmem>>, vector<16xf32>,
        tpu.vector_store_idx %arg8[%parallel_loop3A_589, %add3A_59], %parallel_loop3A_617 {add = true} : memref<520x128xf32, #tpu.memory_space<vmem>>[vector<16xi32>, vector<16xi32>], vector<16xf32>,
        %parallel_loop3A_618 = vector.extract_strided_slice %parallel_loop3A_183 {offsets = [14], sizes = [1], strides = [1]} : vector<16xi32> to vector<1xi32>
        %parallel_loop3A_619 = vector.extract %parallel_loop3A_618[0] : i32 from vector<1xi32>
        %parallel_loop3A_620 = vector.broadcast %parallel_loop3A_619 : i32 to vector<16xi32>
        %parallel_loop3A_621 = arith.constant 16 : i32
        %parallel_loop3A_622 = arith.muli %parallel_loop3A_165, %parallel_loop3A_621 : i32
        %parallel_loop3A_623 = arith.constant 14 : i32
        %parallel_loop3A_624 = arith.addi %parallel_loop3A_622, %parallel_loop3A_623 : i32
        %parallel_loop3A_625 = arith.index_cast %parallel_loop3A_624 : i32 to index
        %parallel_loop3A_626 = arith.constant 0 : index
        %parallel_loop3A_627 = tpu.vector_load %arg6[%parallel_loop3A_625, %parallel_loop3A_626] {strides = array<i32>} : memref<128x128xf32, #tpu.memory_space<vmem>>, vector<16xf32>,
        tpu.vector_store_idx %arg8[%parallel_loop3A_620, %add3A_38], %parallel_loop3A_627 {add = true} : memref<520x128xf32, #tpu.memory_space<vmem>>[vector<16xi32>, vector<16xi32>], vector<16xf32>,
        %parallel_loop3A_628 = arith.index_cast %parallel_loop3A_624 : i32 to index
        %parallel_loop3A_629 = arith.constant 16 : index
        %parallel_loop3A_630 = tpu.vector_load %arg6[%parallel_loop3A_628, %parallel_loop3A_629] {strides = array<i32>} : memref<128x128xf32, #tpu.memory_space<vmem>>, vector<16xf32>,
        tpu.vector_store_idx %arg8[%parallel_loop3A_620, %add3A_41], %parallel_loop3A_630 {add = true} : memref<520x128xf32, #tpu.memory_space<vmem>>[vector<16xi32>, vector<16xi32>], vector<16xf32>,
        %parallel_loop3A_631 = arith.index_cast %parallel_loop3A_624 : i32 to index
        %parallel_loop3A_632 = arith.constant 32 : index
        %parallel_loop3A_633 = tpu.vector_load %arg6[%parallel_loop3A_631, %parallel_loop3A_632] {strides = array<i32>} : memref<128x128xf32, #tpu.memory_space<vmem>>, vector<16xf32>,
        tpu.vector_store_idx %arg8[%parallel_loop3A_620, %add3A_44], %parallel_loop3A_633 {add = true} : memref<520x128xf32, #tpu.memory_space<vmem>>[vector<16xi32>, vector<16xi32>], vector<16xf32>,
        %parallel_loop3A_634 = arith.index_cast %parallel_loop3A_624 : i32 to index
        %parallel_loop3A_635 = arith.constant 48 : index
        %parallel_loop3A_636 = tpu.vector_load %arg6[%parallel_loop3A_634, %parallel_loop3A_635] {strides = array<i32>} : memref<128x128xf32, #tpu.memory_space<vmem>>, vector<16xf32>,
        tpu.vector_store_idx %arg8[%parallel_loop3A_620, %add3A_47], %parallel_loop3A_636 {add = true} : memref<520x128xf32, #tpu.memory_space<vmem>>[vector<16xi32>, vector<16xi32>], vector<16xf32>,
        %parallel_loop3A_637 = arith.index_cast %parallel_loop3A_624 : i32 to index
        %parallel_loop3A_638 = arith.constant 64 : index
        %parallel_loop3A_639 = tpu.vector_load %arg6[%parallel_loop3A_637, %parallel_loop3A_638] {strides = array<i32>} : memref<128x128xf32, #tpu.memory_space<vmem>>, vector<16xf32>,
        tpu.vector_store_idx %arg8[%parallel_loop3A_620, %add3A_50], %parallel_loop3A_639 {add = true} : memref<520x128xf32, #tpu.memory_space<vmem>>[vector<16xi32>, vector<16xi32>], vector<16xf32>,
        %parallel_loop3A_640 = arith.index_cast %parallel_loop3A_624 : i32 to index
        %parallel_loop3A_641 = arith.constant 80 : index
        %parallel_loop3A_642 = tpu.vector_load %arg6[%parallel_loop3A_640, %parallel_loop3A_641] {strides = array<i32>} : memref<128x128xf32, #tpu.memory_space<vmem>>, vector<16xf32>,
        tpu.vector_store_idx %arg8[%parallel_loop3A_620, %add3A_53], %parallel_loop3A_642 {add = true} : memref<520x128xf32, #tpu.memory_space<vmem>>[vector<16xi32>, vector<16xi32>], vector<16xf32>,
        %parallel_loop3A_643 = arith.index_cast %parallel_loop3A_624 : i32 to index
        %parallel_loop3A_644 = arith.constant 96 : index
        %parallel_loop3A_645 = tpu.vector_load %arg6[%parallel_loop3A_643, %parallel_loop3A_644] {strides = array<i32>} : memref<128x128xf32, #tpu.memory_space<vmem>>, vector<16xf32>,
        tpu.vector_store_idx %arg8[%parallel_loop3A_620, %add3A_56], %parallel_loop3A_645 {add = true} : memref<520x128xf32, #tpu.memory_space<vmem>>[vector<16xi32>, vector<16xi32>], vector<16xf32>,
        %parallel_loop3A_646 = arith.index_cast %parallel_loop3A_624 : i32 to index
        %parallel_loop3A_647 = arith.constant 112 : index
        %parallel_loop3A_648 = tpu.vector_load %arg6[%parallel_loop3A_646, %parallel_loop3A_647] {strides = array<i32>} : memref<128x128xf32, #tpu.memory_space<vmem>>, vector<16xf32>,
        tpu.vector_store_idx %arg8[%parallel_loop3A_620, %add3A_59], %parallel_loop3A_648 {add = true} : memref<520x128xf32, #tpu.memory_space<vmem>>[vector<16xi32>, vector<16xi32>], vector<16xf32>,
        %parallel_loop3A_649 = vector.extract_strided_slice %parallel_loop3A_183 {offsets = [15], sizes = [1], strides = [1]} : vector<16xi32> to vector<1xi32>
        %parallel_loop3A_650 = vector.extract %parallel_loop3A_649[0] : i32 from vector<1xi32>
        %parallel_loop3A_651 = vector.broadcast %parallel_loop3A_650 : i32 to vector<16xi32>
        %parallel_loop3A_652 = arith.constant 16 : i32
        %parallel_loop3A_653 = arith.muli %parallel_loop3A_165, %parallel_loop3A_652 : i32
        %parallel_loop3A_654 = arith.constant 15 : i32
        %parallel_loop3A_655 = arith.addi %parallel_loop3A_653, %parallel_loop3A_654 : i32
        %parallel_loop3A_656 = arith.index_cast %parallel_loop3A_655 : i32 to index
        %parallel_loop3A_657 = arith.constant 0 : index
        %parallel_loop3A_658 = tpu.vector_load %arg6[%parallel_loop3A_656, %parallel_loop3A_657] {strides = array<i32>} : memref<128x128xf32, #tpu.memory_space<vmem>>, vector<16xf32>,
        tpu.vector_store_idx %arg8[%parallel_loop3A_651, %add3A_38], %parallel_loop3A_658 {add = true} : memref<520x128xf32, #tpu.memory_space<vmem>>[vector<16xi32>, vector<16xi32>], vector<16xf32>,
        %parallel_loop3A_659 = arith.index_cast %parallel_loop3A_655 : i32 to index
        %parallel_loop3A_660 = arith.constant 16 : index
        %parallel_loop3A_661 = tpu.vector_load %arg6[%parallel_loop3A_659, %parallel_loop3A_660] {strides = array<i32>} : memref<128x128xf32, #tpu.memory_space<vmem>>, vector<16xf32>,
        tpu.vector_store_idx %arg8[%parallel_loop3A_651, %add3A_41], %parallel_loop3A_661 {add = true} : memref<520x128xf32, #tpu.memory_space<vmem>>[vector<16xi32>, vector<16xi32>], vector<16xf32>,
        %parallel_loop3A_662 = arith.index_cast %parallel_loop3A_655 : i32 to index
        %parallel_loop3A_663 = arith.constant 32 : index
        %parallel_loop3A_664 = tpu.vector_load %arg6[%parallel_loop3A_662, %parallel_loop3A_663] {strides = array<i32>} : memref<128x128xf32, #tpu.memory_space<vmem>>, vector<16xf32>,
        tpu.vector_store_idx %arg8[%parallel_loop3A_651, %add3A_44], %parallel_loop3A_664 {add = true} : memref<520x128xf32, #tpu.memory_space<vmem>>[vector<16xi32>, vector<16xi32>], vector<16xf32>,
        %parallel_loop3A_665 = arith.index_cast %parallel_loop3A_655 : i32 to index
        %parallel_loop3A_666 = arith.constant 48 : index
        %parallel_loop3A_667 = tpu.vector_load %arg6[%parallel_loop3A_665, %parallel_loop3A_666] {strides = array<i32>} : memref<128x128xf32, #tpu.memory_space<vmem>>, vector<16xf32>,
        tpu.vector_store_idx %arg8[%parallel_loop3A_651, %add3A_47], %parallel_loop3A_667 {add = true} : memref<520x128xf32, #tpu.memory_space<vmem>>[vector<16xi32>, vector<16xi32>], vector<16xf32>,
        %parallel_loop3A_668 = arith.index_cast %parallel_loop3A_655 : i32 to index
        %parallel_loop3A_669 = arith.constant 64 : index
        %parallel_loop3A_670 = tpu.vector_load %arg6[%parallel_loop3A_668, %parallel_loop3A_669] {strides = array<i32>} : memref<128x128xf32, #tpu.memory_space<vmem>>, vector<16xf32>,
        tpu.vector_store_idx %arg8[%parallel_loop3A_651, %add3A_50], %parallel_loop3A_670 {add = true} : memref<520x128xf32, #tpu.memory_space<vmem>>[vector<16xi32>, vector<16xi32>], vector<16xf32>,
        %parallel_loop3A_671 = arith.index_cast %parallel_loop3A_655 : i32 to index
        %parallel_loop3A_672 = arith.constant 80 : index
        %parallel_loop3A_673 = tpu.vector_load %arg6[%parallel_loop3A_671, %parallel_loop3A_672] {strides = array<i32>} : memref<128x128xf32, #tpu.memory_space<vmem>>, vector<16xf32>,
        tpu.vector_store_idx %arg8[%parallel_loop3A_651, %add3A_53], %parallel_loop3A_673 {add = true} : memref<520x128xf32, #tpu.memory_space<vmem>>[vector<16xi32>, vector<16xi32>], vector<16xf32>,
        %parallel_loop3A_674 = arith.index_cast %parallel_loop3A_655 : i32 to index
        %parallel_loop3A_675 = arith.constant 96 : index
        %parallel_loop3A_676 = tpu.vector_load %arg6[%parallel_loop3A_674, %parallel_loop3A_675] {strides = array<i32>} : memref<128x128xf32, #tpu.memory_space<vmem>>, vector<16xf32>,
        tpu.vector_store_idx %arg8[%parallel_loop3A_651, %add3A_56], %parallel_loop3A_676 {add = true} : memref<520x128xf32, #tpu.memory_space<vmem>>[vector<16xi32>, vector<16xi32>], vector<16xf32>,
        %parallel_loop3A_677 = arith.index_cast %parallel_loop3A_655 : i32 to index
        %parallel_loop3A_678 = arith.constant 112 : index
        %parallel_loop3A_679 = tpu.vector_load %arg6[%parallel_loop3A_677, %parallel_loop3A_678] {strides = array<i32>} : memref<128x128xf32, #tpu.memory_space<vmem>>, vector<16xf32>,
        tpu.vector_store_idx %arg8[%parallel_loop3A_651, %add3A_59], %parallel_loop3A_679 {add = true} : memref<520x128xf32, #tpu.memory_space<vmem>>[vector<16xi32>, vector<16xi32>], vector<16xf32>,
      } {sc.loop_unroll_factor = 3 : i64, sc.parallel_access}
      %add3A_129 = arith.constant 2 : i32
      %add3A_130 = arith.addi %add3A_110, %add3A_129 : i32
      %lt3A_131 = arith.constant 128 : i32
      %lt3A_132 = arith.cmpi slt, %add3A_130, %lt3A_131 : i32
      %convert_element_type3A = arith.extui %lt3A_132 : i1 to i32
      %cond3A = arith.constant 0 : i32
      %cond3A_133 = arith.cmpi ne, %convert_element_type3A, %cond3A : i32
      scf.if %cond3A_133 {
        %add3A_165 = arith.constant 2 : i32
        %add3A_166 = arith.addi %add3A_110, %add3A_165 : i32
        %mul3A_167 = arith.constant 128 : i32
        %mul3A_168 = arith.muli %add3A_166, %mul3A_167 : i32
        %dma_start3A_169 = tpu.memref_slice %arg2[%mul3A_168, %multiple_of3A] : memref<16384x1024xf32, #tpu.memory_space<hbm>> -> memref<128x128xf32, #tpu.memory_space<hbm>>
        %dma_start3A_170 = tpu.memref_slice %arg2[%mul3A_168, %multiple_of3A] : memref<16384x1024xf32, #tpu.memory_space<hbm>> -> memref<128x128xf32, #tpu.memory_space<hbm>>
        tpu.enqueue_dma source(%dma_start3A_170 : memref<128x128xf32, #tpu.memory_space<hbm>>) target(%arg6 : memref<128x128xf32, #tpu.memory_space<vmem>>) target_semaphore(%arg9 : memref<!tpu.dma_semaphore, #tpu.memory_space<semaphore_mem>>)
        %add3A_171 = arith.constant 2 : i32
        %add3A_172 = arith.addi %add3A_110, %add3A_171 : i32
        %dma_start3A_173 = arith.constant 0 : i32
        %dma_start3A_174 = arith.constant 0 : i32
        %dma_start3A_175 = tpu.memref_slice %arg5[%dma_start3A_173, %dma_start3A_174] : memref<2x128xi32, #tpu.memory_space<vmem>> -> memref<1x128xi32, #tpu.memory_space<vmem>>
        %dma_start3A_176 = tpu.memref_squeeze %dma_start3A_175 : memref<1x128xi32, #tpu.memory_space<vmem>> -> memref<128xi32, #tpu.memory_space<vmem>>
        %dma_start3A_177 = arith.constant 0 : i32
        %dma_start3A_178 = tpu.memref_slice %arg3[%add3A_172, %dma_start3A_177] : memref<128x128xi32, #tpu.memory_space<hbm>> -> memref<1x128xi32, #tpu.memory_space<hbm>>
        %dma_start3A_179 = tpu.memref_squeeze %dma_start3A_178 : memref<1x128xi32, #tpu.memory_space<hbm>> -> memref<128xi32, #tpu.memory_space<hbm>>
        %dma_start3A_180 = arith.constant 0 : i32
        %dma_start3A_181 = tpu.memref_slice %arg5[%dma_start3A_173, %dma_start3A_180] : memref<2x128xi32, #tpu.memory_space<vmem>> -> memref<1x128xi32, #tpu.memory_space<vmem>>
        %dma_start3A_182 = tpu.memref_squeeze %dma_start3A_181 : memref<1x128xi32, #tpu.memory_space<vmem>> -> memref<128xi32, #tpu.memory_space<vmem>>
        %dma_start3A_183 = arith.constant 0 : i32
        %dma_start3A_184 = tpu.memref_slice %arg3[%add3A_172, %dma_start3A_183] : memref<128x128xi32, #tpu.memory_space<hbm>> -> memref<1x128xi32, #tpu.memory_space<hbm>>
        %dma_start3A_185 = tpu.memref_squeeze %dma_start3A_184 : memref<1x128xi32, #tpu.memory_space<hbm>> -> memref<128xi32, #tpu.memory_space<hbm>>
        tpu.enqueue_dma source(%dma_start3A_185 : memref<128xi32, #tpu.memory_space<hbm>>) target(%dma_start3A_182 : memref<128xi32, #tpu.memory_space<vmem>>) target_semaphore(%arg11 : memref<!tpu.dma_semaphore, #tpu.memory_space<semaphore_mem>>)
      } else {
      }
      %mul3A_134 = arith.constant 2 : i32
      %mul3A_135 = arith.muli %mul3A_134, %scan3A_106 : i32
      %add3A_136 = arith.constant 1 : i32
      %add3A_137 = arith.addi %mul3A_135, %add3A_136 : i32
      %mul3A_138 = arith.constant 128 : i32
      %mul3A_139 = arith.muli %add3A_137, %mul3A_138 : i32
      %dma_wait3A_140 = tpu.memref_slice %arg2[%mul3A_139, %multiple_of3A] : memref<16384x1024xf32, #tpu.memory_space<hbm>> -> memref<128x128xf32, #tpu.memory_space<hbm>>
      %dma_wait3A_141 = tpu.memref_slice %arg2[%mul3A_139, %multiple_of3A] : memref<16384x1024xf32, #tpu.memory_space<hbm>> -> memref<128x128xf32, #tpu.memory_space<hbm>>
      tpu.wait_dma2 semaphore(%arg10 : memref<!tpu.dma_semaphore, #tpu.memory_space<semaphore_mem>>) src(%dma_wait3A_141 : memref<128x128xf32, #tpu.memory_space<hbm>>) dst(%arg7 : memref<128x128xf32, #tpu.memory_space<vmem>>)
      %dma_wait3A_142 = arith.constant 1 : i32
      %dma_wait3A_143 = arith.constant 0 : i32
      %dma_wait3A_144 = tpu.memref_slice %arg5[%dma_wait3A_142, %dma_wait3A_143] : memref<2x128xi32, #tpu.memory_space<vmem>> -> memref<1x128xi32, #tpu.memory_space<vmem>>
      %dma_wait3A_145 = tpu.memref_squeeze %dma_wait3A_144 : memref<1x128xi32, #tpu.memory_space<vmem>> -> memref<128xi32, #tpu.memory_space<vmem>>
      %dma_wait3A_146 = arith.constant 0 : i32
      %dma_wait3A_147 = tpu.memref_slice %arg3[%add3A_137, %dma_wait3A_146] : memref<128x128xi32, #tpu.memory_space<hbm>> -> memref<1x128xi32, #tpu.memory_space<hbm>>
      %dma_wait3A_148 = tpu.memref_squeeze %dma_wait3A_147 : memref<1x128xi32, #tpu.memory_space<hbm>> -> memref<128xi32, #tpu.memory_space<hbm>>
      %dma_wait3A_149 = arith.constant 0 : i32
      %dma_wait3A_150 = tpu.memref_slice %arg5[%dma_wait3A_142, %dma_wait3A_149] : memref<2x128xi32, #tpu.memory_space<vmem>> -> memref<1x128xi32, #tpu.memory_space<vmem>>
      %dma_wait3A_151 = tpu.memref_squeeze %dma_wait3A_150 : memref<1x128xi32, #tpu.memory_space<vmem>> -> memref<128xi32, #tpu.memory_space<vmem>>
      %dma_wait3A_152 = arith.constant 0 : i32
      %dma_wait3A_153 = tpu.memref_slice %arg3[%add3A_137, %dma_wait3A_152] : memref<128x128xi32, #tpu.memory_space<hbm>> -> memref<1x128xi32, #tpu.memory_space<hbm>>
      %dma_wait3A_154 = tpu.memref_squeeze %dma_wait3A_153 : memref<1x128xi32, #tpu.memory_space<hbm>> -> memref<128xi32, #tpu.memory_space<hbm>>
      tpu.wait_dma2 semaphore(%arg12 : memref<!tpu.dma_semaphore, #tpu.memory_space<semaphore_mem>>) src(%dma_wait3A_154 : memref<128xi32, #tpu.memory_space<hbm>>) dst(%dma_wait3A_151 : memref<128xi32, #tpu.memory_space<vmem>>)
      %parallel_loop3A_155 = arith.constant 0 : i32
      %parallel_loop3A_156 = arith.constant 8 : i32
      %parallel_loop3A_157 = arith.constant 1 : i32
      scf.for %parallel_loop3A_165 = %parallel_loop3A_155 to %parallel_loop3A_156 step %parallel_loop3A_157  : i32 {
        %parallel_loop3A_166 = arith.constant 16 : i32
        %parallel_loop3A_167 = arith.muli %parallel_loop3A_165, %parallel_loop3A_166 : i32
        %parallel_loop3A_168 = arith.constant 1 : i32
        %parallel_loop3A_169 = arith.index_cast %parallel_loop3A_168 : i32 to index
        %parallel_loop3A_170 = arith.index_cast %parallel_loop3A_167 : i32 to index
        %parallel_loop3A_171 = tpu.vector_load %arg5[%parallel_loop3A_169, %parallel_loop3A_170] {strides = array<i32>} : memref<2x128xi32, #tpu.memory_space<vmem>>, vector<16xi32>,
        %parallel_loop3A_172 = vector.broadcast %mul3A_34 : i32 to vector<16xi32>
        %parallel_loop3A_173 = arith.cmpi sge, %parallel_loop3A_171, %parallel_loop3A_172 : vector<16xi32>
        %parallel_loop3A_174 = arith.constant 512 : i32
        %parallel_loop3A_175 = arith.addi %mul3A_34, %parallel_loop3A_174 : i32
        %parallel_loop3A_176 = vector.broadcast %parallel_loop3A_175 : i32 to vector<16xi32>
        %parallel_loop3A_177 = arith.cmpi slt, %parallel_loop3A_171, %parallel_loop3A_176 : vector<16xi32>
        %parallel_loop3A_178 = arith.andi %parallel_loop3A_173, %parallel_loop3A_177 : vector<16xi1>
        %parallel_loop3A_179 = vector.broadcast %mul3A_34 : i32 to vector<16xi32>
        %parallel_loop3A_180 = arith.subi %parallel_loop3A_171, %parallel_loop3A_179 : vector<16xi32>
        %parallel_loop3A_181 = arith.constant 512 : i32
        %parallel_loop3A_182 = vector.broadcast %parallel_loop3A_181 : i32 to vector<16xi32>
        %parallel_loop3A_183 = arith.select %parallel_loop3A_178, %parallel_loop3A_180, %parallel_loop3A_182 : vector<16xi1>, vector<16xi32>
        %parallel_loop3A_184 = vector.extract_strided_slice %parallel_loop3A_183 {offsets = [0], sizes = [1], strides = [1]} : vector<16xi32> to vector<1xi32>
        %parallel_loop3A_185 = vector.extract %parallel_loop3A_184[0] : i32 from vector<1xi32>
        %parallel_loop3A_186 = vector.broadcast %parallel_loop3A_185 : i32 to vector<16xi32>
        %parallel_loop3A_187 = arith.constant 16 : i32
        %parallel_loop3A_188 = arith.muli %parallel_loop3A_165, %parallel_loop3A_187 : i32
        %parallel_loop3A_189 = arith.constant 0 : i32
        %parallel_loop3A_190 = arith.addi %parallel_loop3A_188, %parallel_loop3A_189 : i32
        %parallel_loop3A_191 = arith.index_cast %parallel_loop3A_190 : i32 to index
        %parallel_loop3A_192 = arith.constant 0 : index
        %parallel_loop3A_193 = tpu.vector_load %arg7[%parallel_loop3A_191, %parallel_loop3A_192] {strides = array<i32>} : memref<128x128xf32, #tpu.memory_space<vmem>>, vector<16xf32>,
        tpu.vector_store_idx %arg8[%parallel_loop3A_186, %add3A_38], %parallel_loop3A_193 {add = true} : memref<520x128xf32, #tpu.memory_space<vmem>>[vector<16xi32>, vector<16xi32>], vector<16xf32>,
        %parallel_loop3A_194 = arith.index_cast %parallel_loop3A_190 : i32 to index
        %parallel_loop3A_195 = arith.constant 16 : index
        %parallel_loop3A_196 = tpu.vector_load %arg7[%parallel_loop3A_194, %parallel_loop3A_195] {strides = array<i32>} : memref<128x128xf32, #tpu.memory_space<vmem>>, vector<16xf32>,
        tpu.vector_store_idx %arg8[%parallel_loop3A_186, %add3A_41], %parallel_loop3A_196 {add = true} : memref<520x128xf32, #tpu.memory_space<vmem>>[vector<16xi32>, vector<16xi32>], vector<16xf32>,
        %parallel_loop3A_197 = arith.index_cast %parallel_loop3A_190 : i32 to index
        %parallel_loop3A_198 = arith.constant 32 : index
        %parallel_loop3A_199 = tpu.vector_load %arg7[%parallel_loop3A_197, %parallel_loop3A_198] {strides = array<i32>} : memref<128x128xf32, #tpu.memory_space<vmem>>, vector<16xf32>,
        tpu.vector_store_idx %arg8[%parallel_loop3A_186, %add3A_44], %parallel_loop3A_199 {add = true} : memref<520x128xf32, #tpu.memory_space<vmem>>[vector<16xi32>, vector<16xi32>], vector<16xf32>,
        %parallel_loop3A_200 = arith.index_cast %parallel_loop3A_190 : i32 to index
        %parallel_loop3A_201 = arith.constant 48 : index
        %parallel_loop3A_202 = tpu.vector_load %arg7[%parallel_loop3A_200, %parallel_loop3A_201] {strides = array<i32>} : memref<128x128xf32, #tpu.memory_space<vmem>>, vector<16xf32>,
        tpu.vector_store_idx %arg8[%parallel_loop3A_186, %add3A_47], %parallel_loop3A_202 {add = true} : memref<520x128xf32, #tpu.memory_space<vmem>>[vector<16xi32>, vector<16xi32>], vector<16xf32>,
        %parallel_loop3A_203 = arith.index_cast %parallel_loop3A_190 : i32 to index
        %parallel_loop3A_204 = arith.constant 64 : index
        %parallel_loop3A_205 = tpu.vector_load %arg7[%parallel_loop3A_203, %parallel_loop3A_204] {strides = array<i32>} : memref<128x128xf32, #tpu.memory_space<vmem>>, vector<16xf32>,
        tpu.vector_store_idx %arg8[%parallel_loop3A_186, %add3A_50], %parallel_loop3A_205 {add = true} : memref<520x128xf32, #tpu.memory_space<vmem>>[vector<16xi32>, vector<16xi32>], vector<16xf32>,
        %parallel_loop3A_206 = arith.index_cast %parallel_loop3A_190 : i32 to index
        %parallel_loop3A_207 = arith.constant 80 : index
        %parallel_loop3A_208 = tpu.vector_load %arg7[%parallel_loop3A_206, %parallel_loop3A_207] {strides = array<i32>} : memref<128x128xf32, #tpu.memory_space<vmem>>, vector<16xf32>,
        tpu.vector_store_idx %arg8[%parallel_loop3A_186, %add3A_53], %parallel_loop3A_208 {add = true} : memref<520x128xf32, #tpu.memory_space<vmem>>[vector<16xi32>, vector<16xi32>], vector<16xf32>,
        %parallel_loop3A_209 = arith.index_cast %parallel_loop3A_190 : i32 to index
        %parallel_loop3A_210 = arith.constant 96 : index
        %parallel_loop3A_211 = tpu.vector_load %arg7[%parallel_loop3A_209, %parallel_loop3A_210] {strides = array<i32>} : memref<128x128xf32, #tpu.memory_space<vmem>>, vector<16xf32>,
        tpu.vector_store_idx %arg8[%parallel_loop3A_186, %add3A_56], %parallel_loop3A_211 {add = true} : memref<520x128xf32, #tpu.memory_space<vmem>>[vector<16xi32>, vector<16xi32>], vector<16xf32>,
        %parallel_loop3A_212 = arith.index_cast %parallel_loop3A_190 : i32 to index
        %parallel_loop3A_213 = arith.constant 112 : index
        %parallel_loop3A_214 = tpu.vector_load %arg7[%parallel_loop3A_212, %parallel_loop3A_213] {strides = array<i32>} : memref<128x128xf32, #tpu.memory_space<vmem>>, vector<16xf32>,
        tpu.vector_store_idx %arg8[%parallel_loop3A_186, %add3A_59], %parallel_loop3A_214 {add = true} : memref<520x128xf32, #tpu.memory_space<vmem>>[vector<16xi32>, vector<16xi32>], vector<16xf32>,
        %parallel_loop3A_215 = vector.extract_strided_slice %parallel_loop3A_183 {offsets = [1], sizes = [1], strides = [1]} : vector<16xi32> to vector<1xi32>
        %parallel_loop3A_216 = vector.extract %parallel_loop3A_215[0] : i32 from vector<1xi32>
        %parallel_loop3A_217 = vector.broadcast %parallel_loop3A_216 : i32 to vector<16xi32>
        %parallel_loop3A_218 = arith.constant 16 : i32
        %parallel_loop3A_219 = arith.muli %parallel_loop3A_165, %parallel_loop3A_218 : i32
        %parallel_loop3A_220 = arith.constant 1 : i32
        %parallel_loop3A_221 = arith.addi %parallel_loop3A_219, %parallel_loop3A_220 : i32
        %parallel_loop3A_222 = arith.index_cast %parallel_loop3A_221 : i32 to index
        %parallel_loop3A_223 = arith.constant 0 : index
        %parallel_loop3A_224 = tpu.vector_load %arg7[%parallel_loop3A_222, %parallel_loop3A_223] {strides = array<i32>} : memref<128x128xf32, #tpu.memory_space<vmem>>, vector<16xf32>,
        tpu.vector_store_idx %arg8[%parallel_loop3A_217, %add3A_38], %parallel_loop3A_224 {add = true} : memref<520x128xf32, #tpu.memory_space<vmem>>[vector<16xi32>, vector<16xi32>], vector<16xf32>,
        %parallel_loop3A_225 = arith.index_cast %parallel_loop3A_221 : i32 to index
        %parallel_loop3A_226 = arith.constant 16 : index
        %parallel_loop3A_227 = tpu.vector_load %arg7[%parallel_loop3A_225, %parallel_loop3A_226] {strides = array<i32>} : memref<128x128xf32, #tpu.memory_space<vmem>>, vector<16xf32>,
        tpu.vector_store_idx %arg8[%parallel_loop3A_217, %add3A_41], %parallel_loop3A_227 {add = true} : memref<520x128xf32, #tpu.memory_space<vmem>>[vector<16xi32>, vector<16xi32>], vector<16xf32>,
        %parallel_loop3A_228 = arith.index_cast %parallel_loop3A_221 : i32 to index
        %parallel_loop3A_229 = arith.constant 32 : index
        %parallel_loop3A_230 = tpu.vector_load %arg7[%parallel_loop3A_228, %parallel_loop3A_229] {strides = array<i32>} : memref<128x128xf32, #tpu.memory_space<vmem>>, vector<16xf32>,
        tpu.vector_store_idx %arg8[%parallel_loop3A_217, %add3A_44], %parallel_loop3A_230 {add = true} : memref<520x128xf32, #tpu.memory_space<vmem>>[vector<16xi32>, vector<16xi32>], vector<16xf32>,
        %parallel_loop3A_231 = arith.index_cast %parallel_loop3A_221 : i32 to index
        %parallel_loop3A_232 = arith.constant 48 : index
        %parallel_loop3A_233 = tpu.vector_load %arg7[%parallel_loop3A_231, %parallel_loop3A_232] {strides = array<i32>} : memref<128x128xf32, #tpu.memory_space<vmem>>, vector<16xf32>,
        tpu.vector_store_idx %arg8[%parallel_loop3A_217, %add3A_47], %parallel_loop3A_233 {add = true} : memref<520x128xf32, #tpu.memory_space<vmem>>[vector<16xi32>, vector<16xi32>], vector<16xf32>,
        %parallel_loop3A_234 = arith.index_cast %parallel_loop3A_221 : i32 to index
        %parallel_loop3A_235 = arith.constant 64 : index
        %parallel_loop3A_236 = tpu.vector_load %arg7[%parallel_loop3A_234, %parallel_loop3A_235] {strides = array<i32>} : memref<128x128xf32, #tpu.memory_space<vmem>>, vector<16xf32>,
        tpu.vector_store_idx %arg8[%parallel_loop3A_217, %add3A_50], %parallel_loop3A_236 {add = true} : memref<520x128xf32, #tpu.memory_space<vmem>>[vector<16xi32>, vector<16xi32>], vector<16xf32>,
        %parallel_loop3A_237 = arith.index_cast %parallel_loop3A_221 : i32 to index
        %parallel_loop3A_238 = arith.constant 80 : index
        %parallel_loop3A_239 = tpu.vector_load %arg7[%parallel_loop3A_237, %parallel_loop3A_238] {strides = array<i32>} : memref<128x128xf32, #tpu.memory_space<vmem>>, vector<16xf32>,
        tpu.vector_store_idx %arg8[%parallel_loop3A_217, %add3A_53], %parallel_loop3A_239 {add = true} : memref<520x128xf32, #tpu.memory_space<vmem>>[vector<16xi32>, vector<16xi32>], vector<16xf32>,
        %parallel_loop3A_240 = arith.index_cast %parallel_loop3A_221 : i32 to index
        %parallel_loop3A_241 = arith.constant 96 : index
        %parallel_loop3A_242 = tpu.vector_load %arg7[%parallel_loop3A_240, %parallel_loop3A_241] {strides = array<i32>} : memref<128x128xf32, #tpu.memory_space<vmem>>, vector<16xf32>,
        tpu.vector_store_idx %arg8[%parallel_loop3A_217, %add3A_56], %parallel_loop3A_242 {add = true} : memref<520x128xf32, #tpu.memory_space<vmem>>[vector<16xi32>, vector<16xi32>], vector<16xf32>,
        %parallel_loop3A_243 = arith.index_cast %parallel_loop3A_221 : i32 to index
        %parallel_loop3A_244 = arith.constant 112 : index
        %parallel_loop3A_245 = tpu.vector_load %arg7[%parallel_loop3A_243, %parallel_loop3A_244] {strides = array<i32>} : memref<128x128xf32, #tpu.memory_space<vmem>>, vector<16xf32>,
        tpu.vector_store_idx %arg8[%parallel_loop3A_217, %add3A_59], %parallel_loop3A_245 {add = true} : memref<520x128xf32, #tpu.memory_space<vmem>>[vector<16xi32>, vector<16xi32>], vector<16xf32>,
        %parallel_loop3A_246 = vector.extract_strided_slice %parallel_loop3A_183 {offsets = [2], sizes = [1], strides = [1]} : vector<16xi32> to vector<1xi32>
        %parallel_loop3A_247 = vector.extract %parallel_loop3A_246[0] : i32 from vector<1xi32>
        %parallel_loop3A_248 = vector.broadcast %parallel_loop3A_247 : i32 to vector<16xi32>
        %parallel_loop3A_249 = arith.constant 16 : i32
        %parallel_loop3A_250 = arith.muli %parallel_loop3A_165, %parallel_loop3A_249 : i32
        %parallel_loop3A_251 = arith.constant 2 : i32
        %parallel_loop3A_252 = arith.addi %parallel_loop3A_250, %parallel_loop3A_251 : i32
        %parallel_loop3A_253 = arith.index_cast %parallel_loop3A_252 : i32 to index
        %parallel_loop3A_254 = arith.constant 0 : index
        %parallel_loop3A_255 = tpu.vector_load %arg7[%parallel_loop3A_253, %parallel_loop3A_254] {strides = array<i32>} : memref<128x128xf32, #tpu.memory_space<vmem>>, vector<16xf32>,
        tpu.vector_store_idx %arg8[%parallel_loop3A_248, %add3A_38], %parallel_loop3A_255 {add = true} : memref<520x128xf32, #tpu.memory_space<vmem>>[vector<16xi32>, vector<16xi32>], vector<16xf32>,
        %parallel_loop3A_256 = arith.index_cast %parallel_loop3A_252 : i32 to index
        %parallel_loop3A_257 = arith.constant 16 : index
        %parallel_loop3A_258 = tpu.vector_load %arg7[%parallel_loop3A_256, %parallel_loop3A_257] {strides = array<i32>} : memref<128x128xf32, #tpu.memory_space<vmem>>, vector<16xf32>,
        tpu.vector_store_idx %arg8[%parallel_loop3A_248, %add3A_41], %parallel_loop3A_258 {add = true} : memref<520x128xf32, #tpu.memory_space<vmem>>[vector<16xi32>, vector<16xi32>], vector<16xf32>,
        %parallel_loop3A_259 = arith.index_cast %parallel_loop3A_252 : i32 to index
        %parallel_loop3A_260 = arith.constant 32 : index
        %parallel_loop3A_261 = tpu.vector_load %arg7[%parallel_loop3A_259, %parallel_loop3A_260] {strides = array<i32>} : memref<128x128xf32, #tpu.memory_space<vmem>>, vector<16xf32>,
        tpu.vector_store_idx %arg8[%parallel_loop3A_248, %add3A_44], %parallel_loop3A_261 {add = true} : memref<520x128xf32, #tpu.memory_space<vmem>>[vector<16xi32>, vector<16xi32>], vector<16xf32>,
        %parallel_loop3A_262 = arith.index_cast %parallel_loop3A_252 : i32 to index
        %parallel_loop3A_263 = arith.constant 48 : index
        %parallel_loop3A_264 = tpu.vector_load %arg7[%parallel_loop3A_262, %parallel_loop3A_263] {strides = array<i32>} : memref<128x128xf32, #tpu.memory_space<vmem>>, vector<16xf32>,
        tpu.vector_store_idx %arg8[%parallel_loop3A_248, %add3A_47], %parallel_loop3A_264 {add = true} : memref<520x128xf32, #tpu.memory_space<vmem>>[vector<16xi32>, vector<16xi32>], vector<16xf32>,
        %parallel_loop3A_265 = arith.index_cast %parallel_loop3A_252 : i32 to index
        %parallel_loop3A_266 = arith.constant 64 : index
        %parallel_loop3A_267 = tpu.vector_load %arg7[%parallel_loop3A_265, %parallel_loop3A_266] {strides = array<i32>} : memref<128x128xf32, #tpu.memory_space<vmem>>, vector<16xf32>,
        tpu.vector_store_idx %arg8[%parallel_loop3A_248, %add3A_50], %parallel_loop3A_267 {add = true} : memref<520x128xf32, #tpu.memory_space<vmem>>[vector<16xi32>, vector<16xi32>], vector<16xf32>,
        %parallel_loop3A_268 = arith.index_cast %parallel_loop3A_252 : i32 to index
        %parallel_loop3A_269 = arith.constant 80 : index
        %parallel_loop3A_270 = tpu.vector_load %arg7[%parallel_loop3A_268, %parallel_loop3A_269] {strides = array<i32>} : memref<128x128xf32, #tpu.memory_space<vmem>>, vector<16xf32>,
        tpu.vector_store_idx %arg8[%parallel_loop3A_248, %add3A_53], %parallel_loop3A_270 {add = true} : memref<520x128xf32, #tpu.memory_space<vmem>>[vector<16xi32>, vector<16xi32>], vector<16xf32>,
        %parallel_loop3A_271 = arith.index_cast %parallel_loop3A_252 : i32 to index
        %parallel_loop3A_272 = arith.constant 96 : index
        %parallel_loop3A_273 = tpu.vector_load %arg7[%parallel_loop3A_271, %parallel_loop3A_272] {strides = array<i32>} : memref<128x128xf32, #tpu.memory_space<vmem>>, vector<16xf32>,
        tpu.vector_store_idx %arg8[%parallel_loop3A_248, %add3A_56], %parallel_loop3A_273 {add = true} : memref<520x128xf32, #tpu.memory_space<vmem>>[vector<16xi32>, vector<16xi32>], vector<16xf32>,
        %parallel_loop3A_274 = arith.index_cast %parallel_loop3A_252 : i32 to index
        %parallel_loop3A_275 = arith.constant 112 : index
        %parallel_loop3A_276 = tpu.vector_load %arg7[%parallel_loop3A_274, %parallel_loop3A_275] {strides = array<i32>} : memref<128x128xf32, #tpu.memory_space<vmem>>, vector<16xf32>,
        tpu.vector_store_idx %arg8[%parallel_loop3A_248, %add3A_59], %parallel_loop3A_276 {add = true} : memref<520x128xf32, #tpu.memory_space<vmem>>[vector<16xi32>, vector<16xi32>], vector<16xf32>,
        %parallel_loop3A_277 = vector.extract_strided_slice %parallel_loop3A_183 {offsets = [3], sizes = [1], strides = [1]} : vector<16xi32> to vector<1xi32>
        %parallel_loop3A_278 = vector.extract %parallel_loop3A_277[0] : i32 from vector<1xi32>
        %parallel_loop3A_279 = vector.broadcast %parallel_loop3A_278 : i32 to vector<16xi32>
        %parallel_loop3A_280 = arith.constant 16 : i32
        %parallel_loop3A_281 = arith.muli %parallel_loop3A_165, %parallel_loop3A_280 : i32
        %parallel_loop3A_282 = arith.constant 3 : i32
        %parallel_loop3A_283 = arith.addi %parallel_loop3A_281, %parallel_loop3A_282 : i32
        %parallel_loop3A_284 = arith.index_cast %parallel_loop3A_283 : i32 to index
        %parallel_loop3A_285 = arith.constant 0 : index
        %parallel_loop3A_286 = tpu.vector_load %arg7[%parallel_loop3A_284, %parallel_loop3A_285] {strides = array<i32>} : memref<128x128xf32, #tpu.memory_space<vmem>>, vector<16xf32>,
        tpu.vector_store_idx %arg8[%parallel_loop3A_279, %add3A_38], %parallel_loop3A_286 {add = true} : memref<520x128xf32, #tpu.memory_space<vmem>>[vector<16xi32>, vector<16xi32>], vector<16xf32>,
        %parallel_loop3A_287 = arith.index_cast %parallel_loop3A_283 : i32 to index
        %parallel_loop3A_288 = arith.constant 16 : index
        %parallel_loop3A_289 = tpu.vector_load %arg7[%parallel_loop3A_287, %parallel_loop3A_288] {strides = array<i32>} : memref<128x128xf32, #tpu.memory_space<vmem>>, vector<16xf32>,
        tpu.vector_store_idx %arg8[%parallel_loop3A_279, %add3A_41], %parallel_loop3A_289 {add = true} : memref<520x128xf32, #tpu.memory_space<vmem>>[vector<16xi32>, vector<16xi32>], vector<16xf32>,
        %parallel_loop3A_290 = arith.index_cast %parallel_loop3A_283 : i32 to index
        %parallel_loop3A_291 = arith.constant 32 : index
        %parallel_loop3A_292 = tpu.vector_load %arg7[%parallel_loop3A_290, %parallel_loop3A_291] {strides = array<i32>} : memref<128x128xf32, #tpu.memory_space<vmem>>, vector<16xf32>,
        tpu.vector_store_idx %arg8[%parallel_loop3A_279, %add3A_44], %parallel_loop3A_292 {add = true} : memref<520x128xf32, #tpu.memory_space<vmem>>[vector<16xi32>, vector<16xi32>], vector<16xf32>,
        %parallel_loop3A_293 = arith.index_cast %parallel_loop3A_283 : i32 to index
        %parallel_loop3A_294 = arith.constant 48 : index
        %parallel_loop3A_295 = tpu.vector_load %arg7[%parallel_loop3A_293, %parallel_loop3A_294] {strides = array<i32>} : memref<128x128xf32, #tpu.memory_space<vmem>>, vector<16xf32>,
        tpu.vector_store_idx %arg8[%parallel_loop3A_279, %add3A_47], %parallel_loop3A_295 {add = true} : memref<520x128xf32, #tpu.memory_space<vmem>>[vector<16xi32>, vector<16xi32>], vector<16xf32>,
        %parallel_loop3A_296 = arith.index_cast %parallel_loop3A_283 : i32 to index
        %parallel_loop3A_297 = arith.constant 64 : index
        %parallel_loop3A_298 = tpu.vector_load %arg7[%parallel_loop3A_296, %parallel_loop3A_297] {strides = array<i32>} : memref<128x128xf32, #tpu.memory_space<vmem>>, vector<16xf32>,
        tpu.vector_store_idx %arg8[%parallel_loop3A_279, %add3A_50], %parallel_loop3A_298 {add = true} : memref<520x128xf32, #tpu.memory_space<vmem>>[vector<16xi32>, vector<16xi32>], vector<16xf32>,
        %parallel_loop3A_299 = arith.index_cast %parallel_loop3A_283 : i32 to index
        %parallel_loop3A_300 = arith.constant 80 : index
        %parallel_loop3A_301 = tpu.vector_load %arg7[%parallel_loop3A_299, %parallel_loop3A_300] {strides = array<i32>} : memref<128x128xf32, #tpu.memory_space<vmem>>, vector<16xf32>,
        tpu.vector_store_idx %arg8[%parallel_loop3A_279, %add3A_53], %parallel_loop3A_301 {add = true} : memref<520x128xf32, #tpu.memory_space<vmem>>[vector<16xi32>, vector<16xi32>], vector<16xf32>,
        %parallel_loop3A_302 = arith.index_cast %parallel_loop3A_283 : i32 to index
        %parallel_loop3A_303 = arith.constant 96 : index
        %parallel_loop3A_304 = tpu.vector_load %arg7[%parallel_loop3A_302, %parallel_loop3A_303] {strides = array<i32>} : memref<128x128xf32, #tpu.memory_space<vmem>>, vector<16xf32>,
        tpu.vector_store_idx %arg8[%parallel_loop3A_279, %add3A_56], %parallel_loop3A_304 {add = true} : memref<520x128xf32, #tpu.memory_space<vmem>>[vector<16xi32>, vector<16xi32>], vector<16xf32>,
        %parallel_loop3A_305 = arith.index_cast %parallel_loop3A_283 : i32 to index
        %parallel_loop3A_306 = arith.constant 112 : index
        %parallel_loop3A_307 = tpu.vector_load %arg7[%parallel_loop3A_305, %parallel_loop3A_306] {strides = array<i32>} : memref<128x128xf32, #tpu.memory_space<vmem>>, vector<16xf32>,
        tpu.vector_store_idx %arg8[%parallel_loop3A_279, %add3A_59], %parallel_loop3A_307 {add = true} : memref<520x128xf32, #tpu.memory_space<vmem>>[vector<16xi32>, vector<16xi32>], vector<16xf32>,
        %parallel_loop3A_308 = vector.extract_strided_slice %parallel_loop3A_183 {offsets = [4], sizes = [1], strides = [1]} : vector<16xi32> to vector<1xi32>
        %parallel_loop3A_309 = vector.extract %parallel_loop3A_308[0] : i32 from vector<1xi32>
        %parallel_loop3A_310 = vector.broadcast %parallel_loop3A_309 : i32 to vector<16xi32>
        %parallel_loop3A_311 = arith.constant 16 : i32
        %parallel_loop3A_312 = arith.muli %parallel_loop3A_165, %parallel_loop3A_311 : i32
        %parallel_loop3A_313 = arith.constant 4 : i32
        %parallel_loop3A_314 = arith.addi %parallel_loop3A_312, %parallel_loop3A_313 : i32
        %parallel_loop3A_315 = arith.index_cast %parallel_loop3A_314 : i32 to index
        %parallel_loop3A_316 = arith.constant 0 : index
        %parallel_loop3A_317 = tpu.vector_load %arg7[%parallel_loop3A_315, %parallel_loop3A_316] {strides = array<i32>} : memref<128x128xf32, #tpu.memory_space<vmem>>, vector<16xf32>,
        tpu.vector_store_idx %arg8[%parallel_loop3A_310, %add3A_38], %parallel_loop3A_317 {add = true} : memref<520x128xf32, #tpu.memory_space<vmem>>[vector<16xi32>, vector<16xi32>], vector<16xf32>,
        %parallel_loop3A_318 = arith.index_cast %parallel_loop3A_314 : i32 to index
        %parallel_loop3A_319 = arith.constant 16 : index
        %parallel_loop3A_320 = tpu.vector_load %arg7[%parallel_loop3A_318, %parallel_loop3A_319] {strides = array<i32>} : memref<128x128xf32, #tpu.memory_space<vmem>>, vector<16xf32>,
        tpu.vector_store_idx %arg8[%parallel_loop3A_310, %add3A_41], %parallel_loop3A_320 {add = true} : memref<520x128xf32, #tpu.memory_space<vmem>>[vector<16xi32>, vector<16xi32>], vector<16xf32>,
        %parallel_loop3A_321 = arith.index_cast %parallel_loop3A_314 : i32 to index
        %parallel_loop3A_322 = arith.constant 32 : index
        %parallel_loop3A_323 = tpu.vector_load %arg7[%parallel_loop3A_321, %parallel_loop3A_322] {strides = array<i32>} : memref<128x128xf32, #tpu.memory_space<vmem>>, vector<16xf32>,
        tpu.vector_store_idx %arg8[%parallel_loop3A_310, %add3A_44], %parallel_loop3A_323 {add = true} : memref<520x128xf32, #tpu.memory_space<vmem>>[vector<16xi32>, vector<16xi32>], vector<16xf32>,
        %parallel_loop3A_324 = arith.index_cast %parallel_loop3A_314 : i32 to index
        %parallel_loop3A_325 = arith.constant 48 : index
        %parallel_loop3A_326 = tpu.vector_load %arg7[%parallel_loop3A_324, %parallel_loop3A_325] {strides = array<i32>} : memref<128x128xf32, #tpu.memory_space<vmem>>, vector<16xf32>,
        tpu.vector_store_idx %arg8[%parallel_loop3A_310, %add3A_47], %parallel_loop3A_326 {add = true} : memref<520x128xf32, #tpu.memory_space<vmem>>[vector<16xi32>, vector<16xi32>], vector<16xf32>,
        %parallel_loop3A_327 = arith.index_cast %parallel_loop3A_314 : i32 to index
        %parallel_loop3A_328 = arith.constant 64 : index
        %parallel_loop3A_329 = tpu.vector_load %arg7[%parallel_loop3A_327, %parallel_loop3A_328] {strides = array<i32>} : memref<128x128xf32, #tpu.memory_space<vmem>>, vector<16xf32>,
        tpu.vector_store_idx %arg8[%parallel_loop3A_310, %add3A_50], %parallel_loop3A_329 {add = true} : memref<520x128xf32, #tpu.memory_space<vmem>>[vector<16xi32>, vector<16xi32>], vector<16xf32>,
        %parallel_loop3A_330 = arith.index_cast %parallel_loop3A_314 : i32 to index
        %parallel_loop3A_331 = arith.constant 80 : index
        %parallel_loop3A_332 = tpu.vector_load %arg7[%parallel_loop3A_330, %parallel_loop3A_331] {strides = array<i32>} : memref<128x128xf32, #tpu.memory_space<vmem>>, vector<16xf32>,
        tpu.vector_store_idx %arg8[%parallel_loop3A_310, %add3A_53], %parallel_loop3A_332 {add = true} : memref<520x128xf32, #tpu.memory_space<vmem>>[vector<16xi32>, vector<16xi32>], vector<16xf32>,
        %parallel_loop3A_333 = arith.index_cast %parallel_loop3A_314 : i32 to index
        %parallel_loop3A_334 = arith.constant 96 : index
        %parallel_loop3A_335 = tpu.vector_load %arg7[%parallel_loop3A_333, %parallel_loop3A_334] {strides = array<i32>} : memref<128x128xf32, #tpu.memory_space<vmem>>, vector<16xf32>,
        tpu.vector_store_idx %arg8[%parallel_loop3A_310, %add3A_56], %parallel_loop3A_335 {add = true} : memref<520x128xf32, #tpu.memory_space<vmem>>[vector<16xi32>, vector<16xi32>], vector<16xf32>,
        %parallel_loop3A_336 = arith.index_cast %parallel_loop3A_314 : i32 to index
        %parallel_loop3A_337 = arith.constant 112 : index
        %parallel_loop3A_338 = tpu.vector_load %arg7[%parallel_loop3A_336, %parallel_loop3A_337] {strides = array<i32>} : memref<128x128xf32, #tpu.memory_space<vmem>>, vector<16xf32>,
        tpu.vector_store_idx %arg8[%parallel_loop3A_310, %add3A_59], %parallel_loop3A_338 {add = true} : memref<520x128xf32, #tpu.memory_space<vmem>>[vector<16xi32>, vector<16xi32>], vector<16xf32>,
        %parallel_loop3A_339 = vector.extract_strided_slice %parallel_loop3A_183 {offsets = [5], sizes = [1], strides = [1]} : vector<16xi32> to vector<1xi32>
        %parallel_loop3A_340 = vector.extract %parallel_loop3A_339[0] : i32 from vector<1xi32>
        %parallel_loop3A_341 = vector.broadcast %parallel_loop3A_340 : i32 to vector<16xi32>
        %parallel_loop3A_342 = arith.constant 16 : i32
        %parallel_loop3A_343 = arith.muli %parallel_loop3A_165, %parallel_loop3A_342 : i32
        %parallel_loop3A_344 = arith.constant 5 : i32
        %parallel_loop3A_345 = arith.addi %parallel_loop3A_343, %parallel_loop3A_344 : i32
        %parallel_loop3A_346 = arith.index_cast %parallel_loop3A_345 : i32 to index
        %parallel_loop3A_347 = arith.constant 0 : index
        %parallel_loop3A_348 = tpu.vector_load %arg7[%parallel_loop3A_346, %parallel_loop3A_347] {strides = array<i32>} : memref<128x128xf32, #tpu.memory_space<vmem>>, vector<16xf32>,
        tpu.vector_store_idx %arg8[%parallel_loop3A_341, %add3A_38], %parallel_loop3A_348 {add = true} : memref<520x128xf32, #tpu.memory_space<vmem>>[vector<16xi32>, vector<16xi32>], vector<16xf32>,
        %parallel_loop3A_349 = arith.index_cast %parallel_loop3A_345 : i32 to index
        %parallel_loop3A_350 = arith.constant 16 : index
        %parallel_loop3A_351 = tpu.vector_load %arg7[%parallel_loop3A_349, %parallel_loop3A_350] {strides = array<i32>} : memref<128x128xf32, #tpu.memory_space<vmem>>, vector<16xf32>,
        tpu.vector_store_idx %arg8[%parallel_loop3A_341, %add3A_41], %parallel_loop3A_351 {add = true} : memref<520x128xf32, #tpu.memory_space<vmem>>[vector<16xi32>, vector<16xi32>], vector<16xf32>,
        %parallel_loop3A_352 = arith.index_cast %parallel_loop3A_345 : i32 to index
        %parallel_loop3A_353 = arith.constant 32 : index
        %parallel_loop3A_354 = tpu.vector_load %arg7[%parallel_loop3A_352, %parallel_loop3A_353] {strides = array<i32>} : memref<128x128xf32, #tpu.memory_space<vmem>>, vector<16xf32>,
        tpu.vector_store_idx %arg8[%parallel_loop3A_341, %add3A_44], %parallel_loop3A_354 {add = true} : memref<520x128xf32, #tpu.memory_space<vmem>>[vector<16xi32>, vector<16xi32>], vector<16xf32>,
        %parallel_loop3A_355 = arith.index_cast %parallel_loop3A_345 : i32 to index
        %parallel_loop3A_356 = arith.constant 48 : index
        %parallel_loop3A_357 = tpu.vector_load %arg7[%parallel_loop3A_355, %parallel_loop3A_356] {strides = array<i32>} : memref<128x128xf32, #tpu.memory_space<vmem>>, vector<16xf32>,
        tpu.vector_store_idx %arg8[%parallel_loop3A_341, %add3A_47], %parallel_loop3A_357 {add = true} : memref<520x128xf32, #tpu.memory_space<vmem>>[vector<16xi32>, vector<16xi32>], vector<16xf32>,
        %parallel_loop3A_358 = arith.index_cast %parallel_loop3A_345 : i32 to index
        %parallel_loop3A_359 = arith.constant 64 : index
        %parallel_loop3A_360 = tpu.vector_load %arg7[%parallel_loop3A_358, %parallel_loop3A_359] {strides = array<i32>} : memref<128x128xf32, #tpu.memory_space<vmem>>, vector<16xf32>,
        tpu.vector_store_idx %arg8[%parallel_loop3A_341, %add3A_50], %parallel_loop3A_360 {add = true} : memref<520x128xf32, #tpu.memory_space<vmem>>[vector<16xi32>, vector<16xi32>], vector<16xf32>,
        %parallel_loop3A_361 = arith.index_cast %parallel_loop3A_345 : i32 to index
        %parallel_loop3A_362 = arith.constant 80 : index
        %parallel_loop3A_363 = tpu.vector_load %arg7[%parallel_loop3A_361, %parallel_loop3A_362] {strides = array<i32>} : memref<128x128xf32, #tpu.memory_space<vmem>>, vector<16xf32>,
        tpu.vector_store_idx %arg8[%parallel_loop3A_341, %add3A_53], %parallel_loop3A_363 {add = true} : memref<520x128xf32, #tpu.memory_space<vmem>>[vector<16xi32>, vector<16xi32>], vector<16xf32>,
        %parallel_loop3A_364 = arith.index_cast %parallel_loop3A_345 : i32 to index
        %parallel_loop3A_365 = arith.constant 96 : index
        %parallel_loop3A_366 = tpu.vector_load %arg7[%parallel_loop3A_364, %parallel_loop3A_365] {strides = array<i32>} : memref<128x128xf32, #tpu.memory_space<vmem>>, vector<16xf32>,
        tpu.vector_store_idx %arg8[%parallel_loop3A_341, %add3A_56], %parallel_loop3A_366 {add = true} : memref<520x128xf32, #tpu.memory_space<vmem>>[vector<16xi32>, vector<16xi32>], vector<16xf32>,
        %parallel_loop3A_367 = arith.index_cast %parallel_loop3A_345 : i32 to index
        %parallel_loop3A_368 = arith.constant 112 : index
        %parallel_loop3A_369 = tpu.vector_load %arg7[%parallel_loop3A_367, %parallel_loop3A_368] {strides = array<i32>} : memref<128x128xf32, #tpu.memory_space<vmem>>, vector<16xf32>,
        tpu.vector_store_idx %arg8[%parallel_loop3A_341, %add3A_59], %parallel_loop3A_369 {add = true} : memref<520x128xf32, #tpu.memory_space<vmem>>[vector<16xi32>, vector<16xi32>], vector<16xf32>,
        %parallel_loop3A_370 = vector.extract_strided_slice %parallel_loop3A_183 {offsets = [6], sizes = [1], strides = [1]} : vector<16xi32> to vector<1xi32>
        %parallel_loop3A_371 = vector.extract %parallel_loop3A_370[0] : i32 from vector<1xi32>
        %parallel_loop3A_372 = vector.broadcast %parallel_loop3A_371 : i32 to vector<16xi32>
        %parallel_loop3A_373 = arith.constant 16 : i32
        %parallel_loop3A_374 = arith.muli %parallel_loop3A_165, %parallel_loop3A_373 : i32
        %parallel_loop3A_375 = arith.constant 6 : i32
        %parallel_loop3A_376 = arith.addi %parallel_loop3A_374, %parallel_loop3A_375 : i32
        %parallel_loop3A_377 = arith.index_cast %parallel_loop3A_376 : i32 to index
        %parallel_loop3A_378 = arith.constant 0 : index
        %parallel_loop3A_379 = tpu.vector_load %arg7[%parallel_loop3A_377, %parallel_loop3A_378] {strides = array<i32>} : memref<128x128xf32, #tpu.memory_space<vmem>>, vector<16xf32>,
        tpu.vector_store_idx %arg8[%parallel_loop3A_372, %add3A_38], %parallel_loop3A_379 {add = true} : memref<520x128xf32, #tpu.memory_space<vmem>>[vector<16xi32>, vector<16xi32>], vector<16xf32>,
        %parallel_loop3A_380 = arith.index_cast %parallel_loop3A_376 : i32 to index
        %parallel_loop3A_381 = arith.constant 16 : index
        %parallel_loop3A_382 = tpu.vector_load %arg7[%parallel_loop3A_380, %parallel_loop3A_381] {strides = array<i32>} : memref<128x128xf32, #tpu.memory_space<vmem>>, vector<16xf32>,
        tpu.vector_store_idx %arg8[%parallel_loop3A_372, %add3A_41], %parallel_loop3A_382 {add = true} : memref<520x128xf32, #tpu.memory_space<vmem>>[vector<16xi32>, vector<16xi32>], vector<16xf32>,
        %parallel_loop3A_383 = arith.index_cast %parallel_loop3A_376 : i32 to index
        %parallel_loop3A_384 = arith.constant 32 : index
        %parallel_loop3A_385 = tpu.vector_load %arg7[%parallel_loop3A_383, %parallel_loop3A_384] {strides = array<i32>} : memref<128x128xf32, #tpu.memory_space<vmem>>, vector<16xf32>,
        tpu.vector_store_idx %arg8[%parallel_loop3A_372, %add3A_44], %parallel_loop3A_385 {add = true} : memref<520x128xf32, #tpu.memory_space<vmem>>[vector<16xi32>, vector<16xi32>], vector<16xf32>,
        %parallel_loop3A_386 = arith.index_cast %parallel_loop3A_376 : i32 to index
        %parallel_loop3A_387 = arith.constant 48 : index
        %parallel_loop3A_388 = tpu.vector_load %arg7[%parallel_loop3A_386, %parallel_loop3A_387] {strides = array<i32>} : memref<128x128xf32, #tpu.memory_space<vmem>>, vector<16xf32>,
        tpu.vector_store_idx %arg8[%parallel_loop3A_372, %add3A_47], %parallel_loop3A_388 {add = true} : memref<520x128xf32, #tpu.memory_space<vmem>>[vector<16xi32>, vector<16xi32>], vector<16xf32>,
        %parallel_loop3A_389 = arith.index_cast %parallel_loop3A_376 : i32 to index
        %parallel_loop3A_390 = arith.constant 64 : index
        %parallel_loop3A_391 = tpu.vector_load %arg7[%parallel_loop3A_389, %parallel_loop3A_390] {strides = array<i32>} : memref<128x128xf32, #tpu.memory_space<vmem>>, vector<16xf32>,
        tpu.vector_store_idx %arg8[%parallel_loop3A_372, %add3A_50], %parallel_loop3A_391 {add = true} : memref<520x128xf32, #tpu.memory_space<vmem>>[vector<16xi32>, vector<16xi32>], vector<16xf32>,
        %parallel_loop3A_392 = arith.index_cast %parallel_loop3A_376 : i32 to index
        %parallel_loop3A_393 = arith.constant 80 : index
        %parallel_loop3A_394 = tpu.vector_load %arg7[%parallel_loop3A_392, %parallel_loop3A_393] {strides = array<i32>} : memref<128x128xf32, #tpu.memory_space<vmem>>, vector<16xf32>,
        tpu.vector_store_idx %arg8[%parallel_loop3A_372, %add3A_53], %parallel_loop3A_394 {add = true} : memref<520x128xf32, #tpu.memory_space<vmem>>[vector<16xi32>, vector<16xi32>], vector<16xf32>,
        %parallel_loop3A_395 = arith.index_cast %parallel_loop3A_376 : i32 to index
        %parallel_loop3A_396 = arith.constant 96 : index
        %parallel_loop3A_397 = tpu.vector_load %arg7[%parallel_loop3A_395, %parallel_loop3A_396] {strides = array<i32>} : memref<128x128xf32, #tpu.memory_space<vmem>>, vector<16xf32>,
        tpu.vector_store_idx %arg8[%parallel_loop3A_372, %add3A_56], %parallel_loop3A_397 {add = true} : memref<520x128xf32, #tpu.memory_space<vmem>>[vector<16xi32>, vector<16xi32>], vector<16xf32>,
        %parallel_loop3A_398 = arith.index_cast %parallel_loop3A_376 : i32 to index
        %parallel_loop3A_399 = arith.constant 112 : index
        %parallel_loop3A_400 = tpu.vector_load %arg7[%parallel_loop3A_398, %parallel_loop3A_399] {strides = array<i32>} : memref<128x128xf32, #tpu.memory_space<vmem>>, vector<16xf32>,
        tpu.vector_store_idx %arg8[%parallel_loop3A_372, %add3A_59], %parallel_loop3A_400 {add = true} : memref<520x128xf32, #tpu.memory_space<vmem>>[vector<16xi32>, vector<16xi32>], vector<16xf32>,
        %parallel_loop3A_401 = vector.extract_strided_slice %parallel_loop3A_183 {offsets = [7], sizes = [1], strides = [1]} : vector<16xi32> to vector<1xi32>
        %parallel_loop3A_402 = vector.extract %parallel_loop3A_401[0] : i32 from vector<1xi32>
        %parallel_loop3A_403 = vector.broadcast %parallel_loop3A_402 : i32 to vector<16xi32>
        %parallel_loop3A_404 = arith.constant 16 : i32
        %parallel_loop3A_405 = arith.muli %parallel_loop3A_165, %parallel_loop3A_404 : i32
        %parallel_loop3A_406 = arith.constant 7 : i32
        %parallel_loop3A_407 = arith.addi %parallel_loop3A_405, %parallel_loop3A_406 : i32
        %parallel_loop3A_408 = arith.index_cast %parallel_loop3A_407 : i32 to index
        %parallel_loop3A_409 = arith.constant 0 : index
        %parallel_loop3A_410 = tpu.vector_load %arg7[%parallel_loop3A_408, %parallel_loop3A_409] {strides = array<i32>} : memref<128x128xf32, #tpu.memory_space<vmem>>, vector<16xf32>,
        tpu.vector_store_idx %arg8[%parallel_loop3A_403, %add3A_38], %parallel_loop3A_410 {add = true} : memref<520x128xf32, #tpu.memory_space<vmem>>[vector<16xi32>, vector<16xi32>], vector<16xf32>,
        %parallel_loop3A_411 = arith.index_cast %parallel_loop3A_407 : i32 to index
        %parallel_loop3A_412 = arith.constant 16 : index
        %parallel_loop3A_413 = tpu.vector_load %arg7[%parallel_loop3A_411, %parallel_loop3A_412] {strides = array<i32>} : memref<128x128xf32, #tpu.memory_space<vmem>>, vector<16xf32>,
        tpu.vector_store_idx %arg8[%parallel_loop3A_403, %add3A_41], %parallel_loop3A_413 {add = true} : memref<520x128xf32, #tpu.memory_space<vmem>>[vector<16xi32>, vector<16xi32>], vector<16xf32>,
        %parallel_loop3A_414 = arith.index_cast %parallel_loop3A_407 : i32 to index
        %parallel_loop3A_415 = arith.constant 32 : index
        %parallel_loop3A_416 = tpu.vector_load %arg7[%parallel_loop3A_414, %parallel_loop3A_415] {strides = array<i32>} : memref<128x128xf32, #tpu.memory_space<vmem>>, vector<16xf32>,
        tpu.vector_store_idx %arg8[%parallel_loop3A_403, %add3A_44], %parallel_loop3A_416 {add = true} : memref<520x128xf32, #tpu.memory_space<vmem>>[vector<16xi32>, vector<16xi32>], vector<16xf32>,
        %parallel_loop3A_417 = arith.index_cast %parallel_loop3A_407 : i32 to index
        %parallel_loop3A_418 = arith.constant 48 : index
        %parallel_loop3A_419 = tpu.vector_load %arg7[%parallel_loop3A_417, %parallel_loop3A_418] {strides = array<i32>} : memref<128x128xf32, #tpu.memory_space<vmem>>, vector<16xf32>,
        tpu.vector_store_idx %arg8[%parallel_loop3A_403, %add3A_47], %parallel_loop3A_419 {add = true} : memref<520x128xf32, #tpu.memory_space<vmem>>[vector<16xi32>, vector<16xi32>], vector<16xf32>,
        %parallel_loop3A_420 = arith.index_cast %parallel_loop3A_407 : i32 to index
        %parallel_loop3A_421 = arith.constant 64 : index
        %parallel_loop3A_422 = tpu.vector_load %arg7[%parallel_loop3A_420, %parallel_loop3A_421] {strides = array<i32>} : memref<128x128xf32, #tpu.memory_space<vmem>>, vector<16xf32>,
        tpu.vector_store_idx %arg8[%parallel_loop3A_403, %add3A_50], %parallel_loop3A_422 {add = true} : memref<520x128xf32, #tpu.memory_space<vmem>>[vector<16xi32>, vector<16xi32>], vector<16xf32>,
        %parallel_loop3A_423 = arith.index_cast %parallel_loop3A_407 : i32 to index
        %parallel_loop3A_424 = arith.constant 80 : index
        %parallel_loop3A_425 = tpu.vector_load %arg7[%parallel_loop3A_423, %parallel_loop3A_424] {strides = array<i32>} : memref<128x128xf32, #tpu.memory_space<vmem>>, vector<16xf32>,
        tpu.vector_store_idx %arg8[%parallel_loop3A_403, %add3A_53], %parallel_loop3A_425 {add = true} : memref<520x128xf32, #tpu.memory_space<vmem>>[vector<16xi32>, vector<16xi32>], vector<16xf32>,
        %parallel_loop3A_426 = arith.index_cast %parallel_loop3A_407 : i32 to index
        %parallel_loop3A_427 = arith.constant 96 : index
        %parallel_loop3A_428 = tpu.vector_load %arg7[%parallel_loop3A_426, %parallel_loop3A_427] {strides = array<i32>} : memref<128x128xf32, #tpu.memory_space<vmem>>, vector<16xf32>,
        tpu.vector_store_idx %arg8[%parallel_loop3A_403, %add3A_56], %parallel_loop3A_428 {add = true} : memref<520x128xf32, #tpu.memory_space<vmem>>[vector<16xi32>, vector<16xi32>], vector<16xf32>,
        %parallel_loop3A_429 = arith.index_cast %parallel_loop3A_407 : i32 to index
        %parallel_loop3A_430 = arith.constant 112 : index
        %parallel_loop3A_431 = tpu.vector_load %arg7[%parallel_loop3A_429, %parallel_loop3A_430] {strides = array<i32>} : memref<128x128xf32, #tpu.memory_space<vmem>>, vector<16xf32>,
        tpu.vector_store_idx %arg8[%parallel_loop3A_403, %add3A_59], %parallel_loop3A_431 {add = true} : memref<520x128xf32, #tpu.memory_space<vmem>>[vector<16xi32>, vector<16xi32>], vector<16xf32>,
        %parallel_loop3A_432 = vector.extract_strided_slice %parallel_loop3A_183 {offsets = [8], sizes = [1], strides = [1]} : vector<16xi32> to vector<1xi32>
        %parallel_loop3A_433 = vector.extract %parallel_loop3A_432[0] : i32 from vector<1xi32>
        %parallel_loop3A_434 = vector.broadcast %parallel_loop3A_433 : i32 to vector<16xi32>
        %parallel_loop3A_435 = arith.constant 16 : i32
        %parallel_loop3A_436 = arith.muli %parallel_loop3A_165, %parallel_loop3A_435 : i32
        %parallel_loop3A_437 = arith.constant 8 : i32
        %parallel_loop3A_438 = arith.addi %parallel_loop3A_436, %parallel_loop3A_437 : i32
        %parallel_loop3A_439 = arith.index_cast %parallel_loop3A_438 : i32 to index
        %parallel_loop3A_440 = arith.constant 0 : index
        %parallel_loop3A_441 = tpu.vector_load %arg7[%parallel_loop3A_439, %parallel_loop3A_440] {strides = array<i32>} : memref<128x128xf32, #tpu.memory_space<vmem>>, vector<16xf32>,
        tpu.vector_store_idx %arg8[%parallel_loop3A_434, %add3A_38], %parallel_loop3A_441 {add = true} : memref<520x128xf32, #tpu.memory_space<vmem>>[vector<16xi32>, vector<16xi32>], vector<16xf32>,
        %parallel_loop3A_442 = arith.index_cast %parallel_loop3A_438 : i32 to index
        %parallel_loop3A_443 = arith.constant 16 : index
        %parallel_loop3A_444 = tpu.vector_load %arg7[%parallel_loop3A_442, %parallel_loop3A_443] {strides = array<i32>} : memref<128x128xf32, #tpu.memory_space<vmem>>, vector<16xf32>,
        tpu.vector_store_idx %arg8[%parallel_loop3A_434, %add3A_41], %parallel_loop3A_444 {add = true} : memref<520x128xf32, #tpu.memory_space<vmem>>[vector<16xi32>, vector<16xi32>], vector<16xf32>,
        %parallel_loop3A_445 = arith.index_cast %parallel_loop3A_438 : i32 to index
        %parallel_loop3A_446 = arith.constant 32 : index
        %parallel_loop3A_447 = tpu.vector_load %arg7[%parallel_loop3A_445, %parallel_loop3A_446] {strides = array<i32>} : memref<128x128xf32, #tpu.memory_space<vmem>>, vector<16xf32>,
        tpu.vector_store_idx %arg8[%parallel_loop3A_434, %add3A_44], %parallel_loop3A_447 {add = true} : memref<520x128xf32, #tpu.memory_space<vmem>>[vector<16xi32>, vector<16xi32>], vector<16xf32>,
        %parallel_loop3A_448 = arith.index_cast %parallel_loop3A_438 : i32 to index
        %parallel_loop3A_449 = arith.constant 48 : index
        %parallel_loop3A_450 = tpu.vector_load %arg7[%parallel_loop3A_448, %parallel_loop3A_449] {strides = array<i32>} : memref<128x128xf32, #tpu.memory_space<vmem>>, vector<16xf32>,
        tpu.vector_store_idx %arg8[%parallel_loop3A_434, %add3A_47], %parallel_loop3A_450 {add = true} : memref<520x128xf32, #tpu.memory_space<vmem>>[vector<16xi32>, vector<16xi32>], vector<16xf32>,
        %parallel_loop3A_451 = arith.index_cast %parallel_loop3A_438 : i32 to index
        %parallel_loop3A_452 = arith.constant 64 : index
        %parallel_loop3A_453 = tpu.vector_load %arg7[%parallel_loop3A_451, %parallel_loop3A_452] {strides = array<i32>} : memref<128x128xf32, #tpu.memory_space<vmem>>, vector<16xf32>,
        tpu.vector_store_idx %arg8[%parallel_loop3A_434, %add3A_50], %parallel_loop3A_453 {add = true} : memref<520x128xf32, #tpu.memory_space<vmem>>[vector<16xi32>, vector<16xi32>], vector<16xf32>,
        %parallel_loop3A_454 = arith.index_cast %parallel_loop3A_438 : i32 to index
        %parallel_loop3A_455 = arith.constant 80 : index
        %parallel_loop3A_456 = tpu.vector_load %arg7[%parallel_loop3A_454, %parallel_loop3A_455] {strides = array<i32>} : memref<128x128xf32, #tpu.memory_space<vmem>>, vector<16xf32>,
        tpu.vector_store_idx %arg8[%parallel_loop3A_434, %add3A_53], %parallel_loop3A_456 {add = true} : memref<520x128xf32, #tpu.memory_space<vmem>>[vector<16xi32>, vector<16xi32>], vector<16xf32>,
        %parallel_loop3A_457 = arith.index_cast %parallel_loop3A_438 : i32 to index
        %parallel_loop3A_458 = arith.constant 96 : index
        %parallel_loop3A_459 = tpu.vector_load %arg7[%parallel_loop3A_457, %parallel_loop3A_458] {strides = array<i32>} : memref<128x128xf32, #tpu.memory_space<vmem>>, vector<16xf32>,
        tpu.vector_store_idx %arg8[%parallel_loop3A_434, %add3A_56], %parallel_loop3A_459 {add = true} : memref<520x128xf32, #tpu.memory_space<vmem>>[vector<16xi32>, vector<16xi32>], vector<16xf32>,
        %parallel_loop3A_460 = arith.index_cast %parallel_loop3A_438 : i32 to index
        %parallel_loop3A_461 = arith.constant 112 : index
        %parallel_loop3A_462 = tpu.vector_load %arg7[%parallel_loop3A_460, %parallel_loop3A_461] {strides = array<i32>} : memref<128x128xf32, #tpu.memory_space<vmem>>, vector<16xf32>,
        tpu.vector_store_idx %arg8[%parallel_loop3A_434, %add3A_59], %parallel_loop3A_462 {add = true} : memref<520x128xf32, #tpu.memory_space<vmem>>[vector<16xi32>, vector<16xi32>], vector<16xf32>,
        %parallel_loop3A_463 = vector.extract_strided_slice %parallel_loop3A_183 {offsets = [9], sizes = [1], strides = [1]} : vector<16xi32> to vector<1xi32>
        %parallel_loop3A_464 = vector.extract %parallel_loop3A_463[0] : i32 from vector<1xi32>
        %parallel_loop3A_465 = vector.broadcast %parallel_loop3A_464 : i32 to vector<16xi32>
        %parallel_loop3A_466 = arith.constant 16 : i32
        %parallel_loop3A_467 = arith.muli %parallel_loop3A_165, %parallel_loop3A_466 : i32
        %parallel_loop3A_468 = arith.constant 9 : i32
        %parallel_loop3A_469 = arith.addi %parallel_loop3A_467, %parallel_loop3A_468 : i32
        %parallel_loop3A_470 = arith.index_cast %parallel_loop3A_469 : i32 to index
        %parallel_loop3A_471 = arith.constant 0 : index
        %parallel_loop3A_472 = tpu.vector_load %arg7[%parallel_loop3A_470, %parallel_loop3A_471] {strides = array<i32>} : memref<128x128xf32, #tpu.memory_space<vmem>>, vector<16xf32>,
        tpu.vector_store_idx %arg8[%parallel_loop3A_465, %add3A_38], %parallel_loop3A_472 {add = true} : memref<520x128xf32, #tpu.memory_space<vmem>>[vector<16xi32>, vector<16xi32>], vector<16xf32>,
        %parallel_loop3A_473 = arith.index_cast %parallel_loop3A_469 : i32 to index
        %parallel_loop3A_474 = arith.constant 16 : index
        %parallel_loop3A_475 = tpu.vector_load %arg7[%parallel_loop3A_473, %parallel_loop3A_474] {strides = array<i32>} : memref<128x128xf32, #tpu.memory_space<vmem>>, vector<16xf32>,
        tpu.vector_store_idx %arg8[%parallel_loop3A_465, %add3A_41], %parallel_loop3A_475 {add = true} : memref<520x128xf32, #tpu.memory_space<vmem>>[vector<16xi32>, vector<16xi32>], vector<16xf32>,
        %parallel_loop3A_476 = arith.index_cast %parallel_loop3A_469 : i32 to index
        %parallel_loop3A_477 = arith.constant 32 : index
        %parallel_loop3A_478 = tpu.vector_load %arg7[%parallel_loop3A_476, %parallel_loop3A_477] {strides = array<i32>} : memref<128x128xf32, #tpu.memory_space<vmem>>, vector<16xf32>,
        tpu.vector_store_idx %arg8[%parallel_loop3A_465, %add3A_44], %parallel_loop3A_478 {add = true} : memref<520x128xf32, #tpu.memory_space<vmem>>[vector<16xi32>, vector<16xi32>], vector<16xf32>,
        %parallel_loop3A_479 = arith.index_cast %parallel_loop3A_469 : i32 to index
        %parallel_loop3A_480 = arith.constant 48 : index
        %parallel_loop3A_481 = tpu.vector_load %arg7[%parallel_loop3A_479, %parallel_loop3A_480] {strides = array<i32>} : memref<128x128xf32, #tpu.memory_space<vmem>>, vector<16xf32>,
        tpu.vector_store_idx %arg8[%parallel_loop3A_465, %add3A_47], %parallel_loop3A_481 {add = true} : memref<520x128xf32, #tpu.memory_space<vmem>>[vector<16xi32>, vector<16xi32>], vector<16xf32>,
        %parallel_loop3A_482 = arith.index_cast %parallel_loop3A_469 : i32 to index
        %parallel_loop3A_483 = arith.constant 64 : index
        %parallel_loop3A_484 = tpu.vector_load %arg7[%parallel_loop3A_482, %parallel_loop3A_483] {strides = array<i32>} : memref<128x128xf32, #tpu.memory_space<vmem>>, vector<16xf32>,
        tpu.vector_store_idx %arg8[%parallel_loop3A_465, %add3A_50], %parallel_loop3A_484 {add = true} : memref<520x128xf32, #tpu.memory_space<vmem>>[vector<16xi32>, vector<16xi32>], vector<16xf32>,
        %parallel_loop3A_485 = arith.index_cast %parallel_loop3A_469 : i32 to index
        %parallel_loop3A_486 = arith.constant 80 : index
        %parallel_loop3A_487 = tpu.vector_load %arg7[%parallel_loop3A_485, %parallel_loop3A_486] {strides = array<i32>} : memref<128x128xf32, #tpu.memory_space<vmem>>, vector<16xf32>,
        tpu.vector_store_idx %arg8[%parallel_loop3A_465, %add3A_53], %parallel_loop3A_487 {add = true} : memref<520x128xf32, #tpu.memory_space<vmem>>[vector<16xi32>, vector<16xi32>], vector<16xf32>,
        %parallel_loop3A_488 = arith.index_cast %parallel_loop3A_469 : i32 to index
        %parallel_loop3A_489 = arith.constant 96 : index
        %parallel_loop3A_490 = tpu.vector_load %arg7[%parallel_loop3A_488, %parallel_loop3A_489] {strides = array<i32>} : memref<128x128xf32, #tpu.memory_space<vmem>>, vector<16xf32>,
        tpu.vector_store_idx %arg8[%parallel_loop3A_465, %add3A_56], %parallel_loop3A_490 {add = true} : memref<520x128xf32, #tpu.memory_space<vmem>>[vector<16xi32>, vector<16xi32>], vector<16xf32>,
        %parallel_loop3A_491 = arith.index_cast %parallel_loop3A_469 : i32 to index
        %parallel_loop3A_492 = arith.constant 112 : index
        %parallel_loop3A_493 = tpu.vector_load %arg7[%parallel_loop3A_491, %parallel_loop3A_492] {strides = array<i32>} : memref<128x128xf32, #tpu.memory_space<vmem>>, vector<16xf32>,
        tpu.vector_store_idx %arg8[%parallel_loop3A_465, %add3A_59], %parallel_loop3A_493 {add = true} : memref<520x128xf32, #tpu.memory_space<vmem>>[vector<16xi32>, vector<16xi32>], vector<16xf32>,
        %parallel_loop3A_494 = vector.extract_strided_slice %parallel_loop3A_183 {offsets = [10], sizes = [1], strides = [1]} : vector<16xi32> to vector<1xi32>
        %parallel_loop3A_495 = vector.extract %parallel_loop3A_494[0] : i32 from vector<1xi32>
        %parallel_loop3A_496 = vector.broadcast %parallel_loop3A_495 : i32 to vector<16xi32>
        %parallel_loop3A_497 = arith.constant 16 : i32
        %parallel_loop3A_498 = arith.muli %parallel_loop3A_165, %parallel_loop3A_497 : i32
        %parallel_loop3A_499 = arith.constant 10 : i32
        %parallel_loop3A_500 = arith.addi %parallel_loop3A_498, %parallel_loop3A_499 : i32
        %parallel_loop3A_501 = arith.index_cast %parallel_loop3A_500 : i32 to index
        %parallel_loop3A_502 = arith.constant 0 : index
        %parallel_loop3A_503 = tpu.vector_load %arg7[%parallel_loop3A_501, %parallel_loop3A_502] {strides = array<i32>} : memref<128x128xf32, #tpu.memory_space<vmem>>, vector<16xf32>,
        tpu.vector_store_idx %arg8[%parallel_loop3A_496, %add3A_38], %parallel_loop3A_503 {add = true} : memref<520x128xf32, #tpu.memory_space<vmem>>[vector<16xi32>, vector<16xi32>], vector<16xf32>,
        %parallel_loop3A_504 = arith.index_cast %parallel_loop3A_500 : i32 to index
        %parallel_loop3A_505 = arith.constant 16 : index
        %parallel_loop3A_506 = tpu.vector_load %arg7[%parallel_loop3A_504, %parallel_loop3A_505] {strides = array<i32>} : memref<128x128xf32, #tpu.memory_space<vmem>>, vector<16xf32>,
        tpu.vector_store_idx %arg8[%parallel_loop3A_496, %add3A_41], %parallel_loop3A_506 {add = true} : memref<520x128xf32, #tpu.memory_space<vmem>>[vector<16xi32>, vector<16xi32>], vector<16xf32>,
        %parallel_loop3A_507 = arith.index_cast %parallel_loop3A_500 : i32 to index
        %parallel_loop3A_508 = arith.constant 32 : index
        %parallel_loop3A_509 = tpu.vector_load %arg7[%parallel_loop3A_507, %parallel_loop3A_508] {strides = array<i32>} : memref<128x128xf32, #tpu.memory_space<vmem>>, vector<16xf32>,
        tpu.vector_store_idx %arg8[%parallel_loop3A_496, %add3A_44], %parallel_loop3A_509 {add = true} : memref<520x128xf32, #tpu.memory_space<vmem>>[vector<16xi32>, vector<16xi32>], vector<16xf32>,
        %parallel_loop3A_510 = arith.index_cast %parallel_loop3A_500 : i32 to index
        %parallel_loop3A_511 = arith.constant 48 : index
        %parallel_loop3A_512 = tpu.vector_load %arg7[%parallel_loop3A_510, %parallel_loop3A_511] {strides = array<i32>} : memref<128x128xf32, #tpu.memory_space<vmem>>, vector<16xf32>,
        tpu.vector_store_idx %arg8[%parallel_loop3A_496, %add3A_47], %parallel_loop3A_512 {add = true} : memref<520x128xf32, #tpu.memory_space<vmem>>[vector<16xi32>, vector<16xi32>], vector<16xf32>,
        %parallel_loop3A_513 = arith.index_cast %parallel_loop3A_500 : i32 to index
        %parallel_loop3A_514 = arith.constant 64 : index
        %parallel_loop3A_515 = tpu.vector_load %arg7[%parallel_loop3A_513, %parallel_loop3A_514] {strides = array<i32>} : memref<128x128xf32, #tpu.memory_space<vmem>>, vector<16xf32>,
        tpu.vector_store_idx %arg8[%parallel_loop3A_496, %add3A_50], %parallel_loop3A_515 {add = true} : memref<520x128xf32, #tpu.memory_space<vmem>>[vector<16xi32>, vector<16xi32>], vector<16xf32>,
        %parallel_loop3A_516 = arith.index_cast %parallel_loop3A_500 : i32 to index
        %parallel_loop3A_517 = arith.constant 80 : index
        %parallel_loop3A_518 = tpu.vector_load %arg7[%parallel_loop3A_516, %parallel_loop3A_517] {strides = array<i32>} : memref<128x128xf32, #tpu.memory_space<vmem>>, vector<16xf32>,
        tpu.vector_store_idx %arg8[%parallel_loop3A_496, %add3A_53], %parallel_loop3A_518 {add = true} : memref<520x128xf32, #tpu.memory_space<vmem>>[vector<16xi32>, vector<16xi32>], vector<16xf32>,
        %parallel_loop3A_519 = arith.index_cast %parallel_loop3A_500 : i32 to index
        %parallel_loop3A_520 = arith.constant 96 : index
        %parallel_loop3A_521 = tpu.vector_load %arg7[%parallel_loop3A_519, %parallel_loop3A_520] {strides = array<i32>} : memref<128x128xf32, #tpu.memory_space<vmem>>, vector<16xf32>,
        tpu.vector_store_idx %arg8[%parallel_loop3A_496, %add3A_56], %parallel_loop3A_521 {add = true} : memref<520x128xf32, #tpu.memory_space<vmem>>[vector<16xi32>, vector<16xi32>], vector<16xf32>,
        %parallel_loop3A_522 = arith.index_cast %parallel_loop3A_500 : i32 to index
        %parallel_loop3A_523 = arith.constant 112 : index
        %parallel_loop3A_524 = tpu.vector_load %arg7[%parallel_loop3A_522, %parallel_loop3A_523] {strides = array<i32>} : memref<128x128xf32, #tpu.memory_space<vmem>>, vector<16xf32>,
        tpu.vector_store_idx %arg8[%parallel_loop3A_496, %add3A_59], %parallel_loop3A_524 {add = true} : memref<520x128xf32, #tpu.memory_space<vmem>>[vector<16xi32>, vector<16xi32>], vector<16xf32>,
        %parallel_loop3A_525 = vector.extract_strided_slice %parallel_loop3A_183 {offsets = [11], sizes = [1], strides = [1]} : vector<16xi32> to vector<1xi32>
        %parallel_loop3A_526 = vector.extract %parallel_loop3A_525[0] : i32 from vector<1xi32>
        %parallel_loop3A_527 = vector.broadcast %parallel_loop3A_526 : i32 to vector<16xi32>
        %parallel_loop3A_528 = arith.constant 16 : i32
        %parallel_loop3A_529 = arith.muli %parallel_loop3A_165, %parallel_loop3A_528 : i32
        %parallel_loop3A_530 = arith.constant 11 : i32
        %parallel_loop3A_531 = arith.addi %parallel_loop3A_529, %parallel_loop3A_530 : i32
        %parallel_loop3A_532 = arith.index_cast %parallel_loop3A_531 : i32 to index
        %parallel_loop3A_533 = arith.constant 0 : index
        %parallel_loop3A_534 = tpu.vector_load %arg7[%parallel_loop3A_532, %parallel_loop3A_533] {strides = array<i32>} : memref<128x128xf32, #tpu.memory_space<vmem>>, vector<16xf32>,
        tpu.vector_store_idx %arg8[%parallel_loop3A_527, %add3A_38], %parallel_loop3A_534 {add = true} : memref<520x128xf32, #tpu.memory_space<vmem>>[vector<16xi32>, vector<16xi32>], vector<16xf32>,
        %parallel_loop3A_535 = arith.index_cast %parallel_loop3A_531 : i32 to index
        %parallel_loop3A_536 = arith.constant 16 : index
        %parallel_loop3A_537 = tpu.vector_load %arg7[%parallel_loop3A_535, %parallel_loop3A_536] {strides = array<i32>} : memref<128x128xf32, #tpu.memory_space<vmem>>, vector<16xf32>,
        tpu.vector_store_idx %arg8[%parallel_loop3A_527, %add3A_41], %parallel_loop3A_537 {add = true} : memref<520x128xf32, #tpu.memory_space<vmem>>[vector<16xi32>, vector<16xi32>], vector<16xf32>,
        %parallel_loop3A_538 = arith.index_cast %parallel_loop3A_531 : i32 to index
        %parallel_loop3A_539 = arith.constant 32 : index
        %parallel_loop3A_540 = tpu.vector_load %arg7[%parallel_loop3A_538, %parallel_loop3A_539] {strides = array<i32>} : memref<128x128xf32, #tpu.memory_space<vmem>>, vector<16xf32>,
        tpu.vector_store_idx %arg8[%parallel_loop3A_527, %add3A_44], %parallel_loop3A_540 {add = true} : memref<520x128xf32, #tpu.memory_space<vmem>>[vector<16xi32>, vector<16xi32>], vector<16xf32>,
        %parallel_loop3A_541 = arith.index_cast %parallel_loop3A_531 : i32 to index
        %parallel_loop3A_542 = arith.constant 48 : index
        %parallel_loop3A_543 = tpu.vector_load %arg7[%parallel_loop3A_541, %parallel_loop3A_542] {strides = array<i32>} : memref<128x128xf32, #tpu.memory_space<vmem>>, vector<16xf32>,
        tpu.vector_store_idx %arg8[%parallel_loop3A_527, %add3A_47], %parallel_loop3A_543 {add = true} : memref<520x128xf32, #tpu.memory_space<vmem>>[vector<16xi32>, vector<16xi32>], vector<16xf32>,
        %parallel_loop3A_544 = arith.index_cast %parallel_loop3A_531 : i32 to index
        %parallel_loop3A_545 = arith.constant 64 : index
        %parallel_loop3A_546 = tpu.vector_load %arg7[%parallel_loop3A_544, %parallel_loop3A_545] {strides = array<i32>} : memref<128x128xf32, #tpu.memory_space<vmem>>, vector<16xf32>,
        tpu.vector_store_idx %arg8[%parallel_loop3A_527, %add3A_50], %parallel_loop3A_546 {add = true} : memref<520x128xf32, #tpu.memory_space<vmem>>[vector<16xi32>, vector<16xi32>], vector<16xf32>,
        %parallel_loop3A_547 = arith.index_cast %parallel_loop3A_531 : i32 to index
        %parallel_loop3A_548 = arith.constant 80 : index
        %parallel_loop3A_549 = tpu.vector_load %arg7[%parallel_loop3A_547, %parallel_loop3A_548] {strides = array<i32>} : memref<128x128xf32, #tpu.memory_space<vmem>>, vector<16xf32>,
        tpu.vector_store_idx %arg8[%parallel_loop3A_527, %add3A_53], %parallel_loop3A_549 {add = true} : memref<520x128xf32, #tpu.memory_space<vmem>>[vector<16xi32>, vector<16xi32>], vector<16xf32>,
        %parallel_loop3A_550 = arith.index_cast %parallel_loop3A_531 : i32 to index
        %parallel_loop3A_551 = arith.constant 96 : index
        %parallel_loop3A_552 = tpu.vector_load %arg7[%parallel_loop3A_550, %parallel_loop3A_551] {strides = array<i32>} : memref<128x128xf32, #tpu.memory_space<vmem>>, vector<16xf32>,
        tpu.vector_store_idx %arg8[%parallel_loop3A_527, %add3A_56], %parallel_loop3A_552 {add = true} : memref<520x128xf32, #tpu.memory_space<vmem>>[vector<16xi32>, vector<16xi32>], vector<16xf32>,
        %parallel_loop3A_553 = arith.index_cast %parallel_loop3A_531 : i32 to index
        %parallel_loop3A_554 = arith.constant 112 : index
        %parallel_loop3A_555 = tpu.vector_load %arg7[%parallel_loop3A_553, %parallel_loop3A_554] {strides = array<i32>} : memref<128x128xf32, #tpu.memory_space<vmem>>, vector<16xf32>,
        tpu.vector_store_idx %arg8[%parallel_loop3A_527, %add3A_59], %parallel_loop3A_555 {add = true} : memref<520x128xf32, #tpu.memory_space<vmem>>[vector<16xi32>, vector<16xi32>], vector<16xf32>,
        %parallel_loop3A_556 = vector.extract_strided_slice %parallel_loop3A_183 {offsets = [12], sizes = [1], strides = [1]} : vector<16xi32> to vector<1xi32>
        %parallel_loop3A_557 = vector.extract %parallel_loop3A_556[0] : i32 from vector<1xi32>
        %parallel_loop3A_558 = vector.broadcast %parallel_loop3A_557 : i32 to vector<16xi32>
        %parallel_loop3A_559 = arith.constant 16 : i32
        %parallel_loop3A_560 = arith.muli %parallel_loop3A_165, %parallel_loop3A_559 : i32
        %parallel_loop3A_561 = arith.constant 12 : i32
        %parallel_loop3A_562 = arith.addi %parallel_loop3A_560, %parallel_loop3A_561 : i32
        %parallel_loop3A_563 = arith.index_cast %parallel_loop3A_562 : i32 to index
        %parallel_loop3A_564 = arith.constant 0 : index
        %parallel_loop3A_565 = tpu.vector_load %arg7[%parallel_loop3A_563, %parallel_loop3A_564] {strides = array<i32>} : memref<128x128xf32, #tpu.memory_space<vmem>>, vector<16xf32>,
        tpu.vector_store_idx %arg8[%parallel_loop3A_558, %add3A_38], %parallel_loop3A_565 {add = true} : memref<520x128xf32, #tpu.memory_space<vmem>>[vector<16xi32>, vector<16xi32>], vector<16xf32>,
        %parallel_loop3A_566 = arith.index_cast %parallel_loop3A_562 : i32 to index
        %parallel_loop3A_567 = arith.constant 16 : index
        %parallel_loop3A_568 = tpu.vector_load %arg7[%parallel_loop3A_566, %parallel_loop3A_567] {strides = array<i32>} : memref<128x128xf32, #tpu.memory_space<vmem>>, vector<16xf32>,
        tpu.vector_store_idx %arg8[%parallel_loop3A_558, %add3A_41], %parallel_loop3A_568 {add = true} : memref<520x128xf32, #tpu.memory_space<vmem>>[vector<16xi32>, vector<16xi32>], vector<16xf32>,
        %parallel_loop3A_569 = arith.index_cast %parallel_loop3A_562 : i32 to index
        %parallel_loop3A_570 = arith.constant 32 : index
        %parallel_loop3A_571 = tpu.vector_load %arg7[%parallel_loop3A_569, %parallel_loop3A_570] {strides = array<i32>} : memref<128x128xf32, #tpu.memory_space<vmem>>, vector<16xf32>,
        tpu.vector_store_idx %arg8[%parallel_loop3A_558, %add3A_44], %parallel_loop3A_571 {add = true} : memref<520x128xf32, #tpu.memory_space<vmem>>[vector<16xi32>, vector<16xi32>], vector<16xf32>,
        %parallel_loop3A_572 = arith.index_cast %parallel_loop3A_562 : i32 to index
        %parallel_loop3A_573 = arith.constant 48 : index
        %parallel_loop3A_574 = tpu.vector_load %arg7[%parallel_loop3A_572, %parallel_loop3A_573] {strides = array<i32>} : memref<128x128xf32, #tpu.memory_space<vmem>>, vector<16xf32>,
        tpu.vector_store_idx %arg8[%parallel_loop3A_558, %add3A_47], %parallel_loop3A_574 {add = true} : memref<520x128xf32, #tpu.memory_space<vmem>>[vector<16xi32>, vector<16xi32>], vector<16xf32>,
        %parallel_loop3A_575 = arith.index_cast %parallel_loop3A_562 : i32 to index
        %parallel_loop3A_576 = arith.constant 64 : index
        %parallel_loop3A_577 = tpu.vector_load %arg7[%parallel_loop3A_575, %parallel_loop3A_576] {strides = array<i32>} : memref<128x128xf32, #tpu.memory_space<vmem>>, vector<16xf32>,
        tpu.vector_store_idx %arg8[%parallel_loop3A_558, %add3A_50], %parallel_loop3A_577 {add = true} : memref<520x128xf32, #tpu.memory_space<vmem>>[vector<16xi32>, vector<16xi32>], vector<16xf32>,
        %parallel_loop3A_578 = arith.index_cast %parallel_loop3A_562 : i32 to index
        %parallel_loop3A_579 = arith.constant 80 : index
        %parallel_loop3A_580 = tpu.vector_load %arg7[%parallel_loop3A_578, %parallel_loop3A_579] {strides = array<i32>} : memref<128x128xf32, #tpu.memory_space<vmem>>, vector<16xf32>,
        tpu.vector_store_idx %arg8[%parallel_loop3A_558, %add3A_53], %parallel_loop3A_580 {add = true} : memref<520x128xf32, #tpu.memory_space<vmem>>[vector<16xi32>, vector<16xi32>], vector<16xf32>,
        %parallel_loop3A_581 = arith.index_cast %parallel_loop3A_562 : i32 to index
        %parallel_loop3A_582 = arith.constant 96 : index
        %parallel_loop3A_583 = tpu.vector_load %arg7[%parallel_loop3A_581, %parallel_loop3A_582] {strides = array<i32>} : memref<128x128xf32, #tpu.memory_space<vmem>>, vector<16xf32>,
        tpu.vector_store_idx %arg8[%parallel_loop3A_558, %add3A_56], %parallel_loop3A_583 {add = true} : memref<520x128xf32, #tpu.memory_space<vmem>>[vector<16xi32>, vector<16xi32>], vector<16xf32>,
        %parallel_loop3A_584 = arith.index_cast %parallel_loop3A_562 : i32 to index
        %parallel_loop3A_585 = arith.constant 112 : index
        %parallel_loop3A_586 = tpu.vector_load %arg7[%parallel_loop3A_584, %parallel_loop3A_585] {strides = array<i32>} : memref<128x128xf32, #tpu.memory_space<vmem>>, vector<16xf32>,
        tpu.vector_store_idx %arg8[%parallel_loop3A_558, %add3A_59], %parallel_loop3A_586 {add = true} : memref<520x128xf32, #tpu.memory_space<vmem>>[vector<16xi32>, vector<16xi32>], vector<16xf32>,
        %parallel_loop3A_587 = vector.extract_strided_slice %parallel_loop3A_183 {offsets = [13], sizes = [1], strides = [1]} : vector<16xi32> to vector<1xi32>
        %parallel_loop3A_588 = vector.extract %parallel_loop3A_587[0] : i32 from vector<1xi32>
        %parallel_loop3A_589 = vector.broadcast %parallel_loop3A_588 : i32 to vector<16xi32>
        %parallel_loop3A_590 = arith.constant 16 : i32
        %parallel_loop3A_591 = arith.muli %parallel_loop3A_165, %parallel_loop3A_590 : i32
        %parallel_loop3A_592 = arith.constant 13 : i32
        %parallel_loop3A_593 = arith.addi %parallel_loop3A_591, %parallel_loop3A_592 : i32
        %parallel_loop3A_594 = arith.index_cast %parallel_loop3A_593 : i32 to index
        %parallel_loop3A_595 = arith.constant 0 : index
        %parallel_loop3A_596 = tpu.vector_load %arg7[%parallel_loop3A_594, %parallel_loop3A_595] {strides = array<i32>} : memref<128x128xf32, #tpu.memory_space<vmem>>, vector<16xf32>,
        tpu.vector_store_idx %arg8[%parallel_loop3A_589, %add3A_38], %parallel_loop3A_596 {add = true} : memref<520x128xf32, #tpu.memory_space<vmem>>[vector<16xi32>, vector<16xi32>], vector<16xf32>,
        %parallel_loop3A_597 = arith.index_cast %parallel_loop3A_593 : i32 to index
        %parallel_loop3A_598 = arith.constant 16 : index
        %parallel_loop3A_599 = tpu.vector_load %arg7[%parallel_loop3A_597, %parallel_loop3A_598] {strides = array<i32>} : memref<128x128xf32, #tpu.memory_space<vmem>>, vector<16xf32>,
        tpu.vector_store_idx %arg8[%parallel_loop3A_589, %add3A_41], %parallel_loop3A_599 {add = true} : memref<520x128xf32, #tpu.memory_space<vmem>>[vector<16xi32>, vector<16xi32>], vector<16xf32>,
        %parallel_loop3A_600 = arith.index_cast %parallel_loop3A_593 : i32 to index
        %parallel_loop3A_601 = arith.constant 32 : index
        %parallel_loop3A_602 = tpu.vector_load %arg7[%parallel_loop3A_600, %parallel_loop3A_601] {strides = array<i32>} : memref<128x128xf32, #tpu.memory_space<vmem>>, vector<16xf32>,
        tpu.vector_store_idx %arg8[%parallel_loop3A_589, %add3A_44], %parallel_loop3A_602 {add = true} : memref<520x128xf32, #tpu.memory_space<vmem>>[vector<16xi32>, vector<16xi32>], vector<16xf32>,
        %parallel_loop3A_603 = arith.index_cast %parallel_loop3A_593 : i32 to index
        %parallel_loop3A_604 = arith.constant 48 : index
        %parallel_loop3A_605 = tpu.vector_load %arg7[%parallel_loop3A_603, %parallel_loop3A_604] {strides = array<i32>} : memref<128x128xf32, #tpu.memory_space<vmem>>, vector<16xf32>,
        tpu.vector_store_idx %arg8[%parallel_loop3A_589, %add3A_47], %parallel_loop3A_605 {add = true} : memref<520x128xf32, #tpu.memory_space<vmem>>[vector<16xi32>, vector<16xi32>], vector<16xf32>,
        %parallel_loop3A_606 = arith.index_cast %parallel_loop3A_593 : i32 to index
        %parallel_loop3A_607 = arith.constant 64 : index
        %parallel_loop3A_608 = tpu.vector_load %arg7[%parallel_loop3A_606, %parallel_loop3A_607] {strides = array<i32>} : memref<128x128xf32, #tpu.memory_space<vmem>>, vector<16xf32>,
        tpu.vector_store_idx %arg8[%parallel_loop3A_589, %add3A_50], %parallel_loop3A_608 {add = true} : memref<520x128xf32, #tpu.memory_space<vmem>>[vector<16xi32>, vector<16xi32>], vector<16xf32>,
        %parallel_loop3A_609 = arith.index_cast %parallel_loop3A_593 : i32 to index
        %parallel_loop3A_610 = arith.constant 80 : index
        %parallel_loop3A_611 = tpu.vector_load %arg7[%parallel_loop3A_609, %parallel_loop3A_610] {strides = array<i32>} : memref<128x128xf32, #tpu.memory_space<vmem>>, vector<16xf32>,
        tpu.vector_store_idx %arg8[%parallel_loop3A_589, %add3A_53], %parallel_loop3A_611 {add = true} : memref<520x128xf32, #tpu.memory_space<vmem>>[vector<16xi32>, vector<16xi32>], vector<16xf32>,
        %parallel_loop3A_612 = arith.index_cast %parallel_loop3A_593 : i32 to index
        %parallel_loop3A_613 = arith.constant 96 : index
        %parallel_loop3A_614 = tpu.vector_load %arg7[%parallel_loop3A_612, %parallel_loop3A_613] {strides = array<i32>} : memref<128x128xf32, #tpu.memory_space<vmem>>, vector<16xf32>,
        tpu.vector_store_idx %arg8[%parallel_loop3A_589, %add3A_56], %parallel_loop3A_614 {add = true} : memref<520x128xf32, #tpu.memory_space<vmem>>[vector<16xi32>, vector<16xi32>], vector<16xf32>,
        %parallel_loop3A_615 = arith.index_cast %parallel_loop3A_593 : i32 to index
        %parallel_loop3A_616 = arith.constant 112 : index
        %parallel_loop3A_617 = tpu.vector_load %arg7[%parallel_loop3A_615, %parallel_loop3A_616] {strides = array<i32>} : memref<128x128xf32, #tpu.memory_space<vmem>>, vector<16xf32>,
        tpu.vector_store_idx %arg8[%parallel_loop3A_589, %add3A_59], %parallel_loop3A_617 {add = true} : memref<520x128xf32, #tpu.memory_space<vmem>>[vector<16xi32>, vector<16xi32>], vector<16xf32>,
        %parallel_loop3A_618 = vector.extract_strided_slice %parallel_loop3A_183 {offsets = [14], sizes = [1], strides = [1]} : vector<16xi32> to vector<1xi32>
        %parallel_loop3A_619 = vector.extract %parallel_loop3A_618[0] : i32 from vector<1xi32>
        %parallel_loop3A_620 = vector.broadcast %parallel_loop3A_619 : i32 to vector<16xi32>
        %parallel_loop3A_621 = arith.constant 16 : i32
        %parallel_loop3A_622 = arith.muli %parallel_loop3A_165, %parallel_loop3A_621 : i32
        %parallel_loop3A_623 = arith.constant 14 : i32
        %parallel_loop3A_624 = arith.addi %parallel_loop3A_622, %parallel_loop3A_623 : i32
        %parallel_loop3A_625 = arith.index_cast %parallel_loop3A_624 : i32 to index
        %parallel_loop3A_626 = arith.constant 0 : index
        %parallel_loop3A_627 = tpu.vector_load %arg7[%parallel_loop3A_625, %parallel_loop3A_626] {strides = array<i32>} : memref<128x128xf32, #tpu.memory_space<vmem>>, vector<16xf32>,
        tpu.vector_store_idx %arg8[%parallel_loop3A_620, %add3A_38], %parallel_loop3A_627 {add = true} : memref<520x128xf32, #tpu.memory_space<vmem>>[vector<16xi32>, vector<16xi32>], vector<16xf32>,
        %parallel_loop3A_628 = arith.index_cast %parallel_loop3A_624 : i32 to index
        %parallel_loop3A_629 = arith.constant 16 : index
        %parallel_loop3A_630 = tpu.vector_load %arg7[%parallel_loop3A_628, %parallel_loop3A_629] {strides = array<i32>} : memref<128x128xf32, #tpu.memory_space<vmem>>, vector<16xf32>,
        tpu.vector_store_idx %arg8[%parallel_loop3A_620, %add3A_41], %parallel_loop3A_630 {add = true} : memref<520x128xf32, #tpu.memory_space<vmem>>[vector<16xi32>, vector<16xi32>], vector<16xf32>,
        %parallel_loop3A_631 = arith.index_cast %parallel_loop3A_624 : i32 to index
        %parallel_loop3A_632 = arith.constant 32 : index
        %parallel_loop3A_633 = tpu.vector_load %arg7[%parallel_loop3A_631, %parallel_loop3A_632] {strides = array<i32>} : memref<128x128xf32, #tpu.memory_space<vmem>>, vector<16xf32>,
        tpu.vector_store_idx %arg8[%parallel_loop3A_620, %add3A_44], %parallel_loop3A_633 {add = true} : memref<520x128xf32, #tpu.memory_space<vmem>>[vector<16xi32>, vector<16xi32>], vector<16xf32>,
        %parallel_loop3A_634 = arith.index_cast %parallel_loop3A_624 : i32 to index
        %parallel_loop3A_635 = arith.constant 48 : index
        %parallel_loop3A_636 = tpu.vector_load %arg7[%parallel_loop3A_634, %parallel_loop3A_635] {strides = array<i32>} : memref<128x128xf32, #tpu.memory_space<vmem>>, vector<16xf32>,
        tpu.vector_store_idx %arg8[%parallel_loop3A_620, %add3A_47], %parallel_loop3A_636 {add = true} : memref<520x128xf32, #tpu.memory_space<vmem>>[vector<16xi32>, vector<16xi32>], vector<16xf32>,
        %parallel_loop3A_637 = arith.index_cast %parallel_loop3A_624 : i32 to index
        %parallel_loop3A_638 = arith.constant 64 : index
        %parallel_loop3A_639 = tpu.vector_load %arg7[%parallel_loop3A_637, %parallel_loop3A_638] {strides = array<i32>} : memref<128x128xf32, #tpu.memory_space<vmem>>, vector<16xf32>,
        tpu.vector_store_idx %arg8[%parallel_loop3A_620, %add3A_50], %parallel_loop3A_639 {add = true} : memref<520x128xf32, #tpu.memory_space<vmem>>[vector<16xi32>, vector<16xi32>], vector<16xf32>,
        %parallel_loop3A_640 = arith.index_cast %parallel_loop3A_624 : i32 to index
        %parallel_loop3A_641 = arith.constant 80 : index
        %parallel_loop3A_642 = tpu.vector_load %arg7[%parallel_loop3A_640, %parallel_loop3A_641] {strides = array<i32>} : memref<128x128xf32, #tpu.memory_space<vmem>>, vector<16xf32>,
        tpu.vector_store_idx %arg8[%parallel_loop3A_620, %add3A_53], %parallel_loop3A_642 {add = true} : memref<520x128xf32, #tpu.memory_space<vmem>>[vector<16xi32>, vector<16xi32>], vector<16xf32>,
        %parallel_loop3A_643 = arith.index_cast %parallel_loop3A_624 : i32 to index
        %parallel_loop3A_644 = arith.constant 96 : index
        %parallel_loop3A_645 = tpu.vector_load %arg7[%parallel_loop3A_643, %parallel_loop3A_644] {strides = array<i32>} : memref<128x128xf32, #tpu.memory_space<vmem>>, vector<16xf32>,
        tpu.vector_store_idx %arg8[%parallel_loop3A_620, %add3A_56], %parallel_loop3A_645 {add = true} : memref<520x128xf32, #tpu.memory_space<vmem>>[vector<16xi32>, vector<16xi32>], vector<16xf32>,
        %parallel_loop3A_646 = arith.index_cast %parallel_loop3A_624 : i32 to index
        %parallel_loop3A_647 = arith.constant 112 : index
        %parallel_loop3A_648 = tpu.vector_load %arg7[%parallel_loop3A_646, %parallel_loop3A_647] {strides = array<i32>} : memref<128x128xf32, #tpu.memory_space<vmem>>, vector<16xf32>,
        tpu.vector_store_idx %arg8[%parallel_loop3A_620, %add3A_59], %parallel_loop3A_648 {add = true} : memref<520x128xf32, #tpu.memory_space<vmem>>[vector<16xi32>, vector<16xi32>], vector<16xf32>,
        %parallel_loop3A_649 = vector.extract_strided_slice %parallel_loop3A_183 {offsets = [15], sizes = [1], strides = [1]} : vector<16xi32> to vector<1xi32>
        %parallel_loop3A_650 = vector.extract %parallel_loop3A_649[0] : i32 from vector<1xi32>
        %parallel_loop3A_651 = vector.broadcast %parallel_loop3A_650 : i32 to vector<16xi32>
        %parallel_loop3A_652 = arith.constant 16 : i32
        %parallel_loop3A_653 = arith.muli %parallel_loop3A_165, %parallel_loop3A_652 : i32
        %parallel_loop3A_654 = arith.constant 15 : i32
        %parallel_loop3A_655 = arith.addi %parallel_loop3A_653, %parallel_loop3A_654 : i32
        %parallel_loop3A_656 = arith.index_cast %parallel_loop3A_655 : i32 to index
        %parallel_loop3A_657 = arith.constant 0 : index
        %parallel_loop3A_658 = tpu.vector_load %arg7[%parallel_loop3A_656, %parallel_loop3A_657] {strides = array<i32>} : memref<128x128xf32, #tpu.memory_space<vmem>>, vector<16xf32>,
        tpu.vector_store_idx %arg8[%parallel_loop3A_651, %add3A_38], %parallel_loop3A_658 {add = true} : memref<520x128xf32, #tpu.memory_space<vmem>>[vector<16xi32>, vector<16xi32>], vector<16xf32>,
        %parallel_loop3A_659 = arith.index_cast %parallel_loop3A_655 : i32 to index
        %parallel_loop3A_660 = arith.constant 16 : index
        %parallel_loop3A_661 = tpu.vector_load %arg7[%parallel_loop3A_659, %parallel_loop3A_660] {strides = array<i32>} : memref<128x128xf32, #tpu.memory_space<vmem>>, vector<16xf32>,
        tpu.vector_store_idx %arg8[%parallel_loop3A_651, %add3A_41], %parallel_loop3A_661 {add = true} : memref<520x128xf32, #tpu.memory_space<vmem>>[vector<16xi32>, vector<16xi32>], vector<16xf32>,
        %parallel_loop3A_662 = arith.index_cast %parallel_loop3A_655 : i32 to index
        %parallel_loop3A_663 = arith.constant 32 : index
        %parallel_loop3A_664 = tpu.vector_load %arg7[%parallel_loop3A_662, %parallel_loop3A_663] {strides = array<i32>} : memref<128x128xf32, #tpu.memory_space<vmem>>, vector<16xf32>,
        tpu.vector_store_idx %arg8[%parallel_loop3A_651, %add3A_44], %parallel_loop3A_664 {add = true} : memref<520x128xf32, #tpu.memory_space<vmem>>[vector<16xi32>, vector<16xi32>], vector<16xf32>,
        %parallel_loop3A_665 = arith.index_cast %parallel_loop3A_655 : i32 to index
        %parallel_loop3A_666 = arith.constant 48 : index
        %parallel_loop3A_667 = tpu.vector_load %arg7[%parallel_loop3A_665, %parallel_loop3A_666] {strides = array<i32>} : memref<128x128xf32, #tpu.memory_space<vmem>>, vector<16xf32>,
        tpu.vector_store_idx %arg8[%parallel_loop3A_651, %add3A_47], %parallel_loop3A_667 {add = true} : memref<520x128xf32, #tpu.memory_space<vmem>>[vector<16xi32>, vector<16xi32>], vector<16xf32>,
        %parallel_loop3A_668 = arith.index_cast %parallel_loop3A_655 : i32 to index
        %parallel_loop3A_669 = arith.constant 64 : index
        %parallel_loop3A_670 = tpu.vector_load %arg7[%parallel_loop3A_668, %parallel_loop3A_669] {strides = array<i32>} : memref<128x128xf32, #tpu.memory_space<vmem>>, vector<16xf32>,
        tpu.vector_store_idx %arg8[%parallel_loop3A_651, %add3A_50], %parallel_loop3A_670 {add = true} : memref<520x128xf32, #tpu.memory_space<vmem>>[vector<16xi32>, vector<16xi32>], vector<16xf32>,
        %parallel_loop3A_671 = arith.index_cast %parallel_loop3A_655 : i32 to index
        %parallel_loop3A_672 = arith.constant 80 : index
        %parallel_loop3A_673 = tpu.vector_load %arg7[%parallel_loop3A_671, %parallel_loop3A_672] {strides = array<i32>} : memref<128x128xf32, #tpu.memory_space<vmem>>, vector<16xf32>,
        tpu.vector_store_idx %arg8[%parallel_loop3A_651, %add3A_53], %parallel_loop3A_673 {add = true} : memref<520x128xf32, #tpu.memory_space<vmem>>[vector<16xi32>, vector<16xi32>], vector<16xf32>,
        %parallel_loop3A_674 = arith.index_cast %parallel_loop3A_655 : i32 to index
        %parallel_loop3A_675 = arith.constant 96 : index
        %parallel_loop3A_676 = tpu.vector_load %arg7[%parallel_loop3A_674, %parallel_loop3A_675] {strides = array<i32>} : memref<128x128xf32, #tpu.memory_space<vmem>>, vector<16xf32>,
        tpu.vector_store_idx %arg8[%parallel_loop3A_651, %add3A_56], %parallel_loop3A_676 {add = true} : memref<520x128xf32, #tpu.memory_space<vmem>>[vector<16xi32>, vector<16xi32>], vector<16xf32>,
        %parallel_loop3A_677 = arith.index_cast %parallel_loop3A_655 : i32 to index
        %parallel_loop3A_678 = arith.constant 112 : index
        %parallel_loop3A_679 = tpu.vector_load %arg7[%parallel_loop3A_677, %parallel_loop3A_678] {strides = array<i32>} : memref<128x128xf32, #tpu.memory_space<vmem>>, vector<16xf32>,
        tpu.vector_store_idx %arg8[%parallel_loop3A_651, %add3A_59], %parallel_loop3A_679 {add = true} : memref<520x128xf32, #tpu.memory_space<vmem>>[vector<16xi32>, vector<16xi32>], vector<16xf32>,
      } {sc.loop_unroll_factor = 3 : i64, sc.parallel_access}
      %add3A_158 = arith.constant 2 : i32
      %add3A_159 = arith.addi %add3A_137, %add3A_158 : i32
      %lt3A_160 = arith.constant 128 : i32
      %lt3A_161 = arith.cmpi slt, %add3A_159, %lt3A_160 : i32
      %convert_element_type3A_162 = arith.extui %lt3A_161 : i1 to i32
      %cond3A_163 = arith.constant 0 : i32
      %cond3A_164 = arith.cmpi ne, %convert_element_type3A_162, %cond3A_163 : i32
      scf.if %cond3A_164 {
        %add3A_165 = arith.constant 2 : i32
        %add3A_166 = arith.addi %add3A_137, %add3A_165 : i32
        %mul3A_167 = arith.constant 128 : i32
        %mul3A_168 = arith.muli %add3A_166, %mul3A_167 : i32
        %dma_start3A_169 = tpu.memref_slice %arg2[%mul3A_168, %multiple_of3A] : memref<16384x1024xf32, #tpu.memory_space<hbm>> -> memref<128x128xf32, #tpu.memory_space<hbm>>
        %dma_start3A_170 = tpu.memref_slice %arg2[%mul3A_168, %multiple_of3A] : memref<16384x1024xf32, #tpu.memory_space<hbm>> -> memref<128x128xf32, #tpu.memory_space<hbm>>
        tpu.enqueue_dma source(%dma_start3A_170 : memref<128x128xf32, #tpu.memory_space<hbm>>) target(%arg7 : memref<128x128xf32, #tpu.memory_space<vmem>>) target_semaphore(%arg10 : memref<!tpu.dma_semaphore, #tpu.memory_space<semaphore_mem>>)
        %add3A_171 = arith.constant 2 : i32
        %add3A_172 = arith.addi %add3A_137, %add3A_171 : i32
        %dma_start3A_173 = arith.constant 1 : i32
        %dma_start3A_174 = arith.constant 0 : i32
        %dma_start3A_175 = tpu.memref_slice %arg5[%dma_start3A_173, %dma_start3A_174] : memref<2x128xi32, #tpu.memory_space<vmem>> -> memref<1x128xi32, #tpu.memory_space<vmem>>
        %dma_start3A_176 = tpu.memref_squeeze %dma_start3A_175 : memref<1x128xi32, #tpu.memory_space<vmem>> -> memref<128xi32, #tpu.memory_space<vmem>>
        %dma_start3A_177 = arith.constant 0 : i32
        %dma_start3A_178 = tpu.memref_slice %arg3[%add3A_172, %dma_start3A_177] : memref<128x128xi32, #tpu.memory_space<hbm>> -> memref<1x128xi32, #tpu.memory_space<hbm>>
        %dma_start3A_179 = tpu.memref_squeeze %dma_start3A_178 : memref<1x128xi32, #tpu.memory_space<hbm>> -> memref<128xi32, #tpu.memory_space<hbm>>
        %dma_start3A_180 = arith.constant 0 : i32
        %dma_start3A_181 = tpu.memref_slice %arg5[%dma_start3A_173, %dma_start3A_180] : memref<2x128xi32, #tpu.memory_space<vmem>> -> memref<1x128xi32, #tpu.memory_space<vmem>>
        %dma_start3A_182 = tpu.memref_squeeze %dma_start3A_181 : memref<1x128xi32, #tpu.memory_space<vmem>> -> memref<128xi32, #tpu.memory_space<vmem>>
        %dma_start3A_183 = arith.constant 0 : i32
        %dma_start3A_184 = tpu.memref_slice %arg3[%add3A_172, %dma_start3A_183] : memref<128x128xi32, #tpu.memory_space<hbm>> -> memref<1x128xi32, #tpu.memory_space<hbm>>
        %dma_start3A_185 = tpu.memref_squeeze %dma_start3A_184 : memref<1x128xi32, #tpu.memory_space<hbm>> -> memref<128xi32, #tpu.memory_space<hbm>>
        tpu.enqueue_dma source(%dma_start3A_185 : memref<128xi32, #tpu.memory_space<hbm>>) target(%dma_start3A_182 : memref<128xi32, #tpu.memory_space<vmem>>) target_semaphore(%arg12 : memref<!tpu.dma_semaphore, #tpu.memory_space<semaphore_mem>>)
      } else {
      }
    }
    %scan3A_105 = arith.constant 64 : i32
    "tpu.region"() ({
      %run_scoped3A = tpu.sem_alloc : memref<!tpu.dma_semaphore, #tpu.memory_space<semaphore_mem>>
      %dma_start3A_106 = arith.constant 0 : i32
      %dma_start3A_107 = arith.constant 0 : i32
      %dma_start3A_108 = tpu.memref_slice %arg8[%dma_start3A_106, %dma_start3A_107] : memref<520x128xf32, #tpu.memory_space<vmem>> -> memref<512x128xf32, #tpu.memory_space<vmem>>
      %dma_start3A_109 = tpu.memref_slice %arg4[%mul3A_34, %multiple_of3A] : memref<2048x1024xf32, #tpu.memory_space<hbm>> -> memref<512x128xf32, #tpu.memory_space<hbm>>
      %dma_start3A_110 = tpu.memref_slice %arg4[%mul3A_34, %multiple_of3A] : memref<2048x1024xf32, #tpu.memory_space<hbm>> -> memref<512x128xf32, #tpu.memory_space<hbm>>
      %dma_start3A_111 = arith.constant 0 : i32
      %dma_start3A_112 = arith.constant 0 : i32
      %dma_start3A_113 = tpu.memref_slice %arg8[%dma_start3A_111, %dma_start3A_112] : memref<520x128xf32, #tpu.memory_space<vmem>> -> memref<512x128xf32, #tpu.memory_space<vmem>>
      tpu.enqueue_dma source(%dma_start3A_113 : memref<512x128xf32, #tpu.memory_space<vmem>>) target(%dma_start3A_110 : memref<512x128xf32, #tpu.memory_space<hbm>>) target_semaphore(%run_scoped3A : memref<!tpu.dma_semaphore, #tpu.memory_space<semaphore_mem>>)
      %dma_wait3A = arith.constant 0 : i32
      %dma_wait3A_114 = arith.constant 0 : i32
      %dma_wait3A_115 = tpu.memref_slice %arg8[%dma_wait3A, %dma_wait3A_114] : memref<520x128xf32, #tpu.memory_space<vmem>> -> memref<512x128xf32, #tpu.memory_space<vmem>>
      %dma_wait3A_116 = tpu.memref_slice %arg4[%mul3A_34, %multiple_of3A] : memref<2048x1024xf32, #tpu.memory_space<hbm>> -> memref<512x128xf32, #tpu.memory_space<hbm>>
      %dma_wait3A_117 = tpu.memref_slice %arg4[%mul3A_34, %multiple_of3A] : memref<2048x1024xf32, #tpu.memory_space<hbm>> -> memref<512x128xf32, #tpu.memory_space<hbm>>
      %dma_wait3A_118 = arith.constant 0 : i32
      %dma_wait3A_119 = arith.constant 0 : i32
      %dma_wait3A_120 = tpu.memref_slice %arg8[%dma_wait3A_118, %dma_wait3A_119] : memref<520x128xf32, #tpu.memory_space<vmem>> -> memref<512x128xf32, #tpu.memory_space<vmem>>
      tpu.wait_dma2 semaphore(%run_scoped3A : memref<!tpu.dma_semaphore, #tpu.memory_space<semaphore_mem>>) src(%dma_wait3A_120 : memref<512x128xf32, #tpu.memory_space<vmem>>) dst(%dma_wait3A_117 : memref<512x128xf32, #tpu.memory_space<hbm>>)
      tpu.yield
    }) : () -> ()
    return
  }
}

module attributes {stable_mosaic.version = 14 : i64} {
  func.func @_dist_body(%arg0: i32, %arg1: i32, %arg2: memref<2048x1024xf32, #tpu.memory_space<vmem>>, %arg3: memref<512x1024xbf16, #tpu.memory_space<vmem>>, %arg4: memref<1x512xf32, #tpu.memory_space<vmem>>, %arg5: memref<2048x512xf32, #tpu.memory_space<vmem>>) attributes {dimension_semantics = [#tpu.dimension_semantics<arbitrary>, #tpu.dimension_semantics<arbitrary>], iteration_bounds = array<i64: 8, 4>, scalar_prefetch = 0 : i64, scratch_operands = 0 : i64, tpu.core_type = #tpu.core_type<tc>, window_params = [{transform_indices = @transform_0, window_bounds = array<i64: 2048, 1024>}, {transform_indices = @transform_1, window_bounds = array<i64: 512, 1024>}, {transform_indices = @transform_2, window_bounds = array<i64: 1, 512>}, {transform_indices = @transform_3, window_bounds = array<i64: 2048, 512>}]} {
    %get3A = arith.constant 0 : index
    %get3A_0 = arith.constant 0 : index
    %get3A_1 = vector.load %arg2[%get3A, %get3A_0] : memref<2048x1024xf32, #tpu.memory_space<vmem>>, vector<2048x1024xf32>
    %convert_element_type3A = arith.truncf %get3A_1 : vector<2048x1024xf32> to vector<2048x1024xbf16>
    %get3A_2 = arith.constant 0 : index
    %get3A_3 = arith.constant 0 : index
    %get3A_4 = vector.load %arg3[%get3A_2, %get3A_3] : memref<512x1024xbf16, #tpu.memory_space<vmem>>, vector<512x1024xbf16>
    %dot_general3A = arith.constant dense<0.000000e+00> : vector<2048x512xf32>
    %dot_general3A_5 = tpu.matmul %convert_element_type3A, %get3A_4, %dot_general3A {dimension_numbers = #tpu.dot_dimension_numbers<[1], [1], [0], [0], [0, 0, 1, 0], [], []>, transpose_lhs_hint = false} : vector<2048x1024xbf16>, vector<512x1024xbf16>, vector<2048x512xf32> -> vector<2048x512xf32>
    %mul3A = arith.mulf %get3A_1, %get3A_1 : vector<2048x1024xf32>
    %reduce_sum3A = arith.constant dense<0.000000e+00> : vector<2048xf32>
    %reduce_sum3A_6 = vector.multi_reduction <add>, %mul3A, %reduce_sum3A [1] : vector<2048x1024xf32> to vector<2048xf32>
    %broadcast_in_dim3A = vector.shape_cast %reduce_sum3A_6 : vector<2048xf32> to vector<2048x1xf32>
    %get3A_7 = arith.constant 0 : index
    %get3A_8 = arith.constant 0 : index
    %get3A_9 = vector.load %arg4[%get3A_7, %get3A_8] : memref<1x512xf32, #tpu.memory_space<vmem>>, vector<1x512xf32>
    %add3A = vector.broadcast %broadcast_in_dim3A : vector<2048x1xf32> to vector<2048x512xf32>
    %add3A_10 = vector.broadcast %get3A_9 : vector<1x512xf32> to vector<2048x512xf32>
    %add3A_11 = arith.addf %add3A, %add3A_10 : vector<2048x512xf32>
    %mul3A_12 = arith.constant 2.000000e+00 : f32
    %mul3A_13 = vector.broadcast %mul3A_12 : f32 to vector<2048x512xf32>
    %mul3A_14 = arith.mulf %mul3A_13, %dot_general3A_5 : vector<2048x512xf32>
    %sub3A = arith.subf %add3A_11, %mul3A_14 : vector<2048x512xf32>
    %max3A = arith.constant 0.000000e+00 : f32
    %max3A_15 = vector.broadcast %max3A : f32 to vector<2048x512xf32>
    %max3A_16 = arith.maximumf %sub3A, %max3A_15 : vector<2048x512xf32>
    %neg3A = arith.constant 0.000000e+00 : f32
    %neg3A_17 = vector.broadcast %neg3A : f32 to vector<2048x512xf32>
    %neg3A_18 = arith.subf %neg3A_17, %max3A_16 : vector<2048x512xf32>
    %swap3A = arith.constant 0 : index
    %swap3A_19 = arith.constant 0 : index
    %swap3A_20 = vector.load %arg5[%swap3A, %swap3A_19] : memref<2048x512xf32, #tpu.memory_space<vmem>>, vector<2048x512xf32>
    tpu.vector_store %arg5[%swap3A, %swap3A_19], %neg3A_18 {strides = array<i32>} : memref<2048x512xf32, #tpu.memory_space<vmem>>, vector<2048x512xf32>,
    return
  }
  func.func @transform_0(%arg0: i32, %arg1: i32) -> (i32, i32) {
    %c0_i32 = arith.constant 0 : i32
    %c0_i32_0 = arith.constant 0 : i32
    return %arg0, %c0_i32 : i32, i32
  }
  func.func @transform_1(%arg0: i32, %arg1: i32) -> (i32, i32) {
    %c0_i32 = arith.constant 0 : i32
    %c0_i32_0 = arith.constant 0 : i32
    return %arg1, %c0_i32 : i32, i32
  }
  func.func @transform_2(%arg0: i32, %arg1: i32) -> (i32, i32) {
    %c0_i32 = arith.constant 0 : i32
    %c0_i32_0 = arith.constant 0 : i32
    return %c0_i32, %arg1 : i32, i32
  }
  func.func @transform_3(%arg0: i32, %arg1: i32) -> (i32, i32) {
    %c0_i32 = arith.constant 0 : i32
    return %arg0, %arg1 : i32, i32
  }
}

module attributes {stable_mosaic.version = 14 : i64} {
  func.func @_update_body(%arg0: i32, %arg1: memref<256x1024xf32, #tpu.memory_space<vmem>>, %arg2: memref<256x1024xf32, #tpu.memory_space<vmem>>, %arg3: memref<1x16384xi32, #tpu.memory_space<vmem>>, %arg4: memref<256x1xf32, #tpu.memory_space<vmem>>, %arg5: memref<256x1024xbf16, #tpu.memory_space<vmem>>, %arg6: memref<256x1xf32, #tpu.memory_space<vmem>>) attributes {dimension_semantics = [#tpu.dimension_semantics<arbitrary>], iteration_bounds = array<i64: 8>, scalar_prefetch = 0 : i64, scratch_operands = 0 : i64, tpu.core_type = #tpu.core_type<tc>, window_params = [{transform_indices = @transform_0, window_bounds = array<i64: 256, 1024>}, {transform_indices = @transform_1, window_bounds = array<i64: 256, 1024>}, {pipeline_mode = #tpu.pipeline_mode<synchronous>, transform_indices = @transform_2, window_bounds = array<i64: 1, 16384>}, {transform_indices = @transform_3, window_bounds = array<i64: 256, 1>}, {transform_indices = @transform_4, window_bounds = array<i64: 256, 1024>}, {transform_indices = @transform_5, window_bounds = array<i64: 256, 1>}]} {
    %mul3A = arith.constant 256 : i32
    %mul3A_0 = arith.muli %mul3A, %arg0 : i32
    %iota3A = tpu.iota {dimensions = array<i32: 0>} : vector<256x1xi32>
    %add3A = vector.broadcast %mul3A_0 : i32 to vector<256x1xi32>
    %add3A_1 = arith.addi %add3A, %iota3A : vector<256x1xi32>
    %broadcast_in_dim3A = arith.constant 0.000000e+00 : f32
    %broadcast_in_dim3A_2 = vector.broadcast %broadcast_in_dim3A : f32 to vector<256x1xf32>
    %get3A = arith.constant 0 : index
    %get3A_3 = arith.constant 0 : index
    %get3A_4 = vector.load %arg3[%get3A, %get3A_3] : memref<1x16384xi32, #tpu.memory_space<vmem>>, vector<1x2048xi32>
    %eq3A = vector.broadcast %get3A_4 : vector<1x2048xi32> to vector<256x2048xi32>
    %eq3A_5 = vector.broadcast %add3A_1 : vector<256x1xi32> to vector<256x2048xi32>
    %eq3A_6 = arith.cmpi eq, %eq3A, %eq3A_5 : vector<256x2048xi32>
    %convert_element_type3A = arith.extui %eq3A_6 : vector<256x2048xi1> to vector<256x2048xi32>
    %convert_element_type3A_7 = arith.sitofp %convert_element_type3A : vector<256x2048xi32> to vector<256x2048xf32>
    %reduce_sum3A = arith.constant dense<0.000000e+00> : vector<256xf32>
    %reduce_sum3A_8 = vector.multi_reduction <add>, %convert_element_type3A_7, %reduce_sum3A [1] : vector<256x2048xf32> to vector<256xf32>
    %broadcast_in_dim3A_9 = vector.shape_cast %reduce_sum3A_8 : vector<256xf32> to vector<256x1xf32>
    %add3A_10 = arith.addf %broadcast_in_dim3A_2, %broadcast_in_dim3A_9 : vector<256x1xf32>
    %get3A_11 = arith.constant 0 : index
    %get3A_12 = arith.constant 2048 : index
    %get3A_13 = vector.load %arg3[%get3A_11, %get3A_12] : memref<1x16384xi32, #tpu.memory_space<vmem>>, vector<1x2048xi32>
    %eq3A_14 = vector.broadcast %get3A_13 : vector<1x2048xi32> to vector<256x2048xi32>
    %eq3A_15 = vector.broadcast %add3A_1 : vector<256x1xi32> to vector<256x2048xi32>
    %eq3A_16 = arith.cmpi eq, %eq3A_14, %eq3A_15 : vector<256x2048xi32>
    %convert_element_type3A_17 = arith.extui %eq3A_16 : vector<256x2048xi1> to vector<256x2048xi32>
    %convert_element_type3A_18 = arith.sitofp %convert_element_type3A_17 : vector<256x2048xi32> to vector<256x2048xf32>
    %reduce_sum3A_19 = arith.constant dense<0.000000e+00> : vector<256xf32>
    %reduce_sum3A_20 = vector.multi_reduction <add>, %convert_element_type3A_18, %reduce_sum3A_19 [1] : vector<256x2048xf32> to vector<256xf32>
    %broadcast_in_dim3A_21 = vector.shape_cast %reduce_sum3A_20 : vector<256xf32> to vector<256x1xf32>
    %add3A_22 = arith.addf %add3A_10, %broadcast_in_dim3A_21 : vector<256x1xf32>
    %get3A_23 = arith.constant 0 : index
    %get3A_24 = arith.constant 4096 : index
    %get3A_25 = vector.load %arg3[%get3A_23, %get3A_24] : memref<1x16384xi32, #tpu.memory_space<vmem>>, vector<1x2048xi32>
    %eq3A_26 = vector.broadcast %get3A_25 : vector<1x2048xi32> to vector<256x2048xi32>
    %eq3A_27 = vector.broadcast %add3A_1 : vector<256x1xi32> to vector<256x2048xi32>
    %eq3A_28 = arith.cmpi eq, %eq3A_26, %eq3A_27 : vector<256x2048xi32>
    %convert_element_type3A_29 = arith.extui %eq3A_28 : vector<256x2048xi1> to vector<256x2048xi32>
    %convert_element_type3A_30 = arith.sitofp %convert_element_type3A_29 : vector<256x2048xi32> to vector<256x2048xf32>
    %reduce_sum3A_31 = arith.constant dense<0.000000e+00> : vector<256xf32>
    %reduce_sum3A_32 = vector.multi_reduction <add>, %convert_element_type3A_30, %reduce_sum3A_31 [1] : vector<256x2048xf32> to vector<256xf32>
    %broadcast_in_dim3A_33 = vector.shape_cast %reduce_sum3A_32 : vector<256xf32> to vector<256x1xf32>
    %add3A_34 = arith.addf %add3A_22, %broadcast_in_dim3A_33 : vector<256x1xf32>
    %get3A_35 = arith.constant 0 : index
    %get3A_36 = arith.constant 6144 : index
    %get3A_37 = vector.load %arg3[%get3A_35, %get3A_36] : memref<1x16384xi32, #tpu.memory_space<vmem>>, vector<1x2048xi32>
    %eq3A_38 = vector.broadcast %get3A_37 : vector<1x2048xi32> to vector<256x2048xi32>
    %eq3A_39 = vector.broadcast %add3A_1 : vector<256x1xi32> to vector<256x2048xi32>
    %eq3A_40 = arith.cmpi eq, %eq3A_38, %eq3A_39 : vector<256x2048xi32>
    %convert_element_type3A_41 = arith.extui %eq3A_40 : vector<256x2048xi1> to vector<256x2048xi32>
    %convert_element_type3A_42 = arith.sitofp %convert_element_type3A_41 : vector<256x2048xi32> to vector<256x2048xf32>
    %reduce_sum3A_43 = arith.constant dense<0.000000e+00> : vector<256xf32>
    %reduce_sum3A_44 = vector.multi_reduction <add>, %convert_element_type3A_42, %reduce_sum3A_43 [1] : vector<256x2048xf32> to vector<256xf32>
    %broadcast_in_dim3A_45 = vector.shape_cast %reduce_sum3A_44 : vector<256xf32> to vector<256x1xf32>
    %add3A_46 = arith.addf %add3A_34, %broadcast_in_dim3A_45 : vector<256x1xf32>
    %get3A_47 = arith.constant 0 : index
    %get3A_48 = arith.constant 8192 : index
    %get3A_49 = vector.load %arg3[%get3A_47, %get3A_48] : memref<1x16384xi32, #tpu.memory_space<vmem>>, vector<1x2048xi32>
    %eq3A_50 = vector.broadcast %get3A_49 : vector<1x2048xi32> to vector<256x2048xi32>
    %eq3A_51 = vector.broadcast %add3A_1 : vector<256x1xi32> to vector<256x2048xi32>
    %eq3A_52 = arith.cmpi eq, %eq3A_50, %eq3A_51 : vector<256x2048xi32>
    %convert_element_type3A_53 = arith.extui %eq3A_52 : vector<256x2048xi1> to vector<256x2048xi32>
    %convert_element_type3A_54 = arith.sitofp %convert_element_type3A_53 : vector<256x2048xi32> to vector<256x2048xf32>
    %reduce_sum3A_55 = arith.constant dense<0.000000e+00> : vector<256xf32>
    %reduce_sum3A_56 = vector.multi_reduction <add>, %convert_element_type3A_54, %reduce_sum3A_55 [1] : vector<256x2048xf32> to vector<256xf32>
    %broadcast_in_dim3A_57 = vector.shape_cast %reduce_sum3A_56 : vector<256xf32> to vector<256x1xf32>
    %add3A_58 = arith.addf %add3A_46, %broadcast_in_dim3A_57 : vector<256x1xf32>
    %get3A_59 = arith.constant 0 : index
    %get3A_60 = arith.constant 10240 : index
    %get3A_61 = vector.load %arg3[%get3A_59, %get3A_60] : memref<1x16384xi32, #tpu.memory_space<vmem>>, vector<1x2048xi32>
    %eq3A_62 = vector.broadcast %get3A_61 : vector<1x2048xi32> to vector<256x2048xi32>
    %eq3A_63 = vector.broadcast %add3A_1 : vector<256x1xi32> to vector<256x2048xi32>
    %eq3A_64 = arith.cmpi eq, %eq3A_62, %eq3A_63 : vector<256x2048xi32>
    %convert_element_type3A_65 = arith.extui %eq3A_64 : vector<256x2048xi1> to vector<256x2048xi32>
    %convert_element_type3A_66 = arith.sitofp %convert_element_type3A_65 : vector<256x2048xi32> to vector<256x2048xf32>
    %reduce_sum3A_67 = arith.constant dense<0.000000e+00> : vector<256xf32>
    %reduce_sum3A_68 = vector.multi_reduction <add>, %convert_element_type3A_66, %reduce_sum3A_67 [1] : vector<256x2048xf32> to vector<256xf32>
    %broadcast_in_dim3A_69 = vector.shape_cast %reduce_sum3A_68 : vector<256xf32> to vector<256x1xf32>
    %add3A_70 = arith.addf %add3A_58, %broadcast_in_dim3A_69 : vector<256x1xf32>
    %get3A_71 = arith.constant 0 : index
    %get3A_72 = arith.constant 12288 : index
    %get3A_73 = vector.load %arg3[%get3A_71, %get3A_72] : memref<1x16384xi32, #tpu.memory_space<vmem>>, vector<1x2048xi32>
    %eq3A_74 = vector.broadcast %get3A_73 : vector<1x2048xi32> to vector<256x2048xi32>
    %eq3A_75 = vector.broadcast %add3A_1 : vector<256x1xi32> to vector<256x2048xi32>
    %eq3A_76 = arith.cmpi eq, %eq3A_74, %eq3A_75 : vector<256x2048xi32>
    %convert_element_type3A_77 = arith.extui %eq3A_76 : vector<256x2048xi1> to vector<256x2048xi32>
    %convert_element_type3A_78 = arith.sitofp %convert_element_type3A_77 : vector<256x2048xi32> to vector<256x2048xf32>
    %reduce_sum3A_79 = arith.constant dense<0.000000e+00> : vector<256xf32>
    %reduce_sum3A_80 = vector.multi_reduction <add>, %convert_element_type3A_78, %reduce_sum3A_79 [1] : vector<256x2048xf32> to vector<256xf32>
    %broadcast_in_dim3A_81 = vector.shape_cast %reduce_sum3A_80 : vector<256xf32> to vector<256x1xf32>
    %add3A_82 = arith.addf %add3A_70, %broadcast_in_dim3A_81 : vector<256x1xf32>
    %get3A_83 = arith.constant 0 : index
    %get3A_84 = arith.constant 14336 : index
    %get3A_85 = vector.load %arg3[%get3A_83, %get3A_84] : memref<1x16384xi32, #tpu.memory_space<vmem>>, vector<1x2048xi32>
    %eq3A_86 = vector.broadcast %get3A_85 : vector<1x2048xi32> to vector<256x2048xi32>
    %eq3A_87 = vector.broadcast %add3A_1 : vector<256x1xi32> to vector<256x2048xi32>
    %eq3A_88 = arith.cmpi eq, %eq3A_86, %eq3A_87 : vector<256x2048xi32>
    %convert_element_type3A_89 = arith.extui %eq3A_88 : vector<256x2048xi1> to vector<256x2048xi32>
    %convert_element_type3A_90 = arith.sitofp %convert_element_type3A_89 : vector<256x2048xi32> to vector<256x2048xf32>
    %reduce_sum3A_91 = arith.constant dense<0.000000e+00> : vector<256xf32>
    %reduce_sum3A_92 = vector.multi_reduction <add>, %convert_element_type3A_90, %reduce_sum3A_91 [1] : vector<256x2048xf32> to vector<256xf32>
    %broadcast_in_dim3A_93 = vector.shape_cast %reduce_sum3A_92 : vector<256xf32> to vector<256x1xf32>
    %add3A_94 = arith.addf %add3A_82, %broadcast_in_dim3A_93 : vector<256x1xf32>
    %get3A_95 = arith.constant 0 : index
    %get3A_96 = arith.constant 0 : index
    %get3A_97 = vector.load %arg4[%get3A_95, %get3A_96] : memref<256x1xf32, #tpu.memory_space<vmem>>, vector<256x1xf32>
    %get3A_98 = arith.constant 0 : index
    %get3A_99 = arith.constant 0 : index
    %get3A_100 = vector.load %arg1[%get3A_98, %get3A_99] : memref<256x1024xf32, #tpu.memory_space<vmem>>, vector<256x1024xf32>
    %get3A_101 = arith.constant 0 : index
    %get3A_102 = arith.constant 0 : index
    %get3A_103 = vector.load %arg2[%get3A_101, %get3A_102] : memref<256x1024xf32, #tpu.memory_space<vmem>>, vector<256x1024xf32>
    %max3A = arith.constant 1.000000e+00 : f32
    %max3A_104 = vector.broadcast %max3A : f32 to vector<256x1xf32>
    %max3A_105 = arith.maximumf %add3A_94, %max3A_104 : vector<256x1xf32>
    %div3A = vector.broadcast %max3A_105 : vector<256x1xf32> to vector<256x1024xf32>
    %div3A_106 = arith.divf %get3A_100, %div3A : vector<256x1024xf32>
    %add3A_107 = arith.addf %get3A_97, %add3A_94 : vector<256x1xf32>
    %gt3A = arith.constant 0.000000e+00 : f32
    %gt3A_108 = vector.broadcast %gt3A : f32 to vector<256x1xf32>
    %gt3A_109 = arith.cmpf ogt, %add3A_94, %gt3A_108 : vector<256x1xf32>
    %mul3A_110 = vector.broadcast %get3A_97 : vector<256x1xf32> to vector<256x1024xf32>
    %mul3A_111 = arith.mulf %mul3A_110, %get3A_103 : vector<256x1024xf32>
    %mul3A_112 = vector.broadcast %add3A_94 : vector<256x1xf32> to vector<256x1024xf32>
    %mul3A_113 = arith.mulf %mul3A_112, %div3A_106 : vector<256x1024xf32>
    %add3A_114 = arith.addf %mul3A_111, %mul3A_113 : vector<256x1024xf32>
    %max3A_115 = arith.constant 1.000000e+00 : f32
    %max3A_116 = vector.broadcast %max3A_115 : f32 to vector<256x1xf32>
    %max3A_117 = arith.maximumf %add3A_107, %max3A_116 : vector<256x1xf32>
    %div3A_118 = vector.broadcast %max3A_117 : vector<256x1xf32> to vector<256x1024xf32>
    %div3A_119 = arith.divf %add3A_114, %div3A_118 : vector<256x1024xf32>
    %broadcast_in_dim3A_120 = vector.shape_cast %gt3A_109 : vector<256x1xi1> to vector<256x1xi1>
    %broadcast_in_dim3A_121 = vector.broadcast %broadcast_in_dim3A_120 : vector<256x1xi1> to vector<256x1024xi1>
    %select_n3A = arith.select %broadcast_in_dim3A_121, %div3A_119, %get3A_103 : vector<256x1024xi1>, vector<256x1024xf32>
    %convert_element_type3A_122 = arith.truncf %select_n3A : vector<256x1024xf32> to vector<256x1024xbf16>
    %swap3A = arith.constant 0 : index
    %swap3A_123 = arith.constant 0 : index
    %swap3A_124 = vector.load %arg5[%swap3A, %swap3A_123] : memref<256x1024xbf16, #tpu.memory_space<vmem>>, vector<256x1024xbf16>
    tpu.vector_store %arg5[%swap3A, %swap3A_123], %convert_element_type3A_122 {strides = array<i32>} : memref<256x1024xbf16, #tpu.memory_space<vmem>>, vector<256x1024xbf16>,
    %mul3A_125 = arith.mulf %select_n3A, %select_n3A : vector<256x1024xf32>
    %reduce_sum3A_126 = arith.constant dense<0.000000e+00> : vector<256xf32>
    %reduce_sum3A_127 = vector.multi_reduction <add>, %mul3A_125, %reduce_sum3A_126 [1] : vector<256x1024xf32> to vector<256xf32>
    %broadcast_in_dim3A_128 = vector.shape_cast %reduce_sum3A_127 : vector<256xf32> to vector<256x1xf32>
    %swap3A_129 = arith.constant 0 : index
    %swap3A_130 = arith.constant 0 : index
    %swap3A_131 = vector.load %arg6[%swap3A_129, %swap3A_130] : memref<256x1xf32, #tpu.memory_space<vmem>>, vector<256x1xf32>
    tpu.vector_store %arg6[%swap3A_129, %swap3A_130], %broadcast_in_dim3A_128 {strides = array<i32>} : memref<256x1xf32, #tpu.memory_space<vmem>>, vector<256x1xf32>,
    return
  }
  func.func @transform_0(%arg0: i32) -> (i32, i32) {
    %c0_i32 = arith.constant 0 : i32
    %c0_i32_0 = arith.constant 0 : i32
    return %arg0, %c0_i32 : i32, i32
  }
  func.func @transform_1(%arg0: i32) -> (i32, i32) {
    %c0_i32 = arith.constant 0 : i32
    %c0_i32_0 = arith.constant 0 : i32
    return %arg0, %c0_i32 : i32, i32
  }
  func.func @transform_2(%arg0: i32) -> (i32, i32) {
    %c0_i32 = arith.constant 0 : i32
    %c0_i32_0 = arith.constant 0 : i32
    %c0_i32_1 = arith.constant 0 : i32
    return %c0_i32, %c0_i32_0 : i32, i32
  }
  func.func @transform_3(%arg0: i32) -> (i32, i32) {
    %c0_i32 = arith.constant 0 : i32
    %c0_i32_0 = arith.constant 0 : i32
    return %arg0, %c0_i32 : i32, i32
  }
  func.func @transform_4(%arg0: i32) -> (i32, i32) {
    %c0_i32 = arith.constant 0 : i32
    %c0_i32_0 = arith.constant 0 : i32
    return %arg0, %c0_i32 : i32, i32
  }
  func.func @transform_5(%arg0: i32) -> (i32, i32) {
    %c0_i32 = arith.constant 0 : i32
    %c0_i32_0 = arith.constant 0 : i32
    return %arg0, %c0_i32 : i32, i32
  }
}

</mosaic_0001>

<sc_bundles>
// kernel: kernel.5.cloned.1.call-start
scs
__scs_entry_jumppad:
0x0: {  	(pc) =	sbr.rel $0x88, $3  }
0x1: {  	(tag) =	ssettag $0x0;
	lr =	simm.s32 $0x1  }
0x2: {  	[smem:$0x3F9D] =	sst lr;
	_ =	strace $0xD0000000  }
0x3: {  	_ = 	snop  }
0x4: {  	_ = 	snop  }
0x5: {  	_ = 	snop  }
0x6: {  	_ = 	snop  }
0x7: {  	_ = 	snop  }
__scs_overlays_trampoline_lowered:
0x8: {  	[smem:$0x3FAC] =	sst s0  }
0x9: {  	[smem:$0x3FAD] =	sst s1  }
0xa: {  	[smem:$0x3FAE] =	sst s2  }
0xb: {  	[smem:$0x3FAF] =	sst s3  }
0xc: {  	[smem:$0x3FB0] =	sst s4  }
0xd: {  	[smem:$0x3FB1] =	sst s5  }
0xe: {  	[smem:$0x3FB2] =	sst s6  }
0xf: {  	[smem:$0x3FB3] =	sst s7  }
0x10: {  	[smem:$0x3FB4] =	sst s8  }
0x11: {  	[smem:$0x3FB5] =	sst s9;
	s0 =	simm.s32 @!p0 $0x0  }
0x12: {  	s1 =	sld [smem:$0x3F9B];
	s0 =	simm.s32 @p0 $0x1  }
0x13: {  	[smem:$0x3FB6] =	sst s0;
	s0 =	simm.s32 @!p1 $0x0  }
0x14: {  	s2 =	sld [smem:$0x3F9A];
	s0 =	simm.s32 @p1 $0x1  }
0x15: {  	[smem:$0x3FB7] =	sst s0;
	s0 =	simm.s32 @!p2 $0x0  }
0x16: {  	s3 =	sld [smem:$0x3FDB];
	s0 =	simm.s32 @p2 $0x1  }
0x17: {  	s4 =	simm.s32 $0x1BF5;
	[smem:$0x3FB9] =	sst s0  }
0x18: {  	s0 =	sld [smem:$0x3F9C];
	_ =	swait.ge [sflag:s4], $0x0  }
0x19: {  	s7 =	sld [smem:$0x3F9D]  }
0x1a: {  	s8 =	sadd.s32 $0xFFFFE003, lr  }
0x1b: {  	s9 =	sadd.s32 $0xFFFFFEF7, lr;
	s5 =	simm.s32 $0xFFFFFFFF;
	p2 =	slt.u32 s8, $0xFFFFF086  }
0x1c: {  	p1 =	slt.u32 s9, $0xF7A;
	s5 =	simm.s32 @!p2 $0x0  }
0x1d: {  	s5 =	simm.s32 @p1 $0x1;
	p0 =	seq.s32 s7, s2  }
0x1e: {  	s7 =	smul.u32 @!p0 $0xF7A, s2;
	p2 =	seq.s32 @!p0 s5, $0x0  }
0x1f: {  	s9 =	smul.u32 $0xF7A, s1;
	s8 =	simm.s32 @!p0 $0x1BF5;
	p2 =	por !p2, p0  }
0x20: {  	[sflag:s8] =	ssyncset.s32 @!p0 $0xFFFFF086;
	s6 =	sadd.s32 @!p0 s3, s7;
	s7 =	simm.s32 @!p0 $0x108  }
0x21: {  	s3 =	sadd.s32 s3, s9;
	s6 =	sadd.s32 @!p0 $0x88, s6;
	s7 =	simm.s32 @p2 $0x1082  }
0x22: {  	[simem:s7], [sflag:s8] =	dma.local @!p0 [hbm:s6], $0xF7A  }
0x23: {  	s9 =	sor.u32 $0xD0000000, s2;
	s6 =	simm.s32 $0x108;
	_ =	swait.ge @!p0 [sflag:s8], $0x0  }
0x24: {  	s3 =	sadd.s32 $0x88, s3;
	s6 =	simm.s32 @!p1 $0x1082;
	[sflag:s4] =	ssyncset.s32 $0xFFFFF086  }
0x25: {  	[simem:s6], [sflag:s4] =	dma.local [hbm:s3], $0xF7A  }
0x26: {  	[smem:$0x3F9D] =	sst s1;
	(tag) =	ssettag s2;
	_ =	strace s9  }
0x27: {  	s1 =	sld [smem:$0x3FAD]  }
0x28: {  	s2 =	sld [smem:$0x3FAE]  }
0x29: {  	s4 =	sld [smem:$0x3FB0]  }
0x2a: {  	p0 =	seq.s32 s5, $0x0;
	s5 =	sld [smem:$0x3FB1]  }
0x2b: {  	s6 =	sld [smem:$0x3FB2]  }
0x2c: {  	s7 =	sld [smem:$0x3FB3]  }
0x2d: {  	s3 =	simm.s32 $0x108;
	s8 =	sld [smem:$0x3FB4]  }
0x2e: {  	s3 =	simm.s32 @!p0 $0x1082;
	s9 =	sld [smem:$0x3FB5]  }
0x2f: {  	lr =	sadd.s32 s0, s3;
	s0 =	sld [smem:$0x3FAC]  }
0x30: {  	s3 =	sld [smem:$0x3FAF]  }
0x31: {  	[smem:$0x3FB8] =	sst s10  }
0x32: {  	s10 =	sld [smem:$0x3FB6];
	_ =	sdelay $0x3  }
0x33: {  	p0 =	seq.s32 s10, $0x1;
	s10 =	sld [smem:$0x3FB8];
	_ =	sdelay $0x3  }
0x34: {  	[smem:$0x3FB8] =	sst s10  }
0x35: {  	s10 =	sld [smem:$0x3FB7];
	_ =	sdelay $0x3  }
0x36: {  	p1 =	seq.s32 s10, $0x1;
	s10 =	sld [smem:$0x3FB8];
	_ =	sdelay $0x3  }
0x37: {  	[smem:$0x3FB8] =	sst s10  }
0x38: {  	s10 =	sld [smem:$0x3FB9]  }
0x39: {  	_ = 	snop;
	(pc) =	sbr.ind lr, $3  }
0x3a: {  	_ = 	snop  }
0x3b: {  	_ = 	snop  }
0x3c: {  	p2 =	seq.s32 s10, $0x1;
	s10 =	sld [smem:$0x3FB8]  }
0x3d: {  	_ =	shalt  }
0x3e: {  	_ =	shalt  }
0x3f: {  	_ =	shalt  }
0x40: {  	_ =	shalt  }
0x41: {  	_ =	shalt  }
0x42: {  	_ =	shalt  }
0x43: {  	_ =	shalt  }
0x44: {  	_ =	shalt  }
0x45: {  	_ =	shalt  }
0x46: {  	_ =	shalt  }
0x47: {  	_ =	shalt  }
0x48: {  	_ =	shalt  }
0x49: {  	_ =	shalt  }
0x4a: {  	_ =	shalt  }
0x4b: {  	_ =	shalt  }
0x4c: {  	_ =	shalt  }
0x4d: {  	_ =	shalt  }
0x4e: {  	_ =	shalt  }
0x4f: {  	_ =	shalt  }
0x50: {  	_ =	shalt  }
0x51: {  	_ =	shalt  }
0x52: {  	_ =	shalt  }
0x53: {  	_ =	shalt  }
0x54: {  	_ =	shalt  }
0x55: {  	_ =	shalt  }
0x56: {  	_ =	shalt  }
0x57: {  	_ =	shalt  }
0x58: {  	_ =	shalt  }
0x59: {  	_ =	shalt  }
0x5a: {  	_ =	shalt  }
0x5b: {  	_ =	shalt  }
0x5c: {  	_ =	shalt  }
0x5d: {  	_ =	shalt  }
0x5e: {  	_ =	shalt  }
0x5f: {  	_ =	shalt  }
0x60: {  	_ =	shalt  }
0x61: {  	_ =	shalt  }
0x62: {  	_ =	shalt  }
0x63: {  	_ =	shalt  }
0x64: {  	_ =	shalt  }
0x65: {  	_ =	shalt  }
0x66: {  	_ =	shalt  }
0x67: {  	_ =	shalt  }
0x68: {  	_ =	shalt  }
0x69: {  	_ =	shalt  }
0x6a: {  	_ =	shalt  }
0x6b: {  	_ =	shalt  }
0x6c: {  	_ =	shalt  }
0x6d: {  	_ =	shalt  }
0x6e: {  	_ =	shalt  }
0x6f: {  	_ =	shalt  }
0x70: {  	_ =	shalt  }
0x71: {  	_ =	shalt  }
0x72: {  	_ =	shalt  }
0x73: {  	_ =	shalt  }
0x74: {  	_ =	shalt  }
0x75: {  	_ =	shalt  }
0x76: {  	_ =	shalt  }
0x77: {  	_ =	shalt  }
0x78: {  	_ =	shalt  }
0x79: {  	_ =	shalt  }
0x7a: {  	_ =	shalt  }
0x7b: {  	_ =	shalt  }
0x7c: {  	_ =	shalt  }
0x7d: {  	_ =	shalt  }
0x7e: {  	_ =	shalt  }
0x7f: {  	_ =	shalt  }
0x80: {  	_ =	shalt  }
0x81: {  	_ =	shalt  }
0x82: {  	_ =	shalt  }
0x83: {  	_ =	shalt  }
0x84: {  	_ =	shalt  }
0x85: {  	_ =	shalt  }
0x86: {  	_ =	shalt  }
0x87: {  	_ =	shalt  }
.Lfunc_end0:
.L_simem_size_0:
called_computation_lowered:
.L_overlay_start_0:
0x88: {  	s2 =	sld [smem:$0x3FD9]  }
0x89: {  	s3 =	sld [smem:$0x3FFE];
	_ =	sdelay $0x1  }
0x8a: {  	s1 =	srdreg.scid  }
0x8b: {  	s0 =	sand.u32 $0x1, s1  }
0x8c: {  	s18 =	sshll.u32 s0, $0xA;
	s2 =	sadd.s32 s3, s2  }
0x8d: {  	s2 =	sadd.s32 s2, s18  }
0x8e: {  	[smem:$0x3FC4] =	sst s2  }
0x8f: {  	_ = 	snop  }
0x90: {  	s2 =	sld [smem:$0x3FC9]  }
0x91: {  	s19 =	sld [smem:$0x3FC8]  }
0x92: {  	s4 =	sld [smem:$0x3FD0];
	(tm) =	ssettm $0x1  }
0x93: {  	s5 =	sld [smem:$0x3FFB];
	_ =	sdelay $0x3  }
0x94: {  	_ =	strace s5  }
0x95: {  	s5 =	sld [smem:$0x3FFC];
	_ =	sdelay $0x3  }
0x96: {  	_ =	strace s5  }
0x97: {  	s5 =	sld [smem:$0x3FFD];
	_ =	sdelay $0x3  }
0x98: {  	_ =	strace s5  }
0x99: {  	_ =	strace $0x8FFFFFFF  }
0x9a: {  	s20 =	sld [smem:$0x3FDB];
	_ =	sdelay $0x1  }
0x9b: {  	s6 =	simm.s32 $_scs_section_size  }
0x9c: {  	s7 =	simm.s32 $_size__tile_overlayer_lowered;
	s8 =	simm.s32 $_tile_overlayer_lowered  }
0x9d: {  	s23 =	simm.s32 $0x1BFF;
	s22 =	sshll.u32 s8, $0x1;
	s5 =	sadd.s32 s6, s20  }
0x9e: {  	s9 =	simm.s32 $0x0;
	s21 =	sshll.u32 s7, $0x1;
	s7 =	sadd.s32 s22, s5  }
0x9f: {  	[timem:s9], [sflag:s23] =	dma.local [hbm:s7], s21  }
0xa0: {  	_ =	swait.ge [sflag:s23], s21  }
0xa1: {  	s6 =	ssub.s32 $0x0, s21;
	[sflag:s23] =	ssyncset.done $0x0  }
0xa2: {  	[sflag:s23] =	ssyncadd.s32 s6;
	_ =	sdelay $0x1  }
0xa3: {  	s24 =	simm.s32 $0x1B8B  }
0xa4: {  	_ =	swait.ge [sflag:s24], $0x1  }
0xa5: {  	[sflag:s24] =	ssyncset.done $0x0  }
0xa6: {  	s25 =	simm.s32 $0x1B8E;
	[sflag:s24] =	ssyncadd.s32 $0xFFFFFFFF  }
0xa7: {  	s26 =	simm.s32 $execute0_lowered;
	[smem:$0x3FD2] =	sst s25  }
0xa8: {  	s6 =	sshll.u32 s26, $0x1;
	_ =	strace $0x80000046;
	[dreg:$0x1] =	wrdreg $0xFFFFFFFF  }
0xa9: {  	s28 =	simm.s32 $_size_execute0_lowered;
	s5 =	sadd.s32 s5, s6;
	[dreg:$0x0] =	wrdreg $0x0  }
0xaa: {  	s6 =	sshll.u32 s28, $0x1;
	[dreg:$0x2] =	wrdreg s5  }
0xab: {  	[dreg:$0x3] =	wrdreg s6  }
0xac: {  	[dreg:$0x4] =	wrdreg $0xC0  }
0xad: {  	_ =	task [dreg:s9], $0x5FFFF  }
0xae: {  	[dreg:$0x1] =	wrdreg $0xFFFFFFFF  }
0xaf: {  	[dreg:$0x0] =	wrdreg $0x60  }
0xb0: {  	[dreg:$0x2] =	wrdreg s2  }
0xb1: {  	[dreg:$0x3] =	wrdreg s19  }
0xb2: {  	[dreg:$0x4] =	wrdreg s4  }
0xb3: {  	[dreg:$0x5] =	wrdreg $0x9  }
0xb4: {  	_ =	task.clear_ibuf [dreg:s9], $0x6FFFF;
	_ =	strace $0x90000046  }
0xb5: {  	s29 =	simm.s32 $0x9;
	_ =	strace $0x80000048  }
0xb6: {  	_ =	swait.ge [sflag:s29], $0x1  }
0xb7: {  	[sflag:s29] =	ssyncadd.s32 $0xFFFFFFFF  }
0xb8: {  	_ =	strace $0x90000048  }
0xb9: {  	_ =	sfence  }
0xba: {  	s30 =	sld [smem:$0x0];
	_ =	sdelay $0x2  }
0xbb: {  	s31 =	sshll.u32 s1, $0xD;
	s1 =	sshrl.u32 s1, $0x2  }
0xbc: {  	s3 =	sand.u32 $0x4000, s31;
	s1 =	sadd.s32 s1, s30  }
0xbd: {  	s0 =	sor.u32 s3, s0;
	s1 =	sshll.u32 s1, $0x11  }
0xbe: {  	s0 =	sor.u32 s1, s0  }
0xbf: {  	s0 =	sadd.s32 $0x8F2B, s0  }
0xc0: {  	[sflag:s0] =	ssyncadd.remote.s32 $0x1  }
0xc1: {  	_ =	sfence.sel $0xFFFF  }
0xc2: {  	[dreg:$0x0] =	wrdreg $0xFFFFFFFF;
	(pc) =	sbr.abs _section_cstart, $3  }
0xc3: {  	[dreg:$0x1] =	wrdreg $0xFFFFFFFF  }
0xc4: {  	_ =	task.clear_ibuf [dreg:s9], $0x2FFFF;
	_ =	strace $0x9FFFFFFF  }
0xc5: {  	(tm) =	ssettm $0x7FFFFFFF  }
tec
execute0_lowered:
.L_overlay_start_1:
0x0: {  	(tag) =	ssettag $0x1  }
0x1: {  	s1 =	rddreg [dreg:$0x0]  }
0x2: {  	s2 =	rddreg [dreg:$0x1];
	s0 =	srdreg.scid  }
0x3: {  	s10 =	rddreg [dreg:$0x2];
	s3 =	stileid.u32  }
0x4: {  	vm0 =	vcmask $0x300;
	v23 =	vimm.s32 $0x0;
	vm1 =	vcmask $0x704;
	s4 =	simm.s32 $0x0;
	s8 =	simm.s32 $0x1;
	s13 =	simm.s32 $0x2000  }
0x5: {  	vm14 =	vcmask $0xB08;
	vm15 =	vcmask $0xF0C;
	vm4 =	vcmask $0x1310;
	s14 =	simm.s32 $0x100;
	s15 =	simm.s32 $0x4100;
	s16 =	simm.s32 $0x80  }
0x6: {  	vm5 =	vcmask $0x1714;
	vm6 =	vcmask $0x1B18;
	vm7 =	vcmask $0x1F1C;
	s17 =	simm.s32 $0x3;
	s18 =	simm.s32 $0x8100;
	s19 =	simm.s32 $0x2  }
0x7: {  	v9 =	vimm.f32 $0.0e+00;
	vm8 =	vcmask $0x2320;
	v11 =	vlaneseq.u32;
	s20 =	simm.s32 $0x4;
	s21 =	simm.s32 $0x5;
	s5 =	sand.u32 $0x1, s0  }
0x8: {  	vm9 =	vcmask $0x2724;
	vm10 =	vcmask $0x2B28;
	vm11 =	vcmask $0x2F2C;
	s22 =	simm.s32 $0x0;
	s7 =	sand.u32 $0x3, s3;
	s6 =	sshll.u32 s5, $0x4  }
0x9: {  	vm12 =	vcmask $0x3330;
	vm13 =	vcmask $0x3734;
	v26 =	vimm.s32 $0x7;
	[smem:$0x7FF] =	sst s4;
	p0 =	sne.s32 s7, $0x0;
	s6 =	sor.u32 s3, s6  }
0xa: {  	v0 =	vsel vm0, $0x7, v23;
	v1 =	vsel vm1, $0x7, v23;
	v2 =	vsel vm14, $0x7, v23;
	s5 =	ssub.s32 $0x2, s5;
	s7 =	sshll.u32 s7, $0x9;
	p1 =	seq.s32 s6, $0x0  }
0xb: {  	v3 =	vsel vm15, $0x7, v23;
	v4 =	vsel vm4, $0x7, v23;
	v6 =	vsel vm5, $0x7, v23;
	_ =	strace $0x80000047;
	s9 =	sadd.s32 $0x200, s7;
	p0 =	por !p0, !p1  }
0xc: {  	v8 =	vsel vm6, $0x7, v23;
	v10 =	vsel vm7, $0x7, v23;
	v12 =	vsel vm8, $0x7, v23;
	s11 =	sshrl.u32 s5, $0x1;
	s6 =	sshrl.u32 s6, $0x2;
	p0 =	por !p0, !p0  }
0xd: {  	v13 =	vor.u32 $0x10, v11;
	v14 =	vsel vm9, $0x7, v23;
	v15 =	vor.u32 $0x20, v11;
	s11 =	ssub.s32 s5, s11;
	s5 =	simm.s32 $0x1;
	s8 =	simm.s32 @!p0 $0x0  }
.Ltmp0:
0xe: {  	v16 =	vsel vm10, $0x7, v23;
	v17 =	vor.u32 $0x30, v11;
	v7 =	vmov s9;
	s9 =	sadd.s32 $0x10, s2;
	s8 =	ssub.s32 s6, s8;
	(pc) =	sbr.rel .LBB2_1-.Ltmp0, $4  }
0xf: {  	v18 =	vsel vm11, $0x7, v23;
	v19 =	vor.u32 $0x40, v11;
	v5 =	vmov s7;
	s11 =	smax.u32 s11, $0x1;
	s6 =	sshll.u32 s8, $0xA;
	s7 =	sadd.s32 s7, s8  }
0x10: {  	v20 =	vsel vm12, $0x7, v23;
	v21 =	vor.u32 $0x50, v11;
	v22 =	vsel vm13, $0x7, v23;
	s29 =	sshrl.u32 s6, $0x3;
	s30 =	sadd.s32 $0x20000, s6;
	s12 =	sshll.u32 s7, $0x7  }
0x11: {  	vm14 =	vcmask $0x3B38;
	vm15 =	vcmask $0x3B00;
	v24 =	vor.u32 $0x60, v11;
	s7 =	sadd.s32 s1, s29;
	s31 =	sshrl.u32 s30, $0x3;
	s12 =	sand.u32 $0x1FFFFF80, s12  }
0x12: {  	v25 =	vor.u32 $0x70, v11;
	v23 =	vsel vm14, $0x7, v23;
	v26 =	vsel vm15, $0x0, v26;
	s8 =	sadd.s32 s1, s31;
	s10 =	sadd.s32 s10, s12;
	s12 =	simm.s32 $0x400  }
.LBB2_12:
0x13: {  	s22 =	sadd.s32 $0x1, s22  }
0x14: {  	p0 =	sne.s32 s22, s11  }
.Ltmp1:
0x15: {  	_ = 	snop;
	(pc) =	sbr.rel @!p0 .LBB2_13-.Ltmp1, $4  }
0x16: {  	[hbm4b:s10+s12] =	stream.strided.scatter [tilespmem:s18], [sflag:$0x5], $0x10000, s13, s12, $0x38;
	[tilespmem:$0x18500] =	vst v63  }
0x17: {  	_ =	swait.ge [sflag:s21], $0x10000  }
0x18: {  	[sflag:s21] =	ssyncset.done $0x0  }
0x19: {  	[sflag:s21] =	ssyncadd.s32 $0xFFFF0000  }
.LBB2_1:
0x1a: {  	s23 =	simm.s32 $0x0;
	s24 =	simm.s32 $0x200  }
.LBB2_2:
0x1b: {  	p0 =	sne.s32 s24, $0x40E00;
	[tilespmem:s23+$0x8170] =	vst v9  }
0x1c: {  	[tilespmem:s23+$0x8100] =	vst v9  }
0x1d: {  	[tilespmem:s23+$0x8110] =	vst v9  }
.Ltmp2:
0x1e: {  	[tilespmem:s23+$0x8120] =	vst v9;
	(pc) =	sbr.rel @p0 .LBB2_2-.Ltmp2, $4  }
0x1f: {  	[tilespmem:s23+$0x8130] =	vst v9  }
0x20: {  	[tilespmem:s23+$0x8140] =	vst v9  }
0x21: {  	[tilespmem:s23+$0x8150] =	vst v9  }
0x22: {  	[tilespmem:s23+$0x8160] =	vst v9;
	s23 =	sshra.s32 s24, $0x2;
	s24 =	sadd.s32 $0x200, s24  }
0x23: {  	[tilespmem:s23+$0x8170] =	vst v9  }
0x24: {  	[tilespmem:s23+$0x8100] =	vst v9  }
0x25: {  	[tilespmem:s23+$0x8110] =	vst v9  }
0x26: {  	[tilespmem:s23+$0x8120] =	vst v9  }
0x27: {  	[tilespmem:s23+$0x8130] =	vst v9  }
0x28: {  	[tilespmem:s23+$0x8140] =	vst v9  }
0x29: {  	[tilespmem:s23+$0x8150] =	vst v9  }
0x2a: {  	[tilespmem:s23+$0x8160] =	vst v9  }
0x2b: {  	[tilespmem:s14], [sflag:$0x1] =	stream.strided.gather [hbm4b:s7+s12], $0x4000, s13, s12, $0x38;
	[tilespmem:$0x18500] =	vst v63  }
0x2c: {  	s23 =	simm.s32 $0x0  }
0x2d: {  	[tilespmem:s23], [sflag:$0x3] =	stream.linear.gather [hbm4b:s2+s23], $0x80, $0x38;
	[tilespmem:$0x18500] =	vst v63  }
0x2e: {  	_ = 	snop  }
0x2f: {  	[tilespmem:s15], [sflag:$0x2] =	stream.strided.gather [hbm4b:s8+s12], $0x4000, s13, s12, $0x38;
	[tilespmem:$0x18500] =	vst v63  }
0x30: {  	_ = 	snop  }
0x31: {  	[tilespmem:s16], [sflag:$0x4] =	stream.linear.gather [hbm4b:s9+s23], $0x80, $0x38;
	[tilespmem:$0x18500] =	vst v63  }
.LBB2_4:
0x32: {  	_ =	swait.ge [sflag:s5], $0x4000  }
0x33: {  	[sflag:s5] =	ssyncset.done $0x0  }
0x34: {  	[sflag:s5] =	ssyncadd.s32 $0xFFFFC000  }
0x35: {  	_ =	swait.ge [sflag:s17], $0x80  }
0x36: {  	[sflag:s17] =	ssyncset.done $0x0  }
0x37: {  	s24 =	simm.s32 $0x0;
	[sflag:s17] =	ssyncadd.s32 $0xFFFFFF80  }
.LBB2_5:
0x38: {  	s26 =	sshll.u32 s24, $0x4  }
0x39: {  	s25 =	sand.u32 $0x3FFFFFF0, s26  }
0x3a: {  	v27 =	vld [tilespmem:s25+$0x0];
	_ =	sdelay $0x4  }
0x3b: {  	vm0 =	vge.s32 v27, v5;
	vm1 =	vlt.s32 v27, v7  }
0x3c: {  	v27 =	vsub.s32 v27, v5;
	vm0 =	vmand vm0, vm1  }
0x3d: {  	v27 =	vnsel vm0, $0x200, v27  }
0x3e: {  	v28 =	vshll.u32 v27, v0  }
0x3f: {  	s30 =	sshll.u32 s24, $0xB;
	v28 =	vbroadcast v28, $0x0  }
0x40: {  	s25 =	sand.u32 $0x3FFFF800, s30  }
0x41: {  	v29 =	vld [tilespmem:s25+$0x100];
	v30 =	vor.u32 v11, v28;
	_ =	sdelay $0x4  }
0x42: {  	[tilespmem:v30+s18+$0x0] =	vst.idx.add.f32.msk $0xffff, v29  }
0x43: {  	v62 =	vor.u32 v13, v28;
	v29 =	vld [tilespmem:s25+$0x110];
	_ =	sdelay $0x4  }
0x44: {  	[tilespmem:v62+s18+$0x0] =	vst.idx.add.f32.msk $0xffff, v29  }
0x45: {  	v63 =	vor.u32 v15, v28;
	v29 =	vld [tilespmem:s25+$0x120];
	_ =	sdelay $0x4  }
0x46: {  	[tilespmem:v63+s18+$0x0] =	vst.idx.add.f32.msk $0xffff, v29  }
0x47: {  	v33 =	vor.u32 v17, v28;
	v29 =	vld [tilespmem:s25+$0x130];
	_ =	sdelay $0x4  }
0x48: {  	[tilespmem:v33+s18+$0x0] =	vst.idx.add.f32.msk $0xffff, v29  }
0x49: {  	v34 =	vor.u32 v19, v28;
	v29 =	vld [tilespmem:s25+$0x140];
	_ =	sdelay $0x4  }
0x4a: {  	[tilespmem:v34+s18+$0x0] =	vst.idx.add.f32.msk $0xffff, v29  }
0x4b: {  	v35 =	vor.u32 v21, v28;
	v29 =	vld [tilespmem:s25+$0x150];
	_ =	sdelay $0x4  }
0x4c: {  	[tilespmem:v35+s18+$0x0] =	vst.idx.add.f32.msk $0xffff, v29  }
0x4d: {  	v36 =	vor.u32 v24, v28;
	v29 =	vld [tilespmem:s25+$0x160];
	_ =	sdelay $0x4  }
0x4e: {  	[tilespmem:v36+s18+$0x0] =	vst.idx.add.f32.msk $0xffff, v29  }
0x4f: {  	v28 =	vor.u32 v25, v28;
	v29 =	vld [tilespmem:s25+$0x170];
	_ =	sdelay $0x2  }
0x50: {  	v37 =	vshll.u32 v27, v1  }
0x51: {  	v30 =	vbroadcast v37, $0x1  }
0x52: {  	[tilespmem:v28+s18+$0x0] =	vst.idx.add.f32.msk $0xffff, v29  }
0x53: {  	v38 =	vor.u32 v11, v30;
	v28 =	vld [tilespmem:s25+$0x180];
	_ =	sdelay $0x4  }
0x54: {  	[tilespmem:v38+s18+$0x0] =	vst.idx.add.f32.msk $0xffff, v28  }
0x55: {  	v39 =	vor.u32 v13, v30;
	v28 =	vld [tilespmem:s25+$0x190];
	_ =	sdelay $0x4  }
0x56: {  	[tilespmem:v39+s18+$0x0] =	vst.idx.add.f32.msk $0xffff, v28  }
0x57: {  	v40 =	vor.u32 v15, v30;
	v28 =	vld [tilespmem:s25+$0x1A0];
	_ =	sdelay $0x4  }
0x58: {  	[tilespmem:v40+s18+$0x0] =	vst.idx.add.f32.msk $0xffff, v28  }
0x59: {  	v41 =	vor.u32 v17, v30;
	v28 =	vld [tilespmem:s25+$0x1B0];
	_ =	sdelay $0x4  }
0x5a: {  	[tilespmem:v41+s18+$0x0] =	vst.idx.add.f32.msk $0xffff, v28  }
0x5b: {  	v42 =	vor.u32 v19, v30;
	v28 =	vld [tilespmem:s25+$0x1C0];
	_ =	sdelay $0x4  }
0x5c: {  	[tilespmem:v42+s18+$0x0] =	vst.idx.add.f32.msk $0xffff, v28  }
0x5d: {  	v43 =	vor.u32 v21, v30;
	v28 =	vld [tilespmem:s25+$0x1D0];
	_ =	sdelay $0x4  }
0x5e: {  	[tilespmem:v43+s18+$0x0] =	vst.idx.add.f32.msk $0xffff, v28  }
0x5f: {  	v44 =	vor.u32 v24, v30;
	v28 =	vld [tilespmem:s25+$0x1E0];
	_ =	sdelay $0x4  }
0x60: {  	[tilespmem:v44+s18+$0x0] =	vst.idx.add.f32.msk $0xffff, v28  }
0x61: {  	v45 =	vor.u32 v25, v30;
	v28 =	vld [tilespmem:s25+$0x1F0];
	_ =	sdelay $0x2  }
0x62: {  	v46 =	vshll.u32 v27, v2  }
0x63: {  	v30 =	vbroadcast v46, $0x2  }
0x64: {  	[tilespmem:v45+s18+$0x0] =	vst.idx.add.f32.msk $0xffff, v28  }
0x65: {  	v47 =	vor.u32 v11, v30;
	v28 =	vld [tilespmem:s25+$0x200];
	_ =	sdelay $0x4  }
0x66: {  	[tilespmem:v47+s18+$0x0] =	vst.idx.add.f32.msk $0xffff, v28  }
0x67: {  	v48 =	vor.u32 v13, v30;
	v28 =	vld [tilespmem:s25+$0x210];
	_ =	sdelay $0x4  }
0x68: {  	[tilespmem:v48+s18+$0x0] =	vst.idx.add.f32.msk $0xffff, v28  }
0x69: {  	v49 =	vor.u32 v15, v30;
	v28 =	vld [tilespmem:s25+$0x220];
	_ =	sdelay $0x4  }
0x6a: {  	[tilespmem:v49+s18+$0x0] =	vst.idx.add.f32.msk $0xffff, v28  }
0x6b: {  	v50 =	vor.u32 v17, v30;
	v28 =	vld [tilespmem:s25+$0x230];
	_ =	sdelay $0x4  }
0x6c: {  	[tilespmem:v50+s18+$0x0] =	vst.idx.add.f32.msk $0xffff, v28  }
0x6d: {  	v51 =	vor.u32 v19, v30;
	v28 =	vld [tilespmem:s25+$0x240];
	_ =	sdelay $0x4  }
0x6e: {  	[tilespmem:v51+s18+$0x0] =	vst.idx.add.f32.msk $0xffff, v28  }
0x6f: {  	v52 =	vor.u32 v21, v30;
	v28 =	vld [tilespmem:s25+$0x250];
	_ =	sdelay $0x4  }
0x70: {  	[tilespmem:v52+s18+$0x0] =	vst.idx.add.f32.msk $0xffff, v28  }
0x71: {  	v53 =	vor.u32 v24, v30;
	v28 =	vld [tilespmem:s25+$0x260];
	_ =	sdelay $0x4  }
0x72: {  	[tilespmem:v53+s18+$0x0] =	vst.idx.add.f32.msk $0xffff, v28  }
0x73: {  	v54 =	vor.u32 v25, v30;
	v28 =	vld [tilespmem:s25+$0x270];
	_ =	sdelay $0x2  }
0x74: {  	v55 =	vshll.u32 v27, v3  }
0x75: {  	v30 =	vbroadcast v55, $0x3  }
0x76: {  	[tilespmem:v54+s18+$0x0] =	vst.idx.add.f32.msk $0xffff, v28  }
0x77: {  	v56 =	vor.u32 v11, v30;
	v28 =	vld [tilespmem:s25+$0x280];
	_ =	sdelay $0x4  }
0x78: {  	[tilespmem:v56+s18+$0x0] =	vst.idx.add.f32.msk $0xffff, v28  }
0x79: {  	v57 =	vor.u32 v13, v30;
	v28 =	vld [tilespmem:s25+$0x290];
	_ =	sdelay $0x4  }
0x7a: {  	[tilespmem:v57+s18+$0x0] =	vst.idx.add.f32.msk $0xffff, v28  }
0x7b: {  	v58 =	vor.u32 v15, v30;
	v28 =	vld [tilespmem:s25+$0x2A0];
	_ =	sdelay $0x4  }
0x7c: {  	[tilespmem:v58+s18+$0x0] =	vst.idx.add.f32.msk $0xffff, v28  }
0x7d: {  	v59 =	vor.u32 v17, v30;
	v28 =	vld [tilespmem:s25+$0x2B0];
	_ =	sdelay $0x4  }
0x7e: {  	[tilespmem:v59+s18+$0x0] =	vst.idx.add.f32.msk $0xffff, v28  }
0x7f: {  	v60 =	vor.u32 v19, v30;
	v28 =	vld [tilespmem:s25+$0x2C0];
	_ =	sdelay $0x4  }
0x80: {  	[tilespmem:v60+s18+$0x0] =	vst.idx.add.f32.msk $0xffff, v28  }
0x81: {  	v61 =	vor.u32 v21, v30;
	v28 =	vld [tilespmem:s25+$0x2D0];
	_ =	sdelay $0x4  }
0x82: {  	[tilespmem:v61+s18+$0x0] =	vst.idx.add.f32.msk $0xffff, v28  }
0x83: {  	v62 =	vor.u32 v24, v30;
	v28 =	vld [tilespmem:s25+$0x2E0];
	_ =	sdelay $0x4  }
0x84: {  	[tilespmem:v62+s18+$0x0] =	vst.idx.add.f32.msk $0xffff, v28  }
0x85: {  	v63 =	vor.u32 v25, v30;
	v28 =	vld [tilespmem:s25+$0x2F0];
	_ =	sdelay $0x2  }
0x86: {  	v33 =	vshll.u32 v27, v4  }
0x87: {  	v30 =	vbroadcast v33, $0x4  }
0x88: {  	[tilespmem:v63+s18+$0x0] =	vst.idx.add.f32.msk $0xffff, v28  }
0x89: {  	v34 =	vor.u32 v11, v30;
	v28 =	vld [tilespmem:s25+$0x300];
	_ =	sdelay $0x4  }
0x8a: {  	[tilespmem:v34+s18+$0x0] =	vst.idx.add.f32.msk $0xffff, v28  }
0x8b: {  	v35 =	vor.u32 v13, v30;
	v28 =	vld [tilespmem:s25+$0x310];
	_ =	sdelay $0x4  }
0x8c: {  	[tilespmem:v35+s18+$0x0] =	vst.idx.add.f32.msk $0xffff, v28  }
0x8d: {  	v36 =	vor.u32 v15, v30;
	v28 =	vld [tilespmem:s25+$0x320];
	_ =	sdelay $0x4  }
0x8e: {  	[tilespmem:v36+s18+$0x0] =	vst.idx.add.f32.msk $0xffff, v28  }
0x8f: {  	v37 =	vor.u32 v17, v30;
	v28 =	vld [tilespmem:s25+$0x330];
	_ =	sdelay $0x4  }
0x90: {  	[tilespmem:v37+s18+$0x0] =	vst.idx.add.f32.msk $0xffff, v28  }
0x91: {  	v38 =	vor.u32 v19, v30;
	v28 =	vld [tilespmem:s25+$0x340];
	_ =	sdelay $0x4  }
0x92: {  	[tilespmem:v38+s18+$0x0] =	vst.idx.add.f32.msk $0xffff, v28  }
0x93: {  	v39 =	vor.u32 v21, v30;
	v28 =	vld [tilespmem:s25+$0x350];
	_ =	sdelay $0x4  }
0x94: {  	[tilespmem:v39+s18+$0x0] =	vst.idx.add.f32.msk $0xffff, v28  }
0x95: {  	v40 =	vor.u32 v24, v30;
	v28 =	vld [tilespmem:s25+$0x360];
	_ =	sdelay $0x4  }
0x96: {  	[tilespmem:v40+s18+$0x0] =	vst.idx.add.f32.msk $0xffff, v28  }
0x97: {  	v41 =	vor.u32 v25, v30;
	v28 =	vld [tilespmem:s25+$0x370];
	_ =	sdelay $0x2  }
0x98: {  	v42 =	vshll.u32 v27, v6  }
0x99: {  	v30 =	vbroadcast v42, $0x5  }
0x9a: {  	[tilespmem:v41+s18+$0x0] =	vst.idx.add.f32.msk $0xffff, v28  }
0x9b: {  	v43 =	vor.u32 v11, v30;
	v28 =	vld [tilespmem:s25+$0x380];
	_ =	sdelay $0x4  }
0x9c: {  	[tilespmem:v43+s18+$0x0] =	vst.idx.add.f32.msk $0xffff, v28  }
0x9d: {  	v44 =	vor.u32 v13, v30;
	v28 =	vld [tilespmem:s25+$0x390];
	_ =	sdelay $0x4  }
0x9e: {  	[tilespmem:v44+s18+$0x0] =	vst.idx.add.f32.msk $0xffff, v28  }
0x9f: {  	v45 =	vor.u32 v15, v30;
	v28 =	vld [tilespmem:s25+$0x3A0];
	_ =	sdelay $0x4  }
0xa0: {  	[tilespmem:v45+s18+$0x0] =	vst.idx.add.f32.msk $0xffff, v28  }
0xa1: {  	v46 =	vor.u32 v17, v30;
	v28 =	vld [tilespmem:s25+$0x3B0];
	_ =	sdelay $0x4  }
0xa2: {  	[tilespmem:v46+s18+$0x0] =	vst.idx.add.f32.msk $0xffff, v28  }
0xa3: {  	v47 =	vor.u32 v19, v30;
	v28 =	vld [tilespmem:s25+$0x3C0];
	_ =	sdelay $0x4  }
0xa4: {  	[tilespmem:v47+s18+$0x0] =	vst.idx.add.f32.msk $0xffff, v28  }
0xa5: {  	v48 =	vor.u32 v21, v30;
	v28 =	vld [tilespmem:s25+$0x3D0];
	_ =	sdelay $0x4  }
0xa6: {  	[tilespmem:v48+s18+$0x0] =	vst.idx.add.f32.msk $0xffff, v28  }
0xa7: {  	v49 =	vor.u32 v24, v30;
	v28 =	vld [tilespmem:s25+$0x3E0];
	_ =	sdelay $0x4  }
0xa8: {  	[tilespmem:v49+s18+$0x0] =	vst.idx.add.f32.msk $0xffff, v28  }
0xa9: {  	v50 =	vor.u32 v25, v30;
	v28 =	vld [tilespmem:s25+$0x3F0];
	_ =	sdelay $0x2  }
0xaa: {  	v51 =	vshll.u32 v27, v8  }
0xab: {  	v30 =	vbroadcast v51, $0x6  }
0xac: {  	[tilespmem:v50+s18+$0x0] =	vst.idx.add.f32.msk $0xffff, v28  }
0xad: {  	v52 =	vor.u32 v11, v30;
	v28 =	vld [tilespmem:s25+$0x400];
	_ =	sdelay $0x4  }
0xae: {  	[tilespmem:v52+s18+$0x0] =	vst.idx.add.f32.msk $0xffff, v28  }
0xaf: {  	v53 =	vor.u32 v13, v30;
	v28 =	vld [tilespmem:s25+$0x410];
	_ =	sdelay $0x4  }
0xb0: {  	[tilespmem:v53+s18+$0x0] =	vst.idx.add.f32.msk $0xffff, v28  }
0xb1: {  	v54 =	vor.u32 v15, v30;
	v28 =	vld [tilespmem:s25+$0x420];
	_ =	sdelay $0x4  }
0xb2: {  	[tilespmem:v54+s18+$0x0] =	vst.idx.add.f32.msk $0xffff, v28  }
0xb3: {  	v55 =	vor.u32 v17, v30;
	v28 =	vld [tilespmem:s25+$0x430];
	_ =	sdelay $0x4  }
0xb4: {  	[tilespmem:v55+s18+$0x0] =	vst.idx.add.f32.msk $0xffff, v28  }
0xb5: {  	v56 =	vor.u32 v19, v30;
	v28 =	vld [tilespmem:s25+$0x440];
	_ =	sdelay $0x4  }
0xb6: {  	[tilespmem:v56+s18+$0x0] =	vst.idx.add.f32.msk $0xffff, v28  }
0xb7: {  	v57 =	vor.u32 v21, v30;
	v28 =	vld [tilespmem:s25+$0x450];
	_ =	sdelay $0x4  }
0xb8: {  	[tilespmem:v57+s18+$0x0] =	vst.idx.add.f32.msk $0xffff, v28  }
0xb9: {  	v58 =	vor.u32 v24, v30;
	v28 =	vld [tilespmem:s25+$0x460];
	_ =	sdelay $0x4  }
0xba: {  	[tilespmem:v58+s18+$0x0] =	vst.idx.add.f32.msk $0xffff, v28  }
0xbb: {  	v59 =	vor.u32 v25, v30;
	v28 =	vld [tilespmem:s25+$0x470];
	_ =	sdelay $0x2  }
0xbc: {  	v60 =	vshll.u32 v27, v10  }
0xbd: {  	v30 =	vbroadcast v60, $0x7  }
0xbe: {  	[tilespmem:v59+s18+$0x0] =	vst.idx.add.f32.msk $0xffff, v28  }
0xbf: {  	v61 =	vor.u32 v11, v30;
	v28 =	vld [tilespmem:s25+$0x480];
	_ =	sdelay $0x4  }
0xc0: {  	[tilespmem:v61+s18+$0x0] =	vst.idx.add.f32.msk $0xffff, v28  }
0xc1: {  	v62 =	vor.u32 v13, v30;
	v28 =	vld [tilespmem:s25+$0x490];
	_ =	sdelay $0x4  }
0xc2: {  	[tilespmem:v62+s18+$0x0] =	vst.idx.add.f32.msk $0xffff, v28  }
0xc3: {  	v63 =	vor.u32 v15, v30;
	v28 =	vld [tilespmem:s25+$0x4A0];
	_ =	sdelay $0x4  }
0xc4: {  	[tilespmem:v63+s18+$0x0] =	vst.idx.add.f32.msk $0xffff, v28  }
0xc5: {  	v32 =	vor.u32 v17, v30;
	v28 =	vld [tilespmem:s25+$0x4B0];
	_ =	sdelay $0x4  }
0xc6: {  	[tilespmem:v32+s18+$0x0] =	vst.idx.add.f32.msk $0xffff, v28  }
0xc7: {  	v33 =	vor.u32 v19, v30;
	v28 =	vld [tilespmem:s25+$0x4C0];
	_ =	sdelay $0x4  }
0xc8: {  	[tilespmem:v33+s18+$0x0] =	vst.idx.add.f32.msk $0xffff, v28  }
0xc9: {  	v34 =	vor.u32 v21, v30;
	v28 =	vld [tilespmem:s25+$0x4D0];
	_ =	sdelay $0x4  }
0xca: {  	[tilespmem:v34+s18+$0x0] =	vst.idx.add.f32.msk $0xffff, v28  }
0xcb: {  	v35 =	vor.u32 v24, v30;
	v28 =	vld [tilespmem:s25+$0x4E0];
	_ =	sdelay $0x4  }
0xcc: {  	[tilespmem:v35+s18+$0x0] =	vst.idx.add.f32.msk $0xffff, v28  }
0xcd: {  	v36 =	vor.u32 v25, v30;
	v28 =	vld [tilespmem:s25+$0x4F0];
	_ =	sdelay $0x2  }
0xce: {  	v37 =	vshll.u32 v27, v12  }
0xcf: {  	v30 =	vbroadcast v37, $0x8  }
0xd0: {  	[tilespmem:v36+s18+$0x0] =	vst.idx.add.f32.msk $0xffff, v28  }
0xd1: {  	v38 =	vor.u32 v11, v30;
	v28 =	vld [tilespmem:s25+$0x500];
	_ =	sdelay $0x4  }
0xd2: {  	[tilespmem:v38+s18+$0x0] =	vst.idx.add.f32.msk $0xffff, v28  }
0xd3: {  	v39 =	vor.u32 v13, v30;
	v28 =	vld [tilespmem:s25+$0x510];
	_ =	sdelay $0x4  }
0xd4: {  	[tilespmem:v39+s18+$0x0] =	vst.idx.add.f32.msk $0xffff, v28  }
0xd5: {  	v40 =	vor.u32 v15, v30;
	v28 =	vld [tilespmem:s25+$0x520];
	_ =	sdelay $0x4  }
0xd6: {  	[tilespmem:v40+s18+$0x0] =	vst.idx.add.f32.msk $0xffff, v28  }
0xd7: {  	v41 =	vor.u32 v17, v30;
	v28 =	vld [tilespmem:s25+$0x530];
	_ =	sdelay $0x4  }
0xd8: {  	[tilespmem:v41+s18+$0x0] =	vst.idx.add.f32.msk $0xffff, v28  }
0xd9: {  	v42 =	vor.u32 v19, v30;
	v28 =	vld [tilespmem:s25+$0x540];
	_ =	sdelay $0x4  }
0xda: {  	[tilespmem:v42+s18+$0x0] =	vst.idx.add.f32.msk $0xffff, v28  }
0xdb: {  	v43 =	vor.u32 v21, v30;
	v28 =	vld [tilespmem:s25+$0x550];
	_ =	sdelay $0x4  }
0xdc: {  	[tilespmem:v43+s18+$0x0] =	vst.idx.add.f32.msk $0xffff, v28  }
0xdd: {  	v44 =	vor.u32 v24, v30;
	v28 =	vld [tilespmem:s25+$0x560];
	_ =	sdelay $0x4  }
0xde: {  	[tilespmem:v44+s18+$0x0] =	vst.idx.add.f32.msk $0xffff, v28  }
0xdf: {  	v45 =	vor.u32 v25, v30;
	v28 =	vld [tilespmem:s25+$0x570];
	_ =	sdelay $0x2  }
0xe0: {  	v46 =	vshll.u32 v27, v14  }
0xe1: {  	v30 =	vbroadcast v46, $0x9  }
0xe2: {  	[tilespmem:v45+s18+$0x0] =	vst.idx.add.f32.msk $0xffff, v28  }
0xe3: {  	v47 =	vor.u32 v11, v30;
	v28 =	vld [tilespmem:s25+$0x580];
	_ =	sdelay $0x4  }
0xe4: {  	[tilespmem:v47+s18+$0x0] =	vst.idx.add.f32.msk $0xffff, v28  }
0xe5: {  	v48 =	vor.u32 v13, v30;
	v28 =	vld [tilespmem:s25+$0x590];
	_ =	sdelay $0x4  }
0xe6: {  	[tilespmem:v48+s18+$0x0] =	vst.idx.add.f32.msk $0xffff, v28  }
0xe7: {  	v49 =	vor.u32 v15, v30;
	v28 =	vld [tilespmem:s25+$0x5A0];
	_ =	sdelay $0x4  }
0xe8: {  	[tilespmem:v49+s18+$0x0] =	vst.idx.add.f32.msk $0xffff, v28  }
0xe9: {  	v50 =	vor.u32 v17, v30;
	v28 =	vld [tilespmem:s25+$0x5B0];
	_ =	sdelay $0x4  }
0xea: {  	[tilespmem:v50+s18+$0x0] =	vst.idx.add.f32.msk $0xffff, v28  }
0xeb: {  	v51 =	vor.u32 v19, v30;
	v28 =	vld [tilespmem:s25+$0x5C0];
	_ =	sdelay $0x4  }
0xec: {  	[tilespmem:v51+s18+$0x0] =	vst.idx.add.f32.msk $0xffff, v28  }
0xed: {  	v52 =	vor.u32 v21, v30;
	v28 =	vld [tilespmem:s25+$0x5D0];
	_ =	sdelay $0x4  }
0xee: {  	[tilespmem:v52+s18+$0x0] =	vst.idx.add.f32.msk $0xffff, v28  }
0xef: {  	v53 =	vor.u32 v24, v30;
	v28 =	vld [tilespmem:s25+$0x5E0];
	_ =	sdelay $0x4  }
0xf0: {  	[tilespmem:v53+s18+$0x0] =	vst.idx.add.f32.msk $0xffff, v28  }
0xf1: {  	v54 =	vor.u32 v25, v30;
	v28 =	vld [tilespmem:s25+$0x5F0];
	_ =	sdelay $0x2  }
0xf2: {  	v55 =	vshll.u32 v27, v16  }
0xf3: {  	v30 =	vbroadcast v55, $0xA  }
0xf4: {  	[tilespmem:v54+s18+$0x0] =	vst.idx.add.f32.msk $0xffff, v28  }
0xf5: {  	v56 =	vor.u32 v11, v30;
	v28 =	vld [tilespmem:s25+$0x600];
	_ =	sdelay $0x4  }
0xf6: {  	[tilespmem:v56+s18+$0x0] =	vst.idx.add.f32.msk $0xffff, v28  }
0xf7: {  	v57 =	vor.u32 v13, v30;
	v28 =	vld [tilespmem:s25+$0x610];
	_ =	sdelay $0x4  }
0xf8: {  	[tilespmem:v57+s18+$0x0] =	vst.idx.add.f32.msk $0xffff, v28  }
0xf9: {  	v58 =	vor.u32 v15, v30;
	v28 =	vld [tilespmem:s25+$0x620];
	_ =	sdelay $0x4  }
0xfa: {  	[tilespmem:v58+s18+$0x0] =	vst.idx.add.f32.msk $0xffff, v28  }
0xfb: {  	v59 =	vor.u32 v17, v30;
	v28 =	vld [tilespmem:s25+$0x630];
	_ =	sdelay $0x4  }
0xfc: {  	[tilespmem:v59+s18+$0x0] =	vst.idx.add.f32.msk $0xffff, v28  }
0xfd: {  	v60 =	vor.u32 v19, v30;
	v28 =	vld [tilespmem:s25+$0x640];
	_ =	sdelay $0x4  }
0xfe: {  	[tilespmem:v60+s18+$0x0] =	vst.idx.add.f32.msk $0xffff, v28  }
0xff: {  	v61 =	vor.u32 v21, v30;
	v28 =	vld [tilespmem:s25+$0x650];
	_ =	sdelay $0x4  }
0x100: {  	[tilespmem:v61+s18+$0x0] =	vst.idx.add.f32.msk $0xffff, v28  }
0x101: {  	v62 =	vor.u32 v24, v30;
	v28 =	vld [tilespmem:s25+$0x660];
	_ =	sdelay $0x4  }
0x102: {  	[tilespmem:v62+s18+$0x0] =	vst.idx.add.f32.msk $0xffff, v28  }
0x103: {  	v63 =	vor.u32 v25, v30;
	v28 =	vld [tilespmem:s25+$0x670];
	_ =	sdelay $0x2  }
0x104: {  	v33 =	vshll.u32 v27, v18  }
0x105: {  	v30 =	vbroadcast v33, $0xB  }
0x106: {  	[tilespmem:v63+s18+$0x0] =	vst.idx.add.f32.msk $0xffff, v28  }
0x107: {  	v34 =	vor.u32 v11, v30;
	v28 =	vld [tilespmem:s25+$0x680];
	_ =	sdelay $0x4  }
0x108: {  	[tilespmem:v34+s18+$0x0] =	vst.idx.add.f32.msk $0xffff, v28  }
0x109: {  	v35 =	vor.u32 v13, v30;
	v28 =	vld [tilespmem:s25+$0x690];
	_ =	sdelay $0x4  }
0x10a: {  	[tilespmem:v35+s18+$0x0] =	vst.idx.add.f32.msk $0xffff, v28  }
0x10b: {  	v36 =	vor.u32 v15, v30;
	v28 =	vld [tilespmem:s25+$0x6A0];
	_ =	sdelay $0x4  }
0x10c: {  	[tilespmem:v36+s18+$0x0] =	vst.idx.add.f32.msk $0xffff, v28  }
0x10d: {  	v37 =	vor.u32 v17, v30;
	v28 =	vld [tilespmem:s25+$0x6B0];
	_ =	sdelay $0x4  }
0x10e: {  	[tilespmem:v37+s18+$0x0] =	vst.idx.add.f32.msk $0xffff, v28  }
0x10f: {  	v38 =	vor.u32 v19, v30;
	v28 =	vld [tilespmem:s25+$0x6C0];
	_ =	sdelay $0x4  }
0x110: {  	[tilespmem:v38+s18+$0x0] =	vst.idx.add.f32.msk $0xffff, v28  }
0x111: {  	v39 =	vor.u32 v21, v30;
	v28 =	vld [tilespmem:s25+$0x6D0];
	_ =	sdelay $0x4  }
0x112: {  	[tilespmem:v39+s18+$0x0] =	vst.idx.add.f32.msk $0xffff, v28  }
0x113: {  	v40 =	vor.u32 v24, v30;
	v28 =	vld [tilespmem:s25+$0x6E0];
	_ =	sdelay $0x4  }
0x114: {  	[tilespmem:v40+s18+$0x0] =	vst.idx.add.f32.msk $0xffff, v28  }
0x115: {  	v41 =	vor.u32 v25, v30;
	v28 =	vld [tilespmem:s25+$0x6F0];
	_ =	sdelay $0x2  }
0x116: {  	v42 =	vshll.u32 v27, v20  }
0x117: {  	v30 =	vbroadcast v42, $0xC  }
0x118: {  	[tilespmem:v41+s18+$0x0] =	vst.idx.add.f32.msk $0xffff, v28  }
0x119: {  	v43 =	vor.u32 v11, v30;
	v28 =	vld [tilespmem:s25+$0x700];
	_ =	sdelay $0x4  }
0x11a: {  	[tilespmem:v43+s18+$0x0] =	vst.idx.add.f32.msk $0xffff, v28  }
0x11b: {  	v44 =	vor.u32 v13, v30;
	v28 =	vld [tilespmem:s25+$0x710];
	_ =	sdelay $0x4  }
0x11c: {  	[tilespmem:v44+s18+$0x0] =	vst.idx.add.f32.msk $0xffff, v28  }
0x11d: {  	v45 =	vor.u32 v15, v30;
	v28 =	vld [tilespmem:s25+$0x720];
	_ =	sdelay $0x4  }
0x11e: {  	[tilespmem:v45+s18+$0x0] =	vst.idx.add.f32.msk $0xffff, v28  }
0x11f: {  	v46 =	vor.u32 v17, v30;
	v28 =	vld [tilespmem:s25+$0x730];
	_ =	sdelay $0x4  }
0x120: {  	[tilespmem:v46+s18+$0x0] =	vst.idx.add.f32.msk $0xffff, v28  }
0x121: {  	v47 =	vor.u32 v19, v30;
	v28 =	vld [tilespmem:s25+$0x740];
	_ =	sdelay $0x4  }
0x122: {  	[tilespmem:v47+s18+$0x0] =	vst.idx.add.f32.msk $0xffff, v28  }
0x123: {  	v48 =	vor.u32 v21, v30;
	v28 =	vld [tilespmem:s25+$0x750];
	_ =	sdelay $0x4  }
0x124: {  	[tilespmem:v48+s18+$0x0] =	vst.idx.add.f32.msk $0xffff, v28  }
0x125: {  	v49 =	vor.u32 v24, v30;
	v28 =	vld [tilespmem:s25+$0x760];
	_ =	sdelay $0x4  }
0x126: {  	[tilespmem:v49+s18+$0x0] =	vst.idx.add.f32.msk $0xffff, v28  }
0x127: {  	v50 =	vor.u32 v25, v30;
	v28 =	vld [tilespmem:s25+$0x770];
	_ =	sdelay $0x2  }
0x128: {  	v51 =	vshll.u32 v27, v22  }
0x129: {  	v30 =	vbroadcast v51, $0xD  }
0x12a: {  	[tilespmem:v50+s18+$0x0] =	vst.idx.add.f32.msk $0xffff, v28  }
0x12b: {  	v52 =	vor.u32 v11, v30;
	v28 =	vld [tilespmem:s25+$0x780];
	_ =	sdelay $0x4  }
0x12c: {  	[tilespmem:v52+s18+$0x0] =	vst.idx.add.f32.msk $0xffff, v28  }
0x12d: {  	v53 =	vor.u32 v13, v30;
	v28 =	vld [tilespmem:s25+$0x790];
	_ =	sdelay $0x4  }
0x12e: {  	[tilespmem:v53+s18+$0x0] =	vst.idx.add.f32.msk $0xffff, v28  }
0x12f: {  	v54 =	vor.u32 v15, v30;
	v28 =	vld [tilespmem:s25+$0x7A0];
	_ =	sdelay $0x4  }
0x130: {  	[tilespmem:v54+s18+$0x0] =	vst.idx.add.f32.msk $0xffff, v28  }
0x131: {  	v55 =	vor.u32 v17, v30;
	v28 =	vld [tilespmem:s25+$0x7B0];
	_ =	sdelay $0x4  }
0x132: {  	[tilespmem:v55+s18+$0x0] =	vst.idx.add.f32.msk $0xffff, v28  }
0x133: {  	v56 =	vor.u32 v19, v30;
	v28 =	vld [tilespmem:s25+$0x7C0];
	_ =	sdelay $0x4  }
0x134: {  	[tilespmem:v56+s18+$0x0] =	vst.idx.add.f32.msk $0xffff, v28  }
0x135: {  	v57 =	vor.u32 v21, v30;
	v28 =	vld [tilespmem:s25+$0x7D0];
	_ =	sdelay $0x4  }
0x136: {  	[tilespmem:v57+s18+$0x0] =	vst.idx.add.f32.msk $0xffff, v28  }
0x137: {  	v58 =	vor.u32 v24, v30;
	v28 =	vld [tilespmem:s25+$0x7E0];
	_ =	sdelay $0x4  }
0x138: {  	[tilespmem:v58+s18+$0x0] =	vst.idx.add.f32.msk $0xffff, v28  }
0x139: {  	v59 =	vor.u32 v25, v30;
	v28 =	vld [tilespmem:s25+$0x7F0];
	_ =	sdelay $0x2  }
0x13a: {  	v60 =	vshll.u32 v27, v23  }
0x13b: {  	v30 =	vbroadcast v60, $0xE  }
0x13c: {  	[tilespmem:v59+s18+$0x0] =	vst.idx.add.f32.msk $0xffff, v28  }
0x13d: {  	v61 =	vor.u32 v11, v30;
	v28 =	vld [tilespmem:s25+$0x800];
	_ =	sdelay $0x4  }
0x13e: {  	[tilespmem:v61+s18+$0x0] =	vst.idx.add.f32.msk $0xffff, v28  }
0x13f: {  	v62 =	vor.u32 v13, v30;
	v28 =	vld [tilespmem:s25+$0x810];
	_ =	sdelay $0x4  }
0x140: {  	[tilespmem:v62+s18+$0x0] =	vst.idx.add.f32.msk $0xffff, v28  }
0x141: {  	v63 =	vor.u32 v15, v30;
	v28 =	vld [tilespmem:s25+$0x820];
	_ =	sdelay $0x4  }
0x142: {  	[tilespmem:v63+s18+$0x0] =	vst.idx.add.f32.msk $0xffff, v28  }
0x143: {  	v32 =	vor.u32 v17, v30;
	v28 =	vld [tilespmem:s25+$0x830];
	_ =	sdelay $0x4  }
0x144: {  	[tilespmem:v32+s18+$0x0] =	vst.idx.add.f32.msk $0xffff, v28  }
0x145: {  	v33 =	vor.u32 v19, v30;
	v28 =	vld [tilespmem:s25+$0x840];
	_ =	sdelay $0x4  }
0x146: {  	[tilespmem:v33+s18+$0x0] =	vst.idx.add.f32.msk $0xffff, v28  }
0x147: {  	v34 =	vor.u32 v21, v30;
	v28 =	vld [tilespmem:s25+$0x850];
	_ =	sdelay $0x4  }
0x148: {  	[tilespmem:v34+s18+$0x0] =	vst.idx.add.f32.msk $0xffff, v28  }
0x149: {  	v35 =	vor.u32 v24, v30;
	v28 =	vld [tilespmem:s25+$0x860];
	_ =	sdelay $0x3  }
0x14a: {  	v37 =	vld [tilespmem:s26+$0x10]  }
0x14b: {  	[tilespmem:v35+s18+$0x0] =	vst.idx.add.f32.msk $0xffff, v28  }
0x14c: {  	v36 =	vor.u32 v25, v30;
	v28 =	vld [tilespmem:s25+$0x870];
	_ =	sdelay $0x2  }
0x14d: {  	v27 =	vshll.u32 v27, v26  }
0x14e: {  	v31 =	vbroadcast v27, $0xF;
	vm12 =	vge.s32 v37, v5;
	vm13 =	vlt.s32 v37, v7  }
0x14f: {  	v27 =	vsub.s32 v37, v5;
	vm0 =	vmand vm12, vm13;
	[tilespmem:v36+s18+$0x0] =	vst.idx.add.f32.msk $0xffff, v28  }
0x150: {  	v38 =	vor.u32 v11, v31;
	v27 =	vnsel vm0, $0x200, v27;
	v28 =	vld [tilespmem:s25+$0x880]  }
0x151: {  	s28 =	sadd.s32 $0x10, s26;
	v39 =	vshll.u32 v27, v0  }
0x152: {  	s28 =	sshll.u32 s28, $0x7;
	v32 =	vbroadcast v39, $0x0  }
0x153: {  	s28 =	sand.u32 $0x3FFFF800, s28  }
0x154: {  	v41 =	vld [tilespmem:s28+$0x100];
	v33 =	vor.u32 v11, v32  }
0x155: {  	[tilespmem:v38+s18+$0x0] =	vst.idx.add.f32.msk $0xffff, v28  }
0x156: {  	v40 =	vor.u32 v13, v31;
	v29 =	vld [tilespmem:s25+$0x890];
	_ =	sdelay $0x2  }
0x157: {  	[tilespmem:v33+s18+$0x0] =	vst.idx.add.f32.msk $0xffff, v41  }
0x158: {  	v43 =	vor.u32 v13, v32;
	v28 =	vld [tilespmem:s28+$0x110]  }
0x159: {  	[tilespmem:v40+s18+$0x0] =	vst.idx.add.f32.msk $0xffff, v29  }
0x15a: {  	v42 =	vor.u32 v15, v31;
	v29 =	vld [tilespmem:s25+$0x8A0];
	_ =	sdelay $0x2  }
0x15b: {  	[tilespmem:v43+s18+$0x0] =	vst.idx.add.f32.msk $0xffff, v28  }
0x15c: {  	v45 =	vor.u32 v15, v32;
	v28 =	vld [tilespmem:s28+$0x120]  }
0x15d: {  	[tilespmem:v42+s18+$0x0] =	vst.idx.add.f32.msk $0xffff, v29  }
0x15e: {  	v44 =	vor.u32 v17, v31;
	v29 =	vld [tilespmem:s25+$0x8B0];
	_ =	sdelay $0x2  }
0x15f: {  	[tilespmem:v45+s18+$0x0] =	vst.idx.add.f32.msk $0xffff, v28  }
0x160: {  	v47 =	vor.u32 v17, v32;
	v28 =	vld [tilespmem:s28+$0x130]  }
0x161: {  	[tilespmem:v44+s18+$0x0] =	vst.idx.add.f32.msk $0xffff, v29  }
0x162: {  	v46 =	vor.u32 v19, v31;
	v29 =	vld [tilespmem:s25+$0x8C0];
	_ =	sdelay $0x2  }
0x163: {  	[tilespmem:v47+s18+$0x0] =	vst.idx.add.f32.msk $0xffff, v28  }
0x164: {  	v49 =	vor.u32 v19, v32;
	v28 =	vld [tilespmem:s28+$0x140]  }
0x165: {  	[tilespmem:v46+s18+$0x0] =	vst.idx.add.f32.msk $0xffff, v29  }
0x166: {  	v48 =	vor.u32 v21, v31;
	v29 =	vld [tilespmem:s25+$0x8D0];
	_ =	sdelay $0x2  }
0x167: {  	[tilespmem:v49+s18+$0x0] =	vst.idx.add.f32.msk $0xffff, v28  }
0x168: {  	v28 =	vld [tilespmem:s28+$0x150]  }
0x169: {  	v51 =	vor.u32 v21, v32;
	[tilespmem:v48+s18+$0x0] =	vst.idx.add.f32.msk $0xffff, v29  }
0x16a: {  	v50 =	vor.u32 v24, v31;
	v29 =	vld [tilespmem:s25+$0x8E0];
	_ =	sdelay $0x3  }
0x16b: {  	[tilespmem:v51+s18+$0x0] =	vst.idx.add.f32.msk $0xffff, v28  }
0x16c: {  	[tilespmem:v50+s18+$0x0] =	vst.idx.add.f32.msk $0xffff, v29  }
0x16d: {  	v52 =	vor.u32 v25, v31;
	v29 =	vld [tilespmem:s25+$0x8F0]  }
0x16e: {  	v53 =	vor.u32 v24, v32;
	v28 =	vld [tilespmem:s28+$0x160];
	_ =	sdelay $0x3  }
0x16f: {  	[tilespmem:v52+s18+$0x0] =	vst.idx.add.f32.msk $0xffff, v29  }
0x170: {  	[tilespmem:v53+s18+$0x0] =	vst.idx.add.f32.msk $0xffff, v28  }
0x171: {  	v28 =	vld [tilespmem:s26+$0x20];
	_ =	sdelay $0x4  }
0x172: {  	vm14 =	vge.s32 v28, v5;
	vm15 =	vlt.s32 v28, v7  }
0x173: {  	v28 =	vsub.s32 v28, v5;
	vm0 =	vmand vm14, vm15  }
0x174: {  	v28 =	vnsel vm0, $0x200, v28  }
0x175: {  	s26 =	sadd.s32 $0x20, s26;
	v54 =	vshll.u32 v28, v0  }
0x176: {  	s26 =	sshll.u32 s26, $0x7;
	v29 =	vbroadcast v54, $0x0  }
0x177: {  	s26 =	sand.u32 $0x3FFFF800, s26  }
0x178: {  	v55 =	vld [tilespmem:s26+$0x100];
	v56 =	vor.u32 v11, v29;
	_ =	sdelay $0x4  }
0x179: {  	[tilespmem:v56+s18+$0x0] =	vst.idx.add.f32.msk $0xffff, v55  }
0x17a: {  	v57 =	vor.u32 v13, v29;
	v30 =	vld [tilespmem:s26+$0x110];
	_ =	sdelay $0x4  }
0x17b: {  	[tilespmem:v57+s18+$0x0] =	vst.idx.add.f32.msk $0xffff, v30  }
0x17c: {  	v58 =	vor.u32 v15, v29;
	v30 =	vld [tilespmem:s26+$0x120];
	_ =	sdelay $0x4  }
0x17d: {  	[tilespmem:v58+s18+$0x0] =	vst.idx.add.f32.msk $0xffff, v30  }
0x17e: {  	v59 =	vor.u32 v17, v29;
	v30 =	vld [tilespmem:s26+$0x130];
	_ =	sdelay $0x4  }
0x17f: {  	[tilespmem:v59+s18+$0x0] =	vst.idx.add.f32.msk $0xffff, v30  }
0x180: {  	v60 =	vor.u32 v19, v29;
	v30 =	vld [tilespmem:s26+$0x140];
	_ =	sdelay $0x4  }
0x181: {  	[tilespmem:v60+s18+$0x0] =	vst.idx.add.f32.msk $0xffff, v30  }
0x182: {  	v61 =	vor.u32 v21, v29;
	v30 =	vld [tilespmem:s26+$0x150];
	_ =	sdelay $0x4  }
0x183: {  	[tilespmem:v61+s18+$0x0] =	vst.idx.add.f32.msk $0xffff, v30  }
0x184: {  	v62 =	vor.u32 v24, v29;
	v30 =	vld [tilespmem:s26+$0x160];
	_ =	sdelay $0x3  }
0x185: {  	v32 =	vor.u32 v25, v32;
	v63 =	vld [tilespmem:s28+$0x170]  }
0x186: {  	[tilespmem:v62+s18+$0x0] =	vst.idx.add.f32.msk $0xffff, v30  }
0x187: {  	v29 =	vor.u32 v25, v29;
	v30 =	vld [tilespmem:s26+$0x170]  }
0x188: {  	v35 =	vshll.u32 v27, v1  }
0x189: {  	v31 =	vbroadcast v35, $0x1  }
0x18a: {  	[tilespmem:v32+s18+$0x0] =	vst.idx.add.f32.msk $0xffff, v63;
	v36 =	vshll.u32 v28, v1  }
0x18b: {  	v34 =	vor.u32 v11, v31;
	v33 =	vld [tilespmem:s25+$0x980];
	v32 =	vbroadcast v36, $0x1  }
0x18c: {  	[tilespmem:v29+s18+$0x0] =	vst.idx.add.f32.msk $0xffff, v30  }
0x18d: {  	v37 =	vor.u32 v11, v32;
	v29 =	vld [tilespmem:s25+$0x1180];
	_ =	sdelay $0x2  }
0x18e: {  	[tilespmem:v34+s18+$0x0] =	vst.idx.add.f32.msk $0xffff, v33  }
0x18f: {  	v38 =	vor.u32 v13, v31;
	v33 =	vld [tilespmem:s25+$0x990]  }
0x190: {  	[tilespmem:v37+s18+$0x0] =	vst.idx.add.f32.msk $0xffff, v29  }
0x191: {  	v39 =	vor.u32 v13, v32;
	v29 =	vld [tilespmem:s25+$0x1190];
	_ =	sdelay $0x2  }
0x192: {  	[tilespmem:v38+s18+$0x0] =	vst.idx.add.f32.msk $0xffff, v33  }
0x193: {  	v40 =	vor.u32 v15, v31;
	v33 =	vld [tilespmem:s25+$0x9A0]  }
0x194: {  	[tilespmem:v39+s18+$0x0] =	vst.idx.add.f32.msk $0xffff, v29  }
0x195: {  	v41 =	vor.u32 v15, v32;
	v29 =	vld [tilespmem:s25+$0x11A0];
	_ =	sdelay $0x2  }
0x196: {  	[tilespmem:v40+s18+$0x0] =	vst.idx.add.f32.msk $0xffff, v33  }
0x197: {  	v42 =	vor.u32 v17, v31;
	v33 =	vld [tilespmem:s25+$0x9B0]  }
0x198: {  	[tilespmem:v41+s18+$0x0] =	vst.idx.add.f32.msk $0xffff, v29  }
0x199: {  	v43 =	vor.u32 v17, v32;
	v29 =	vld [tilespmem:s25+$0x11B0];
	_ =	sdelay $0x2  }
0x19a: {  	[tilespmem:v42+s18+$0x0] =	vst.idx.add.f32.msk $0xffff, v33  }
0x19b: {  	v44 =	vor.u32 v19, v31;
	v33 =	vld [tilespmem:s25+$0x9C0]  }
0x19c: {  	[tilespmem:v43+s18+$0x0] =	vst.idx.add.f32.msk $0xffff, v29  }
0x19d: {  	v45 =	vor.u32 v19, v32;
	v29 =	vld [tilespmem:s25+$0x11C0];
	_ =	sdelay $0x2  }
0x19e: {  	[tilespmem:v44+s18+$0x0] =	vst.idx.add.f32.msk $0xffff, v33  }
0x19f: {  	v46 =	vor.u32 v21, v31;
	v33 =	vld [tilespmem:s25+$0x9D0]  }
0x1a0: {  	[tilespmem:v45+s18+$0x0] =	vst.idx.add.f32.msk $0xffff, v29  }
0x1a1: {  	v47 =	vor.u32 v21, v32;
	v29 =	vld [tilespmem:s25+$0x11D0];
	_ =	sdelay $0x2  }
0x1a2: {  	[tilespmem:v46+s18+$0x0] =	vst.idx.add.f32.msk $0xffff, v33  }
0x1a3: {  	v48 =	vor.u32 v24, v31;
	v33 =	vld [tilespmem:s25+$0x9E0]  }
0x1a4: {  	[tilespmem:v47+s18+$0x0] =	vst.idx.add.f32.msk $0xffff, v29  }
0x1a5: {  	v49 =	vor.u32 v24, v32;
	v29 =	vld [tilespmem:s25+$0x11E0];
	_ =	sdelay $0x2  }
0x1a6: {  	[tilespmem:v48+s18+$0x0] =	vst.idx.add.f32.msk $0xffff, v33  }
0x1a7: {  	v31 =	vor.u32 v25, v31;
	v33 =	vld [tilespmem:s25+$0x9F0]  }
0x1a8: {  	[tilespmem:v49+s18+$0x0] =	vst.idx.add.f32.msk $0xffff, v29  }
0x1a9: {  	v50 =	vor.u32 v25, v32;
	v29 =	vld [tilespmem:s25+$0x11F0]  }
0x1aa: {  	v51 =	vshll.u32 v27, v2  }
0x1ab: {  	v32 =	vbroadcast v51, $0x2  }
0x1ac: {  	v52 =	vshll.u32 v28, v2;
	[tilespmem:v31+s18+$0x0] =	vst.idx.add.f32.msk $0xffff, v33  }
0x1ad: {  	v53 =	vor.u32 v11, v32;
	v31 =	vbroadcast v52, $0x2;
	v33 =	vld [tilespmem:s25+$0xA00]  }
0x1ae: {  	[tilespmem:v50+s18+$0x0] =	vst.idx.add.f32.msk $0xffff, v29  }
0x1af: {  	v54 =	vor.u32 v11, v31;
	v29 =	vld [tilespmem:s25+$0x1200];
	_ =	sdelay $0x2  }
0x1b0: {  	[tilespmem:v53+s18+$0x0] =	vst.idx.add.f32.msk $0xffff, v33  }
0x1b1: {  	v55 =	vor.u32 v13, v32;
	v33 =	vld [tilespmem:s25+$0xA10]  }
0x1b2: {  	[tilespmem:v54+s18+$0x0] =	vst.idx.add.f32.msk $0xffff, v29  }
0x1b3: {  	v56 =	vor.u32 v13, v31;
	v29 =	vld [tilespmem:s25+$0x1210];
	_ =	sdelay $0x2  }
0x1b4: {  	[tilespmem:v55+s18+$0x0] =	vst.idx.add.f32.msk $0xffff, v33  }
0x1b5: {  	v57 =	vor.u32 v15, v32;
	v33 =	vld [tilespmem:s25+$0xA20]  }
0x1b6: {  	[tilespmem:v56+s18+$0x0] =	vst.idx.add.f32.msk $0xffff, v29  }
0x1b7: {  	v58 =	vor.u32 v15, v31;
	v29 =	vld [tilespmem:s25+$0x1220];
	_ =	sdelay $0x2  }
0x1b8: {  	[tilespmem:v57+s18+$0x0] =	vst.idx.add.f32.msk $0xffff, v33  }
0x1b9: {  	v59 =	vor.u32 v17, v32;
	v33 =	vld [tilespmem:s25+$0xA30]  }
0x1ba: {  	[tilespmem:v58+s18+$0x0] =	vst.idx.add.f32.msk $0xffff, v29  }
0x1bb: {  	v60 =	vor.u32 v17, v31;
	v29 =	vld [tilespmem:s25+$0x1230];
	_ =	sdelay $0x2  }
0x1bc: {  	[tilespmem:v59+s18+$0x0] =	vst.idx.add.f32.msk $0xffff, v33  }
0x1bd: {  	v61 =	vor.u32 v19, v32;
	v33 =	vld [tilespmem:s25+$0xA40]  }
0x1be: {  	[tilespmem:v60+s18+$0x0] =	vst.idx.add.f32.msk $0xffff, v29  }
0x1bf: {  	v62 =	vor.u32 v19, v31;
	v29 =	vld [tilespmem:s25+$0x1240];
	_ =	sdelay $0x2  }
0x1c0: {  	[tilespmem:v61+s18+$0x0] =	vst.idx.add.f32.msk $0xffff, v33  }
0x1c1: {  	v63 =	vor.u32 v21, v32;
	v33 =	vld [tilespmem:s25+$0xA50]  }
0x1c2: {  	[tilespmem:v62+s18+$0x0] =	vst.idx.add.f32.msk $0xffff, v29  }
0x1c3: {  	v36 =	vor.u32 v21, v31;
	v29 =	vld [tilespmem:s25+$0x1250];
	_ =	sdelay $0x2  }
0x1c4: {  	[tilespmem:v63+s18+$0x0] =	vst.idx.add.f32.msk $0xffff, v33  }
0x1c5: {  	v37 =	vor.u32 v24, v32;
	v33 =	vld [tilespmem:s25+$0xA60]  }
0x1c6: {  	[tilespmem:v36+s18+$0x0] =	vst.idx.add.f32.msk $0xffff, v29  }
0x1c7: {  	v38 =	vor.u32 v24, v31;
	v29 =	vld [tilespmem:s25+$0x1260];
	_ =	sdelay $0x2  }
0x1c8: {  	[tilespmem:v37+s18+$0x0] =	vst.idx.add.f32.msk $0xffff, v33  }
0x1c9: {  	v32 =	vor.u32 v25, v32;
	v33 =	vld [tilespmem:s25+$0xA70]  }
0x1ca: {  	[tilespmem:v38+s18+$0x0] =	vst.idx.add.f32.msk $0xffff, v29  }
0x1cb: {  	v39 =	vor.u32 v25, v31;
	v29 =	vld [tilespmem:s25+$0x1270]  }
0x1cc: {  	v40 =	vshll.u32 v27, v3  }
0x1cd: {  	v31 =	vbroadcast v40, $0x3  }
0x1ce: {  	v41 =	vshll.u32 v28, v3;
	[tilespmem:v32+s18+$0x0] =	vst.idx.add.f32.msk $0xffff, v33  }
0x1cf: {  	v42 =	vor.u32 v11, v31;
	v32 =	vbroadcast v41, $0x3;
	v33 =	vld [tilespmem:s25+$0xA80]  }
0x1d0: {  	[tilespmem:v39+s18+$0x0] =	vst.idx.add.f32.msk $0xffff, v29  }
0x1d1: {  	v43 =	vor.u32 v11, v32;
	v29 =	vld [tilespmem:s25+$0x1280];
	_ =	sdelay $0x2  }
0x1d2: {  	[tilespmem:v42+s18+$0x0] =	vst.idx.add.f32.msk $0xffff, v33  }
0x1d3: {  	v44 =	vor.u32 v13, v31;
	v33 =	vld [tilespmem:s25+$0xA90]  }
0x1d4: {  	[tilespmem:v43+s18+$0x0] =	vst.idx.add.f32.msk $0xffff, v29  }
0x1d5: {  	v45 =	vor.u32 v13, v32;
	v29 =	vld [tilespmem:s25+$0x1290];
	_ =	sdelay $0x2  }
0x1d6: {  	[tilespmem:v44+s18+$0x0] =	vst.idx.add.f32.msk $0xffff, v33  }
0x1d7: {  	v46 =	vor.u32 v15, v31;
	v33 =	vld [tilespmem:s25+$0xAA0]  }
0x1d8: {  	[tilespmem:v45+s18+$0x0] =	vst.idx.add.f32.msk $0xffff, v29  }
0x1d9: {  	v47 =	vor.u32 v15, v32;
	v29 =	vld [tilespmem:s25+$0x12A0];
	_ =	sdelay $0x2  }
0x1da: {  	[tilespmem:v46+s18+$0x0] =	vst.idx.add.f32.msk $0xffff, v33  }
0x1db: {  	v48 =	vor.u32 v17, v31;
	v33 =	vld [tilespmem:s25+$0xAB0]  }
0x1dc: {  	[tilespmem:v47+s18+$0x0] =	vst.idx.add.f32.msk $0xffff, v29  }
0x1dd: {  	v49 =	vor.u32 v17, v32;
	v29 =	vld [tilespmem:s25+$0x12B0];
	_ =	sdelay $0x2  }
0x1de: {  	[tilespmem:v48+s18+$0x0] =	vst.idx.add.f32.msk $0xffff, v33  }
0x1df: {  	v50 =	vor.u32 v19, v31;
	v33 =	vld [tilespmem:s25+$0xAC0]  }
0x1e0: {  	[tilespmem:v49+s18+$0x0] =	vst.idx.add.f32.msk $0xffff, v29  }
0x1e1: {  	v51 =	vor.u32 v19, v32;
	v29 =	vld [tilespmem:s25+$0x12C0];
	_ =	sdelay $0x2  }
0x1e2: {  	[tilespmem:v50+s18+$0x0] =	vst.idx.add.f32.msk $0xffff, v33  }
0x1e3: {  	v52 =	vor.u32 v21, v31;
	v33 =	vld [tilespmem:s25+$0xAD0]  }
0x1e4: {  	[tilespmem:v51+s18+$0x0] =	vst.idx.add.f32.msk $0xffff, v29  }
0x1e5: {  	v53 =	vor.u32 v21, v32;
	v29 =	vld [tilespmem:s25+$0x12D0];
	_ =	sdelay $0x2  }
0x1e6: {  	[tilespmem:v52+s18+$0x0] =	vst.idx.add.f32.msk $0xffff, v33  }
0x1e7: {  	v54 =	vor.u32 v24, v31;
	v33 =	vld [tilespmem:s25+$0xAE0]  }
0x1e8: {  	[tilespmem:v53+s18+$0x0] =	vst.idx.add.f32.msk $0xffff, v29  }
0x1e9: {  	v55 =	vor.u32 v24, v32;
	v29 =	vld [tilespmem:s25+$0x12E0];
	_ =	sdelay $0x2  }
0x1ea: {  	[tilespmem:v54+s18+$0x0] =	vst.idx.add.f32.msk $0xffff, v33  }
0x1eb: {  	v31 =	vor.u32 v25, v31;
	v33 =	vld [tilespmem:s25+$0xAF0]  }
0x1ec: {  	[tilespmem:v55+s18+$0x0] =	vst.idx.add.f32.msk $0xffff, v29  }
0x1ed: {  	v56 =	vor.u32 v25, v32;
	v29 =	vld [tilespmem:s25+$0x12F0]  }
0x1ee: {  	v57 =	vshll.u32 v27, v4  }
0x1ef: {  	v32 =	vbroadcast v57, $0x4  }
0x1f0: {  	v58 =	vshll.u32 v28, v4;
	[tilespmem:v31+s18+$0x0] =	vst.idx.add.f32.msk $0xffff, v33  }
0x1f1: {  	v59 =	vor.u32 v11, v32;
	v31 =	vbroadcast v58, $0x4;
	v33 =	vld [tilespmem:s25+$0xB00]  }
0x1f2: {  	[tilespmem:v56+s18+$0x0] =	vst.idx.add.f32.msk $0xffff, v29  }
0x1f3: {  	v60 =	vor.u32 v11, v31;
	v29 =	vld [tilespmem:s25+$0x1300];
	_ =	sdelay $0x2  }
0x1f4: {  	[tilespmem:v59+s18+$0x0] =	vst.idx.add.f32.msk $0xffff, v33  }
0x1f5: {  	v61 =	vor.u32 v13, v32;
	v33 =	vld [tilespmem:s25+$0xB10]  }
0x1f6: {  	[tilespmem:v60+s18+$0x0] =	vst.idx.add.f32.msk $0xffff, v29  }
0x1f7: {  	v62 =	vor.u32 v13, v31;
	v29 =	vld [tilespmem:s25+$0x1310];
	_ =	sdelay $0x2  }
0x1f8: {  	[tilespmem:v61+s18+$0x0] =	vst.idx.add.f32.msk $0xffff, v33  }
0x1f9: {  	v63 =	vor.u32 v15, v32;
	v33 =	vld [tilespmem:s25+$0xB20]  }
0x1fa: {  	[tilespmem:v62+s18+$0x0] =	vst.idx.add.f32.msk $0xffff, v29  }
0x1fb: {  	v36 =	vor.u32 v15, v31;
	v29 =	vld [tilespmem:s25+$0x1320];
	_ =	sdelay $0x2  }
0x1fc: {  	[tilespmem:v63+s18+$0x0] =	vst.idx.add.f32.msk $0xffff, v33  }
0x1fd: {  	v37 =	vor.u32 v17, v32;
	v33 =	vld [tilespmem:s25+$0xB30]  }
0x1fe: {  	[tilespmem:v36+s18+$0x0] =	vst.idx.add.f32.msk $0xffff, v29  }
0x1ff: {  	v38 =	vor.u32 v17, v31;
	v29 =	vld [tilespmem:s25+$0x1330];
	_ =	sdelay $0x2  }
0x200: {  	[tilespmem:v37+s18+$0x0] =	vst.idx.add.f32.msk $0xffff, v33  }
0x201: {  	v39 =	vor.u32 v19, v32;
	v33 =	vld [tilespmem:s25+$0xB40]  }
0x202: {  	[tilespmem:v38+s18+$0x0] =	vst.idx.add.f32.msk $0xffff, v29  }
0x203: {  	v40 =	vor.u32 v19, v31;
	v29 =	vld [tilespmem:s25+$0x1340];
	_ =	sdelay $0x2  }
0x204: {  	[tilespmem:v39+s18+$0x0] =	vst.idx.add.f32.msk $0xffff, v33  }
0x205: {  	v41 =	vor.u32 v21, v32;
	v33 =	vld [tilespmem:s25+$0xB50]  }
0x206: {  	[tilespmem:v40+s18+$0x0] =	vst.idx.add.f32.msk $0xffff, v29  }
0x207: {  	v42 =	vor.u32 v21, v31;
	v29 =	vld [tilespmem:s25+$0x1350];
	_ =	sdelay $0x2  }
0x208: {  	[tilespmem:v41+s18+$0x0] =	vst.idx.add.f32.msk $0xffff, v33  }
0x209: {  	v43 =	vor.u32 v24, v32;
	v33 =	vld [tilespmem:s25+$0xB60]  }
0x20a: {  	[tilespmem:v42+s18+$0x0] =	vst.idx.add.f32.msk $0xffff, v29  }
0x20b: {  	v44 =	vor.u32 v24, v31;
	v29 =	vld [tilespmem:s25+$0x1360];
	_ =	sdelay $0x2  }
0x20c: {  	[tilespmem:v43+s18+$0x0] =	vst.idx.add.f32.msk $0xffff, v33  }
0x20d: {  	v32 =	vor.u32 v25, v32;
	v33 =	vld [tilespmem:s25+$0xB70]  }
0x20e: {  	[tilespmem:v44+s18+$0x0] =	vst.idx.add.f32.msk $0xffff, v29  }
0x20f: {  	v45 =	vor.u32 v25, v31;
	v29 =	vld [tilespmem:s25+$0x1370]  }
0x210: {  	v46 =	vshll.u32 v27, v6  }
0x211: {  	v31 =	vbroadcast v46, $0x5  }
0x212: {  	v47 =	vshll.u32 v28, v6;
	[tilespmem:v32+s18+$0x0] =	vst.idx.add.f32.msk $0xffff, v33  }
0x213: {  	v48 =	vor.u32 v11, v31;
	v32 =	vbroadcast v47, $0x5;
	v33 =	vld [tilespmem:s25+$0xB80]  }
0x214: {  	[tilespmem:v45+s18+$0x0] =	vst.idx.add.f32.msk $0xffff, v29  }
0x215: {  	v49 =	vor.u32 v11, v32;
	v29 =	vld [tilespmem:s25+$0x1380];
	_ =	sdelay $0x2  }
0x216: {  	[tilespmem:v48+s18+$0x0] =	vst.idx.add.f32.msk $0xffff, v33  }
0x217: {  	v50 =	vor.u32 v13, v31;
	v33 =	vld [tilespmem:s25+$0xB90]  }
0x218: {  	[tilespmem:v49+s18+$0x0] =	vst.idx.add.f32.msk $0xffff, v29  }
0x219: {  	v51 =	vor.u32 v13, v32;
	v29 =	vld [tilespmem:s25+$0x1390];
	_ =	sdelay $0x2  }
0x21a: {  	[tilespmem:v50+s18+$0x0] =	vst.idx.add.f32.msk $0xffff, v33  }
0x21b: {  	v52 =	vor.u32 v15, v31;
	v33 =	vld [tilespmem:s25+$0xBA0]  }
0x21c: {  	[tilespmem:v51+s18+$0x0] =	vst.idx.add.f32.msk $0xffff, v29  }
0x21d: {  	v53 =	vor.u32 v15, v32;
	v29 =	vld [tilespmem:s25+$0x13A0];
	_ =	sdelay $0x2  }
0x21e: {  	[tilespmem:v52+s18+$0x0] =	vst.idx.add.f32.msk $0xffff, v33  }
0x21f: {  	v54 =	vor.u32 v17, v31;
	v33 =	vld [tilespmem:s25+$0xBB0]  }
0x220: {  	[tilespmem:v53+s18+$0x0] =	vst.idx.add.f32.msk $0xffff, v29  }
0x221: {  	v55 =	vor.u32 v17, v32;
	v29 =	vld [tilespmem:s25+$0x13B0];
	_ =	sdelay $0x2  }
0x222: {  	[tilespmem:v54+s18+$0x0] =	vst.idx.add.f32.msk $0xffff, v33  }
0x223: {  	v56 =	vor.u32 v19, v31;
	v33 =	vld [tilespmem:s25+$0xBC0]  }
0x224: {  	[tilespmem:v55+s18+$0x0] =	vst.idx.add.f32.msk $0xffff, v29  }
0x225: {  	v57 =	vor.u32 v19, v32;
	v29 =	vld [tilespmem:s25+$0x13C0];
	_ =	sdelay $0x2  }
0x226: {  	[tilespmem:v56+s18+$0x0] =	vst.idx.add.f32.msk $0xffff, v33  }
0x227: {  	v58 =	vor.u32 v21, v31;
	v33 =	vld [tilespmem:s25+$0xBD0]  }
0x228: {  	[tilespmem:v57+s18+$0x0] =	vst.idx.add.f32.msk $0xffff, v29  }
0x229: {  	v59 =	vor.u32 v21, v32;
	v29 =	vld [tilespmem:s25+$0x13D0];
	_ =	sdelay $0x2  }
0x22a: {  	[tilespmem:v58+s18+$0x0] =	vst.idx.add.f32.msk $0xffff, v33  }
0x22b: {  	v60 =	vor.u32 v24, v31;
	v33 =	vld [tilespmem:s25+$0xBE0]  }
0x22c: {  	[tilespmem:v59+s18+$0x0] =	vst.idx.add.f32.msk $0xffff, v29  }
0x22d: {  	v61 =	vor.u32 v24, v32;
	v29 =	vld [tilespmem:s25+$0x13E0];
	_ =	sdelay $0x2  }
0x22e: {  	[tilespmem:v60+s18+$0x0] =	vst.idx.add.f32.msk $0xffff, v33  }
0x22f: {  	v31 =	vor.u32 v25, v31;
	v33 =	vld [tilespmem:s25+$0xBF0]  }
0x230: {  	[tilespmem:v61+s18+$0x0] =	vst.idx.add.f32.msk $0xffff, v29  }
0x231: {  	v62 =	vor.u32 v25, v32;
	v29 =	vld [tilespmem:s25+$0x13F0]  }
0x232: {  	v63 =	vshll.u32 v27, v8  }
0x233: {  	v32 =	vbroadcast v63, $0x6  }
0x234: {  	v36 =	vshll.u32 v28, v8;
	[tilespmem:v31+s18+$0x0] =	vst.idx.add.f32.msk $0xffff, v33  }
0x235: {  	v37 =	vor.u32 v11, v32;
	v31 =	vbroadcast v36, $0x6;
	v33 =	vld [tilespmem:s25+$0xC00]  }
0x236: {  	[tilespmem:v62+s18+$0x0] =	vst.idx.add.f32.msk $0xffff, v29  }
0x237: {  	v38 =	vor.u32 v11, v31;
	v29 =	vld [tilespmem:s25+$0x1400];
	_ =	sdelay $0x2  }
0x238: {  	[tilespmem:v37+s18+$0x0] =	vst.idx.add.f32.msk $0xffff, v33  }
0x239: {  	v39 =	vor.u32 v13, v32;
	v33 =	vld [tilespmem:s25+$0xC10]  }
0x23a: {  	[tilespmem:v38+s18+$0x0] =	vst.idx.add.f32.msk $0xffff, v29  }
0x23b: {  	v40 =	vor.u32 v13, v31;
	v29 =	vld [tilespmem:s25+$0x1410];
	_ =	sdelay $0x2  }
0x23c: {  	[tilespmem:v39+s18+$0x0] =	vst.idx.add.f32.msk $0xffff, v33  }
0x23d: {  	v41 =	vor.u32 v15, v32;
	v33 =	vld [tilespmem:s25+$0xC20]  }
0x23e: {  	[tilespmem:v40+s18+$0x0] =	vst.idx.add.f32.msk $0xffff, v29  }
0x23f: {  	v42 =	vor.u32 v15, v31;
	v29 =	vld [tilespmem:s25+$0x1420];
	_ =	sdelay $0x2  }
0x240: {  	[tilespmem:v41+s18+$0x0] =	vst.idx.add.f32.msk $0xffff, v33  }
0x241: {  	v43 =	vor.u32 v17, v32;
	v33 =	vld [tilespmem:s25+$0xC30]  }
0x242: {  	[tilespmem:v42+s18+$0x0] =	vst.idx.add.f32.msk $0xffff, v29  }
0x243: {  	v44 =	vor.u32 v17, v31;
	v29 =	vld [tilespmem:s25+$0x1430];
	_ =	sdelay $0x2  }
0x244: {  	[tilespmem:v43+s18+$0x0] =	vst.idx.add.f32.msk $0xffff, v33  }
0x245: {  	v45 =	vor.u32 v19, v32;
	v33 =	vld [tilespmem:s25+$0xC40]  }
0x246: {  	[tilespmem:v44+s18+$0x0] =	vst.idx.add.f32.msk $0xffff, v29  }
0x247: {  	v46 =	vor.u32 v19, v31;
	v29 =	vld [tilespmem:s25+$0x1440];
	_ =	sdelay $0x2  }
0x248: {  	[tilespmem:v45+s18+$0x0] =	vst.idx.add.f32.msk $0xffff, v33  }
0x249: {  	v47 =	vor.u32 v21, v32;
	v33 =	vld [tilespmem:s25+$0xC50]  }
0x24a: {  	[tilespmem:v46+s18+$0x0] =	vst.idx.add.f32.msk $0xffff, v29  }
0x24b: {  	v48 =	vor.u32 v21, v31;
	v29 =	vld [tilespmem:s25+$0x1450];
	_ =	sdelay $0x2  }
0x24c: {  	[tilespmem:v47+s18+$0x0] =	vst.idx.add.f32.msk $0xffff, v33  }
0x24d: {  	v49 =	vor.u32 v24, v32;
	v33 =	vld [tilespmem:s25+$0xC60]  }
0x24e: {  	[tilespmem:v48+s18+$0x0] =	vst.idx.add.f32.msk $0xffff, v29  }
0x24f: {  	v50 =	vor.u32 v24, v31;
	v29 =	vld [tilespmem:s25+$0x1460];
	_ =	sdelay $0x2  }
0x250: {  	[tilespmem:v49+s18+$0x0] =	vst.idx.add.f32.msk $0xffff, v33  }
0x251: {  	v32 =	vor.u32 v25, v32;
	v33 =	vld [tilespmem:s25+$0xC70]  }
0x252: {  	[tilespmem:v50+s18+$0x0] =	vst.idx.add.f32.msk $0xffff, v29  }
0x253: {  	v51 =	vor.u32 v25, v31;
	v29 =	vld [tilespmem:s25+$0x1470]  }
0x254: {  	v52 =	vshll.u32 v27, v10  }
0x255: {  	v31 =	vbroadcast v52, $0x7  }
0x256: {  	v53 =	vshll.u32 v28, v10;
	[tilespmem:v32+s18+$0x0] =	vst.idx.add.f32.msk $0xffff, v33  }
0x257: {  	v54 =	vor.u32 v11, v31;
	v32 =	vbroadcast v53, $0x7;
	v33 =	vld [tilespmem:s25+$0xC80]  }
0x258: {  	[tilespmem:v51+s18+$0x0] =	vst.idx.add.f32.msk $0xffff, v29  }
0x259: {  	v55 =	vor.u32 v11, v32;
	v29 =	vld [tilespmem:s25+$0x1480];
	_ =	sdelay $0x2  }
0x25a: {  	[tilespmem:v54+s18+$0x0] =	vst.idx.add.f32.msk $0xffff, v33  }
0x25b: {  	v56 =	vor.u32 v13, v31;
	v33 =	vld [tilespmem:s25+$0xC90]  }
0x25c: {  	[tilespmem:v55+s18+$0x0] =	vst.idx.add.f32.msk $0xffff, v29  }
0x25d: {  	v57 =	vor.u32 v13, v32;
	v29 =	vld [tilespmem:s25+$0x1490];
	_ =	sdelay $0x2  }
0x25e: {  	[tilespmem:v56+s18+$0x0] =	vst.idx.add.f32.msk $0xffff, v33  }
0x25f: {  	v58 =	vor.u32 v15, v31;
	v33 =	vld [tilespmem:s25+$0xCA0]  }
0x260: {  	[tilespmem:v57+s18+$0x0] =	vst.idx.add.f32.msk $0xffff, v29  }
0x261: {  	v59 =	vor.u32 v15, v32;
	v29 =	vld [tilespmem:s25+$0x14A0];
	_ =	sdelay $0x2  }
0x262: {  	[tilespmem:v58+s18+$0x0] =	vst.idx.add.f32.msk $0xffff, v33  }
0x263: {  	v60 =	vor.u32 v17, v31;
	v33 =	vld [tilespmem:s25+$0xCB0]  }
0x264: {  	[tilespmem:v59+s18+$0x0] =	vst.idx.add.f32.msk $0xffff, v29  }
0x265: {  	v61 =	vor.u32 v17, v32;
	v29 =	vld [tilespmem:s25+$0x14B0];
	_ =	sdelay $0x2  }
0x266: {  	[tilespmem:v60+s18+$0x0] =	vst.idx.add.f32.msk $0xffff, v33  }
0x267: {  	v62 =	vor.u32 v19, v31;
	v33 =	vld [tilespmem:s25+$0xCC0]  }
0x268: {  	[tilespmem:v61+s18+$0x0] =	vst.idx.add.f32.msk $0xffff, v29  }
0x269: {  	v63 =	vor.u32 v19, v32;
	v29 =	vld [tilespmem:s25+$0x14C0];
	_ =	sdelay $0x2  }
0x26a: {  	[tilespmem:v62+s18+$0x0] =	vst.idx.add.f32.msk $0xffff, v33  }
0x26b: {  	v36 =	vor.u32 v21, v31;
	v33 =	vld [tilespmem:s25+$0xCD0]  }
0x26c: {  	[tilespmem:v63+s18+$0x0] =	vst.idx.add.f32.msk $0xffff, v29  }
0x26d: {  	v37 =	vor.u32 v21, v32;
	v29 =	vld [tilespmem:s25+$0x14D0];
	_ =	sdelay $0x2  }
0x26e: {  	[tilespmem:v36+s18+$0x0] =	vst.idx.add.f32.msk $0xffff, v33  }
0x26f: {  	v38 =	vor.u32 v24, v31;
	v33 =	vld [tilespmem:s25+$0xCE0]  }
0x270: {  	[tilespmem:v37+s18+$0x0] =	vst.idx.add.f32.msk $0xffff, v29  }
0x271: {  	v39 =	vor.u32 v24, v32;
	v29 =	vld [tilespmem:s25+$0x14E0];
	_ =	sdelay $0x2  }
0x272: {  	[tilespmem:v38+s18+$0x0] =	vst.idx.add.f32.msk $0xffff, v33  }
0x273: {  	v31 =	vor.u32 v25, v31;
	v33 =	vld [tilespmem:s25+$0xCF0]  }
0x274: {  	[tilespmem:v39+s18+$0x0] =	vst.idx.add.f32.msk $0xffff, v29  }
0x275: {  	v40 =	vor.u32 v25, v32;
	v29 =	vld [tilespmem:s25+$0x14F0]  }
0x276: {  	v41 =	vshll.u32 v27, v12  }
0x277: {  	v32 =	vbroadcast v41, $0x8  }
0x278: {  	v42 =	vshll.u32 v28, v12;
	[tilespmem:v31+s18+$0x0] =	vst.idx.add.f32.msk $0xffff, v33  }
0x279: {  	v43 =	vor.u32 v11, v32;
	v31 =	vbroadcast v42, $0x8;
	v33 =	vld [tilespmem:s25+$0xD00]  }
0x27a: {  	[tilespmem:v40+s18+$0x0] =	vst.idx.add.f32.msk $0xffff, v29  }
0x27b: {  	v44 =	vor.u32 v11, v31;
	v29 =	vld [tilespmem:s25+$0x1500];
	_ =	sdelay $0x2  }
0x27c: {  	[tilespmem:v43+s18+$0x0] =	vst.idx.add.f32.msk $0xffff, v33  }
0x27d: {  	v45 =	vor.u32 v13, v32;
	v33 =	vld [tilespmem:s25+$0xD10]  }
0x27e: {  	[tilespmem:v44+s18+$0x0] =	vst.idx.add.f32.msk $0xffff, v29  }
0x27f: {  	v46 =	vor.u32 v13, v31;
	v29 =	vld [tilespmem:s25+$0x1510];
	_ =	sdelay $0x2  }
0x280: {  	[tilespmem:v45+s18+$0x0] =	vst.idx.add.f32.msk $0xffff, v33  }
0x281: {  	v47 =	vor.u32 v15, v32;
	v33 =	vld [tilespmem:s25+$0xD20]  }
0x282: {  	[tilespmem:v46+s18+$0x0] =	vst.idx.add.f32.msk $0xffff, v29  }
0x283: {  	v48 =	vor.u32 v15, v31;
	v29 =	vld [tilespmem:s25+$0x1520];
	_ =	sdelay $0x2  }
0x284: {  	[tilespmem:v47+s18+$0x0] =	vst.idx.add.f32.msk $0xffff, v33  }
0x285: {  	v49 =	vor.u32 v17, v32;
	v33 =	vld [tilespmem:s25+$0xD30]  }
0x286: {  	[tilespmem:v48+s18+$0x0] =	vst.idx.add.f32.msk $0xffff, v29  }
0x287: {  	v50 =	vor.u32 v17, v31;
	v29 =	vld [tilespmem:s25+$0x1530];
	_ =	sdelay $0x2  }
0x288: {  	[tilespmem:v49+s18+$0x0] =	vst.idx.add.f32.msk $0xffff, v33  }
0x289: {  	v51 =	vor.u32 v19, v32;
	v33 =	vld [tilespmem:s25+$0xD40]  }
0x28a: {  	[tilespmem:v50+s18+$0x0] =	vst.idx.add.f32.msk $0xffff, v29  }
0x28b: {  	v52 =	vor.u32 v19, v31;
	v29 =	vld [tilespmem:s25+$0x1540];
	_ =	sdelay $0x2  }
0x28c: {  	[tilespmem:v51+s18+$0x0] =	vst.idx.add.f32.msk $0xffff, v33  }
0x28d: {  	v53 =	vor.u32 v21, v32;
	v33 =	vld [tilespmem:s25+$0xD50]  }
0x28e: {  	[tilespmem:v52+s18+$0x0] =	vst.idx.add.f32.msk $0xffff, v29  }
0x28f: {  	v54 =	vor.u32 v21, v31;
	v29 =	vld [tilespmem:s25+$0x1550];
	_ =	sdelay $0x2  }
0x290: {  	[tilespmem:v53+s18+$0x0] =	vst.idx.add.f32.msk $0xffff, v33  }
0x291: {  	v55 =	vor.u32 v24, v32;
	v33 =	vld [tilespmem:s25+$0xD60]  }
0x292: {  	[tilespmem:v54+s18+$0x0] =	vst.idx.add.f32.msk $0xffff, v29  }
0x293: {  	v56 =	vor.u32 v24, v31;
	v29 =	vld [tilespmem:s25+$0x1560];
	_ =	sdelay $0x2  }
0x294: {  	[tilespmem:v55+s18+$0x0] =	vst.idx.add.f32.msk $0xffff, v33  }
0x295: {  	v32 =	vor.u32 v25, v32;
	v33 =	vld [tilespmem:s25+$0xD70]  }
0x296: {  	[tilespmem:v56+s18+$0x0] =	vst.idx.add.f32.msk $0xffff, v29  }
0x297: {  	v57 =	vor.u32 v25, v31;
	v29 =	vld [tilespmem:s25+$0x1570]  }
0x298: {  	v58 =	vshll.u32 v27, v14  }
0x299: {  	v31 =	vbroadcast v58, $0x9  }
0x29a: {  	v59 =	vshll.u32 v28, v14;
	[tilespmem:v32+s18+$0x0] =	vst.idx.add.f32.msk $0xffff, v33  }
0x29b: {  	v60 =	vor.u32 v11, v31;
	v32 =	vbroadcast v59, $0x9;
	v33 =	vld [tilespmem:s25+$0xD80]  }
0x29c: {  	[tilespmem:v57+s18+$0x0] =	vst.idx.add.f32.msk $0xffff, v29  }
0x29d: {  	v61 =	vor.u32 v11, v32;
	v29 =	vld [tilespmem:s25+$0x1580];
	_ =	sdelay $0x2  }
0x29e: {  	[tilespmem:v60+s18+$0x0] =	vst.idx.add.f32.msk $0xffff, v33  }
0x29f: {  	v62 =	vor.u32 v13, v31;
	v33 =	vld [tilespmem:s25+$0xD90]  }
0x2a0: {  	[tilespmem:v61+s18+$0x0] =	vst.idx.add.f32.msk $0xffff, v29  }
0x2a1: {  	v63 =	vor.u32 v13, v32;
	v29 =	vld [tilespmem:s25+$0x1590];
	_ =	sdelay $0x2  }
0x2a2: {  	[tilespmem:v62+s18+$0x0] =	vst.idx.add.f32.msk $0xffff, v33  }
0x2a3: {  	v36 =	vor.u32 v15, v31;
	v33 =	vld [tilespmem:s25+$0xDA0]  }
0x2a4: {  	[tilespmem:v63+s18+$0x0] =	vst.idx.add.f32.msk $0xffff, v29  }
0x2a5: {  	v37 =	vor.u32 v15, v32;
	v29 =	vld [tilespmem:s25+$0x15A0];
	_ =	sdelay $0x2  }
0x2a6: {  	[tilespmem:v36+s18+$0x0] =	vst.idx.add.f32.msk $0xffff, v33  }
0x2a7: {  	v38 =	vor.u32 v17, v31;
	v33 =	vld [tilespmem:s25+$0xDB0]  }
0x2a8: {  	[tilespmem:v37+s18+$0x0] =	vst.idx.add.f32.msk $0xffff, v29  }
0x2a9: {  	v39 =	vor.u32 v17, v32;
	v29 =	vld [tilespmem:s25+$0x15B0];
	_ =	sdelay $0x2  }
0x2aa: {  	[tilespmem:v38+s18+$0x0] =	vst.idx.add.f32.msk $0xffff, v33  }
0x2ab: {  	v40 =	vor.u32 v19, v31;
	v33 =	vld [tilespmem:s25+$0xDC0]  }
0x2ac: {  	[tilespmem:v39+s18+$0x0] =	vst.idx.add.f32.msk $0xffff, v29  }
0x2ad: {  	v41 =	vor.u32 v19, v32;
	v29 =	vld [tilespmem:s25+$0x15C0];
	_ =	sdelay $0x2  }
0x2ae: {  	[tilespmem:v40+s18+$0x0] =	vst.idx.add.f32.msk $0xffff, v33  }
0x2af: {  	v42 =	vor.u32 v21, v31;
	v33 =	vld [tilespmem:s25+$0xDD0]  }
0x2b0: {  	[tilespmem:v41+s18+$0x0] =	vst.idx.add.f32.msk $0xffff, v29  }
0x2b1: {  	v43 =	vor.u32 v21, v32;
	v29 =	vld [tilespmem:s25+$0x15D0];
	_ =	sdelay $0x2  }
0x2b2: {  	[tilespmem:v42+s18+$0x0] =	vst.idx.add.f32.msk $0xffff, v33  }
0x2b3: {  	v44 =	vor.u32 v24, v31;
	v33 =	vld [tilespmem:s25+$0xDE0]  }
0x2b4: {  	[tilespmem:v43+s18+$0x0] =	vst.idx.add.f32.msk $0xffff, v29  }
0x2b5: {  	v45 =	vor.u32 v24, v32;
	v29 =	vld [tilespmem:s25+$0x15E0];
	_ =	sdelay $0x2  }
0x2b6: {  	[tilespmem:v44+s18+$0x0] =	vst.idx.add.f32.msk $0xffff, v33  }
0x2b7: {  	v31 =	vor.u32 v25, v31;
	v33 =	vld [tilespmem:s25+$0xDF0]  }
0x2b8: {  	[tilespmem:v45+s18+$0x0] =	vst.idx.add.f32.msk $0xffff, v29  }
0x2b9: {  	v46 =	vor.u32 v25, v32;
	v29 =	vld [tilespmem:s25+$0x15F0]  }
0x2ba: {  	v47 =	vshll.u32 v27, v16  }
0x2bb: {  	v32 =	vbroadcast v47, $0xA  }
0x2bc: {  	v48 =	vshll.u32 v28, v16;
	[tilespmem:v31+s18+$0x0] =	vst.idx.add.f32.msk $0xffff, v33  }
0x2bd: {  	v49 =	vor.u32 v11, v32;
	v31 =	vbroadcast v48, $0xA;
	v33 =	vld [tilespmem:s25+$0xE00]  }
0x2be: {  	[tilespmem:v46+s18+$0x0] =	vst.idx.add.f32.msk $0xffff, v29  }
0x2bf: {  	v50 =	vor.u32 v11, v31;
	v29 =	vld [tilespmem:s25+$0x1600];
	_ =	sdelay $0x2  }
0x2c0: {  	[tilespmem:v49+s18+$0x0] =	vst.idx.add.f32.msk $0xffff, v33  }
0x2c1: {  	v51 =	vor.u32 v13, v32;
	v33 =	vld [tilespmem:s25+$0xE10]  }
0x2c2: {  	[tilespmem:v50+s18+$0x0] =	vst.idx.add.f32.msk $0xffff, v29  }
0x2c3: {  	v52 =	vor.u32 v13, v31;
	v29 =	vld [tilespmem:s25+$0x1610];
	_ =	sdelay $0x2  }
0x2c4: {  	[tilespmem:v51+s18+$0x0] =	vst.idx.add.f32.msk $0xffff, v33  }
0x2c5: {  	v53 =	vor.u32 v15, v32;
	v33 =	vld [tilespmem:s25+$0xE20]  }
0x2c6: {  	[tilespmem:v52+s18+$0x0] =	vst.idx.add.f32.msk $0xffff, v29  }
0x2c7: {  	v54 =	vor.u32 v15, v31;
	v29 =	vld [tilespmem:s25+$0x1620];
	_ =	sdelay $0x2  }
0x2c8: {  	[tilespmem:v53+s18+$0x0] =	vst.idx.add.f32.msk $0xffff, v33  }
0x2c9: {  	v55 =	vor.u32 v17, v32;
	v33 =	vld [tilespmem:s25+$0xE30]  }
0x2ca: {  	[tilespmem:v54+s18+$0x0] =	vst.idx.add.f32.msk $0xffff, v29  }
0x2cb: {  	v56 =	vor.u32 v17, v31;
	v29 =	vld [tilespmem:s25+$0x1630];
	_ =	sdelay $0x2  }
0x2cc: {  	[tilespmem:v55+s18+$0x0] =	vst.idx.add.f32.msk $0xffff, v33  }
0x2cd: {  	v57 =	vor.u32 v19, v32;
	v33 =	vld [tilespmem:s25+$0xE40]  }
0x2ce: {  	[tilespmem:v56+s18+$0x0] =	vst.idx.add.f32.msk $0xffff, v29  }
0x2cf: {  	v58 =	vor.u32 v19, v31;
	v29 =	vld [tilespmem:s25+$0x1640];
	_ =	sdelay $0x2  }
0x2d0: {  	[tilespmem:v57+s18+$0x0] =	vst.idx.add.f32.msk $0xffff, v33  }
0x2d1: {  	v59 =	vor.u32 v21, v32;
	v33 =	vld [tilespmem:s25+$0xE50]  }
0x2d2: {  	[tilespmem:v58+s18+$0x0] =	vst.idx.add.f32.msk $0xffff, v29  }
0x2d3: {  	v60 =	vor.u32 v21, v31;
	v29 =	vld [tilespmem:s25+$0x1650];
	_ =	sdelay $0x2  }
0x2d4: {  	[tilespmem:v59+s18+$0x0] =	vst.idx.add.f32.msk $0xffff, v33  }
0x2d5: {  	v61 =	vor.u32 v24, v32;
	v33 =	vld [tilespmem:s25+$0xE60]  }
0x2d6: {  	[tilespmem:v60+s18+$0x0] =	vst.idx.add.f32.msk $0xffff, v29  }
0x2d7: {  	v62 =	vor.u32 v24, v31;
	v29 =	vld [tilespmem:s25+$0x1660];
	_ =	sdelay $0x2  }
0x2d8: {  	[tilespmem:v61+s18+$0x0] =	vst.idx.add.f32.msk $0xffff, v33  }
0x2d9: {  	v32 =	vor.u32 v25, v32;
	v33 =	vld [tilespmem:s25+$0xE70]  }
0x2da: {  	[tilespmem:v62+s18+$0x0] =	vst.idx.add.f32.msk $0xffff, v29  }
0x2db: {  	v63 =	vor.u32 v25, v31;
	v29 =	vld [tilespmem:s25+$0x1670]  }
0x2dc: {  	v36 =	vshll.u32 v27, v18  }
0x2dd: {  	v31 =	vbroadcast v36, $0xB  }
0x2de: {  	v37 =	vshll.u32 v28, v18;
	[tilespmem:v32+s18+$0x0] =	vst.idx.add.f32.msk $0xffff, v33  }
0x2df: {  	v38 =	vor.u32 v11, v31;
	v32 =	vbroadcast v37, $0xB;
	v33 =	vld [tilespmem:s25+$0xE80]  }
0x2e0: {  	[tilespmem:v63+s18+$0x0] =	vst.idx.add.f32.msk $0xffff, v29  }
0x2e1: {  	v39 =	vor.u32 v11, v32;
	v29 =	vld [tilespmem:s25+$0x1680];
	_ =	sdelay $0x2  }
0x2e2: {  	[tilespmem:v38+s18+$0x0] =	vst.idx.add.f32.msk $0xffff, v33  }
0x2e3: {  	v40 =	vor.u32 v13, v31;
	v33 =	vld [tilespmem:s25+$0xE90]  }
0x2e4: {  	[tilespmem:v39+s18+$0x0] =	vst.idx.add.f32.msk $0xffff, v29  }
0x2e5: {  	v41 =	vor.u32 v13, v32;
	v29 =	vld [tilespmem:s25+$0x1690];
	_ =	sdelay $0x2  }
0x2e6: {  	[tilespmem:v40+s18+$0x0] =	vst.idx.add.f32.msk $0xffff, v33  }
0x2e7: {  	v42 =	vor.u32 v15, v31;
	v33 =	vld [tilespmem:s25+$0xEA0]  }
0x2e8: {  	[tilespmem:v41+s18+$0x0] =	vst.idx.add.f32.msk $0xffff, v29  }
0x2e9: {  	v43 =	vor.u32 v15, v32;
	v29 =	vld [tilespmem:s25+$0x16A0];
	_ =	sdelay $0x2  }
0x2ea: {  	[tilespmem:v42+s18+$0x0] =	vst.idx.add.f32.msk $0xffff, v33  }
0x2eb: {  	v44 =	vor.u32 v17, v31;
	v33 =	vld [tilespmem:s25+$0xEB0]  }
0x2ec: {  	[tilespmem:v43+s18+$0x0] =	vst.idx.add.f32.msk $0xffff, v29  }
0x2ed: {  	v45 =	vor.u32 v17, v32;
	v29 =	vld [tilespmem:s25+$0x16B0];
	_ =	sdelay $0x2  }
0x2ee: {  	[tilespmem:v44+s18+$0x0] =	vst.idx.add.f32.msk $0xffff, v33  }
0x2ef: {  	v46 =	vor.u32 v19, v31;
	v33 =	vld [tilespmem:s25+$0xEC0]  }
0x2f0: {  	[tilespmem:v45+s18+$0x0] =	vst.idx.add.f32.msk $0xffff, v29  }
0x2f1: {  	v47 =	vor.u32 v19, v32;
	v29 =	vld [tilespmem:s25+$0x16C0];
	_ =	sdelay $0x2  }
0x2f2: {  	[tilespmem:v46+s18+$0x0] =	vst.idx.add.f32.msk $0xffff, v33  }
0x2f3: {  	v48 =	vor.u32 v21, v31;
	v33 =	vld [tilespmem:s25+$0xED0]  }
0x2f4: {  	[tilespmem:v47+s18+$0x0] =	vst.idx.add.f32.msk $0xffff, v29  }
0x2f5: {  	v49 =	vor.u32 v21, v32;
	v29 =	vld [tilespmem:s25+$0x16D0];
	_ =	sdelay $0x2  }
0x2f6: {  	[tilespmem:v48+s18+$0x0] =	vst.idx.add.f32.msk $0xffff, v33  }
0x2f7: {  	v50 =	vor.u32 v24, v31;
	v33 =	vld [tilespmem:s25+$0xEE0]  }
0x2f8: {  	[tilespmem:v49+s18+$0x0] =	vst.idx.add.f32.msk $0xffff, v29  }
0x2f9: {  	v51 =	vor.u32 v24, v32;
	v29 =	vld [tilespmem:s25+$0x16E0];
	_ =	sdelay $0x2  }
0x2fa: {  	[tilespmem:v50+s18+$0x0] =	vst.idx.add.f32.msk $0xffff, v33  }
0x2fb: {  	v31 =	vor.u32 v25, v31;
	v33 =	vld [tilespmem:s25+$0xEF0]  }
0x2fc: {  	[tilespmem:v51+s18+$0x0] =	vst.idx.add.f32.msk $0xffff, v29  }
0x2fd: {  	v52 =	vor.u32 v25, v32;
	v29 =	vld [tilespmem:s25+$0x16F0]  }
0x2fe: {  	v53 =	vshll.u32 v27, v20  }
0x2ff: {  	v32 =	vbroadcast v53, $0xC  }
0x300: {  	v54 =	vshll.u32 v28, v20;
	[tilespmem:v31+s18+$0x0] =	vst.idx.add.f32.msk $0xffff, v33  }
0x301: {  	v55 =	vor.u32 v11, v32;
	v31 =	vbroadcast v54, $0xC;
	v33 =	vld [tilespmem:s25+$0xF00]  }
0x302: {  	[tilespmem:v52+s18+$0x0] =	vst.idx.add.f32.msk $0xffff, v29  }
0x303: {  	v56 =	vor.u32 v11, v31;
	v29 =	vld [tilespmem:s25+$0x1700];
	_ =	sdelay $0x2  }
0x304: {  	[tilespmem:v55+s18+$0x0] =	vst.idx.add.f32.msk $0xffff, v33  }
0x305: {  	v57 =	vor.u32 v13, v32;
	v33 =	vld [tilespmem:s25+$0xF10]  }
0x306: {  	[tilespmem:v56+s18+$0x0] =	vst.idx.add.f32.msk $0xffff, v29  }
0x307: {  	v58 =	vor.u32 v13, v31;
	v29 =	vld [tilespmem:s25+$0x1710];
	_ =	sdelay $0x2  }
0x308: {  	[tilespmem:v57+s18+$0x0] =	vst.idx.add.f32.msk $0xffff, v33  }
0x309: {  	v59 =	vor.u32 v15, v32;
	v33 =	vld [tilespmem:s25+$0xF20]  }
0x30a: {  	[tilespmem:v58+s18+$0x0] =	vst.idx.add.f32.msk $0xffff, v29  }
0x30b: {  	v60 =	vor.u32 v15, v31;
	v29 =	vld [tilespmem:s25+$0x1720];
	_ =	sdelay $0x2  }
0x30c: {  	[tilespmem:v59+s18+$0x0] =	vst.idx.add.f32.msk $0xffff, v33  }
0x30d: {  	v61 =	vor.u32 v17, v32;
	v33 =	vld [tilespmem:s25+$0xF30]  }
0x30e: {  	[tilespmem:v60+s18+$0x0] =	vst.idx.add.f32.msk $0xffff, v29  }
0x30f: {  	v62 =	vor.u32 v17, v31;
	v29 =	vld [tilespmem:s25+$0x1730];
	_ =	sdelay $0x2  }
0x310: {  	[tilespmem:v61+s18+$0x0] =	vst.idx.add.f32.msk $0xffff, v33  }
0x311: {  	v63 =	vor.u32 v19, v32;
	v33 =	vld [tilespmem:s25+$0xF40]  }
0x312: {  	[tilespmem:v62+s18+$0x0] =	vst.idx.add.f32.msk $0xffff, v29  }
0x313: {  	v36 =	vor.u32 v19, v31;
	v29 =	vld [tilespmem:s25+$0x1740];
	_ =	sdelay $0x2  }
0x314: {  	[tilespmem:v63+s18+$0x0] =	vst.idx.add.f32.msk $0xffff, v33  }
0x315: {  	v37 =	vor.u32 v21, v32;
	v33 =	vld [tilespmem:s25+$0xF50]  }
0x316: {  	[tilespmem:v36+s18+$0x0] =	vst.idx.add.f32.msk $0xffff, v29  }
0x317: {  	v38 =	vor.u32 v21, v31;
	v29 =	vld [tilespmem:s25+$0x1750];
	_ =	sdelay $0x2  }
0x318: {  	[tilespmem:v37+s18+$0x0] =	vst.idx.add.f32.msk $0xffff, v33  }
0x319: {  	v39 =	vor.u32 v24, v32;
	v33 =	vld [tilespmem:s25+$0xF60]  }
0x31a: {  	[tilespmem:v38+s18+$0x0] =	vst.idx.add.f32.msk $0xffff, v29  }
0x31b: {  	v40 =	vor.u32 v24, v31;
	v29 =	vld [tilespmem:s25+$0x1760];
	_ =	sdelay $0x2  }
0x31c: {  	[tilespmem:v39+s18+$0x0] =	vst.idx.add.f32.msk $0xffff, v33  }
0x31d: {  	v32 =	vor.u32 v25, v32;
	v33 =	vld [tilespmem:s25+$0xF70]  }
0x31e: {  	[tilespmem:v40+s18+$0x0] =	vst.idx.add.f32.msk $0xffff, v29  }
0x31f: {  	v41 =	vor.u32 v25, v31;
	v29 =	vld [tilespmem:s25+$0x1770]  }
0x320: {  	v42 =	vshll.u32 v27, v22  }
0x321: {  	v31 =	vbroadcast v42, $0xD  }
0x322: {  	v43 =	vshll.u32 v28, v22;
	[tilespmem:v32+s18+$0x0] =	vst.idx.add.f32.msk $0xffff, v33  }
0x323: {  	v44 =	vor.u32 v11, v31;
	v32 =	vbroadcast v43, $0xD;
	v33 =	vld [tilespmem:s25+$0xF80]  }
0x324: {  	[tilespmem:v41+s18+$0x0] =	vst.idx.add.f32.msk $0xffff, v29  }
0x325: {  	v45 =	vor.u32 v11, v32;
	v29 =	vld [tilespmem:s25+$0x1780];
	_ =	sdelay $0x2  }
0x326: {  	[tilespmem:v44+s18+$0x0] =	vst.idx.add.f32.msk $0xffff, v33  }
0x327: {  	v46 =	vor.u32 v13, v31;
	v33 =	vld [tilespmem:s25+$0xF90]  }
0x328: {  	[tilespmem:v45+s18+$0x0] =	vst.idx.add.f32.msk $0xffff, v29  }
0x329: {  	v47 =	vor.u32 v13, v32;
	v29 =	vld [tilespmem:s25+$0x1790];
	_ =	sdelay $0x2  }
0x32a: {  	[tilespmem:v46+s18+$0x0] =	vst.idx.add.f32.msk $0xffff, v33  }
0x32b: {  	v48 =	vor.u32 v15, v31;
	v33 =	vld [tilespmem:s25+$0xFA0]  }
0x32c: {  	[tilespmem:v47+s18+$0x0] =	vst.idx.add.f32.msk $0xffff, v29  }
0x32d: {  	v49 =	vor.u32 v15, v32;
	v29 =	vld [tilespmem:s25+$0x17A0];
	_ =	sdelay $0x2  }
0x32e: {  	[tilespmem:v48+s18+$0x0] =	vst.idx.add.f32.msk $0xffff, v33  }
0x32f: {  	v50 =	vor.u32 v17, v31;
	v33 =	vld [tilespmem:s25+$0xFB0]  }
0x330: {  	[tilespmem:v49+s18+$0x0] =	vst.idx.add.f32.msk $0xffff, v29  }
0x331: {  	v51 =	vor.u32 v17, v32;
	v29 =	vld [tilespmem:s25+$0x17B0];
	_ =	sdelay $0x2  }
0x332: {  	[tilespmem:v50+s18+$0x0] =	vst.idx.add.f32.msk $0xffff, v33  }
0x333: {  	v52 =	vor.u32 v19, v31;
	v33 =	vld [tilespmem:s25+$0xFC0]  }
0x334: {  	[tilespmem:v51+s18+$0x0] =	vst.idx.add.f32.msk $0xffff, v29  }
0x335: {  	v53 =	vor.u32 v19, v32;
	v29 =	vld [tilespmem:s25+$0x17C0];
	_ =	sdelay $0x2  }
0x336: {  	[tilespmem:v52+s18+$0x0] =	vst.idx.add.f32.msk $0xffff, v33  }
0x337: {  	v54 =	vor.u32 v21, v31;
	v33 =	vld [tilespmem:s25+$0xFD0]  }
0x338: {  	[tilespmem:v53+s18+$0x0] =	vst.idx.add.f32.msk $0xffff, v29  }
0x339: {  	v55 =	vor.u32 v21, v32;
	v29 =	vld [tilespmem:s25+$0x17D0];
	_ =	sdelay $0x2  }
0x33a: {  	[tilespmem:v54+s18+$0x0] =	vst.idx.add.f32.msk $0xffff, v33  }
0x33b: {  	v56 =	vor.u32 v24, v31;
	v33 =	vld [tilespmem:s25+$0xFE0]  }
0x33c: {  	[tilespmem:v55+s18+$0x0] =	vst.idx.add.f32.msk $0xffff, v29  }
0x33d: {  	v57 =	vor.u32 v24, v32;
	v29 =	vld [tilespmem:s25+$0x17E0];
	_ =	sdelay $0x2  }
0x33e: {  	[tilespmem:v56+s18+$0x0] =	vst.idx.add.f32.msk $0xffff, v33  }
0x33f: {  	v31 =	vor.u32 v25, v31;
	v33 =	vld [tilespmem:s25+$0xFF0]  }
0x340: {  	[tilespmem:v57+s18+$0x0] =	vst.idx.add.f32.msk $0xffff, v29  }
0x341: {  	v58 =	vor.u32 v25, v32;
	v29 =	vld [tilespmem:s25+$0x17F0]  }
0x342: {  	v59 =	vshll.u32 v27, v23  }
0x343: {  	v32 =	vbroadcast v59, $0xE  }
0x344: {  	v60 =	vshll.u32 v28, v23;
	[tilespmem:v31+s18+$0x0] =	vst.idx.add.f32.msk $0xffff, v33  }
0x345: {  	v61 =	vor.u32 v11, v32;
	v31 =	vbroadcast v60, $0xE;
	v33 =	vld [tilespmem:s25+$0x1000]  }
0x346: {  	[tilespmem:v58+s18+$0x0] =	vst.idx.add.f32.msk $0xffff, v29  }
0x347: {  	v62 =	vor.u32 v11, v31;
	v29 =	vld [tilespmem:s25+$0x1800];
	_ =	sdelay $0x2  }
0x348: {  	[tilespmem:v61+s18+$0x0] =	vst.idx.add.f32.msk $0xffff, v33  }
0x349: {  	v63 =	vor.u32 v13, v32;
	v33 =	vld [tilespmem:s25+$0x1010]  }
0x34a: {  	[tilespmem:v62+s18+$0x0] =	vst.idx.add.f32.msk $0xffff, v29  }
0x34b: {  	v36 =	vor.u32 v13, v31;
	v29 =	vld [tilespmem:s25+$0x1810];
	_ =	sdelay $0x2  }
0x34c: {  	[tilespmem:v63+s18+$0x0] =	vst.idx.add.f32.msk $0xffff, v33  }
0x34d: {  	v37 =	vor.u32 v15, v32;
	v33 =	vld [tilespmem:s25+$0x1020]  }
0x34e: {  	[tilespmem:v36+s18+$0x0] =	vst.idx.add.f32.msk $0xffff, v29  }
0x34f: {  	v38 =	vor.u32 v15, v31;
	v29 =	vld [tilespmem:s25+$0x1820];
	_ =	sdelay $0x2  }
0x350: {  	[tilespmem:v37+s18+$0x0] =	vst.idx.add.f32.msk $0xffff, v33  }
0x351: {  	v39 =	vor.u32 v17, v32;
	v33 =	vld [tilespmem:s25+$0x1030]  }
0x352: {  	[tilespmem:v38+s18+$0x0] =	vst.idx.add.f32.msk $0xffff, v29  }
0x353: {  	v40 =	vor.u32 v17, v31;
	v29 =	vld [tilespmem:s25+$0x1830];
	_ =	sdelay $0x2  }
0x354: {  	[tilespmem:v39+s18+$0x0] =	vst.idx.add.f32.msk $0xffff, v33  }
0x355: {  	v41 =	vor.u32 v19, v32;
	v33 =	vld [tilespmem:s25+$0x1040]  }
0x356: {  	[tilespmem:v40+s18+$0x0] =	vst.idx.add.f32.msk $0xffff, v29  }
0x357: {  	v42 =	vor.u32 v19, v31;
	v29 =	vld [tilespmem:s25+$0x1840];
	_ =	sdelay $0x2  }
0x358: {  	[tilespmem:v41+s18+$0x0] =	vst.idx.add.f32.msk $0xffff, v33  }
0x359: {  	v43 =	vor.u32 v21, v32;
	v33 =	vld [tilespmem:s25+$0x1050]  }
0x35a: {  	[tilespmem:v42+s18+$0x0] =	vst.idx.add.f32.msk $0xffff, v29  }
0x35b: {  	v44 =	vor.u32 v21, v31;
	v29 =	vld [tilespmem:s25+$0x1850];
	_ =	sdelay $0x2  }
0x35c: {  	[tilespmem:v43+s18+$0x0] =	vst.idx.add.f32.msk $0xffff, v33  }
0x35d: {  	v45 =	vor.u32 v24, v32;
	v33 =	vld [tilespmem:s25+$0x1060]  }
0x35e: {  	[tilespmem:v44+s18+$0x0] =	vst.idx.add.f32.msk $0xffff, v29  }
0x35f: {  	v46 =	vor.u32 v24, v31;
	v29 =	vld [tilespmem:s25+$0x1860];
	_ =	sdelay $0x2  }
0x360: {  	[tilespmem:v45+s18+$0x0] =	vst.idx.add.f32.msk $0xffff, v33  }
0x361: {  	v32 =	vor.u32 v25, v32;
	v33 =	vld [tilespmem:s25+$0x1070]  }
0x362: {  	[tilespmem:v46+s18+$0x0] =	vst.idx.add.f32.msk $0xffff, v29  }
0x363: {  	v47 =	vor.u32 v25, v31;
	v29 =	vld [tilespmem:s25+$0x1870]  }
0x364: {  	v27 =	vshll.u32 v27, v26  }
0x365: {  	v27 =	vbroadcast v27, $0xF  }
0x366: {  	v28 =	vshll.u32 v28, v26;
	[tilespmem:v32+s18+$0x0] =	vst.idx.add.f32.msk $0xffff, v33  }
0x367: {  	v28 =	vbroadcast v28, $0xF;
	v49 =	vor.u32 v11, v27;
	v48 =	vld [tilespmem:s25+$0x1080]  }
0x368: {  	[tilespmem:v47+s18+$0x0] =	vst.idx.add.f32.msk $0xffff, v29  }
0x369: {  	v50 =	vor.u32 v11, v28;
	v29 =	vld [tilespmem:s25+$0x1880];
	_ =	sdelay $0x2  }
0x36a: {  	[tilespmem:v49+s18+$0x0] =	vst.idx.add.f32.msk $0xffff, v48  }
0x36b: {  	v51 =	vor.u32 v13, v27;
	v31 =	vld [tilespmem:s25+$0x1090]  }
0x36c: {  	[tilespmem:v50+s18+$0x0] =	vst.idx.add.f32.msk $0xffff, v29  }
0x36d: {  	v52 =	vor.u32 v13, v28;
	v29 =	vld [tilespmem:s25+$0x1890];
	_ =	sdelay $0x2  }
0x36e: {  	[tilespmem:v51+s18+$0x0] =	vst.idx.add.f32.msk $0xffff, v31  }
0x36f: {  	v53 =	vor.u32 v15, v27;
	v31 =	vld [tilespmem:s25+$0x10A0]  }
0x370: {  	[tilespmem:v52+s18+$0x0] =	vst.idx.add.f32.msk $0xffff, v29  }
0x371: {  	v54 =	vor.u32 v15, v28;
	v29 =	vld [tilespmem:s25+$0x18A0];
	_ =	sdelay $0x2  }
0x372: {  	[tilespmem:v53+s18+$0x0] =	vst.idx.add.f32.msk $0xffff, v31  }
0x373: {  	v55 =	vor.u32 v17, v27;
	v31 =	vld [tilespmem:s25+$0x10B0]  }
0x374: {  	[tilespmem:v54+s18+$0x0] =	vst.idx.add.f32.msk $0xffff, v29  }
0x375: {  	v56 =	vor.u32 v17, v28;
	v29 =	vld [tilespmem:s25+$0x18B0];
	_ =	sdelay $0x2  }
0x376: {  	[tilespmem:v55+s18+$0x0] =	vst.idx.add.f32.msk $0xffff, v31  }
0x377: {  	v57 =	vor.u32 v19, v27;
	v31 =	vld [tilespmem:s25+$0x10C0]  }
0x378: {  	[tilespmem:v56+s18+$0x0] =	vst.idx.add.f32.msk $0xffff, v29  }
0x379: {  	v58 =	vor.u32 v19, v28;
	v29 =	vld [tilespmem:s25+$0x18C0];
	_ =	sdelay $0x2  }
0x37a: {  	[tilespmem:v57+s18+$0x0] =	vst.idx.add.f32.msk $0xffff, v31  }
0x37b: {  	v59 =	vor.u32 v21, v27;
	v31 =	vld [tilespmem:s25+$0x10D0]  }
0x37c: {  	[tilespmem:v58+s18+$0x0] =	vst.idx.add.f32.msk $0xffff, v29  }
0x37d: {  	v60 =	vor.u32 v21, v28;
	v29 =	vld [tilespmem:s25+$0x18D0];
	_ =	sdelay $0x2  }
0x37e: {  	[tilespmem:v59+s18+$0x0] =	vst.idx.add.f32.msk $0xffff, v31  }
0x37f: {  	v61 =	vor.u32 v24, v27;
	v31 =	vld [tilespmem:s25+$0x10E0]  }
0x380: {  	[tilespmem:v60+s18+$0x0] =	vst.idx.add.f32.msk $0xffff, v29  }
0x381: {  	v62 =	vor.u32 v24, v28;
	v29 =	vld [tilespmem:s25+$0x18E0];
	_ =	sdelay $0x2  }
0x382: {  	[tilespmem:v61+s18+$0x0] =	vst.idx.add.f32.msk $0xffff, v31  }
0x383: {  	v63 =	vld [tilespmem:s25+$0x10F0]  }
0x384: {  	v27 =	vor.u32 v25, v27;
	[tilespmem:v62+s18+$0x0] =	vst.idx.add.f32.msk $0xffff, v29  }
0x385: {  	p0 =	slt.u32 s24, $0x3;
	v28 =	vor.u32 v25, v28;
	v30 =	vld [tilespmem:s25+$0x18F0]  }
.Ltmp3:
0x386: {  	_ = 	snop;
	(pc) =	sbr.rel @p0 .LBB2_5-.Ltmp3, $3  }
0x387: {  	_ =	sdelay $0x1  }
0x388: {  	s31 =	sadd.s32 $0x3, s24;
	[tilespmem:v27+s18+$0x0] =	vst.idx.add.f32.msk $0xffff, v63  }
0x389: {  	s24 =	smov.u32 s31;
	s26 =	simm.s32 $0x38F0;
	s25 =	simm.s32 $0x0;
	[tilespmem:v28+s18+$0x0] =	vst.idx.add.f32.msk $0xffff, v30  }
.LBB2_6:
0x38a: {  	s24 =	sshra.s32 s25, $0x2  }
0x38b: {  	v27 =	vld [tilespmem:s24+$0x60];
	_ =	sdelay $0x4  }
0x38c: {  	vm0 =	vge.s32 v27, v5;
	vm1 =	vlt.s32 v27, v7  }
0x38d: {  	v27 =	vsub.s32 v27, v5;
	vm0 =	vmand vm0, vm1  }
0x38e: {  	v27 =	vnsel vm0, $0x200, v27  }
0x38f: {  	v27 =	vshll.u32 v27, $0x7  }
0x390: {  	v28 =	vbroadcast v27, $0x0;
	_ =	sdelay $0x1  }
0x391: {  	v29 =	vld [tilespmem:s26+$0xFFFFF810];
	v30 =	vor.u32 v11, v28;
	_ =	sdelay $0x4  }
0x392: {  	[tilespmem:v30+s18+$0x0] =	vst.idx.add.f32.msk $0xffff, v29  }
0x393: {  	v53 =	vor.u32 v13, v28;
	v29 =	vld [tilespmem:s26+$0xFFFFF820];
	_ =	sdelay $0x4  }
0x394: {  	[tilespmem:v53+s18+$0x0] =	vst.idx.add.f32.msk $0xffff, v29  }
0x395: {  	v54 =	vor.u32 v15, v28;
	v29 =	vld [tilespmem:s26+$0xFFFFF830];
	_ =	sdelay $0x4  }
0x396: {  	[tilespmem:v54+s18+$0x0] =	vst.idx.add.f32.msk $0xffff, v29  }
0x397: {  	v55 =	vor.u32 v17, v28;
	v29 =	vld [tilespmem:s26+$0xFFFFF840];
	_ =	sdelay $0x4  }
0x398: {  	[tilespmem:v55+s18+$0x0] =	vst.idx.add.f32.msk $0xffff, v29  }
0x399: {  	v56 =	vor.u32 v19, v28;
	v29 =	vld [tilespmem:s26+$0xFFFFF850];
	_ =	sdelay $0x4  }
0x39a: {  	[tilespmem:v56+s18+$0x0] =	vst.idx.add.f32.msk $0xffff, v29  }
0x39b: {  	v57 =	vor.u32 v21, v28;
	v29 =	vld [tilespmem:s26+$0xFFFFF860];
	_ =	sdelay $0x4  }
0x39c: {  	[tilespmem:v57+s18+$0x0] =	vst.idx.add.f32.msk $0xffff, v29  }
0x39d: {  	v58 =	vor.u32 v24, v28;
	v29 =	vld [tilespmem:s26+$0xFFFFF870];
	_ =	sdelay $0x4  }
0x39e: {  	[tilespmem:v58+s18+$0x0] =	vst.idx.add.f32.msk $0xffff, v29  }
0x39f: {  	v28 =	vor.u32 v25, v28;
	v29 =	vld [tilespmem:s26+$0xFFFFF880];
	_ =	sdelay $0x3  }
0x3a0: {  	v59 =	vbroadcast v27, $0x1  }
0x3a1: {  	[tilespmem:v28+s18+$0x0] =	vst.idx.add.f32.msk $0xffff, v29  }
0x3a2: {  	v60 =	vor.u32 v11, v59;
	v28 =	vld [tilespmem:s26+$0xFFFFF890];
	_ =	sdelay $0x4  }
0x3a3: {  	[tilespmem:v60+s18+$0x0] =	vst.idx.add.f32.msk $0xffff, v28  }
0x3a4: {  	v61 =	vor.u32 v13, v59;
	v28 =	vld [tilespmem:s26+$0xFFFFF8A0];
	_ =	sdelay $0x4  }
0x3a5: {  	[tilespmem:v61+s18+$0x0] =	vst.idx.add.f32.msk $0xffff, v28  }
0x3a6: {  	v62 =	vor.u32 v15, v59;
	v28 =	vld [tilespmem:s26+$0xFFFFF8B0];
	_ =	sdelay $0x4  }
0x3a7: {  	[tilespmem:v62+s18+$0x0] =	vst.idx.add.f32.msk $0xffff, v28  }
0x3a8: {  	v63 =	vor.u32 v17, v59;
	v28 =	vld [tilespmem:s26+$0xFFFFF8C0];
	_ =	sdelay $0x4  }
0x3a9: {  	[tilespmem:v63+s18+$0x0] =	vst.idx.add.f32.msk $0xffff, v28  }
0x3aa: {  	v32 =	vor.u32 v19, v59;
	v28 =	vld [tilespmem:s26+$0xFFFFF8D0];
	_ =	sdelay $0x4  }
0x3ab: {  	[tilespmem:v32+s18+$0x0] =	vst.idx.add.f32.msk $0xffff, v28  }
0x3ac: {  	v33 =	vor.u32 v21, v59;
	v28 =	vld [tilespmem:s26+$0xFFFFF8E0];
	_ =	sdelay $0x4  }
0x3ad: {  	[tilespmem:v33+s18+$0x0] =	vst.idx.add.f32.msk $0xffff, v28  }
0x3ae: {  	v34 =	vor.u32 v24, v59;
	v28 =	vld [tilespmem:s26+$0xFFFFF8F0];
	_ =	sdelay $0x4  }
0x3af: {  	[tilespmem:v34+s18+$0x0] =	vst.idx.add.f32.msk $0xffff, v28  }
0x3b0: {  	v35 =	vor.u32 v25, v59;
	v28 =	vld [tilespmem:s26+$0xFFFFF900];
	_ =	sdelay $0x3  }
0x3b1: {  	v36 =	vbroadcast v27, $0x2  }
0x3b2: {  	[tilespmem:v35+s18+$0x0] =	vst.idx.add.f32.msk $0xffff, v28  }
0x3b3: {  	v37 =	vor.u32 v11, v36;
	v28 =	vld [tilespmem:s26+$0xFFFFF910];
	_ =	sdelay $0x4  }
0x3b4: {  	[tilespmem:v37+s18+$0x0] =	vst.idx.add.f32.msk $0xffff, v28  }
0x3b5: {  	v38 =	vor.u32 v13, v36;
	v28 =	vld [tilespmem:s26+$0xFFFFF920];
	_ =	sdelay $0x4  }
0x3b6: {  	[tilespmem:v38+s18+$0x0] =	vst.idx.add.f32.msk $0xffff, v28  }
0x3b7: {  	v39 =	vor.u32 v15, v36;
	v28 =	vld [tilespmem:s26+$0xFFFFF930];
	_ =	sdelay $0x4  }
0x3b8: {  	[tilespmem:v39+s18+$0x0] =	vst.idx.add.f32.msk $0xffff, v28  }
0x3b9: {  	v40 =	vor.u32 v17, v36;
	v28 =	vld [tilespmem:s26+$0xFFFFF940];
	_ =	sdelay $0x4  }
0x3ba: {  	[tilespmem:v40+s18+$0x0] =	vst.idx.add.f32.msk $0xffff, v28  }
0x3bb: {  	v41 =	vor.u32 v19, v36;
	v28 =	vld [tilespmem:s26+$0xFFFFF950];
	_ =	sdelay $0x4  }
0x3bc: {  	[tilespmem:v41+s18+$0x0] =	vst.idx.add.f32.msk $0xffff, v28  }
0x3bd: {  	v42 =	vor.u32 v21, v36;
	v28 =	vld [tilespmem:s26+$0xFFFFF960];
	_ =	sdelay $0x4  }
0x3be: {  	[tilespmem:v42+s18+$0x0] =	vst.idx.add.f32.msk $0xffff, v28  }
0x3bf: {  	v43 =	vor.u32 v24, v36;
	v28 =	vld [tilespmem:s26+$0xFFFFF970];
	_ =	sdelay $0x4  }
0x3c0: {  	[tilespmem:v43+s18+$0x0] =	vst.idx.add.f32.msk $0xffff, v28  }
0x3c1: {  	v44 =	vor.u32 v25, v36;
	v28 =	vld [tilespmem:s26+$0xFFFFF980];
	_ =	sdelay $0x3  }
0x3c2: {  	v45 =	vbroadcast v27, $0x3  }
0x3c3: {  	[tilespmem:v44+s18+$0x0] =	vst.idx.add.f32.msk $0xffff, v28  }
0x3c4: {  	v46 =	vor.u32 v11, v45;
	v28 =	vld [tilespmem:s26+$0xFFFFF990];
	_ =	sdelay $0x4  }
0x3c5: {  	[tilespmem:v46+s18+$0x0] =	vst.idx.add.f32.msk $0xffff, v28  }
0x3c6: {  	v47 =	vor.u32 v13, v45;
	v28 =	vld [tilespmem:s26+$0xFFFFF9A0];
	_ =	sdelay $0x4  }
0x3c7: {  	[tilespmem:v47+s18+$0x0] =	vst.idx.add.f32.msk $0xffff, v28  }
0x3c8: {  	v48 =	vor.u32 v15, v45;
	v28 =	vld [tilespmem:s26+$0xFFFFF9B0];
	_ =	sdelay $0x4  }
0x3c9: {  	[tilespmem:v48+s18+$0x0] =	vst.idx.add.f32.msk $0xffff, v28  }
0x3ca: {  	v49 =	vor.u32 v17, v45;
	v28 =	vld [tilespmem:s26+$0xFFFFF9C0];
	_ =	sdelay $0x4  }
0x3cb: {  	[tilespmem:v49+s18+$0x0] =	vst.idx.add.f32.msk $0xffff, v28  }
0x3cc: {  	v50 =	vor.u32 v19, v45;
	v28 =	vld [tilespmem:s26+$0xFFFFF9D0];
	_ =	sdelay $0x4  }
0x3cd: {  	[tilespmem:v50+s18+$0x0] =	vst.idx.add.f32.msk $0xffff, v28  }
0x3ce: {  	v51 =	vor.u32 v21, v45;
	v28 =	vld [tilespmem:s26+$0xFFFFF9E0];
	_ =	sdelay $0x4  }
0x3cf: {  	[tilespmem:v51+s18+$0x0] =	vst.idx.add.f32.msk $0xffff, v28  }
0x3d0: {  	v52 =	vor.u32 v24, v45;
	v28 =	vld [tilespmem:s26+$0xFFFFF9F0];
	_ =	sdelay $0x4  }
0x3d1: {  	[tilespmem:v52+s18+$0x0] =	vst.idx.add.f32.msk $0xffff, v28  }
0x3d2: {  	v53 =	vor.u32 v25, v45;
	v28 =	vld [tilespmem:s26+$0xFFFFFA00];
	_ =	sdelay $0x3  }
0x3d3: {  	v54 =	vbroadcast v27, $0x4  }
0x3d4: {  	[tilespmem:v53+s18+$0x0] =	vst.idx.add.f32.msk $0xffff, v28  }
0x3d5: {  	v55 =	vor.u32 v11, v54;
	v28 =	vld [tilespmem:s26+$0xFFFFFA10];
	_ =	sdelay $0x4  }
0x3d6: {  	[tilespmem:v55+s18+$0x0] =	vst.idx.add.f32.msk $0xffff, v28  }
0x3d7: {  	v56 =	vor.u32 v13, v54;
	v28 =	vld [tilespmem:s26+$0xFFFFFA20];
	_ =	sdelay $0x4  }
0x3d8: {  	[tilespmem:v56+s18+$0x0] =	vst.idx.add.f32.msk $0xffff, v28  }
0x3d9: {  	v57 =	vor.u32 v15, v54;
	v28 =	vld [tilespmem:s26+$0xFFFFFA30];
	_ =	sdelay $0x4  }
0x3da: {  	[tilespmem:v57+s18+$0x0] =	vst.idx.add.f32.msk $0xffff, v28  }
0x3db: {  	v58 =	vor.u32 v17, v54;
	v28 =	vld [tilespmem:s26+$0xFFFFFA40];
	_ =	sdelay $0x4  }
0x3dc: {  	[tilespmem:v58+s18+$0x0] =	vst.idx.add.f32.msk $0xffff, v28  }
0x3dd: {  	v59 =	vor.u32 v19, v54;
	v28 =	vld [tilespmem:s26+$0xFFFFFA50];
	_ =	sdelay $0x4  }
0x3de: {  	[tilespmem:v59+s18+$0x0] =	vst.idx.add.f32.msk $0xffff, v28  }
0x3df: {  	v60 =	vor.u32 v21, v54;
	v28 =	vld [tilespmem:s26+$0xFFFFFA60];
	_ =	sdelay $0x4  }
0x3e0: {  	[tilespmem:v60+s18+$0x0] =	vst.idx.add.f32.msk $0xffff, v28  }
0x3e1: {  	v61 =	vor.u32 v24, v54;
	v28 =	vld [tilespmem:s26+$0xFFFFFA70];
	_ =	sdelay $0x4  }
0x3e2: {  	[tilespmem:v61+s18+$0x0] =	vst.idx.add.f32.msk $0xffff, v28  }
0x3e3: {  	v62 =	vor.u32 v25, v54;
	v28 =	vld [tilespmem:s26+$0xFFFFFA80];
	_ =	sdelay $0x3  }
0x3e4: {  	v63 =	vbroadcast v27, $0x5  }
0x3e5: {  	[tilespmem:v62+s18+$0x0] =	vst.idx.add.f32.msk $0xffff, v28  }
0x3e6: {  	v32 =	vor.u32 v11, v63;
	v28 =	vld [tilespmem:s26+$0xFFFFFA90];
	_ =	sdelay $0x4  }
0x3e7: {  	[tilespmem:v32+s18+$0x0] =	vst.idx.add.f32.msk $0xffff, v28  }
0x3e8: {  	v33 =	vor.u32 v13, v63;
	v28 =	vld [tilespmem:s26+$0xFFFFFAA0];
	_ =	sdelay $0x4  }
0x3e9: {  	[tilespmem:v33+s18+$0x0] =	vst.idx.add.f32.msk $0xffff, v28  }
0x3ea: {  	v34 =	vor.u32 v15, v63;
	v28 =	vld [tilespmem:s26+$0xFFFFFAB0];
	_ =	sdelay $0x4  }
0x3eb: {  	[tilespmem:v34+s18+$0x0] =	vst.idx.add.f32.msk $0xffff, v28  }
0x3ec: {  	v35 =	vor.u32 v17, v63;
	v28 =	vld [tilespmem:s26+$0xFFFFFAC0];
	_ =	sdelay $0x4  }
0x3ed: {  	[tilespmem:v35+s18+$0x0] =	vst.idx.add.f32.msk $0xffff, v28  }
0x3ee: {  	v36 =	vor.u32 v19, v63;
	v28 =	vld [tilespmem:s26+$0xFFFFFAD0];
	_ =	sdelay $0x4  }
0x3ef: {  	[tilespmem:v36+s18+$0x0] =	vst.idx.add.f32.msk $0xffff, v28  }
0x3f0: {  	v37 =	vor.u32 v21, v63;
	v28 =	vld [tilespmem:s26+$0xFFFFFAE0];
	_ =	sdelay $0x4  }
0x3f1: {  	[tilespmem:v37+s18+$0x0] =	vst.idx.add.f32.msk $0xffff, v28  }
0x3f2: {  	v38 =	vor.u32 v24, v63;
	v28 =	vld [tilespmem:s26+$0xFFFFFAF0];
	_ =	sdelay $0x4  }
0x3f3: {  	[tilespmem:v38+s18+$0x0] =	vst.idx.add.f32.msk $0xffff, v28  }
0x3f4: {  	v39 =	vor.u32 v25, v63;
	v28 =	vld [tilespmem:s26+$0xFFFFFB00];
	_ =	sdelay $0x3  }
0x3f5: {  	v40 =	vbroadcast v27, $0x6  }
0x3f6: {  	[tilespmem:v39+s18+$0x0] =	vst.idx.add.f32.msk $0xffff, v28  }
0x3f7: {  	v41 =	vor.u32 v11, v40;
	v28 =	vld [tilespmem:s26+$0xFFFFFB10];
	_ =	sdelay $0x4  }
0x3f8: {  	[tilespmem:v41+s18+$0x0] =	vst.idx.add.f32.msk $0xffff, v28  }
0x3f9: {  	v42 =	vor.u32 v13, v40;
	v28 =	vld [tilespmem:s26+$0xFFFFFB20];
	_ =	sdelay $0x4  }
0x3fa: {  	[tilespmem:v42+s18+$0x0] =	vst.idx.add.f32.msk $0xffff, v28  }
0x3fb: {  	v43 =	vor.u32 v15, v40;
	v28 =	vld [tilespmem:s26+$0xFFFFFB30];
	_ =	sdelay $0x4  }
0x3fc: {  	[tilespmem:v43+s18+$0x0] =	vst.idx.add.f32.msk $0xffff, v28  }
0x3fd: {  	v44 =	vor.u32 v17, v40;
	v28 =	vld [tilespmem:s26+$0xFFFFFB40];
	_ =	sdelay $0x4  }
0x3fe: {  	[tilespmem:v44+s18+$0x0] =	vst.idx.add.f32.msk $0xffff, v28  }
0x3ff: {  	v45 =	vor.u32 v19, v40;
	v28 =	vld [tilespmem:s26+$0xFFFFFB50];
	_ =	sdelay $0x4  }
0x400: {  	[tilespmem:v45+s18+$0x0] =	vst.idx.add.f32.msk $0xffff, v28  }
0x401: {  	v46 =	vor.u32 v21, v40;
	v28 =	vld [tilespmem:s26+$0xFFFFFB60];
	_ =	sdelay $0x4  }
0x402: {  	[tilespmem:v46+s18+$0x0] =	vst.idx.add.f32.msk $0xffff, v28  }
0x403: {  	v47 =	vor.u32 v24, v40;
	v28 =	vld [tilespmem:s26+$0xFFFFFB70];
	_ =	sdelay $0x4  }
0x404: {  	[tilespmem:v47+s18+$0x0] =	vst.idx.add.f32.msk $0xffff, v28  }
0x405: {  	v48 =	vor.u32 v25, v40;
	v28 =	vld [tilespmem:s26+$0xFFFFFB80];
	_ =	sdelay $0x3  }
0x406: {  	v49 =	vbroadcast v27, $0x7  }
0x407: {  	[tilespmem:v48+s18+$0x0] =	vst.idx.add.f32.msk $0xffff, v28  }
0x408: {  	v50 =	vor.u32 v11, v49;
	v28 =	vld [tilespmem:s26+$0xFFFFFB90];
	_ =	sdelay $0x4  }
0x409: {  	[tilespmem:v50+s18+$0x0] =	vst.idx.add.f32.msk $0xffff, v28  }
0x40a: {  	v51 =	vor.u32 v13, v49;
	v28 =	vld [tilespmem:s26+$0xFFFFFBA0];
	_ =	sdelay $0x4  }
0x40b: {  	[tilespmem:v51+s18+$0x0] =	vst.idx.add.f32.msk $0xffff, v28  }
0x40c: {  	v52 =	vor.u32 v15, v49;
	v28 =	vld [tilespmem:s26+$0xFFFFFBB0];
	_ =	sdelay $0x4  }
0x40d: {  	[tilespmem:v52+s18+$0x0] =	vst.idx.add.f32.msk $0xffff, v28  }
0x40e: {  	v53 =	vor.u32 v17, v49;
	v28 =	vld [tilespmem:s26+$0xFFFFFBC0];
	_ =	sdelay $0x4  }
0x40f: {  	[tilespmem:v53+s18+$0x0] =	vst.idx.add.f32.msk $0xffff, v28  }
0x410: {  	v54 =	vor.u32 v19, v49;
	v28 =	vld [tilespmem:s26+$0xFFFFFBD0];
	_ =	sdelay $0x4  }
0x411: {  	[tilespmem:v54+s18+$0x0] =	vst.idx.add.f32.msk $0xffff, v28  }
0x412: {  	v55 =	vor.u32 v21, v49;
	v28 =	vld [tilespmem:s26+$0xFFFFFBE0];
	_ =	sdelay $0x4  }
0x413: {  	[tilespmem:v55+s18+$0x0] =	vst.idx.add.f32.msk $0xffff, v28  }
0x414: {  	v56 =	vor.u32 v24, v49;
	v28 =	vld [tilespmem:s26+$0xFFFFFBF0];
	_ =	sdelay $0x4  }
0x415: {  	[tilespmem:v56+s18+$0x0] =	vst.idx.add.f32.msk $0xffff, v28  }
0x416: {  	v57 =	vor.u32 v25, v49;
	v28 =	vld [tilespmem:s26+$0xFFFFFC00];
	_ =	sdelay $0x3  }
0x417: {  	v58 =	vbroadcast v27, $0x8  }
0x418: {  	[tilespmem:v57+s18+$0x0] =	vst.idx.add.f32.msk $0xffff, v28  }
0x419: {  	v59 =	vor.u32 v11, v58;
	v28 =	vld [tilespmem:s26+$0xFFFFFC10];
	_ =	sdelay $0x4  }
0x41a: {  	[tilespmem:v59+s18+$0x0] =	vst.idx.add.f32.msk $0xffff, v28  }
0x41b: {  	v60 =	vor.u32 v13, v58;
	v28 =	vld [tilespmem:s26+$0xFFFFFC20];
	_ =	sdelay $0x4  }
0x41c: {  	[tilespmem:v60+s18+$0x0] =	vst.idx.add.f32.msk $0xffff, v28  }
0x41d: {  	v61 =	vor.u32 v15, v58;
	v28 =	vld [tilespmem:s26+$0xFFFFFC30];
	_ =	sdelay $0x4  }
0x41e: {  	[tilespmem:v61+s18+$0x0] =	vst.idx.add.f32.msk $0xffff, v28  }
0x41f: {  	v62 =	vor.u32 v17, v58;
	v28 =	vld [tilespmem:s26+$0xFFFFFC40];
	_ =	sdelay $0x4  }
0x420: {  	[tilespmem:v62+s18+$0x0] =	vst.idx.add.f32.msk $0xffff, v28  }
0x421: {  	v63 =	vor.u32 v19, v58;
	v28 =	vld [tilespmem:s26+$0xFFFFFC50];
	_ =	sdelay $0x4  }
0x422: {  	[tilespmem:v63+s18+$0x0] =	vst.idx.add.f32.msk $0xffff, v28  }
0x423: {  	v32 =	vor.u32 v21, v58;
	v28 =	vld [tilespmem:s26+$0xFFFFFC60];
	_ =	sdelay $0x4  }
0x424: {  	[tilespmem:v32+s18+$0x0] =	vst.idx.add.f32.msk $0xffff, v28  }
0x425: {  	v33 =	vor.u32 v24, v58;
	v28 =	vld [tilespmem:s26+$0xFFFFFC70];
	_ =	sdelay $0x4  }
0x426: {  	[tilespmem:v33+s18+$0x0] =	vst.idx.add.f32.msk $0xffff, v28  }
0x427: {  	v34 =	vor.u32 v25, v58;
	v28 =	vld [tilespmem:s26+$0xFFFFFC80];
	_ =	sdelay $0x3  }
0x428: {  	v35 =	vbroadcast v27, $0x9  }
0x429: {  	[tilespmem:v34+s18+$0x0] =	vst.idx.add.f32.msk $0xffff, v28  }
0x42a: {  	v36 =	vor.u32 v11, v35;
	v28 =	vld [tilespmem:s26+$0xFFFFFC90];
	_ =	sdelay $0x4  }
0x42b: {  	[tilespmem:v36+s18+$0x0] =	vst.idx.add.f32.msk $0xffff, v28  }
0x42c: {  	v37 =	vor.u32 v13, v35;
	v28 =	vld [tilespmem:s26+$0xFFFFFCA0];
	_ =	sdelay $0x4  }
0x42d: {  	[tilespmem:v37+s18+$0x0] =	vst.idx.add.f32.msk $0xffff, v28  }
0x42e: {  	v38 =	vor.u32 v15, v35;
	v28 =	vld [tilespmem:s26+$0xFFFFFCB0];
	_ =	sdelay $0x4  }
0x42f: {  	[tilespmem:v38+s18+$0x0] =	vst.idx.add.f32.msk $0xffff, v28  }
0x430: {  	v39 =	vor.u32 v17, v35;
	v28 =	vld [tilespmem:s26+$0xFFFFFCC0];
	_ =	sdelay $0x4  }
0x431: {  	[tilespmem:v39+s18+$0x0] =	vst.idx.add.f32.msk $0xffff, v28  }
0x432: {  	v40 =	vor.u32 v19, v35;
	v28 =	vld [tilespmem:s26+$0xFFFFFCD0];
	_ =	sdelay $0x4  }
0x433: {  	[tilespmem:v40+s18+$0x0] =	vst.idx.add.f32.msk $0xffff, v28  }
0x434: {  	v41 =	vor.u32 v21, v35;
	v28 =	vld [tilespmem:s26+$0xFFFFFCE0];
	_ =	sdelay $0x4  }
0x435: {  	[tilespmem:v41+s18+$0x0] =	vst.idx.add.f32.msk $0xffff, v28  }
0x436: {  	v42 =	vor.u32 v24, v35;
	v28 =	vld [tilespmem:s26+$0xFFFFFCF0];
	_ =	sdelay $0x4  }
0x437: {  	[tilespmem:v42+s18+$0x0] =	vst.idx.add.f32.msk $0xffff, v28  }
0x438: {  	v43 =	vor.u32 v25, v35;
	v28 =	vld [tilespmem:s26+$0xFFFFFD00];
	_ =	sdelay $0x3  }
0x439: {  	v44 =	vbroadcast v27, $0xA  }
0x43a: {  	[tilespmem:v43+s18+$0x0] =	vst.idx.add.f32.msk $0xffff, v28  }
0x43b: {  	v45 =	vor.u32 v11, v44;
	v28 =	vld [tilespmem:s26+$0xFFFFFD10];
	_ =	sdelay $0x4  }
0x43c: {  	[tilespmem:v45+s18+$0x0] =	vst.idx.add.f32.msk $0xffff, v28  }
0x43d: {  	v46 =	vor.u32 v13, v44;
	v28 =	vld [tilespmem:s26+$0xFFFFFD20];
	_ =	sdelay $0x4  }
0x43e: {  	[tilespmem:v46+s18+$0x0] =	vst.idx.add.f32.msk $0xffff, v28  }
0x43f: {  	v47 =	vor.u32 v15, v44;
	v28 =	vld [tilespmem:s26+$0xFFFFFD30];
	_ =	sdelay $0x4  }
0x440: {  	[tilespmem:v47+s18+$0x0] =	vst.idx.add.f32.msk $0xffff, v28  }
0x441: {  	v48 =	vor.u32 v17, v44;
	v28 =	vld [tilespmem:s26+$0xFFFFFD40];
	_ =	sdelay $0x4  }
0x442: {  	[tilespmem:v48+s18+$0x0] =	vst.idx.add.f32.msk $0xffff, v28  }
0x443: {  	v49 =	vor.u32 v19, v44;
	v28 =	vld [tilespmem:s26+$0xFFFFFD50];
	_ =	sdelay $0x4  }
0x444: {  	[tilespmem:v49+s18+$0x0] =	vst.idx.add.f32.msk $0xffff, v28  }
0x445: {  	v50 =	vor.u32 v21, v44;
	v28 =	vld [tilespmem:s26+$0xFFFFFD60];
	_ =	sdelay $0x4  }
0x446: {  	[tilespmem:v50+s18+$0x0] =	vst.idx.add.f32.msk $0xffff, v28  }
0x447: {  	v51 =	vor.u32 v24, v44;
	v28 =	vld [tilespmem:s26+$0xFFFFFD70];
	_ =	sdelay $0x4  }
0x448: {  	[tilespmem:v51+s18+$0x0] =	vst.idx.add.f32.msk $0xffff, v28  }
0x449: {  	v52 =	vor.u32 v25, v44;
	v28 =	vld [tilespmem:s26+$0xFFFFFD80];
	_ =	sdelay $0x3  }
0x44a: {  	v53 =	vbroadcast v27, $0xB  }
0x44b: {  	[tilespmem:v52+s18+$0x0] =	vst.idx.add.f32.msk $0xffff, v28  }
0x44c: {  	v54 =	vor.u32 v11, v53;
	v28 =	vld [tilespmem:s26+$0xFFFFFD90];
	_ =	sdelay $0x4  }
0x44d: {  	[tilespmem:v54+s18+$0x0] =	vst.idx.add.f32.msk $0xffff, v28  }
0x44e: {  	v55 =	vor.u32 v13, v53;
	v28 =	vld [tilespmem:s26+$0xFFFFFDA0];
	_ =	sdelay $0x4  }
0x44f: {  	[tilespmem:v55+s18+$0x0] =	vst.idx.add.f32.msk $0xffff, v28  }
0x450: {  	v56 =	vor.u32 v15, v53;
	v28 =	vld [tilespmem:s26+$0xFFFFFDB0];
	_ =	sdelay $0x4  }
0x451: {  	[tilespmem:v56+s18+$0x0] =	vst.idx.add.f32.msk $0xffff, v28  }
0x452: {  	v57 =	vor.u32 v17, v53;
	v28 =	vld [tilespmem:s26+$0xFFFFFDC0];
	_ =	sdelay $0x4  }
0x453: {  	[tilespmem:v57+s18+$0x0] =	vst.idx.add.f32.msk $0xffff, v28  }
0x454: {  	v58 =	vor.u32 v19, v53;
	v28 =	vld [tilespmem:s26+$0xFFFFFDD0];
	_ =	sdelay $0x4  }
0x455: {  	[tilespmem:v58+s18+$0x0] =	vst.idx.add.f32.msk $0xffff, v28  }
0x456: {  	v59 =	vor.u32 v21, v53;
	v28 =	vld [tilespmem:s26+$0xFFFFFDE0];
	_ =	sdelay $0x4  }
0x457: {  	[tilespmem:v59+s18+$0x0] =	vst.idx.add.f32.msk $0xffff, v28  }
0x458: {  	v60 =	vor.u32 v24, v53;
	v28 =	vld [tilespmem:s26+$0xFFFFFDF0];
	_ =	sdelay $0x4  }
0x459: {  	[tilespmem:v60+s18+$0x0] =	vst.idx.add.f32.msk $0xffff, v28  }
0x45a: {  	v61 =	vor.u32 v25, v53;
	v28 =	vld [tilespmem:s26+$0xFFFFFE00];
	_ =	sdelay $0x3  }
0x45b: {  	v62 =	vbroadcast v27, $0xC  }
0x45c: {  	[tilespmem:v61+s18+$0x0] =	vst.idx.add.f32.msk $0xffff, v28  }
0x45d: {  	v63 =	vor.u32 v11, v62;
	v28 =	vld [tilespmem:s26+$0xFFFFFE10];
	_ =	sdelay $0x4  }
0x45e: {  	[tilespmem:v63+s18+$0x0] =	vst.idx.add.f32.msk $0xffff, v28  }
0x45f: {  	v32 =	vor.u32 v13, v62;
	v28 =	vld [tilespmem:s26+$0xFFFFFE20];
	_ =	sdelay $0x4  }
0x460: {  	[tilespmem:v32+s18+$0x0] =	vst.idx.add.f32.msk $0xffff, v28  }
0x461: {  	v33 =	vor.u32 v15, v62;
	v28 =	vld [tilespmem:s26+$0xFFFFFE30];
	_ =	sdelay $0x4  }
0x462: {  	[tilespmem:v33+s18+$0x0] =	vst.idx.add.f32.msk $0xffff, v28  }
0x463: {  	v34 =	vor.u32 v17, v62;
	v28 =	vld [tilespmem:s26+$0xFFFFFE40];
	_ =	sdelay $0x4  }
0x464: {  	[tilespmem:v34+s18+$0x0] =	vst.idx.add.f32.msk $0xffff, v28  }
0x465: {  	v35 =	vor.u32 v19, v62;
	v28 =	vld [tilespmem:s26+$0xFFFFFE50];
	_ =	sdelay $0x4  }
0x466: {  	[tilespmem:v35+s18+$0x0] =	vst.idx.add.f32.msk $0xffff, v28  }
0x467: {  	v36 =	vor.u32 v21, v62;
	v28 =	vld [tilespmem:s26+$0xFFFFFE60];
	_ =	sdelay $0x4  }
0x468: {  	[tilespmem:v36+s18+$0x0] =	vst.idx.add.f32.msk $0xffff, v28  }
0x469: {  	v37 =	vor.u32 v24, v62;
	v28 =	vld [tilespmem:s26+$0xFFFFFE70];
	_ =	sdelay $0x4  }
0x46a: {  	[tilespmem:v37+s18+$0x0] =	vst.idx.add.f32.msk $0xffff, v28  }
0x46b: {  	v38 =	vor.u32 v25, v62;
	v28 =	vld [tilespmem:s26+$0xFFFFFE80];
	_ =	sdelay $0x3  }
0x46c: {  	v39 =	vbroadcast v27, $0xD  }
0x46d: {  	[tilespmem:v38+s18+$0x0] =	vst.idx.add.f32.msk $0xffff, v28  }
0x46e: {  	v40 =	vor.u32 v11, v39;
	v28 =	vld [tilespmem:s26+$0xFFFFFE90];
	_ =	sdelay $0x4  }
0x46f: {  	[tilespmem:v40+s18+$0x0] =	vst.idx.add.f32.msk $0xffff, v28  }
0x470: {  	v41 =	vor.u32 v13, v39;
	v28 =	vld [tilespmem:s26+$0xFFFFFEA0];
	_ =	sdelay $0x4  }
0x471: {  	[tilespmem:v41+s18+$0x0] =	vst.idx.add.f32.msk $0xffff, v28  }
0x472: {  	v42 =	vor.u32 v15, v39;
	v28 =	vld [tilespmem:s26+$0xFFFFFEB0];
	_ =	sdelay $0x4  }
0x473: {  	[tilespmem:v42+s18+$0x0] =	vst.idx.add.f32.msk $0xffff, v28  }
0x474: {  	v43 =	vor.u32 v17, v39;
	v28 =	vld [tilespmem:s26+$0xFFFFFEC0];
	_ =	sdelay $0x4  }
0x475: {  	[tilespmem:v43+s18+$0x0] =	vst.idx.add.f32.msk $0xffff, v28  }
0x476: {  	v44 =	vor.u32 v19, v39;
	v28 =	vld [tilespmem:s26+$0xFFFFFED0];
	_ =	sdelay $0x4  }
0x477: {  	[tilespmem:v44+s18+$0x0] =	vst.idx.add.f32.msk $0xffff, v28  }
0x478: {  	v45 =	vor.u32 v21, v39;
	v28 =	vld [tilespmem:s26+$0xFFFFFEE0];
	_ =	sdelay $0x4  }
0x479: {  	[tilespmem:v45+s18+$0x0] =	vst.idx.add.f32.msk $0xffff, v28  }
0x47a: {  	v46 =	vor.u32 v24, v39;
	v28 =	vld [tilespmem:s26+$0xFFFFFEF0];
	_ =	sdelay $0x4  }
0x47b: {  	[tilespmem:v46+s18+$0x0] =	vst.idx.add.f32.msk $0xffff, v28  }
0x47c: {  	v47 =	vor.u32 v25, v39;
	v28 =	vld [tilespmem:s26+$0xFFFFFF00];
	_ =	sdelay $0x3  }
0x47d: {  	v48 =	vbroadcast v27, $0xE  }
0x47e: {  	[tilespmem:v47+s18+$0x0] =	vst.idx.add.f32.msk $0xffff, v28  }
0x47f: {  	v49 =	vor.u32 v11, v48;
	v28 =	vld [tilespmem:s26+$0xFFFFFF10];
	_ =	sdelay $0x4  }
0x480: {  	[tilespmem:v49+s18+$0x0] =	vst.idx.add.f32.msk $0xffff, v28  }
0x481: {  	v50 =	vor.u32 v13, v48;
	v28 =	vld [tilespmem:s26+$0xFFFFFF20];
	_ =	sdelay $0x4  }
0x482: {  	[tilespmem:v50+s18+$0x0] =	vst.idx.add.f32.msk $0xffff, v28  }
0x483: {  	v51 =	vor.u32 v15, v48;
	v28 =	vld [tilespmem:s26+$0xFFFFFF30];
	_ =	sdelay $0x4  }
0x484: {  	[tilespmem:v51+s18+$0x0] =	vst.idx.add.f32.msk $0xffff, v28  }
0x485: {  	v52 =	vor.u32 v17, v48;
	v28 =	vld [tilespmem:s26+$0xFFFFFF40];
	_ =	sdelay $0x4  }
0x486: {  	[tilespmem:v52+s18+$0x0] =	vst.idx.add.f32.msk $0xffff, v28  }
0x487: {  	v53 =	vor.u32 v19, v48;
	v28 =	vld [tilespmem:s26+$0xFFFFFF50];
	_ =	sdelay $0x4  }
0x488: {  	[tilespmem:v53+s18+$0x0] =	vst.idx.add.f32.msk $0xffff, v28  }
0x489: {  	v54 =	vor.u32 v21, v48;
	v28 =	vld [tilespmem:s26+$0xFFFFFF60];
	_ =	sdelay $0x4  }
0x48a: {  	[tilespmem:v54+s18+$0x0] =	vst.idx.add.f32.msk $0xffff, v28  }
0x48b: {  	v55 =	vor.u32 v24, v48;
	v28 =	vld [tilespmem:s26+$0xFFFFFF70];
	_ =	sdelay $0x4  }
0x48c: {  	[tilespmem:v55+s18+$0x0] =	vst.idx.add.f32.msk $0xffff, v28  }
0x48d: {  	v56 =	vor.u32 v25, v48;
	v28 =	vld [tilespmem:s26+$0xFFFFFF80];
	_ =	sdelay $0x3  }
0x48e: {  	v27 =	vbroadcast v27, $0xF  }
0x48f: {  	[tilespmem:v56+s18+$0x0] =	vst.idx.add.f32.msk $0xffff, v28  }
0x490: {  	v57 =	vor.u32 v11, v27;
	v28 =	vld [tilespmem:s26+$0xFFFFFF90];
	_ =	sdelay $0x4  }
0x491: {  	[tilespmem:v57+s18+$0x0] =	vst.idx.add.f32.msk $0xffff, v28  }
0x492: {  	v58 =	vor.u32 v13, v27;
	v28 =	vld [tilespmem:s26+$0xFFFFFFA0];
	_ =	sdelay $0x4  }
0x493: {  	[tilespmem:v58+s18+$0x0] =	vst.idx.add.f32.msk $0xffff, v28  }
0x494: {  	v59 =	vor.u32 v15, v27;
	v28 =	vld [tilespmem:s26+$0xFFFFFFB0];
	_ =	sdelay $0x4  }
0x495: {  	[tilespmem:v59+s18+$0x0] =	vst.idx.add.f32.msk $0xffff, v28  }
0x496: {  	v60 =	vor.u32 v17, v27;
	v28 =	vld [tilespmem:s26+$0xFFFFFFC0];
	_ =	sdelay $0x4  }
0x497: {  	[tilespmem:v60+s18+$0x0] =	vst.idx.add.f32.msk $0xffff, v28  }
0x498: {  	v61 =	vor.u32 v19, v27;
	v28 =	vld [tilespmem:s26+$0xFFFFFFD0];
	_ =	sdelay $0x4  }
0x499: {  	[tilespmem:v61+s18+$0x0] =	vst.idx.add.f32.msk $0xffff, v28  }
0x49a: {  	v62 =	vor.u32 v21, v27;
	v28 =	vld [tilespmem:s26+$0xFFFFFFE0];
	_ =	sdelay $0x4  }
0x49b: {  	[tilespmem:v62+s18+$0x0] =	vst.idx.add.f32.msk $0xffff, v28  }
0x49c: {  	v63 =	vor.u32 v24, v27;
	v28 =	vld [tilespmem:s26+$0xFFFFFFF0];
	_ =	sdelay $0x4  }
0x49d: {  	[tilespmem:v63+s18+$0x0] =	vst.idx.add.f32.msk $0xffff, v28  }
0x49e: {  	p0 =	sne.s32 s25, $0x40;
	v27 =	vor.u32 v25, v27;
	v28 =	vld [tilespmem:s26+$0x0]  }
.Ltmp4:
0x49f: {  	_ = 	snop;
	(pc) =	sbr.rel @p0 .LBB2_6-.Ltmp4, $2  }
0x4a0: {  	_ =	sdelay $0x2  }
0x4a1: {  	s25 =	sadd.s32 $0x40, s25;
	s26 =	sadd.s32 $0x800, s26;
	[tilespmem:v27+s18+$0x0] =	vst.idx.add.f32.msk $0xffff, v28  }
0x4a2: {  	s24 =	sshll.u32 s23, $0x1;
	p0 =	seq.s32 s23, $0x3F  }
0x4a3: {  	s25 =	sadd.s32 @!p0 $0x2, s24  }
0x4a4: {  	s26 =	sshll.u32 @!p0 s25, $0x11  }
0x4a5: {  	s26 =	sadd.s32 @!p0 s6, s26  }
0x4a6: {  	s28 =	simm.s32 @!p0 $0x400;
	s29 =	simm.s32 @!p0 $0x2000;
	s26 =	sshrl.u32 @!p0 s26, $0x3  }
0x4a7: {  	s30 =	simm.s32 @!p0 $0x100;
	s25 =	sshll.u32 @!p0 s25, $0x4;
	s26 =	sadd.s32 @!p0 s1, s26  }
0x4a8: {  	[tilespmem:s30], [sflag:$0x1] =	stream.strided.gather @!p0 [hbm4b:s26+s28], $0x4000, s29, s28, $0x38;
	[tilespmem:$0x18500] =	vst v63  }
0x4a9: {  	s25 =	sadd.s32 @!p0 s2, s25;
	s26 =	simm.s32 @!p0 $0x0  }
0x4aa: {  	[tilespmem:s26], [sflag:$0x3] =	stream.linear.gather @!p0 [hbm4b:s25+s26], $0x80, $0x38;
	[tilespmem:$0x18500] =	vst v63  }
0x4ab: {  	_ =	swait.ge [sflag:s19], $0x4000  }
0x4ac: {  	[sflag:s19] =	ssyncset.done $0x0  }
0x4ad: {  	[sflag:s19] =	ssyncadd.s32 $0xFFFFC000  }
0x4ae: {  	_ =	swait.ge [sflag:s20], $0x80  }
0x4af: {  	[sflag:s20] =	ssyncset.done $0x0  }
0x4b0: {  	s25 =	simm.s32 $0x0;
	s26 =	simm.s32 $0x0;
	[sflag:s20] =	ssyncadd.s32 $0xFFFFFF80  }
.LBB2_8:
0x4b1: {  	s29 =	sshll.u32 s26, $0x4  }
0x4b2: {  	s28 =	sand.u32 $0x3FFFFFF0, s29  }
0x4b3: {  	v27 =	vld [tilespmem:s28+$0x80];
	_ =	sdelay $0x4  }
0x4b4: {  	vm0 =	vge.s32 v27, v5;
	vm1 =	vlt.s32 v27, v7  }
0x4b5: {  	v27 =	vsub.s32 v27, v5;
	vm0 =	vmand vm0, vm1  }
0x4b6: {  	v27 =	vnsel vm0, $0x200, v27  }
0x4b7: {  	v28 =	vshll.u32 v27, v0  }
0x4b8: {  	s28 =	sshll.u32 s26, $0xB;
	v28 =	vbroadcast v28, $0x0  }
0x4b9: {  	s28 =	sand.u32 $0x3FFFF800, s28  }
0x4ba: {  	v29 =	vld [tilespmem:s28+$0x4100];
	v30 =	vor.u32 v11, v28;
	_ =	sdelay $0x4  }
0x4bb: {  	[tilespmem:v30+s18+$0x0] =	vst.idx.add.f32.msk $0xffff, v29  }
0x4bc: {  	v62 =	vor.u32 v13, v28;
	v29 =	vld [tilespmem:s28+$0x4110];
	_ =	sdelay $0x4  }
0x4bd: {  	[tilespmem:v62+s18+$0x0] =	vst.idx.add.f32.msk $0xffff, v29  }
0x4be: {  	v63 =	vor.u32 v15, v28;
	v29 =	vld [tilespmem:s28+$0x4120];
	_ =	sdelay $0x4  }
0x4bf: {  	[tilespmem:v63+s18+$0x0] =	vst.idx.add.f32.msk $0xffff, v29  }
0x4c0: {  	v33 =	vor.u32 v17, v28;
	v29 =	vld [tilespmem:s28+$0x4130];
	_ =	sdelay $0x4  }
0x4c1: {  	[tilespmem:v33+s18+$0x0] =	vst.idx.add.f32.msk $0xffff, v29  }
0x4c2: {  	v34 =	vor.u32 v19, v28;
	v29 =	vld [tilespmem:s28+$0x4140];
	_ =	sdelay $0x4  }
0x4c3: {  	[tilespmem:v34+s18+$0x0] =	vst.idx.add.f32.msk $0xffff, v29  }
0x4c4: {  	v35 =	vor.u32 v21, v28;
	v29 =	vld [tilespmem:s28+$0x4150];
	_ =	sdelay $0x4  }
0x4c5: {  	[tilespmem:v35+s18+$0x0] =	vst.idx.add.f32.msk $0xffff, v29  }
0x4c6: {  	v36 =	vor.u32 v24, v28;
	v29 =	vld [tilespmem:s28+$0x4160];
	_ =	sdelay $0x4  }
0x4c7: {  	[tilespmem:v36+s18+$0x0] =	vst.idx.add.f32.msk $0xffff, v29  }
0x4c8: {  	v28 =	vor.u32 v25, v28;
	v29 =	vld [tilespmem:s28+$0x4170];
	_ =	sdelay $0x2  }
0x4c9: {  	v37 =	vshll.u32 v27, v1  }
0x4ca: {  	v30 =	vbroadcast v37, $0x1  }
0x4cb: {  	[tilespmem:v28+s18+$0x0] =	vst.idx.add.f32.msk $0xffff, v29  }
0x4cc: {  	v38 =	vor.u32 v11, v30;
	v28 =	vld [tilespmem:s28+$0x4180];
	_ =	sdelay $0x4  }
0x4cd: {  	[tilespmem:v38+s18+$0x0] =	vst.idx.add.f32.msk $0xffff, v28  }
0x4ce: {  	v39 =	vor.u32 v13, v30;
	v28 =	vld [tilespmem:s28+$0x4190];
	_ =	sdelay $0x4  }
0x4cf: {  	[tilespmem:v39+s18+$0x0] =	vst.idx.add.f32.msk $0xffff, v28  }
0x4d0: {  	v40 =	vor.u32 v15, v30;
	v28 =	vld [tilespmem:s28+$0x41A0];
	_ =	sdelay $0x4  }
0x4d1: {  	[tilespmem:v40+s18+$0x0] =	vst.idx.add.f32.msk $0xffff, v28  }
0x4d2: {  	v41 =	vor.u32 v17, v30;
	v28 =	vld [tilespmem:s28+$0x41B0];
	_ =	sdelay $0x4  }
0x4d3: {  	[tilespmem:v41+s18+$0x0] =	vst.idx.add.f32.msk $0xffff, v28  }
0x4d4: {  	v42 =	vor.u32 v19, v30;
	v28 =	vld [tilespmem:s28+$0x41C0];
	_ =	sdelay $0x4  }
0x4d5: {  	[tilespmem:v42+s18+$0x0] =	vst.idx.add.f32.msk $0xffff, v28  }
0x4d6: {  	v43 =	vor.u32 v21, v30;
	v28 =	vld [tilespmem:s28+$0x41D0];
	_ =	sdelay $0x4  }
0x4d7: {  	[tilespmem:v43+s18+$0x0] =	vst.idx.add.f32.msk $0xffff, v28  }
0x4d8: {  	v44 =	vor.u32 v24, v30;
	v28 =	vld [tilespmem:s28+$0x41E0];
	_ =	sdelay $0x4  }
0x4d9: {  	[tilespmem:v44+s18+$0x0] =	vst.idx.add.f32.msk $0xffff, v28  }
0x4da: {  	v45 =	vor.u32 v25, v30;
	v28 =	vld [tilespmem:s28+$0x41F0];
	_ =	sdelay $0x2  }
0x4db: {  	v46 =	vshll.u32 v27, v2  }
0x4dc: {  	v30 =	vbroadcast v46, $0x2  }
0x4dd: {  	[tilespmem:v45+s18+$0x0] =	vst.idx.add.f32.msk $0xffff, v28  }
0x4de: {  	v47 =	vor.u32 v11, v30;
	v28 =	vld [tilespmem:s28+$0x4200];
	_ =	sdelay $0x4  }
0x4df: {  	[tilespmem:v47+s18+$0x0] =	vst.idx.add.f32.msk $0xffff, v28  }
0x4e0: {  	v48 =	vor.u32 v13, v30;
	v28 =	vld [tilespmem:s28+$0x4210];
	_ =	sdelay $0x4  }
0x4e1: {  	[tilespmem:v48+s18+$0x0] =	vst.idx.add.f32.msk $0xffff, v28  }
0x4e2: {  	v49 =	vor.u32 v15, v30;
	v28 =	vld [tilespmem:s28+$0x4220];
	_ =	sdelay $0x4  }
0x4e3: {  	[tilespmem:v49+s18+$0x0] =	vst.idx.add.f32.msk $0xffff, v28  }
0x4e4: {  	v50 =	vor.u32 v17, v30;
	v28 =	vld [tilespmem:s28+$0x4230];
	_ =	sdelay $0x4  }
0x4e5: {  	[tilespmem:v50+s18+$0x0] =	vst.idx.add.f32.msk $0xffff, v28  }
0x4e6: {  	v51 =	vor.u32 v19, v30;
	v28 =	vld [tilespmem:s28+$0x4240];
	_ =	sdelay $0x4  }
0x4e7: {  	[tilespmem:v51+s18+$0x0] =	vst.idx.add.f32.msk $0xffff, v28  }
0x4e8: {  	v52 =	vor.u32 v21, v30;
	v28 =	vld [tilespmem:s28+$0x4250];
	_ =	sdelay $0x4  }
0x4e9: {  	[tilespmem:v52+s18+$0x0] =	vst.idx.add.f32.msk $0xffff, v28  }
0x4ea: {  	v53 =	vor.u32 v24, v30;
	v28 =	vld [tilespmem:s28+$0x4260];
	_ =	sdelay $0x4  }
0x4eb: {  	[tilespmem:v53+s18+$0x0] =	vst.idx.add.f32.msk $0xffff, v28  }
0x4ec: {  	v54 =	vor.u32 v25, v30;
	v28 =	vld [tilespmem:s28+$0x4270];
	_ =	sdelay $0x2  }
0x4ed: {  	v55 =	vshll.u32 v27, v3  }
0x4ee: {  	v30 =	vbroadcast v55, $0x3  }
0x4ef: {  	[tilespmem:v54+s18+$0x0] =	vst.idx.add.f32.msk $0xffff, v28  }
0x4f0: {  	v56 =	vor.u32 v11, v30;
	v28 =	vld [tilespmem:s28+$0x4280];
	_ =	sdelay $0x4  }
0x4f1: {  	[tilespmem:v56+s18+$0x0] =	vst.idx.add.f32.msk $0xffff, v28  }
0x4f2: {  	v57 =	vor.u32 v13, v30;
	v28 =	vld [tilespmem:s28+$0x4290];
	_ =	sdelay $0x4  }
0x4f3: {  	[tilespmem:v57+s18+$0x0] =	vst.idx.add.f32.msk $0xffff, v28  }
0x4f4: {  	v58 =	vor.u32 v15, v30;
	v28 =	vld [tilespmem:s28+$0x42A0];
	_ =	sdelay $0x4  }
0x4f5: {  	[tilespmem:v58+s18+$0x0] =	vst.idx.add.f32.msk $0xffff, v28  }
0x4f6: {  	v59 =	vor.u32 v17, v30;
	v28 =	vld [tilespmem:s28+$0x42B0];
	_ =	sdelay $0x4  }
0x4f7: {  	[tilespmem:v59+s18+$0x0] =	vst.idx.add.f32.msk $0xffff, v28  }
0x4f8: {  	v60 =	vor.u32 v19, v30;
	v28 =	vld [tilespmem:s28+$0x42C0];
	_ =	sdelay $0x4  }
0x4f9: {  	[tilespmem:v60+s18+$0x0] =	vst.idx.add.f32.msk $0xffff, v28  }
0x4fa: {  	v61 =	vor.u32 v21, v30;
	v28 =	vld [tilespmem:s28+$0x42D0];
	_ =	sdelay $0x4  }
0x4fb: {  	[tilespmem:v61+s18+$0x0] =	vst.idx.add.f32.msk $0xffff, v28  }
0x4fc: {  	v62 =	vor.u32 v24, v30;
	v28 =	vld [tilespmem:s28+$0x42E0];
	_ =	sdelay $0x4  }
0x4fd: {  	[tilespmem:v62+s18+$0x0] =	vst.idx.add.f32.msk $0xffff, v28  }
0x4fe: {  	v63 =	vor.u32 v25, v30;
	v28 =	vld [tilespmem:s28+$0x42F0];
	_ =	sdelay $0x2  }
0x4ff: {  	v33 =	vshll.u32 v27, v4  }
0x500: {  	v30 =	vbroadcast v33, $0x4  }
0x501: {  	[tilespmem:v63+s18+$0x0] =	vst.idx.add.f32.msk $0xffff, v28  }
0x502: {  	v34 =	vor.u32 v11, v30;
	v28 =	vld [tilespmem:s28+$0x4300];
	_ =	sdelay $0x4  }
0x503: {  	[tilespmem:v34+s18+$0x0] =	vst.idx.add.f32.msk $0xffff, v28  }
0x504: {  	v35 =	vor.u32 v13, v30;
	v28 =	vld [tilespmem:s28+$0x4310];
	_ =	sdelay $0x4  }
0x505: {  	[tilespmem:v35+s18+$0x0] =	vst.idx.add.f32.msk $0xffff, v28  }
0x506: {  	v36 =	vor.u32 v15, v30;
	v28 =	vld [tilespmem:s28+$0x4320];
	_ =	sdelay $0x4  }
0x507: {  	[tilespmem:v36+s18+$0x0] =	vst.idx.add.f32.msk $0xffff, v28  }
0x508: {  	v37 =	vor.u32 v17, v30;
	v28 =	vld [tilespmem:s28+$0x4330];
	_ =	sdelay $0x4  }
0x509: {  	[tilespmem:v37+s18+$0x0] =	vst.idx.add.f32.msk $0xffff, v28  }
0x50a: {  	v38 =	vor.u32 v19, v30;
	v28 =	vld [tilespmem:s28+$0x4340];
	_ =	sdelay $0x4  }
0x50b: {  	[tilespmem:v38+s18+$0x0] =	vst.idx.add.f32.msk $0xffff, v28  }
0x50c: {  	v39 =	vor.u32 v21, v30;
	v28 =	vld [tilespmem:s28+$0x4350];
	_ =	sdelay $0x4  }
0x50d: {  	[tilespmem:v39+s18+$0x0] =	vst.idx.add.f32.msk $0xffff, v28  }
0x50e: {  	v40 =	vor.u32 v24, v30;
	v28 =	vld [tilespmem:s28+$0x4360];
	_ =	sdelay $0x4  }
0x50f: {  	[tilespmem:v40+s18+$0x0] =	vst.idx.add.f32.msk $0xffff, v28  }
0x510: {  	v41 =	vor.u32 v25, v30;
	v28 =	vld [tilespmem:s28+$0x4370];
	_ =	sdelay $0x2  }
0x511: {  	v42 =	vshll.u32 v27, v6  }
0x512: {  	v30 =	vbroadcast v42, $0x5  }
0x513: {  	[tilespmem:v41+s18+$0x0] =	vst.idx.add.f32.msk $0xffff, v28  }
0x514: {  	v43 =	vor.u32 v11, v30;
	v28 =	vld [tilespmem:s28+$0x4380];
	_ =	sdelay $0x4  }
0x515: {  	[tilespmem:v43+s18+$0x0] =	vst.idx.add.f32.msk $0xffff, v28  }
0x516: {  	v44 =	vor.u32 v13, v30;
	v28 =	vld [tilespmem:s28+$0x4390];
	_ =	sdelay $0x4  }
0x517: {  	[tilespmem:v44+s18+$0x0] =	vst.idx.add.f32.msk $0xffff, v28  }
0x518: {  	v45 =	vor.u32 v15, v30;
	v28 =	vld [tilespmem:s28+$0x43A0];
	_ =	sdelay $0x4  }
0x519: {  	[tilespmem:v45+s18+$0x0] =	vst.idx.add.f32.msk $0xffff, v28  }
0x51a: {  	v46 =	vor.u32 v17, v30;
	v28 =	vld [tilespmem:s28+$0x43B0];
	_ =	sdelay $0x4  }
0x51b: {  	[tilespmem:v46+s18+$0x0] =	vst.idx.add.f32.msk $0xffff, v28  }
0x51c: {  	v47 =	vor.u32 v19, v30;
	v28 =	vld [tilespmem:s28+$0x43C0];
	_ =	sdelay $0x4  }
0x51d: {  	[tilespmem:v47+s18+$0x0] =	vst.idx.add.f32.msk $0xffff, v28  }
0x51e: {  	v48 =	vor.u32 v21, v30;
	v28 =	vld [tilespmem:s28+$0x43D0];
	_ =	sdelay $0x4  }
0x51f: {  	[tilespmem:v48+s18+$0x0] =	vst.idx.add.f32.msk $0xffff, v28  }
0x520: {  	v49 =	vor.u32 v24, v30;
	v28 =	vld [tilespmem:s28+$0x43E0];
	_ =	sdelay $0x4  }
0x521: {  	[tilespmem:v49+s18+$0x0] =	vst.idx.add.f32.msk $0xffff, v28  }
0x522: {  	v50 =	vor.u32 v25, v30;
	v28 =	vld [tilespmem:s28+$0x43F0];
	_ =	sdelay $0x2  }
0x523: {  	v51 =	vshll.u32 v27, v8  }
0x524: {  	v30 =	vbroadcast v51, $0x6  }
0x525: {  	[tilespmem:v50+s18+$0x0] =	vst.idx.add.f32.msk $0xffff, v28  }
0x526: {  	v52 =	vor.u32 v11, v30;
	v28 =	vld [tilespmem:s28+$0x4400];
	_ =	sdelay $0x4  }
0x527: {  	[tilespmem:v52+s18+$0x0] =	vst.idx.add.f32.msk $0xffff, v28  }
0x528: {  	v53 =	vor.u32 v13, v30;
	v28 =	vld [tilespmem:s28+$0x4410];
	_ =	sdelay $0x4  }
0x529: {  	[tilespmem:v53+s18+$0x0] =	vst.idx.add.f32.msk $0xffff, v28  }
0x52a: {  	v54 =	vor.u32 v15, v30;
	v28 =	vld [tilespmem:s28+$0x4420];
	_ =	sdelay $0x4  }
0x52b: {  	[tilespmem:v54+s18+$0x0] =	vst.idx.add.f32.msk $0xffff, v28  }
0x52c: {  	v55 =	vor.u32 v17, v30;
	v28 =	vld [tilespmem:s28+$0x4430];
	_ =	sdelay $0x4  }
0x52d: {  	[tilespmem:v55+s18+$0x0] =	vst.idx.add.f32.msk $0xffff, v28  }
0x52e: {  	v56 =	vor.u32 v19, v30;
	v28 =	vld [tilespmem:s28+$0x4440];
	_ =	sdelay $0x4  }
0x52f: {  	[tilespmem:v56+s18+$0x0] =	vst.idx.add.f32.msk $0xffff, v28  }
0x530: {  	v57 =	vor.u32 v21, v30;
	v28 =	vld [tilespmem:s28+$0x4450];
	_ =	sdelay $0x4  }
0x531: {  	[tilespmem:v57+s18+$0x0] =	vst.idx.add.f32.msk $0xffff, v28  }
0x532: {  	v58 =	vor.u32 v24, v30;
	v28 =	vld [tilespmem:s28+$0x4460];
	_ =	sdelay $0x4  }
0x533: {  	[tilespmem:v58+s18+$0x0] =	vst.idx.add.f32.msk $0xffff, v28  }
0x534: {  	v59 =	vor.u32 v25, v30;
	v28 =	vld [tilespmem:s28+$0x4470];
	_ =	sdelay $0x2  }
0x535: {  	v60 =	vshll.u32 v27, v10  }
0x536: {  	v30 =	vbroadcast v60, $0x7  }
0x537: {  	[tilespmem:v59+s18+$0x0] =	vst.idx.add.f32.msk $0xffff, v28  }
0x538: {  	v61 =	vor.u32 v11, v30;
	v28 =	vld [tilespmem:s28+$0x4480];
	_ =	sdelay $0x4  }
0x539: {  	[tilespmem:v61+s18+$0x0] =	vst.idx.add.f32.msk $0xffff, v28  }
0x53a: {  	v62 =	vor.u32 v13, v30;
	v28 =	vld [tilespmem:s28+$0x4490];
	_ =	sdelay $0x4  }
0x53b: {  	[tilespmem:v62+s18+$0x0] =	vst.idx.add.f32.msk $0xffff, v28  }
0x53c: {  	v63 =	vor.u32 v15, v30;
	v28 =	vld [tilespmem:s28+$0x44A0];
	_ =	sdelay $0x4  }
0x53d: {  	[tilespmem:v63+s18+$0x0] =	vst.idx.add.f32.msk $0xffff, v28  }
0x53e: {  	v32 =	vor.u32 v17, v30;
	v28 =	vld [tilespmem:s28+$0x44B0];
	_ =	sdelay $0x4  }
0x53f: {  	[tilespmem:v32+s18+$0x0] =	vst.idx.add.f32.msk $0xffff, v28  }
0x540: {  	v33 =	vor.u32 v19, v30;
	v28 =	vld [tilespmem:s28+$0x44C0];
	_ =	sdelay $0x4  }
0x541: {  	[tilespmem:v33+s18+$0x0] =	vst.idx.add.f32.msk $0xffff, v28  }
0x542: {  	v34 =	vor.u32 v21, v30;
	v28 =	vld [tilespmem:s28+$0x44D0];
	_ =	sdelay $0x4  }
0x543: {  	[tilespmem:v34+s18+$0x0] =	vst.idx.add.f32.msk $0xffff, v28  }
0x544: {  	v35 =	vor.u32 v24, v30;
	v28 =	vld [tilespmem:s28+$0x44E0];
	_ =	sdelay $0x4  }
0x545: {  	[tilespmem:v35+s18+$0x0] =	vst.idx.add.f32.msk $0xffff, v28  }
0x546: {  	v36 =	vor.u32 v25, v30;
	v28 =	vld [tilespmem:s28+$0x44F0];
	_ =	sdelay $0x2  }
0x547: {  	v37 =	vshll.u32 v27, v12  }
0x548: {  	v30 =	vbroadcast v37, $0x8  }
0x549: {  	[tilespmem:v36+s18+$0x0] =	vst.idx.add.f32.msk $0xffff, v28  }
0x54a: {  	v38 =	vor.u32 v11, v30;
	v28 =	vld [tilespmem:s28+$0x4500];
	_ =	sdelay $0x4  }
0x54b: {  	[tilespmem:v38+s18+$0x0] =	vst.idx.add.f32.msk $0xffff, v28  }
0x54c: {  	v39 =	vor.u32 v13, v30;
	v28 =	vld [tilespmem:s28+$0x4510];
	_ =	sdelay $0x4  }
0x54d: {  	[tilespmem:v39+s18+$0x0] =	vst.idx.add.f32.msk $0xffff, v28  }
0x54e: {  	v40 =	vor.u32 v15, v30;
	v28 =	vld [tilespmem:s28+$0x4520];
	_ =	sdelay $0x4  }
0x54f: {  	[tilespmem:v40+s18+$0x0] =	vst.idx.add.f32.msk $0xffff, v28  }
0x550: {  	v41 =	vor.u32 v17, v30;
	v28 =	vld [tilespmem:s28+$0x4530];
	_ =	sdelay $0x4  }
0x551: {  	[tilespmem:v41+s18+$0x0] =	vst.idx.add.f32.msk $0xffff, v28  }
0x552: {  	v42 =	vor.u32 v19, v30;
	v28 =	vld [tilespmem:s28+$0x4540];
	_ =	sdelay $0x4  }
0x553: {  	[tilespmem:v42+s18+$0x0] =	vst.idx.add.f32.msk $0xffff, v28  }
0x554: {  	v43 =	vor.u32 v21, v30;
	v28 =	vld [tilespmem:s28+$0x4550];
	_ =	sdelay $0x4  }
0x555: {  	[tilespmem:v43+s18+$0x0] =	vst.idx.add.f32.msk $0xffff, v28  }
0x556: {  	v44 =	vor.u32 v24, v30;
	v28 =	vld [tilespmem:s28+$0x4560];
	_ =	sdelay $0x4  }
0x557: {  	[tilespmem:v44+s18+$0x0] =	vst.idx.add.f32.msk $0xffff, v28  }
0x558: {  	v45 =	vor.u32 v25, v30;
	v28 =	vld [tilespmem:s28+$0x4570];
	_ =	sdelay $0x2  }
0x559: {  	v46 =	vshll.u32 v27, v14  }
0x55a: {  	v30 =	vbroadcast v46, $0x9  }
0x55b: {  	[tilespmem:v45+s18+$0x0] =	vst.idx.add.f32.msk $0xffff, v28  }
0x55c: {  	v47 =	vor.u32 v11, v30;
	v28 =	vld [tilespmem:s28+$0x4580];
	_ =	sdelay $0x4  }
0x55d: {  	[tilespmem:v47+s18+$0x0] =	vst.idx.add.f32.msk $0xffff, v28  }
0x55e: {  	v48 =	vor.u32 v13, v30;
	v28 =	vld [tilespmem:s28+$0x4590];
	_ =	sdelay $0x4  }
0x55f: {  	[tilespmem:v48+s18+$0x0] =	vst.idx.add.f32.msk $0xffff, v28  }
0x560: {  	v49 =	vor.u32 v15, v30;
	v28 =	vld [tilespmem:s28+$0x45A0];
	_ =	sdelay $0x4  }
0x561: {  	[tilespmem:v49+s18+$0x0] =	vst.idx.add.f32.msk $0xffff, v28  }
0x562: {  	v50 =	vor.u32 v17, v30;
	v28 =	vld [tilespmem:s28+$0x45B0];
	_ =	sdelay $0x4  }
0x563: {  	[tilespmem:v50+s18+$0x0] =	vst.idx.add.f32.msk $0xffff, v28  }
0x564: {  	v51 =	vor.u32 v19, v30;
	v28 =	vld [tilespmem:s28+$0x45C0];
	_ =	sdelay $0x4  }
0x565: {  	[tilespmem:v51+s18+$0x0] =	vst.idx.add.f32.msk $0xffff, v28  }
0x566: {  	v52 =	vor.u32 v21, v30;
	v28 =	vld [tilespmem:s28+$0x45D0];
	_ =	sdelay $0x4  }
0x567: {  	[tilespmem:v52+s18+$0x0] =	vst.idx.add.f32.msk $0xffff, v28  }
0x568: {  	v53 =	vor.u32 v24, v30;
	v28 =	vld [tilespmem:s28+$0x45E0];
	_ =	sdelay $0x4  }
0x569: {  	[tilespmem:v53+s18+$0x0] =	vst.idx.add.f32.msk $0xffff, v28  }
0x56a: {  	v54 =	vor.u32 v25, v30;
	v28 =	vld [tilespmem:s28+$0x45F0];
	_ =	sdelay $0x2  }
0x56b: {  	v55 =	vshll.u32 v27, v16  }
0x56c: {  	v30 =	vbroadcast v55, $0xA  }
0x56d: {  	[tilespmem:v54+s18+$0x0] =	vst.idx.add.f32.msk $0xffff, v28  }
0x56e: {  	v56 =	vor.u32 v11, v30;
	v28 =	vld [tilespmem:s28+$0x4600];
	_ =	sdelay $0x4  }
0x56f: {  	[tilespmem:v56+s18+$0x0] =	vst.idx.add.f32.msk $0xffff, v28  }
0x570: {  	v57 =	vor.u32 v13, v30;
	v28 =	vld [tilespmem:s28+$0x4610];
	_ =	sdelay $0x4  }
0x571: {  	[tilespmem:v57+s18+$0x0] =	vst.idx.add.f32.msk $0xffff, v28  }
0x572: {  	v58 =	vor.u32 v15, v30;
	v28 =	vld [tilespmem:s28+$0x4620];
	_ =	sdelay $0x4  }
0x573: {  	[tilespmem:v58+s18+$0x0] =	vst.idx.add.f32.msk $0xffff, v28  }
0x574: {  	v59 =	vor.u32 v17, v30;
	v28 =	vld [tilespmem:s28+$0x4630];
	_ =	sdelay $0x4  }
0x575: {  	[tilespmem:v59+s18+$0x0] =	vst.idx.add.f32.msk $0xffff, v28  }
0x576: {  	v60 =	vor.u32 v19, v30;
	v28 =	vld [tilespmem:s28+$0x4640];
	_ =	sdelay $0x4  }
0x577: {  	[tilespmem:v60+s18+$0x0] =	vst.idx.add.f32.msk $0xffff, v28  }
0x578: {  	v61 =	vor.u32 v21, v30;
	v28 =	vld [tilespmem:s28+$0x4650];
	_ =	sdelay $0x4  }
0x579: {  	[tilespmem:v61+s18+$0x0] =	vst.idx.add.f32.msk $0xffff, v28  }
0x57a: {  	v62 =	vor.u32 v24, v30;
	v28 =	vld [tilespmem:s28+$0x4660];
	_ =	sdelay $0x4  }
0x57b: {  	[tilespmem:v62+s18+$0x0] =	vst.idx.add.f32.msk $0xffff, v28  }
0x57c: {  	v63 =	vor.u32 v25, v30;
	v28 =	vld [tilespmem:s28+$0x4670];
	_ =	sdelay $0x2  }
0x57d: {  	v33 =	vshll.u32 v27, v18  }
0x57e: {  	v30 =	vbroadcast v33, $0xB  }
0x57f: {  	[tilespmem:v63+s18+$0x0] =	vst.idx.add.f32.msk $0xffff, v28  }
0x580: {  	v34 =	vor.u32 v11, v30;
	v28 =	vld [tilespmem:s28+$0x4680];
	_ =	sdelay $0x4  }
0x581: {  	[tilespmem:v34+s18+$0x0] =	vst.idx.add.f32.msk $0xffff, v28  }
0x582: {  	v35 =	vor.u32 v13, v30;
	v28 =	vld [tilespmem:s28+$0x4690];
	_ =	sdelay $0x4  }
0x583: {  	[tilespmem:v35+s18+$0x0] =	vst.idx.add.f32.msk $0xffff, v28  }
0x584: {  	v36 =	vor.u32 v15, v30;
	v28 =	vld [tilespmem:s28+$0x46A0];
	_ =	sdelay $0x4  }
0x585: {  	[tilespmem:v36+s18+$0x0] =	vst.idx.add.f32.msk $0xffff, v28  }
0x586: {  	v37 =	vor.u32 v17, v30;
	v28 =	vld [tilespmem:s28+$0x46B0];
	_ =	sdelay $0x4  }
0x587: {  	[tilespmem:v37+s18+$0x0] =	vst.idx.add.f32.msk $0xffff, v28  }
0x588: {  	v38 =	vor.u32 v19, v30;
	v28 =	vld [tilespmem:s28+$0x46C0];
	_ =	sdelay $0x4  }
0x589: {  	[tilespmem:v38+s18+$0x0] =	vst.idx.add.f32.msk $0xffff, v28  }
0x58a: {  	v39 =	vor.u32 v21, v30;
	v28 =	vld [tilespmem:s28+$0x46D0];
	_ =	sdelay $0x4  }
0x58b: {  	[tilespmem:v39+s18+$0x0] =	vst.idx.add.f32.msk $0xffff, v28  }
0x58c: {  	v40 =	vor.u32 v24, v30;
	v28 =	vld [tilespmem:s28+$0x46E0];
	_ =	sdelay $0x4  }
0x58d: {  	[tilespmem:v40+s18+$0x0] =	vst.idx.add.f32.msk $0xffff, v28  }
0x58e: {  	v41 =	vor.u32 v25, v30;
	v28 =	vld [tilespmem:s28+$0x46F0];
	_ =	sdelay $0x2  }
0x58f: {  	v42 =	vshll.u32 v27, v20  }
0x590: {  	v30 =	vbroadcast v42, $0xC  }
0x591: {  	[tilespmem:v41+s18+$0x0] =	vst.idx.add.f32.msk $0xffff, v28  }
0x592: {  	v43 =	vor.u32 v11, v30;
	v28 =	vld [tilespmem:s28+$0x4700];
	_ =	sdelay $0x4  }
0x593: {  	[tilespmem:v43+s18+$0x0] =	vst.idx.add.f32.msk $0xffff, v28  }
0x594: {  	v44 =	vor.u32 v13, v30;
	v28 =	vld [tilespmem:s28+$0x4710];
	_ =	sdelay $0x4  }
0x595: {  	[tilespmem:v44+s18+$0x0] =	vst.idx.add.f32.msk $0xffff, v28  }
0x596: {  	v45 =	vor.u32 v15, v30;
	v28 =	vld [tilespmem:s28+$0x4720];
	_ =	sdelay $0x4  }
0x597: {  	[tilespmem:v45+s18+$0x0] =	vst.idx.add.f32.msk $0xffff, v28  }
0x598: {  	v46 =	vor.u32 v17, v30;
	v28 =	vld [tilespmem:s28+$0x4730];
	_ =	sdelay $0x4  }
0x599: {  	[tilespmem:v46+s18+$0x0] =	vst.idx.add.f32.msk $0xffff, v28  }
0x59a: {  	v47 =	vor.u32 v19, v30;
	v28 =	vld [tilespmem:s28+$0x4740];
	_ =	sdelay $0x4  }
0x59b: {  	[tilespmem:v47+s18+$0x0] =	vst.idx.add.f32.msk $0xffff, v28  }
0x59c: {  	v48 =	vor.u32 v21, v30;
	v28 =	vld [tilespmem:s28+$0x4750];
	_ =	sdelay $0x4  }
0x59d: {  	[tilespmem:v48+s18+$0x0] =	vst.idx.add.f32.msk $0xffff, v28  }
0x59e: {  	v49 =	vor.u32 v24, v30;
	v28 =	vld [tilespmem:s28+$0x4760];
	_ =	sdelay $0x4  }
0x59f: {  	[tilespmem:v49+s18+$0x0] =	vst.idx.add.f32.msk $0xffff, v28  }
0x5a0: {  	v50 =	vor.u32 v25, v30;
	v28 =	vld [tilespmem:s28+$0x4770];
	_ =	sdelay $0x2  }
0x5a1: {  	v51 =	vshll.u32 v27, v22  }
0x5a2: {  	v30 =	vbroadcast v51, $0xD  }
0x5a3: {  	[tilespmem:v50+s18+$0x0] =	vst.idx.add.f32.msk $0xffff, v28  }
0x5a4: {  	v52 =	vor.u32 v11, v30;
	v28 =	vld [tilespmem:s28+$0x4780];
	_ =	sdelay $0x4  }
0x5a5: {  	[tilespmem:v52+s18+$0x0] =	vst.idx.add.f32.msk $0xffff, v28  }
0x5a6: {  	v53 =	vor.u32 v13, v30;
	v28 =	vld [tilespmem:s28+$0x4790];
	_ =	sdelay $0x4  }
0x5a7: {  	[tilespmem:v53+s18+$0x0] =	vst.idx.add.f32.msk $0xffff, v28  }
0x5a8: {  	v54 =	vor.u32 v15, v30;
	v28 =	vld [tilespmem:s28+$0x47A0];
	_ =	sdelay $0x4  }
0x5a9: {  	[tilespmem:v54+s18+$0x0] =	vst.idx.add.f32.msk $0xffff, v28  }
0x5aa: {  	v55 =	vor.u32 v17, v30;
	v28 =	vld [tilespmem:s28+$0x47B0];
	_ =	sdelay $0x4  }
0x5ab: {  	[tilespmem:v55+s18+$0x0] =	vst.idx.add.f32.msk $0xffff, v28  }
0x5ac: {  	v56 =	vor.u32 v19, v30;
	v28 =	vld [tilespmem:s28+$0x47C0];
	_ =	sdelay $0x4  }
0x5ad: {  	[tilespmem:v56+s18+$0x0] =	vst.idx.add.f32.msk $0xffff, v28  }
0x5ae: {  	v57 =	vor.u32 v21, v30;
	v28 =	vld [tilespmem:s28+$0x47D0];
	_ =	sdelay $0x4  }
0x5af: {  	[tilespmem:v57+s18+$0x0] =	vst.idx.add.f32.msk $0xffff, v28  }
0x5b0: {  	v58 =	vor.u32 v24, v30;
	v28 =	vld [tilespmem:s28+$0x47E0];
	_ =	sdelay $0x4  }
0x5b1: {  	[tilespmem:v58+s18+$0x0] =	vst.idx.add.f32.msk $0xffff, v28  }
0x5b2: {  	v59 =	vor.u32 v25, v30;
	v28 =	vld [tilespmem:s28+$0x47F0];
	_ =	sdelay $0x2  }
0x5b3: {  	v60 =	vshll.u32 v27, v23  }
0x5b4: {  	v30 =	vbroadcast v60, $0xE  }
0x5b5: {  	[tilespmem:v59+s18+$0x0] =	vst.idx.add.f32.msk $0xffff, v28  }
0x5b6: {  	v61 =	vor.u32 v11, v30;
	v28 =	vld [tilespmem:s28+$0x4800];
	_ =	sdelay $0x4  }
0x5b7: {  	[tilespmem:v61+s18+$0x0] =	vst.idx.add.f32.msk $0xffff, v28  }
0x5b8: {  	v62 =	vor.u32 v13, v30;
	v28 =	vld [tilespmem:s28+$0x4810];
	_ =	sdelay $0x4  }
0x5b9: {  	[tilespmem:v62+s18+$0x0] =	vst.idx.add.f32.msk $0xffff, v28  }
0x5ba: {  	v63 =	vor.u32 v15, v30;
	v28 =	vld [tilespmem:s28+$0x4820];
	_ =	sdelay $0x4  }
0x5bb: {  	[tilespmem:v63+s18+$0x0] =	vst.idx.add.f32.msk $0xffff, v28  }
0x5bc: {  	v32 =	vor.u32 v17, v30;
	v28 =	vld [tilespmem:s28+$0x4830];
	_ =	sdelay $0x4  }
0x5bd: {  	[tilespmem:v32+s18+$0x0] =	vst.idx.add.f32.msk $0xffff, v28  }
0x5be: {  	v33 =	vor.u32 v19, v30;
	v28 =	vld [tilespmem:s28+$0x4840];
	_ =	sdelay $0x4  }
0x5bf: {  	[tilespmem:v33+s18+$0x0] =	vst.idx.add.f32.msk $0xffff, v28  }
0x5c0: {  	v34 =	vor.u32 v21, v30;
	v28 =	vld [tilespmem:s28+$0x4850];
	_ =	sdelay $0x4  }
0x5c1: {  	[tilespmem:v34+s18+$0x0] =	vst.idx.add.f32.msk $0xffff, v28  }
0x5c2: {  	v35 =	vor.u32 v24, v30;
	v28 =	vld [tilespmem:s28+$0x4860]  }
0x5c3: {  	s30 =	sadd.s32 $0x10, s29  }
0x5c4: {  	s31 =	sand.u32 $0x80, s30  }
0x5c5: {  	s31 =	sadd.s32 s31, s29  }
0x5c6: {  	v37 =	vld [tilespmem:s31+$0x90]  }
0x5c7: {  	[tilespmem:v35+s18+$0x0] =	vst.idx.add.f32.msk $0xffff, v28  }
0x5c8: {  	v36 =	vor.u32 v25, v30;
	v28 =	vld [tilespmem:s28+$0x4870];
	_ =	sdelay $0x2  }
0x5c9: {  	v27 =	vshll.u32 v27, v26  }
0x5ca: {  	v31 =	vbroadcast v27, $0xF;
	vm12 =	vge.s32 v37, v5;
	vm13 =	vlt.s32 v37, v7  }
0x5cb: {  	v27 =	vsub.s32 v37, v5;
	vm0 =	vmand vm12, vm13;
	[tilespmem:v36+s18+$0x0] =	vst.idx.add.f32.msk $0xffff, v28  }
0x5cc: {  	v38 =	vor.u32 v11, v31;
	v27 =	vnsel vm0, $0x200, v27;
	v28 =	vld [tilespmem:s28+$0x4880]  }
0x5cd: {  	v39 =	vshll.u32 v27, v0  }
0x5ce: {  	s30 =	sshll.u32 s30, $0x7;
	v32 =	vbroadcast v39, $0x0  }
0x5cf: {  	s30 =	sand.u32 $0x3FFFF800, s30  }
0x5d0: {  	v41 =	vld [tilespmem:s30+$0x4100];
	v33 =	vor.u32 v11, v32  }
0x5d1: {  	[tilespmem:v38+s18+$0x0] =	vst.idx.add.f32.msk $0xffff, v28  }
0x5d2: {  	v40 =	vor.u32 v13, v31;
	v29 =	vld [tilespmem:s28+$0x4890];
	_ =	sdelay $0x2  }
0x5d3: {  	[tilespmem:v33+s18+$0x0] =	vst.idx.add.f32.msk $0xffff, v41  }
0x5d4: {  	v43 =	vor.u32 v13, v32;
	v28 =	vld [tilespmem:s30+$0x4110]  }
0x5d5: {  	[tilespmem:v40+s18+$0x0] =	vst.idx.add.f32.msk $0xffff, v29  }
0x5d6: {  	v42 =	vor.u32 v15, v31;
	v29 =	vld [tilespmem:s28+$0x48A0];
	_ =	sdelay $0x2  }
0x5d7: {  	[tilespmem:v43+s18+$0x0] =	vst.idx.add.f32.msk $0xffff, v28  }
0x5d8: {  	v45 =	vor.u32 v15, v32;
	v28 =	vld [tilespmem:s30+$0x4120]  }
0x5d9: {  	[tilespmem:v42+s18+$0x0] =	vst.idx.add.f32.msk $0xffff, v29  }
0x5da: {  	v44 =	vor.u32 v17, v31;
	v29 =	vld [tilespmem:s28+$0x48B0];
	_ =	sdelay $0x2  }
0x5db: {  	[tilespmem:v45+s18+$0x0] =	vst.idx.add.f32.msk $0xffff, v28  }
0x5dc: {  	v47 =	vor.u32 v17, v32;
	v28 =	vld [tilespmem:s30+$0x4130]  }
0x5dd: {  	[tilespmem:v44+s18+$0x0] =	vst.idx.add.f32.msk $0xffff, v29  }
0x5de: {  	v46 =	vor.u32 v19, v31;
	v29 =	vld [tilespmem:s28+$0x48C0];
	_ =	sdelay $0x2  }
0x5df: {  	[tilespmem:v47+s18+$0x0] =	vst.idx.add.f32.msk $0xffff, v28  }
0x5e0: {  	v49 =	vor.u32 v19, v32;
	v28 =	vld [tilespmem:s30+$0x4140]  }
0x5e1: {  	[tilespmem:v46+s18+$0x0] =	vst.idx.add.f32.msk $0xffff, v29  }
0x5e2: {  	v48 =	vor.u32 v21, v31;
	v29 =	vld [tilespmem:s28+$0x48D0];
	_ =	sdelay $0x2  }
0x5e3: {  	[tilespmem:v49+s18+$0x0] =	vst.idx.add.f32.msk $0xffff, v28  }
0x5e4: {  	v28 =	vld [tilespmem:s30+$0x4150]  }
0x5e5: {  	v51 =	vor.u32 v21, v32;
	[tilespmem:v48+s18+$0x0] =	vst.idx.add.f32.msk $0xffff, v29  }
0x5e6: {  	v50 =	vor.u32 v24, v31;
	v29 =	vld [tilespmem:s28+$0x48E0];
	_ =	sdelay $0x3  }
0x5e7: {  	[tilespmem:v51+s18+$0x0] =	vst.idx.add.f32.msk $0xffff, v28  }
0x5e8: {  	[tilespmem:v50+s18+$0x0] =	vst.idx.add.f32.msk $0xffff, v29  }
0x5e9: {  	v52 =	vor.u32 v25, v31;
	v29 =	vld [tilespmem:s28+$0x48F0]  }
0x5ea: {  	v53 =	vor.u32 v24, v32;
	v28 =	vld [tilespmem:s30+$0x4160];
	_ =	sdelay $0x2  }
0x5eb: {  	s31 =	sadd.s32 $0x20, s29  }
0x5ec: {  	s0 =	sand.u32 $0x80, s31;
	[tilespmem:v52+s18+$0x0] =	vst.idx.add.f32.msk $0xffff, v29  }
0x5ed: {  	s0 =	sadd.s32 s0, s29;
	[tilespmem:v53+s18+$0x0] =	vst.idx.add.f32.msk $0xffff, v28  }
0x5ee: {  	v28 =	vld [tilespmem:s0+$0xA0];
	_ =	sdelay $0x4  }
0x5ef: {  	vm14 =	vge.s32 v28, v5;
	vm15 =	vlt.s32 v28, v7  }
0x5f0: {  	v28 =	vsub.s32 v28, v5;
	vm0 =	vmand vm14, vm15  }
0x5f1: {  	v28 =	vnsel vm0, $0x200, v28  }
0x5f2: {  	v54 =	vshll.u32 v28, v0  }
0x5f3: {  	s29 =	sshll.u32 s31, $0x7;
	v29 =	vbroadcast v54, $0x0  }
0x5f4: {  	s0 =	sand.u32 $0x3FFFF800, s29  }
0x5f5: {  	v55 =	vld [tilespmem:s0+$0x4100];
	v56 =	vor.u32 v11, v29;
	_ =	sdelay $0x4  }
0x5f6: {  	[tilespmem:v56+s18+$0x0] =	vst.idx.add.f32.msk $0xffff, v55  }
0x5f7: {  	v57 =	vor.u32 v13, v29;
	v30 =	vld [tilespmem:s0+$0x4110];
	_ =	sdelay $0x4  }
0x5f8: {  	[tilespmem:v57+s18+$0x0] =	vst.idx.add.f32.msk $0xffff, v30  }
0x5f9: {  	v58 =	vor.u32 v15, v29;
	v30 =	vld [tilespmem:s0+$0x4120];
	_ =	sdelay $0x4  }
0x5fa: {  	[tilespmem:v58+s18+$0x0] =	vst.idx.add.f32.msk $0xffff, v30  }
0x5fb: {  	v59 =	vor.u32 v17, v29;
	v30 =	vld [tilespmem:s0+$0x4130];
	_ =	sdelay $0x4  }
0x5fc: {  	[tilespmem:v59+s18+$0x0] =	vst.idx.add.f32.msk $0xffff, v30  }
0x5fd: {  	v60 =	vor.u32 v19, v29;
	v30 =	vld [tilespmem:s0+$0x4140];
	_ =	sdelay $0x4  }
0x5fe: {  	[tilespmem:v60+s18+$0x0] =	vst.idx.add.f32.msk $0xffff, v30  }
0x5ff: {  	v61 =	vor.u32 v21, v29;
	v30 =	vld [tilespmem:s0+$0x4150];
	_ =	sdelay $0x4  }
0x600: {  	[tilespmem:v61+s18+$0x0] =	vst.idx.add.f32.msk $0xffff, v30  }
0x601: {  	v62 =	vor.u32 v24, v29;
	v30 =	vld [tilespmem:s0+$0x4160];
	_ =	sdelay $0x3  }
0x602: {  	v32 =	vor.u32 v25, v32;
	v63 =	vld [tilespmem:s30+$0x4170]  }
0x603: {  	[tilespmem:v62+s18+$0x0] =	vst.idx.add.f32.msk $0xffff, v30  }
0x604: {  	v29 =	vor.u32 v25, v29;
	v30 =	vld [tilespmem:s0+$0x4170]  }
0x605: {  	v35 =	vshll.u32 v27, v1  }
0x606: {  	v31 =	vbroadcast v35, $0x1  }
0x607: {  	[tilespmem:v32+s18+$0x0] =	vst.idx.add.f32.msk $0xffff, v63;
	v36 =	vshll.u32 v28, v1  }
0x608: {  	v34 =	vor.u32 v11, v31;
	v33 =	vld [tilespmem:s28+$0x4980];
	v32 =	vbroadcast v36, $0x1  }
0x609: {  	[tilespmem:v29+s18+$0x0] =	vst.idx.add.f32.msk $0xffff, v30  }
0x60a: {  	v37 =	vor.u32 v11, v32;
	v29 =	vld [tilespmem:s28+$0x5180];
	_ =	sdelay $0x2  }
0x60b: {  	[tilespmem:v34+s18+$0x0] =	vst.idx.add.f32.msk $0xffff, v33  }
0x60c: {  	v38 =	vor.u32 v13, v31;
	v33 =	vld [tilespmem:s28+$0x4990]  }
0x60d: {  	[tilespmem:v37+s18+$0x0] =	vst.idx.add.f32.msk $0xffff, v29  }
0x60e: {  	v39 =	vor.u32 v13, v32;
	v29 =	vld [tilespmem:s28+$0x5190];
	_ =	sdelay $0x2  }
0x60f: {  	[tilespmem:v38+s18+$0x0] =	vst.idx.add.f32.msk $0xffff, v33  }
0x610: {  	v40 =	vor.u32 v15, v31;
	v33 =	vld [tilespmem:s28+$0x49A0]  }
0x611: {  	[tilespmem:v39+s18+$0x0] =	vst.idx.add.f32.msk $0xffff, v29  }
0x612: {  	v41 =	vor.u32 v15, v32;
	v29 =	vld [tilespmem:s28+$0x51A0];
	_ =	sdelay $0x2  }
0x613: {  	[tilespmem:v40+s18+$0x0] =	vst.idx.add.f32.msk $0xffff, v33  }
0x614: {  	v42 =	vor.u32 v17, v31;
	v33 =	vld [tilespmem:s28+$0x49B0]  }
0x615: {  	[tilespmem:v41+s18+$0x0] =	vst.idx.add.f32.msk $0xffff, v29  }
0x616: {  	v43 =	vor.u32 v17, v32;
	v29 =	vld [tilespmem:s28+$0x51B0];
	_ =	sdelay $0x2  }
0x617: {  	[tilespmem:v42+s18+$0x0] =	vst.idx.add.f32.msk $0xffff, v33  }
0x618: {  	v44 =	vor.u32 v19, v31;
	v33 =	vld [tilespmem:s28+$0x49C0]  }
0x619: {  	[tilespmem:v43+s18+$0x0] =	vst.idx.add.f32.msk $0xffff, v29  }
0x61a: {  	v45 =	vor.u32 v19, v32;
	v29 =	vld [tilespmem:s28+$0x51C0];
	_ =	sdelay $0x2  }
0x61b: {  	[tilespmem:v44+s18+$0x0] =	vst.idx.add.f32.msk $0xffff, v33  }
0x61c: {  	v46 =	vor.u32 v21, v31;
	v33 =	vld [tilespmem:s28+$0x49D0]  }
0x61d: {  	[tilespmem:v45+s18+$0x0] =	vst.idx.add.f32.msk $0xffff, v29  }
0x61e: {  	v47 =	vor.u32 v21, v32;
	v29 =	vld [tilespmem:s28+$0x51D0];
	_ =	sdelay $0x2  }
0x61f: {  	[tilespmem:v46+s18+$0x0] =	vst.idx.add.f32.msk $0xffff, v33  }
0x620: {  	v48 =	vor.u32 v24, v31;
	v33 =	vld [tilespmem:s28+$0x49E0]  }
0x621: {  	[tilespmem:v47+s18+$0x0] =	vst.idx.add.f32.msk $0xffff, v29  }
0x622: {  	v49 =	vor.u32 v24, v32;
	v29 =	vld [tilespmem:s28+$0x51E0];
	_ =	sdelay $0x2  }
0x623: {  	[tilespmem:v48+s18+$0x0] =	vst.idx.add.f32.msk $0xffff, v33  }
0x624: {  	v31 =	vor.u32 v25, v31;
	v33 =	vld [tilespmem:s28+$0x49F0]  }
0x625: {  	[tilespmem:v49+s18+$0x0] =	vst.idx.add.f32.msk $0xffff, v29  }
0x626: {  	v50 =	vor.u32 v25, v32;
	v29 =	vld [tilespmem:s28+$0x51F0]  }
0x627: {  	v51 =	vshll.u32 v27, v2  }
0x628: {  	v32 =	vbroadcast v51, $0x2  }
0x629: {  	v52 =	vshll.u32 v28, v2;
	[tilespmem:v31+s18+$0x0] =	vst.idx.add.f32.msk $0xffff, v33  }
0x62a: {  	v53 =	vor.u32 v11, v32;
	v31 =	vbroadcast v52, $0x2;
	v33 =	vld [tilespmem:s28+$0x4A00]  }
0x62b: {  	[tilespmem:v50+s18+$0x0] =	vst.idx.add.f32.msk $0xffff, v29  }
0x62c: {  	v54 =	vor.u32 v11, v31;
	v29 =	vld [tilespmem:s28+$0x5200];
	_ =	sdelay $0x2  }
0x62d: {  	[tilespmem:v53+s18+$0x0] =	vst.idx.add.f32.msk $0xffff, v33  }
0x62e: {  	v55 =	vor.u32 v13, v32;
	v33 =	vld [tilespmem:s28+$0x4A10]  }
0x62f: {  	[tilespmem:v54+s18+$0x0] =	vst.idx.add.f32.msk $0xffff, v29  }
0x630: {  	v56 =	vor.u32 v13, v31;
	v29 =	vld [tilespmem:s28+$0x5210];
	_ =	sdelay $0x2  }
0x631: {  	[tilespmem:v55+s18+$0x0] =	vst.idx.add.f32.msk $0xffff, v33  }
0x632: {  	v57 =	vor.u32 v15, v32;
	v33 =	vld [tilespmem:s28+$0x4A20]  }
0x633: {  	[tilespmem:v56+s18+$0x0] =	vst.idx.add.f32.msk $0xffff, v29  }
0x634: {  	v58 =	vor.u32 v15, v31;
	v29 =	vld [tilespmem:s28+$0x5220];
	_ =	sdelay $0x2  }
0x635: {  	[tilespmem:v57+s18+$0x0] =	vst.idx.add.f32.msk $0xffff, v33  }
0x636: {  	v59 =	vor.u32 v17, v32;
	v33 =	vld [tilespmem:s28+$0x4A30]  }
0x637: {  	[tilespmem:v58+s18+$0x0] =	vst.idx.add.f32.msk $0xffff, v29  }
0x638: {  	v60 =	vor.u32 v17, v31;
	v29 =	vld [tilespmem:s28+$0x5230];
	_ =	sdelay $0x2  }
0x639: {  	[tilespmem:v59+s18+$0x0] =	vst.idx.add.f32.msk $0xffff, v33  }
0x63a: {  	v61 =	vor.u32 v19, v32;
	v33 =	vld [tilespmem:s28+$0x4A40]  }
0x63b: {  	[tilespmem:v60+s18+$0x0] =	vst.idx.add.f32.msk $0xffff, v29  }
0x63c: {  	v62 =	vor.u32 v19, v31;
	v29 =	vld [tilespmem:s28+$0x5240];
	_ =	sdelay $0x2  }
0x63d: {  	[tilespmem:v61+s18+$0x0] =	vst.idx.add.f32.msk $0xffff, v33  }
0x63e: {  	v63 =	vor.u32 v21, v32;
	v33 =	vld [tilespmem:s28+$0x4A50]  }
0x63f: {  	[tilespmem:v62+s18+$0x0] =	vst.idx.add.f32.msk $0xffff, v29  }
0x640: {  	v36 =	vor.u32 v21, v31;
	v29 =	vld [tilespmem:s28+$0x5250];
	_ =	sdelay $0x2  }
0x641: {  	[tilespmem:v63+s18+$0x0] =	vst.idx.add.f32.msk $0xffff, v33  }
0x642: {  	v37 =	vor.u32 v24, v32;
	v33 =	vld [tilespmem:s28+$0x4A60]  }
0x643: {  	[tilespmem:v36+s18+$0x0] =	vst.idx.add.f32.msk $0xffff, v29  }
0x644: {  	v38 =	vor.u32 v24, v31;
	v29 =	vld [tilespmem:s28+$0x5260];
	_ =	sdelay $0x2  }
0x645: {  	[tilespmem:v37+s18+$0x0] =	vst.idx.add.f32.msk $0xffff, v33  }
0x646: {  	v32 =	vor.u32 v25, v32;
	v33 =	vld [tilespmem:s28+$0x4A70]  }
0x647: {  	[tilespmem:v38+s18+$0x0] =	vst.idx.add.f32.msk $0xffff, v29  }
0x648: {  	v39 =	vor.u32 v25, v31;
	v29 =	vld [tilespmem:s28+$0x5270]  }
0x649: {  	v40 =	vshll.u32 v27, v3  }
0x64a: {  	v31 =	vbroadcast v40, $0x3  }
0x64b: {  	v41 =	vshll.u32 v28, v3;
	[tilespmem:v32+s18+$0x0] =	vst.idx.add.f32.msk $0xffff, v33  }
0x64c: {  	v42 =	vor.u32 v11, v31;
	v32 =	vbroadcast v41, $0x3;
	v33 =	vld [tilespmem:s28+$0x4A80]  }
0x64d: {  	[tilespmem:v39+s18+$0x0] =	vst.idx.add.f32.msk $0xffff, v29  }
0x64e: {  	v43 =	vor.u32 v11, v32;
	v29 =	vld [tilespmem:s28+$0x5280];
	_ =	sdelay $0x2  }
0x64f: {  	[tilespmem:v42+s18+$0x0] =	vst.idx.add.f32.msk $0xffff, v33  }
0x650: {  	v44 =	vor.u32 v13, v31;
	v33 =	vld [tilespmem:s28+$0x4A90]  }
0x651: {  	[tilespmem:v43+s18+$0x0] =	vst.idx.add.f32.msk $0xffff, v29  }
0x652: {  	v45 =	vor.u32 v13, v32;
	v29 =	vld [tilespmem:s28+$0x5290];
	_ =	sdelay $0x2  }
0x653: {  	[tilespmem:v44+s18+$0x0] =	vst.idx.add.f32.msk $0xffff, v33  }
0x654: {  	v46 =	vor.u32 v15, v31;
	v33 =	vld [tilespmem:s28+$0x4AA0]  }
0x655: {  	[tilespmem:v45+s18+$0x0] =	vst.idx.add.f32.msk $0xffff, v29  }
0x656: {  	v47 =	vor.u32 v15, v32;
	v29 =	vld [tilespmem:s28+$0x52A0];
	_ =	sdelay $0x2  }
0x657: {  	[tilespmem:v46+s18+$0x0] =	vst.idx.add.f32.msk $0xffff, v33  }
0x658: {  	v48 =	vor.u32 v17, v31;
	v33 =	vld [tilespmem:s28+$0x4AB0]  }
0x659: {  	[tilespmem:v47+s18+$0x0] =	vst.idx.add.f32.msk $0xffff, v29  }
0x65a: {  	v49 =	vor.u32 v17, v32;
	v29 =	vld [tilespmem:s28+$0x52B0];
	_ =	sdelay $0x2  }
0x65b: {  	[tilespmem:v48+s18+$0x0] =	vst.idx.add.f32.msk $0xffff, v33  }
0x65c: {  	v50 =	vor.u32 v19, v31;
	v33 =	vld [tilespmem:s28+$0x4AC0]  }
0x65d: {  	[tilespmem:v49+s18+$0x0] =	vst.idx.add.f32.msk $0xffff, v29  }
0x65e: {  	v51 =	vor.u32 v19, v32;
	v29 =	vld [tilespmem:s28+$0x52C0];
	_ =	sdelay $0x2  }
0x65f: {  	[tilespmem:v50+s18+$0x0] =	vst.idx.add.f32.msk $0xffff, v33  }
0x660: {  	v52 =	vor.u32 v21, v31;
	v33 =	vld [tilespmem:s28+$0x4AD0]  }
0x661: {  	[tilespmem:v51+s18+$0x0] =	vst.idx.add.f32.msk $0xffff, v29  }
0x662: {  	v53 =	vor.u32 v21, v32;
	v29 =	vld [tilespmem:s28+$0x52D0];
	_ =	sdelay $0x2  }
0x663: {  	[tilespmem:v52+s18+$0x0] =	vst.idx.add.f32.msk $0xffff, v33  }
0x664: {  	v54 =	vor.u32 v24, v31;
	v33 =	vld [tilespmem:s28+$0x4AE0]  }
0x665: {  	[tilespmem:v53+s18+$0x0] =	vst.idx.add.f32.msk $0xffff, v29  }
0x666: {  	v55 =	vor.u32 v24, v32;
	v29 =	vld [tilespmem:s28+$0x52E0];
	_ =	sdelay $0x2  }
0x667: {  	[tilespmem:v54+s18+$0x0] =	vst.idx.add.f32.msk $0xffff, v33  }
0x668: {  	v31 =	vor.u32 v25, v31;
	v33 =	vld [tilespmem:s28+$0x4AF0]  }
0x669: {  	[tilespmem:v55+s18+$0x0] =	vst.idx.add.f32.msk $0xffff, v29  }
0x66a: {  	v56 =	vor.u32 v25, v32;
	v29 =	vld [tilespmem:s28+$0x52F0]  }
0x66b: {  	v57 =	vshll.u32 v27, v4  }
0x66c: {  	v32 =	vbroadcast v57, $0x4  }
0x66d: {  	v58 =	vshll.u32 v28, v4;
	[tilespmem:v31+s18+$0x0] =	vst.idx.add.f32.msk $0xffff, v33  }
0x66e: {  	v59 =	vor.u32 v11, v32;
	v31 =	vbroadcast v58, $0x4;
	v33 =	vld [tilespmem:s28+$0x4B00]  }
0x66f: {  	[tilespmem:v56+s18+$0x0] =	vst.idx.add.f32.msk $0xffff, v29  }
0x670: {  	v60 =	vor.u32 v11, v31;
	v29 =	vld [tilespmem:s28+$0x5300];
	_ =	sdelay $0x2  }
0x671: {  	[tilespmem:v59+s18+$0x0] =	vst.idx.add.f32.msk $0xffff, v33  }
0x672: {  	v61 =	vor.u32 v13, v32;
	v33 =	vld [tilespmem:s28+$0x4B10]  }
0x673: {  	[tilespmem:v60+s18+$0x0] =	vst.idx.add.f32.msk $0xffff, v29  }
0x674: {  	v62 =	vor.u32 v13, v31;
	v29 =	vld [tilespmem:s28+$0x5310];
	_ =	sdelay $0x2  }
0x675: {  	[tilespmem:v61+s18+$0x0] =	vst.idx.add.f32.msk $0xffff, v33  }
0x676: {  	v63 =	vor.u32 v15, v32;
	v33 =	vld [tilespmem:s28+$0x4B20]  }
0x677: {  	[tilespmem:v62+s18+$0x0] =	vst.idx.add.f32.msk $0xffff, v29  }
0x678: {  	v36 =	vor.u32 v15, v31;
	v29 =	vld [tilespmem:s28+$0x5320];
	_ =	sdelay $0x2  }
0x679: {  	[tilespmem:v63+s18+$0x0] =	vst.idx.add.f32.msk $0xffff, v33  }
0x67a: {  	v37 =	vor.u32 v17, v32;
	v33 =	vld [tilespmem:s28+$0x4B30]  }
0x67b: {  	[tilespmem:v36+s18+$0x0] =	vst.idx.add.f32.msk $0xffff, v29  }
0x67c: {  	v38 =	vor.u32 v17, v31;
	v29 =	vld [tilespmem:s28+$0x5330];
	_ =	sdelay $0x2  }
0x67d: {  	[tilespmem:v37+s18+$0x0] =	vst.idx.add.f32.msk $0xffff, v33  }
0x67e: {  	v39 =	vor.u32 v19, v32;
	v33 =	vld [tilespmem:s28+$0x4B40]  }
0x67f: {  	[tilespmem:v38+s18+$0x0] =	vst.idx.add.f32.msk $0xffff, v29  }
0x680: {  	v40 =	vor.u32 v19, v31;
	v29 =	vld [tilespmem:s28+$0x5340];
	_ =	sdelay $0x2  }
0x681: {  	[tilespmem:v39+s18+$0x0] =	vst.idx.add.f32.msk $0xffff, v33  }
0x682: {  	v41 =	vor.u32 v21, v32;
	v33 =	vld [tilespmem:s28+$0x4B50]  }
0x683: {  	[tilespmem:v40+s18+$0x0] =	vst.idx.add.f32.msk $0xffff, v29  }
0x684: {  	v42 =	vor.u32 v21, v31;
	v29 =	vld [tilespmem:s28+$0x5350];
	_ =	sdelay $0x2  }
0x685: {  	[tilespmem:v41+s18+$0x0] =	vst.idx.add.f32.msk $0xffff, v33  }
0x686: {  	v43 =	vor.u32 v24, v32;
	v33 =	vld [tilespmem:s28+$0x4B60]  }
0x687: {  	[tilespmem:v42+s18+$0x0] =	vst.idx.add.f32.msk $0xffff, v29  }
0x688: {  	v44 =	vor.u32 v24, v31;
	v29 =	vld [tilespmem:s28+$0x5360];
	_ =	sdelay $0x2  }
0x689: {  	[tilespmem:v43+s18+$0x0] =	vst.idx.add.f32.msk $0xffff, v33  }
0x68a: {  	v32 =	vor.u32 v25, v32;
	v33 =	vld [tilespmem:s28+$0x4B70]  }
0x68b: {  	[tilespmem:v44+s18+$0x0] =	vst.idx.add.f32.msk $0xffff, v29  }
0x68c: {  	v45 =	vor.u32 v25, v31;
	v29 =	vld [tilespmem:s28+$0x5370]  }
0x68d: {  	v46 =	vshll.u32 v27, v6  }
0x68e: {  	v31 =	vbroadcast v46, $0x5  }
0x68f: {  	v47 =	vshll.u32 v28, v6;
	[tilespmem:v32+s18+$0x0] =	vst.idx.add.f32.msk $0xffff, v33  }
0x690: {  	v48 =	vor.u32 v11, v31;
	v32 =	vbroadcast v47, $0x5;
	v33 =	vld [tilespmem:s28+$0x4B80]  }
0x691: {  	[tilespmem:v45+s18+$0x0] =	vst.idx.add.f32.msk $0xffff, v29  }
0x692: {  	v49 =	vor.u32 v11, v32;
	v29 =	vld [tilespmem:s28+$0x5380];
	_ =	sdelay $0x2  }
0x693: {  	[tilespmem:v48+s18+$0x0] =	vst.idx.add.f32.msk $0xffff, v33  }
0x694: {  	v50 =	vor.u32 v13, v31;
	v33 =	vld [tilespmem:s28+$0x4B90]  }
0x695: {  	[tilespmem:v49+s18+$0x0] =	vst.idx.add.f32.msk $0xffff, v29  }
0x696: {  	v51 =	vor.u32 v13, v32;
	v29 =	vld [tilespmem:s28+$0x5390];
	_ =	sdelay $0x2  }
0x697: {  	[tilespmem:v50+s18+$0x0] =	vst.idx.add.f32.msk $0xffff, v33  }
0x698: {  	v52 =	vor.u32 v15, v31;
	v33 =	vld [tilespmem:s28+$0x4BA0]  }
0x699: {  	[tilespmem:v51+s18+$0x0] =	vst.idx.add.f32.msk $0xffff, v29  }
0x69a: {  	v53 =	vor.u32 v15, v32;
	v29 =	vld [tilespmem:s28+$0x53A0];
	_ =	sdelay $0x2  }
0x69b: {  	[tilespmem:v52+s18+$0x0] =	vst.idx.add.f32.msk $0xffff, v33  }
0x69c: {  	v54 =	vor.u32 v17, v31;
	v33 =	vld [tilespmem:s28+$0x4BB0]  }
0x69d: {  	[tilespmem:v53+s18+$0x0] =	vst.idx.add.f32.msk $0xffff, v29  }
0x69e: {  	v55 =	vor.u32 v17, v32;
	v29 =	vld [tilespmem:s28+$0x53B0];
	_ =	sdelay $0x2  }
0x69f: {  	[tilespmem:v54+s18+$0x0] =	vst.idx.add.f32.msk $0xffff, v33  }
0x6a0: {  	v56 =	vor.u32 v19, v31;
	v33 =	vld [tilespmem:s28+$0x4BC0]  }
0x6a1: {  	[tilespmem:v55+s18+$0x0] =	vst.idx.add.f32.msk $0xffff, v29  }
0x6a2: {  	v57 =	vor.u32 v19, v32;
	v29 =	vld [tilespmem:s28+$0x53C0];
	_ =	sdelay $0x2  }
0x6a3: {  	[tilespmem:v56+s18+$0x0] =	vst.idx.add.f32.msk $0xffff, v33  }
0x6a4: {  	v58 =	vor.u32 v21, v31;
	v33 =	vld [tilespmem:s28+$0x4BD0]  }
0x6a5: {  	[tilespmem:v57+s18+$0x0] =	vst.idx.add.f32.msk $0xffff, v29  }
0x6a6: {  	v59 =	vor.u32 v21, v32;
	v29 =	vld [tilespmem:s28+$0x53D0];
	_ =	sdelay $0x2  }
0x6a7: {  	[tilespmem:v58+s18+$0x0] =	vst.idx.add.f32.msk $0xffff, v33  }
0x6a8: {  	v60 =	vor.u32 v24, v31;
	v33 =	vld [tilespmem:s28+$0x4BE0]  }
0x6a9: {  	[tilespmem:v59+s18+$0x0] =	vst.idx.add.f32.msk $0xffff, v29  }
0x6aa: {  	v61 =	vor.u32 v24, v32;
	v29 =	vld [tilespmem:s28+$0x53E0];
	_ =	sdelay $0x2  }
0x6ab: {  	[tilespmem:v60+s18+$0x0] =	vst.idx.add.f32.msk $0xffff, v33  }
0x6ac: {  	v31 =	vor.u32 v25, v31;
	v33 =	vld [tilespmem:s28+$0x4BF0]  }
0x6ad: {  	[tilespmem:v61+s18+$0x0] =	vst.idx.add.f32.msk $0xffff, v29  }
0x6ae: {  	v62 =	vor.u32 v25, v32;
	v29 =	vld [tilespmem:s28+$0x53F0]  }
0x6af: {  	v63 =	vshll.u32 v27, v8  }
0x6b0: {  	v32 =	vbroadcast v63, $0x6  }
0x6b1: {  	v36 =	vshll.u32 v28, v8;
	[tilespmem:v31+s18+$0x0] =	vst.idx.add.f32.msk $0xffff, v33  }
0x6b2: {  	v37 =	vor.u32 v11, v32;
	v31 =	vbroadcast v36, $0x6;
	v33 =	vld [tilespmem:s28+$0x4C00]  }
0x6b3: {  	[tilespmem:v62+s18+$0x0] =	vst.idx.add.f32.msk $0xffff, v29  }
0x6b4: {  	v38 =	vor.u32 v11, v31;
	v29 =	vld [tilespmem:s28+$0x5400];
	_ =	sdelay $0x2  }
0x6b5: {  	[tilespmem:v37+s18+$0x0] =	vst.idx.add.f32.msk $0xffff, v33  }
0x6b6: {  	v39 =	vor.u32 v13, v32;
	v33 =	vld [tilespmem:s28+$0x4C10]  }
0x6b7: {  	[tilespmem:v38+s18+$0x0] =	vst.idx.add.f32.msk $0xffff, v29  }
0x6b8: {  	v40 =	vor.u32 v13, v31;
	v29 =	vld [tilespmem:s28+$0x5410];
	_ =	sdelay $0x2  }
0x6b9: {  	[tilespmem:v39+s18+$0x0] =	vst.idx.add.f32.msk $0xffff, v33  }
0x6ba: {  	v41 =	vor.u32 v15, v32;
	v33 =	vld [tilespmem:s28+$0x4C20]  }
0x6bb: {  	[tilespmem:v40+s18+$0x0] =	vst.idx.add.f32.msk $0xffff, v29  }
0x6bc: {  	v42 =	vor.u32 v15, v31;
	v29 =	vld [tilespmem:s28+$0x5420];
	_ =	sdelay $0x2  }
0x6bd: {  	[tilespmem:v41+s18+$0x0] =	vst.idx.add.f32.msk $0xffff, v33  }
0x6be: {  	v43 =	vor.u32 v17, v32;
	v33 =	vld [tilespmem:s28+$0x4C30]  }
0x6bf: {  	[tilespmem:v42+s18+$0x0] =	vst.idx.add.f32.msk $0xffff, v29  }
0x6c0: {  	v44 =	vor.u32 v17, v31;
	v29 =	vld [tilespmem:s28+$0x5430];
	_ =	sdelay $0x2  }
0x6c1: {  	[tilespmem:v43+s18+$0x0] =	vst.idx.add.f32.msk $0xffff, v33  }
0x6c2: {  	v45 =	vor.u32 v19, v32;
	v33 =	vld [tilespmem:s28+$0x4C40]  }
0x6c3: {  	[tilespmem:v44+s18+$0x0] =	vst.idx.add.f32.msk $0xffff, v29  }
0x6c4: {  	v46 =	vor.u32 v19, v31;
	v29 =	vld [tilespmem:s28+$0x5440];
	_ =	sdelay $0x2  }
0x6c5: {  	[tilespmem:v45+s18+$0x0] =	vst.idx.add.f32.msk $0xffff, v33  }
0x6c6: {  	v47 =	vor.u32 v21, v32;
	v33 =	vld [tilespmem:s28+$0x4C50]  }
0x6c7: {  	[tilespmem:v46+s18+$0x0] =	vst.idx.add.f32.msk $0xffff, v29  }
0x6c8: {  	v48 =	vor.u32 v21, v31;
	v29 =	vld [tilespmem:s28+$0x5450];
	_ =	sdelay $0x2  }
0x6c9: {  	[tilespmem:v47+s18+$0x0] =	vst.idx.add.f32.msk $0xffff, v33  }
0x6ca: {  	v49 =	vor.u32 v24, v32;
	v33 =	vld [tilespmem:s28+$0x4C60]  }
0x6cb: {  	[tilespmem:v48+s18+$0x0] =	vst.idx.add.f32.msk $0xffff, v29  }
0x6cc: {  	v50 =	vor.u32 v24, v31;
	v29 =	vld [tilespmem:s28+$0x5460];
	_ =	sdelay $0x2  }
0x6cd: {  	[tilespmem:v49+s18+$0x0] =	vst.idx.add.f32.msk $0xffff, v33  }
0x6ce: {  	v32 =	vor.u32 v25, v32;
	v33 =	vld [tilespmem:s28+$0x4C70]  }
0x6cf: {  	[tilespmem:v50+s18+$0x0] =	vst.idx.add.f32.msk $0xffff, v29  }
0x6d0: {  	v51 =	vor.u32 v25, v31;
	v29 =	vld [tilespmem:s28+$0x5470]  }
0x6d1: {  	v52 =	vshll.u32 v27, v10  }
0x6d2: {  	v31 =	vbroadcast v52, $0x7  }
0x6d3: {  	v53 =	vshll.u32 v28, v10;
	[tilespmem:v32+s18+$0x0] =	vst.idx.add.f32.msk $0xffff, v33  }
0x6d4: {  	v54 =	vor.u32 v11, v31;
	v32 =	vbroadcast v53, $0x7;
	v33 =	vld [tilespmem:s28+$0x4C80]  }
0x6d5: {  	[tilespmem:v51+s18+$0x0] =	vst.idx.add.f32.msk $0xffff, v29  }
0x6d6: {  	v55 =	vor.u32 v11, v32;
	v29 =	vld [tilespmem:s28+$0x5480];
	_ =	sdelay $0x2  }
0x6d7: {  	[tilespmem:v54+s18+$0x0] =	vst.idx.add.f32.msk $0xffff, v33  }
0x6d8: {  	v56 =	vor.u32 v13, v31;
	v33 =	vld [tilespmem:s28+$0x4C90]  }
0x6d9: {  	[tilespmem:v55+s18+$0x0] =	vst.idx.add.f32.msk $0xffff, v29  }
0x6da: {  	v57 =	vor.u32 v13, v32;
	v29 =	vld [tilespmem:s28+$0x5490];
	_ =	sdelay $0x2  }
0x6db: {  	[tilespmem:v56+s18+$0x0] =	vst.idx.add.f32.msk $0xffff, v33  }
0x6dc: {  	v58 =	vor.u32 v15, v31;
	v33 =	vld [tilespmem:s28+$0x4CA0]  }
0x6dd: {  	[tilespmem:v57+s18+$0x0] =	vst.idx.add.f32.msk $0xffff, v29  }
0x6de: {  	v59 =	vor.u32 v15, v32;
	v29 =	vld [tilespmem:s28+$0x54A0];
	_ =	sdelay $0x2  }
0x6df: {  	[tilespmem:v58+s18+$0x0] =	vst.idx.add.f32.msk $0xffff, v33  }
0x6e0: {  	v60 =	vor.u32 v17, v31;
	v33 =	vld [tilespmem:s28+$0x4CB0]  }
0x6e1: {  	[tilespmem:v59+s18+$0x0] =	vst.idx.add.f32.msk $0xffff, v29  }
0x6e2: {  	v61 =	vor.u32 v17, v32;
	v29 =	vld [tilespmem:s28+$0x54B0];
	_ =	sdelay $0x2  }
0x6e3: {  	[tilespmem:v60+s18+$0x0] =	vst.idx.add.f32.msk $0xffff, v33  }
0x6e4: {  	v62 =	vor.u32 v19, v31;
	v33 =	vld [tilespmem:s28+$0x4CC0]  }
0x6e5: {  	[tilespmem:v61+s18+$0x0] =	vst.idx.add.f32.msk $0xffff, v29  }
0x6e6: {  	v63 =	vor.u32 v19, v32;
	v29 =	vld [tilespmem:s28+$0x54C0];
	_ =	sdelay $0x2  }
0x6e7: {  	[tilespmem:v62+s18+$0x0] =	vst.idx.add.f32.msk $0xffff, v33  }
0x6e8: {  	v36 =	vor.u32 v21, v31;
	v33 =	vld [tilespmem:s28+$0x4CD0]  }
0x6e9: {  	[tilespmem:v63+s18+$0x0] =	vst.idx.add.f32.msk $0xffff, v29  }
0x6ea: {  	v37 =	vor.u32 v21, v32;
	v29 =	vld [tilespmem:s28+$0x54D0];
	_ =	sdelay $0x2  }
0x6eb: {  	[tilespmem:v36+s18+$0x0] =	vst.idx.add.f32.msk $0xffff, v33  }
0x6ec: {  	v38 =	vor.u32 v24, v31;
	v33 =	vld [tilespmem:s28+$0x4CE0]  }
0x6ed: {  	[tilespmem:v37+s18+$0x0] =	vst.idx.add.f32.msk $0xffff, v29  }
0x6ee: {  	v39 =	vor.u32 v24, v32;
	v29 =	vld [tilespmem:s28+$0x54E0];
	_ =	sdelay $0x2  }
0x6ef: {  	[tilespmem:v38+s18+$0x0] =	vst.idx.add.f32.msk $0xffff, v33  }
0x6f0: {  	v31 =	vor.u32 v25, v31;
	v33 =	vld [tilespmem:s28+$0x4CF0]  }
0x6f1: {  	[tilespmem:v39+s18+$0x0] =	vst.idx.add.f32.msk $0xffff, v29  }
0x6f2: {  	v40 =	vor.u32 v25, v32;
	v29 =	vld [tilespmem:s28+$0x54F0]  }
0x6f3: {  	v41 =	vshll.u32 v27, v12  }
0x6f4: {  	v32 =	vbroadcast v41, $0x8  }
0x6f5: {  	v42 =	vshll.u32 v28, v12;
	[tilespmem:v31+s18+$0x0] =	vst.idx.add.f32.msk $0xffff, v33  }
0x6f6: {  	v43 =	vor.u32 v11, v32;
	v31 =	vbroadcast v42, $0x8;
	v33 =	vld [tilespmem:s28+$0x4D00]  }
0x6f7: {  	[tilespmem:v40+s18+$0x0] =	vst.idx.add.f32.msk $0xffff, v29  }
0x6f8: {  	v44 =	vor.u32 v11, v31;
	v29 =	vld [tilespmem:s28+$0x5500];
	_ =	sdelay $0x2  }
0x6f9: {  	[tilespmem:v43+s18+$0x0] =	vst.idx.add.f32.msk $0xffff, v33  }
0x6fa: {  	v45 =	vor.u32 v13, v32;
	v33 =	vld [tilespmem:s28+$0x4D10]  }
0x6fb: {  	[tilespmem:v44+s18+$0x0] =	vst.idx.add.f32.msk $0xffff, v29  }
0x6fc: {  	v46 =	vor.u32 v13, v31;
	v29 =	vld [tilespmem:s28+$0x5510];
	_ =	sdelay $0x2  }
0x6fd: {  	[tilespmem:v45+s18+$0x0] =	vst.idx.add.f32.msk $0xffff, v33  }
0x6fe: {  	v47 =	vor.u32 v15, v32;
	v33 =	vld [tilespmem:s28+$0x4D20]  }
0x6ff: {  	[tilespmem:v46+s18+$0x0] =	vst.idx.add.f32.msk $0xffff, v29  }
0x700: {  	v48 =	vor.u32 v15, v31;
	v29 =	vld [tilespmem:s28+$0x5520];
	_ =	sdelay $0x2  }
0x701: {  	[tilespmem:v47+s18+$0x0] =	vst.idx.add.f32.msk $0xffff, v33  }
0x702: {  	v49 =	vor.u32 v17, v32;
	v33 =	vld [tilespmem:s28+$0x4D30]  }
0x703: {  	[tilespmem:v48+s18+$0x0] =	vst.idx.add.f32.msk $0xffff, v29  }
0x704: {  	v50 =	vor.u32 v17, v31;
	v29 =	vld [tilespmem:s28+$0x5530];
	_ =	sdelay $0x2  }
0x705: {  	[tilespmem:v49+s18+$0x0] =	vst.idx.add.f32.msk $0xffff, v33  }
0x706: {  	v51 =	vor.u32 v19, v32;
	v33 =	vld [tilespmem:s28+$0x4D40]  }
0x707: {  	[tilespmem:v50+s18+$0x0] =	vst.idx.add.f32.msk $0xffff, v29  }
0x708: {  	v52 =	vor.u32 v19, v31;
	v29 =	vld [tilespmem:s28+$0x5540];
	_ =	sdelay $0x2  }
0x709: {  	[tilespmem:v51+s18+$0x0] =	vst.idx.add.f32.msk $0xffff, v33  }
0x70a: {  	v53 =	vor.u32 v21, v32;
	v33 =	vld [tilespmem:s28+$0x4D50]  }
0x70b: {  	[tilespmem:v52+s18+$0x0] =	vst.idx.add.f32.msk $0xffff, v29  }
0x70c: {  	v54 =	vor.u32 v21, v31;
	v29 =	vld [tilespmem:s28+$0x5550];
	_ =	sdelay $0x2  }
0x70d: {  	[tilespmem:v53+s18+$0x0] =	vst.idx.add.f32.msk $0xffff, v33  }
0x70e: {  	v55 =	vor.u32 v24, v32;
	v33 =	vld [tilespmem:s28+$0x4D60]  }
0x70f: {  	[tilespmem:v54+s18+$0x0] =	vst.idx.add.f32.msk $0xffff, v29  }
0x710: {  	v56 =	vor.u32 v24, v31;
	v29 =	vld [tilespmem:s28+$0x5560];
	_ =	sdelay $0x2  }
0x711: {  	[tilespmem:v55+s18+$0x0] =	vst.idx.add.f32.msk $0xffff, v33  }
0x712: {  	v32 =	vor.u32 v25, v32;
	v33 =	vld [tilespmem:s28+$0x4D70]  }
0x713: {  	[tilespmem:v56+s18+$0x0] =	vst.idx.add.f32.msk $0xffff, v29  }
0x714: {  	v57 =	vor.u32 v25, v31;
	v29 =	vld [tilespmem:s28+$0x5570]  }
0x715: {  	v58 =	vshll.u32 v27, v14  }
0x716: {  	v31 =	vbroadcast v58, $0x9  }
0x717: {  	v59 =	vshll.u32 v28, v14;
	[tilespmem:v32+s18+$0x0] =	vst.idx.add.f32.msk $0xffff, v33  }
0x718: {  	v60 =	vor.u32 v11, v31;
	v32 =	vbroadcast v59, $0x9;
	v33 =	vld [tilespmem:s28+$0x4D80]  }
0x719: {  	[tilespmem:v57+s18+$0x0] =	vst.idx.add.f32.msk $0xffff, v29  }
0x71a: {  	v61 =	vor.u32 v11, v32;
	v29 =	vld [tilespmem:s28+$0x5580];
	_ =	sdelay $0x2  }
0x71b: {  	[tilespmem:v60+s18+$0x0] =	vst.idx.add.f32.msk $0xffff, v33  }
0x71c: {  	v62 =	vor.u32 v13, v31;
	v33 =	vld [tilespmem:s28+$0x4D90]  }
0x71d: {  	[tilespmem:v61+s18+$0x0] =	vst.idx.add.f32.msk $0xffff, v29  }
0x71e: {  	v63 =	vor.u32 v13, v32;
	v29 =	vld [tilespmem:s28+$0x5590];
	_ =	sdelay $0x2  }
0x71f: {  	[tilespmem:v62+s18+$0x0] =	vst.idx.add.f32.msk $0xffff, v33  }
0x720: {  	v36 =	vor.u32 v15, v31;
	v33 =	vld [tilespmem:s28+$0x4DA0]  }
0x721: {  	[tilespmem:v63+s18+$0x0] =	vst.idx.add.f32.msk $0xffff, v29  }
0x722: {  	v37 =	vor.u32 v15, v32;
	v29 =	vld [tilespmem:s28+$0x55A0];
	_ =	sdelay $0x2  }
0x723: {  	[tilespmem:v36+s18+$0x0] =	vst.idx.add.f32.msk $0xffff, v33  }
0x724: {  	v38 =	vor.u32 v17, v31;
	v33 =	vld [tilespmem:s28+$0x4DB0]  }
0x725: {  	[tilespmem:v37+s18+$0x0] =	vst.idx.add.f32.msk $0xffff, v29  }
0x726: {  	v39 =	vor.u32 v17, v32;
	v29 =	vld [tilespmem:s28+$0x55B0];
	_ =	sdelay $0x2  }
0x727: {  	[tilespmem:v38+s18+$0x0] =	vst.idx.add.f32.msk $0xffff, v33  }
0x728: {  	v40 =	vor.u32 v19, v31;
	v33 =	vld [tilespmem:s28+$0x4DC0]  }
0x729: {  	[tilespmem:v39+s18+$0x0] =	vst.idx.add.f32.msk $0xffff, v29  }
0x72a: {  	v41 =	vor.u32 v19, v32;
	v29 =	vld [tilespmem:s28+$0x55C0];
	_ =	sdelay $0x2  }
0x72b: {  	[tilespmem:v40+s18+$0x0] =	vst.idx.add.f32.msk $0xffff, v33  }
0x72c: {  	v42 =	vor.u32 v21, v31;
	v33 =	vld [tilespmem:s28+$0x4DD0]  }
0x72d: {  	[tilespmem:v41+s18+$0x0] =	vst.idx.add.f32.msk $0xffff, v29  }
0x72e: {  	v43 =	vor.u32 v21, v32;
	v29 =	vld [tilespmem:s28+$0x55D0];
	_ =	sdelay $0x2  }
0x72f: {  	[tilespmem:v42+s18+$0x0] =	vst.idx.add.f32.msk $0xffff, v33  }
0x730: {  	v44 =	vor.u32 v24, v31;
	v33 =	vld [tilespmem:s28+$0x4DE0]  }
0x731: {  	[tilespmem:v43+s18+$0x0] =	vst.idx.add.f32.msk $0xffff, v29  }
0x732: {  	v45 =	vor.u32 v24, v32;
	v29 =	vld [tilespmem:s28+$0x55E0];
	_ =	sdelay $0x2  }
0x733: {  	[tilespmem:v44+s18+$0x0] =	vst.idx.add.f32.msk $0xffff, v33  }
0x734: {  	v31 =	vor.u32 v25, v31;
	v33 =	vld [tilespmem:s28+$0x4DF0]  }
0x735: {  	[tilespmem:v45+s18+$0x0] =	vst.idx.add.f32.msk $0xffff, v29  }
0x736: {  	v46 =	vor.u32 v25, v32;
	v29 =	vld [tilespmem:s28+$0x55F0]  }
0x737: {  	v47 =	vshll.u32 v27, v16  }
0x738: {  	v32 =	vbroadcast v47, $0xA  }
0x739: {  	v48 =	vshll.u32 v28, v16;
	[tilespmem:v31+s18+$0x0] =	vst.idx.add.f32.msk $0xffff, v33  }
0x73a: {  	v49 =	vor.u32 v11, v32;
	v31 =	vbroadcast v48, $0xA;
	v33 =	vld [tilespmem:s28+$0x4E00]  }
0x73b: {  	[tilespmem:v46+s18+$0x0] =	vst.idx.add.f32.msk $0xffff, v29  }
0x73c: {  	v50 =	vor.u32 v11, v31;
	v29 =	vld [tilespmem:s28+$0x5600];
	_ =	sdelay $0x2  }
0x73d: {  	[tilespmem:v49+s18+$0x0] =	vst.idx.add.f32.msk $0xffff, v33  }
0x73e: {  	v51 =	vor.u32 v13, v32;
	v33 =	vld [tilespmem:s28+$0x4E10]  }
0x73f: {  	[tilespmem:v50+s18+$0x0] =	vst.idx.add.f32.msk $0xffff, v29  }
0x740: {  	v52 =	vor.u32 v13, v31;
	v29 =	vld [tilespmem:s28+$0x5610];
	_ =	sdelay $0x2  }
0x741: {  	[tilespmem:v51+s18+$0x0] =	vst.idx.add.f32.msk $0xffff, v33  }
0x742: {  	v53 =	vor.u32 v15, v32;
	v33 =	vld [tilespmem:s28+$0x4E20]  }
0x743: {  	[tilespmem:v52+s18+$0x0] =	vst.idx.add.f32.msk $0xffff, v29  }
0x744: {  	v54 =	vor.u32 v15, v31;
	v29 =	vld [tilespmem:s28+$0x5620];
	_ =	sdelay $0x2  }
0x745: {  	[tilespmem:v53+s18+$0x0] =	vst.idx.add.f32.msk $0xffff, v33  }
0x746: {  	v55 =	vor.u32 v17, v32;
	v33 =	vld [tilespmem:s28+$0x4E30]  }
0x747: {  	[tilespmem:v54+s18+$0x0] =	vst.idx.add.f32.msk $0xffff, v29  }
0x748: {  	v56 =	vor.u32 v17, v31;
	v29 =	vld [tilespmem:s28+$0x5630];
	_ =	sdelay $0x2  }
0x749: {  	[tilespmem:v55+s18+$0x0] =	vst.idx.add.f32.msk $0xffff, v33  }
0x74a: {  	v57 =	vor.u32 v19, v32;
	v33 =	vld [tilespmem:s28+$0x4E40]  }
0x74b: {  	[tilespmem:v56+s18+$0x0] =	vst.idx.add.f32.msk $0xffff, v29  }
0x74c: {  	v58 =	vor.u32 v19, v31;
	v29 =	vld [tilespmem:s28+$0x5640];
	_ =	sdelay $0x2  }
0x74d: {  	[tilespmem:v57+s18+$0x0] =	vst.idx.add.f32.msk $0xffff, v33  }
0x74e: {  	v59 =	vor.u32 v21, v32;
	v33 =	vld [tilespmem:s28+$0x4E50]  }
0x74f: {  	[tilespmem:v58+s18+$0x0] =	vst.idx.add.f32.msk $0xffff, v29  }
0x750: {  	v60 =	vor.u32 v21, v31;
	v29 =	vld [tilespmem:s28+$0x5650];
	_ =	sdelay $0x2  }
0x751: {  	[tilespmem:v59+s18+$0x0] =	vst.idx.add.f32.msk $0xffff, v33  }
0x752: {  	v61 =	vor.u32 v24, v32;
	v33 =	vld [tilespmem:s28+$0x4E60]  }
0x753: {  	[tilespmem:v60+s18+$0x0] =	vst.idx.add.f32.msk $0xffff, v29  }
0x754: {  	v62 =	vor.u32 v24, v31;
	v29 =	vld [tilespmem:s28+$0x5660];
	_ =	sdelay $0x2  }
0x755: {  	[tilespmem:v61+s18+$0x0] =	vst.idx.add.f32.msk $0xffff, v33  }
0x756: {  	v32 =	vor.u32 v25, v32;
	v33 =	vld [tilespmem:s28+$0x4E70]  }
0x757: {  	[tilespmem:v62+s18+$0x0] =	vst.idx.add.f32.msk $0xffff, v29  }
0x758: {  	v63 =	vor.u32 v25, v31;
	v29 =	vld [tilespmem:s28+$0x5670]  }
0x759: {  	v36 =	vshll.u32 v27, v18  }
0x75a: {  	v31 =	vbroadcast v36, $0xB  }
0x75b: {  	v37 =	vshll.u32 v28, v18;
	[tilespmem:v32+s18+$0x0] =	vst.idx.add.f32.msk $0xffff, v33  }
0x75c: {  	v38 =	vor.u32 v11, v31;
	v32 =	vbroadcast v37, $0xB;
	v33 =	vld [tilespmem:s28+$0x4E80]  }
0x75d: {  	[tilespmem:v63+s18+$0x0] =	vst.idx.add.f32.msk $0xffff, v29  }
0x75e: {  	v39 =	vor.u32 v11, v32;
	v29 =	vld [tilespmem:s28+$0x5680];
	_ =	sdelay $0x2  }
0x75f: {  	[tilespmem:v38+s18+$0x0] =	vst.idx.add.f32.msk $0xffff, v33  }
0x760: {  	v40 =	vor.u32 v13, v31;
	v33 =	vld [tilespmem:s28+$0x4E90]  }
0x761: {  	[tilespmem:v39+s18+$0x0] =	vst.idx.add.f32.msk $0xffff, v29  }
0x762: {  	v41 =	vor.u32 v13, v32;
	v29 =	vld [tilespmem:s28+$0x5690];
	_ =	sdelay $0x2  }
0x763: {  	[tilespmem:v40+s18+$0x0] =	vst.idx.add.f32.msk $0xffff, v33  }
0x764: {  	v42 =	vor.u32 v15, v31;
	v33 =	vld [tilespmem:s28+$0x4EA0]  }
0x765: {  	[tilespmem:v41+s18+$0x0] =	vst.idx.add.f32.msk $0xffff, v29  }
0x766: {  	v43 =	vor.u32 v15, v32;
	v29 =	vld [tilespmem:s28+$0x56A0];
	_ =	sdelay $0x2  }
0x767: {  	[tilespmem:v42+s18+$0x0] =	vst.idx.add.f32.msk $0xffff, v33  }
0x768: {  	v44 =	vor.u32 v17, v31;
	v33 =	vld [tilespmem:s28+$0x4EB0]  }
0x769: {  	[tilespmem:v43+s18+$0x0] =	vst.idx.add.f32.msk $0xffff, v29  }
0x76a: {  	v45 =	vor.u32 v17, v32;
	v29 =	vld [tilespmem:s28+$0x56B0];
	_ =	sdelay $0x2  }
0x76b: {  	[tilespmem:v44+s18+$0x0] =	vst.idx.add.f32.msk $0xffff, v33  }
0x76c: {  	v46 =	vor.u32 v19, v31;
	v33 =	vld [tilespmem:s28+$0x4EC0]  }
0x76d: {  	[tilespmem:v45+s18+$0x0] =	vst.idx.add.f32.msk $0xffff, v29  }
0x76e: {  	v47 =	vor.u32 v19, v32;
	v29 =	vld [tilespmem:s28+$0x56C0];
	_ =	sdelay $0x2  }
0x76f: {  	[tilespmem:v46+s18+$0x0] =	vst.idx.add.f32.msk $0xffff, v33  }
0x770: {  	v48 =	vor.u32 v21, v31;
	v33 =	vld [tilespmem:s28+$0x4ED0]  }
0x771: {  	[tilespmem:v47+s18+$0x0] =	vst.idx.add.f32.msk $0xffff, v29  }
0x772: {  	v49 =	vor.u32 v21, v32;
	v29 =	vld [tilespmem:s28+$0x56D0];
	_ =	sdelay $0x2  }
0x773: {  	[tilespmem:v48+s18+$0x0] =	vst.idx.add.f32.msk $0xffff, v33  }
0x774: {  	v50 =	vor.u32 v24, v31;
	v33 =	vld [tilespmem:s28+$0x4EE0]  }
0x775: {  	[tilespmem:v49+s18+$0x0] =	vst.idx.add.f32.msk $0xffff, v29  }
0x776: {  	v51 =	vor.u32 v24, v32;
	v29 =	vld [tilespmem:s28+$0x56E0];
	_ =	sdelay $0x2  }
0x777: {  	[tilespmem:v50+s18+$0x0] =	vst.idx.add.f32.msk $0xffff, v33  }
0x778: {  	v31 =	vor.u32 v25, v31;
	v33 =	vld [tilespmem:s28+$0x4EF0]  }
0x779: {  	[tilespmem:v51+s18+$0x0] =	vst.idx.add.f32.msk $0xffff, v29  }
0x77a: {  	v52 =	vor.u32 v25, v32;
	v29 =	vld [tilespmem:s28+$0x56F0]  }
0x77b: {  	v53 =	vshll.u32 v27, v20  }
0x77c: {  	v32 =	vbroadcast v53, $0xC  }
0x77d: {  	v54 =	vshll.u32 v28, v20;
	[tilespmem:v31+s18+$0x0] =	vst.idx.add.f32.msk $0xffff, v33  }
0x77e: {  	v55 =	vor.u32 v11, v32;
	v31 =	vbroadcast v54, $0xC;
	v33 =	vld [tilespmem:s28+$0x4F00]  }
0x77f: {  	[tilespmem:v52+s18+$0x0] =	vst.idx.add.f32.msk $0xffff, v29  }
0x780: {  	v56 =	vor.u32 v11, v31;
	v29 =	vld [tilespmem:s28+$0x5700];
	_ =	sdelay $0x2  }
0x781: {  	[tilespmem:v55+s18+$0x0] =	vst.idx.add.f32.msk $0xffff, v33  }
0x782: {  	v57 =	vor.u32 v13, v32;
	v33 =	vld [tilespmem:s28+$0x4F10]  }
0x783: {  	[tilespmem:v56+s18+$0x0] =	vst.idx.add.f32.msk $0xffff, v29  }
0x784: {  	v58 =	vor.u32 v13, v31;
	v29 =	vld [tilespmem:s28+$0x5710];
	_ =	sdelay $0x2  }
0x785: {  	[tilespmem:v57+s18+$0x0] =	vst.idx.add.f32.msk $0xffff, v33  }
0x786: {  	v59 =	vor.u32 v15, v32;
	v33 =	vld [tilespmem:s28+$0x4F20]  }
0x787: {  	[tilespmem:v58+s18+$0x0] =	vst.idx.add.f32.msk $0xffff, v29  }
0x788: {  	v60 =	vor.u32 v15, v31;
	v29 =	vld [tilespmem:s28+$0x5720];
	_ =	sdelay $0x2  }
0x789: {  	[tilespmem:v59+s18+$0x0] =	vst.idx.add.f32.msk $0xffff, v33  }
0x78a: {  	v61 =	vor.u32 v17, v32;
	v33 =	vld [tilespmem:s28+$0x4F30]  }
0x78b: {  	[tilespmem:v60+s18+$0x0] =	vst.idx.add.f32.msk $0xffff, v29  }
0x78c: {  	v62 =	vor.u32 v17, v31;
	v29 =	vld [tilespmem:s28+$0x5730];
	_ =	sdelay $0x2  }
0x78d: {  	[tilespmem:v61+s18+$0x0] =	vst.idx.add.f32.msk $0xffff, v33  }
0x78e: {  	v63 =	vor.u32 v19, v32;
	v33 =	vld [tilespmem:s28+$0x4F40]  }
0x78f: {  	[tilespmem:v62+s18+$0x0] =	vst.idx.add.f32.msk $0xffff, v29  }
0x790: {  	v36 =	vor.u32 v19, v31;
	v29 =	vld [tilespmem:s28+$0x5740];
	_ =	sdelay $0x2  }
0x791: {  	[tilespmem:v63+s18+$0x0] =	vst.idx.add.f32.msk $0xffff, v33  }
0x792: {  	v37 =	vor.u32 v21, v32;
	v33 =	vld [tilespmem:s28+$0x4F50]  }
0x793: {  	[tilespmem:v36+s18+$0x0] =	vst.idx.add.f32.msk $0xffff, v29  }
0x794: {  	v38 =	vor.u32 v21, v31;
	v29 =	vld [tilespmem:s28+$0x5750];
	_ =	sdelay $0x2  }
0x795: {  	[tilespmem:v37+s18+$0x0] =	vst.idx.add.f32.msk $0xffff, v33  }
0x796: {  	v39 =	vor.u32 v24, v32;
	v33 =	vld [tilespmem:s28+$0x4F60]  }
0x797: {  	[tilespmem:v38+s18+$0x0] =	vst.idx.add.f32.msk $0xffff, v29  }
0x798: {  	v40 =	vor.u32 v24, v31;
	v29 =	vld [tilespmem:s28+$0x5760];
	_ =	sdelay $0x2  }
0x799: {  	[tilespmem:v39+s18+$0x0] =	vst.idx.add.f32.msk $0xffff, v33  }
0x79a: {  	v32 =	vor.u32 v25, v32;
	v33 =	vld [tilespmem:s28+$0x4F70]  }
0x79b: {  	[tilespmem:v40+s18+$0x0] =	vst.idx.add.f32.msk $0xffff, v29  }
0x79c: {  	v41 =	vor.u32 v25, v31;
	v29 =	vld [tilespmem:s28+$0x5770]  }
0x79d: {  	v42 =	vshll.u32 v27, v22  }
0x79e: {  	v31 =	vbroadcast v42, $0xD  }
0x79f: {  	v43 =	vshll.u32 v28, v22;
	[tilespmem:v32+s18+$0x0] =	vst.idx.add.f32.msk $0xffff, v33  }
0x7a0: {  	v44 =	vor.u32 v11, v31;
	v32 =	vbroadcast v43, $0xD;
	v33 =	vld [tilespmem:s28+$0x4F80]  }
0x7a1: {  	[tilespmem:v41+s18+$0x0] =	vst.idx.add.f32.msk $0xffff, v29  }
0x7a2: {  	v45 =	vor.u32 v11, v32;
	v29 =	vld [tilespmem:s28+$0x5780];
	_ =	sdelay $0x2  }
0x7a3: {  	[tilespmem:v44+s18+$0x0] =	vst.idx.add.f32.msk $0xffff, v33  }
0x7a4: {  	v46 =	vor.u32 v13, v31;
	v33 =	vld [tilespmem:s28+$0x4F90]  }
0x7a5: {  	[tilespmem:v45+s18+$0x0] =	vst.idx.add.f32.msk $0xffff, v29  }
0x7a6: {  	v47 =	vor.u32 v13, v32;
	v29 =	vld [tilespmem:s28+$0x5790];
	_ =	sdelay $0x2  }
0x7a7: {  	[tilespmem:v46+s18+$0x0] =	vst.idx.add.f32.msk $0xffff, v33  }
0x7a8: {  	v48 =	vor.u32 v15, v31;
	v33 =	vld [tilespmem:s28+$0x4FA0]  }
0x7a9: {  	[tilespmem:v47+s18+$0x0] =	vst.idx.add.f32.msk $0xffff, v29  }
0x7aa: {  	v49 =	vor.u32 v15, v32;
	v29 =	vld [tilespmem:s28+$0x57A0];
	_ =	sdelay $0x2  }
0x7ab: {  	[tilespmem:v48+s18+$0x0] =	vst.idx.add.f32.msk $0xffff, v33  }
0x7ac: {  	v50 =	vor.u32 v17, v31;
	v33 =	vld [tilespmem:s28+$0x4FB0]  }
0x7ad: {  	[tilespmem:v49+s18+$0x0] =	vst.idx.add.f32.msk $0xffff, v29  }
0x7ae: {  	v51 =	vor.u32 v17, v32;
	v29 =	vld [tilespmem:s28+$0x57B0];
	_ =	sdelay $0x2  }
0x7af: {  	[tilespmem:v50+s18+$0x0] =	vst.idx.add.f32.msk $0xffff, v33  }
0x7b0: {  	v52 =	vor.u32 v19, v31;
	v33 =	vld [tilespmem:s28+$0x4FC0]  }
0x7b1: {  	[tilespmem:v51+s18+$0x0] =	vst.idx.add.f32.msk $0xffff, v29  }
0x7b2: {  	v53 =	vor.u32 v19, v32;
	v29 =	vld [tilespmem:s28+$0x57C0];
	_ =	sdelay $0x2  }
0x7b3: {  	[tilespmem:v52+s18+$0x0] =	vst.idx.add.f32.msk $0xffff, v33  }
0x7b4: {  	v54 =	vor.u32 v21, v31;
	v33 =	vld [tilespmem:s28+$0x4FD0]  }
0x7b5: {  	[tilespmem:v53+s18+$0x0] =	vst.idx.add.f32.msk $0xffff, v29  }
0x7b6: {  	v55 =	vor.u32 v21, v32;
	v29 =	vld [tilespmem:s28+$0x57D0];
	_ =	sdelay $0x2  }
0x7b7: {  	[tilespmem:v54+s18+$0x0] =	vst.idx.add.f32.msk $0xffff, v33  }
0x7b8: {  	v56 =	vor.u32 v24, v31;
	v33 =	vld [tilespmem:s28+$0x4FE0]  }
0x7b9: {  	[tilespmem:v55+s18+$0x0] =	vst.idx.add.f32.msk $0xffff, v29  }
0x7ba: {  	v57 =	vor.u32 v24, v32;
	v29 =	vld [tilespmem:s28+$0x57E0];
	_ =	sdelay $0x2  }
0x7bb: {  	[tilespmem:v56+s18+$0x0] =	vst.idx.add.f32.msk $0xffff, v33  }
0x7bc: {  	v31 =	vor.u32 v25, v31;
	v33 =	vld [tilespmem:s28+$0x4FF0]  }
0x7bd: {  	[tilespmem:v57+s18+$0x0] =	vst.idx.add.f32.msk $0xffff, v29  }
0x7be: {  	v58 =	vor.u32 v25, v32;
	v29 =	vld [tilespmem:s28+$0x57F0]  }
0x7bf: {  	v59 =	vshll.u32 v27, v23  }
0x7c0: {  	v32 =	vbroadcast v59, $0xE  }
0x7c1: {  	v60 =	vshll.u32 v28, v23;
	[tilespmem:v31+s18+$0x0] =	vst.idx.add.f32.msk $0xffff, v33  }
0x7c2: {  	v61 =	vor.u32 v11, v32;
	v31 =	vbroadcast v60, $0xE;
	v33 =	vld [tilespmem:s28+$0x5000]  }
0x7c3: {  	[tilespmem:v58+s18+$0x0] =	vst.idx.add.f32.msk $0xffff, v29  }
0x7c4: {  	v62 =	vor.u32 v11, v31;
	v29 =	vld [tilespmem:s28+$0x5800];
	_ =	sdelay $0x2  }
0x7c5: {  	[tilespmem:v61+s18+$0x0] =	vst.idx.add.f32.msk $0xffff, v33  }
0x7c6: {  	v63 =	vor.u32 v13, v32;
	v33 =	vld [tilespmem:s28+$0x5010]  }
0x7c7: {  	[tilespmem:v62+s18+$0x0] =	vst.idx.add.f32.msk $0xffff, v29  }
0x7c8: {  	v36 =	vor.u32 v13, v31;
	v29 =	vld [tilespmem:s28+$0x5810];
	_ =	sdelay $0x2  }
0x7c9: {  	[tilespmem:v63+s18+$0x0] =	vst.idx.add.f32.msk $0xffff, v33  }
0x7ca: {  	v37 =	vor.u32 v15, v32;
	v33 =	vld [tilespmem:s28+$0x5020]  }
0x7cb: {  	[tilespmem:v36+s18+$0x0] =	vst.idx.add.f32.msk $0xffff, v29  }
0x7cc: {  	v38 =	vor.u32 v15, v31;
	v29 =	vld [tilespmem:s28+$0x5820];
	_ =	sdelay $0x2  }
0x7cd: {  	[tilespmem:v37+s18+$0x0] =	vst.idx.add.f32.msk $0xffff, v33  }
0x7ce: {  	v39 =	vor.u32 v17, v32;
	v33 =	vld [tilespmem:s28+$0x5030]  }
0x7cf: {  	[tilespmem:v38+s18+$0x0] =	vst.idx.add.f32.msk $0xffff, v29  }
0x7d0: {  	v40 =	vor.u32 v17, v31;
	v29 =	vld [tilespmem:s28+$0x5830];
	_ =	sdelay $0x2  }
0x7d1: {  	[tilespmem:v39+s18+$0x0] =	vst.idx.add.f32.msk $0xffff, v33  }
0x7d2: {  	v41 =	vor.u32 v19, v32;
	v33 =	vld [tilespmem:s28+$0x5040]  }
0x7d3: {  	[tilespmem:v40+s18+$0x0] =	vst.idx.add.f32.msk $0xffff, v29  }
0x7d4: {  	v42 =	vor.u32 v19, v31;
	v29 =	vld [tilespmem:s28+$0x5840];
	_ =	sdelay $0x2  }
0x7d5: {  	[tilespmem:v41+s18+$0x0] =	vst.idx.add.f32.msk $0xffff, v33  }
0x7d6: {  	v43 =	vor.u32 v21, v32;
	v33 =	vld [tilespmem:s28+$0x5050]  }
0x7d7: {  	[tilespmem:v42+s18+$0x0] =	vst.idx.add.f32.msk $0xffff, v29  }
0x7d8: {  	v44 =	vor.u32 v21, v31;
	v29 =	vld [tilespmem:s28+$0x5850];
	_ =	sdelay $0x2  }
0x7d9: {  	[tilespmem:v43+s18+$0x0] =	vst.idx.add.f32.msk $0xffff, v33  }
0x7da: {  	v45 =	vor.u32 v24, v32;
	v33 =	vld [tilespmem:s28+$0x5060]  }
0x7db: {  	[tilespmem:v44+s18+$0x0] =	vst.idx.add.f32.msk $0xffff, v29  }
0x7dc: {  	v46 =	vor.u32 v24, v31;
	v29 =	vld [tilespmem:s28+$0x5860];
	_ =	sdelay $0x2  }
0x7dd: {  	[tilespmem:v45+s18+$0x0] =	vst.idx.add.f32.msk $0xffff, v33  }
0x7de: {  	v32 =	vor.u32 v25, v32;
	v33 =	vld [tilespmem:s28+$0x5070]  }
0x7df: {  	[tilespmem:v46+s18+$0x0] =	vst.idx.add.f32.msk $0xffff, v29  }
0x7e0: {  	v47 =	vor.u32 v25, v31;
	v29 =	vld [tilespmem:s28+$0x5870]  }
0x7e1: {  	v27 =	vshll.u32 v27, v26  }
0x7e2: {  	v27 =	vbroadcast v27, $0xF  }
0x7e3: {  	v28 =	vshll.u32 v28, v26;
	[tilespmem:v32+s18+$0x0] =	vst.idx.add.f32.msk $0xffff, v33  }
0x7e4: {  	v28 =	vbroadcast v28, $0xF;
	v49 =	vor.u32 v11, v27;
	v48 =	vld [tilespmem:s28+$0x5080]  }
0x7e5: {  	[tilespmem:v47+s18+$0x0] =	vst.idx.add.f32.msk $0xffff, v29  }
0x7e6: {  	v50 =	vor.u32 v11, v28;
	v29 =	vld [tilespmem:s28+$0x5880];
	_ =	sdelay $0x2  }
0x7e7: {  	[tilespmem:v49+s18+$0x0] =	vst.idx.add.f32.msk $0xffff, v48  }
0x7e8: {  	v51 =	vor.u32 v13, v27;
	v31 =	vld [tilespmem:s28+$0x5090]  }
0x7e9: {  	[tilespmem:v50+s18+$0x0] =	vst.idx.add.f32.msk $0xffff, v29  }
0x7ea: {  	v52 =	vor.u32 v13, v28;
	v29 =	vld [tilespmem:s28+$0x5890];
	_ =	sdelay $0x2  }
0x7eb: {  	[tilespmem:v51+s18+$0x0] =	vst.idx.add.f32.msk $0xffff, v31  }
0x7ec: {  	v53 =	vor.u32 v15, v27;
	v31 =	vld [tilespmem:s28+$0x50A0]  }
0x7ed: {  	[tilespmem:v52+s18+$0x0] =	vst.idx.add.f32.msk $0xffff, v29  }
0x7ee: {  	v54 =	vor.u32 v15, v28;
	v29 =	vld [tilespmem:s28+$0x58A0];
	_ =	sdelay $0x2  }
0x7ef: {  	[tilespmem:v53+s18+$0x0] =	vst.idx.add.f32.msk $0xffff, v31  }
0x7f0: {  	v55 =	vor.u32 v17, v27;
	v31 =	vld [tilespmem:s28+$0x50B0]  }
0x7f1: {  	[tilespmem:v54+s18+$0x0] =	vst.idx.add.f32.msk $0xffff, v29  }
0x7f2: {  	v56 =	vor.u32 v17, v28;
	v29 =	vld [tilespmem:s28+$0x58B0];
	_ =	sdelay $0x2  }
0x7f3: {  	[tilespmem:v55+s18+$0x0] =	vst.idx.add.f32.msk $0xffff, v31  }
0x7f4: {  	v57 =	vor.u32 v19, v27;
	v31 =	vld [tilespmem:s28+$0x50C0]  }
0x7f5: {  	[tilespmem:v56+s18+$0x0] =	vst.idx.add.f32.msk $0xffff, v29  }
0x7f6: {  	v58 =	vor.u32 v19, v28;
	v29 =	vld [tilespmem:s28+$0x58C0];
	_ =	sdelay $0x2  }
0x7f7: {  	[tilespmem:v57+s18+$0x0] =	vst.idx.add.f32.msk $0xffff, v31  }
0x7f8: {  	v59 =	vor.u32 v21, v27;
	v31 =	vld [tilespmem:s28+$0x50D0]  }
0x7f9: {  	[tilespmem:v58+s18+$0x0] =	vst.idx.add.f32.msk $0xffff, v29  }
0x7fa: {  	v60 =	vor.u32 v21, v28;
	v29 =	vld [tilespmem:s28+$0x58D0];
	_ =	sdelay $0x2  }
0x7fb: {  	[tilespmem:v59+s18+$0x0] =	vst.idx.add.f32.msk $0xffff, v31  }
0x7fc: {  	v61 =	vor.u32 v24, v27;
	v31 =	vld [tilespmem:s28+$0x50E0]  }
0x7fd: {  	[tilespmem:v60+s18+$0x0] =	vst.idx.add.f32.msk $0xffff, v29  }
0x7fe: {  	v62 =	vor.u32 v24, v28;
	v29 =	vld [tilespmem:s28+$0x58E0];
	_ =	sdelay $0x2  }
0x7ff: {  	[tilespmem:v61+s18+$0x0] =	vst.idx.add.f32.msk $0xffff, v31  }
0x800: {  	v63 =	vld [tilespmem:s28+$0x50F0]  }
0x801: {  	v27 =	vor.u32 v25, v27;
	[tilespmem:v62+s18+$0x0] =	vst.idx.add.f32.msk $0xffff, v29  }
0x802: {  	p1 =	slt.u32 s26, $0x3;
	v28 =	vor.u32 v25, v28;
	v30 =	vld [tilespmem:s28+$0x58F0]  }
.Ltmp5:
0x803: {  	_ = 	snop;
	(pc) =	sbr.rel @p1 .LBB2_8-.Ltmp5, $3  }
0x804: {  	_ =	sdelay $0x1  }
0x805: {  	s31 =	sadd.s32 $0x3, s26;
	[tilespmem:v27+s18+$0x0] =	vst.idx.add.f32.msk $0xffff, v63  }
0x806: {  	s26 =	smov.u32 s31;
	s28 =	simm.s32 $0x78F0;
	[tilespmem:v28+s18+$0x0] =	vst.idx.add.f32.msk $0xffff, v30  }
.LBB2_9:
0x807: {  	s0 =	sshra.s32 s25, $0x2  }
0x808: {  	v27 =	vld [tilespmem:s0+$0xE0];
	_ =	sdelay $0x4  }
0x809: {  	vm0 =	vge.s32 v27, v5;
	vm1 =	vlt.s32 v27, v7  }
0x80a: {  	v27 =	vsub.s32 v27, v5;
	vm0 =	vmand vm0, vm1  }
0x80b: {  	v27 =	vnsel vm0, $0x200, v27  }
0x80c: {  	v27 =	vshll.u32 v27, $0x7  }
0x80d: {  	v28 =	vbroadcast v27, $0x0;
	_ =	sdelay $0x1  }
0x80e: {  	v29 =	vld [tilespmem:s28+$0xFFFFF810];
	v30 =	vor.u32 v11, v28;
	_ =	sdelay $0x4  }
0x80f: {  	[tilespmem:v30+s18+$0x0] =	vst.idx.add.f32.msk $0xffff, v29  }
0x810: {  	v53 =	vor.u32 v13, v28;
	v29 =	vld [tilespmem:s28+$0xFFFFF820];
	_ =	sdelay $0x4  }
0x811: {  	[tilespmem:v53+s18+$0x0] =	vst.idx.add.f32.msk $0xffff, v29  }
0x812: {  	v54 =	vor.u32 v15, v28;
	v29 =	vld [tilespmem:s28+$0xFFFFF830];
	_ =	sdelay $0x4  }
0x813: {  	[tilespmem:v54+s18+$0x0] =	vst.idx.add.f32.msk $0xffff, v29  }
0x814: {  	v55 =	vor.u32 v17, v28;
	v29 =	vld [tilespmem:s28+$0xFFFFF840];
	_ =	sdelay $0x4  }
0x815: {  	[tilespmem:v55+s18+$0x0] =	vst.idx.add.f32.msk $0xffff, v29  }
0x816: {  	v56 =	vor.u32 v19, v28;
	v29 =	vld [tilespmem:s28+$0xFFFFF850];
	_ =	sdelay $0x4  }
0x817: {  	[tilespmem:v56+s18+$0x0] =	vst.idx.add.f32.msk $0xffff, v29  }
0x818: {  	v57 =	vor.u32 v21, v28;
	v29 =	vld [tilespmem:s28+$0xFFFFF860];
	_ =	sdelay $0x4  }
0x819: {  	[tilespmem:v57+s18+$0x0] =	vst.idx.add.f32.msk $0xffff, v29  }
0x81a: {  	v58 =	vor.u32 v24, v28;
	v29 =	vld [tilespmem:s28+$0xFFFFF870];
	_ =	sdelay $0x4  }
0x81b: {  	[tilespmem:v58+s18+$0x0] =	vst.idx.add.f32.msk $0xffff, v29  }
0x81c: {  	v28 =	vor.u32 v25, v28;
	v29 =	vld [tilespmem:s28+$0xFFFFF880];
	_ =	sdelay $0x3  }
0x81d: {  	v59 =	vbroadcast v27, $0x1  }
0x81e: {  	[tilespmem:v28+s18+$0x0] =	vst.idx.add.f32.msk $0xffff, v29  }
0x81f: {  	v60 =	vor.u32 v11, v59;
	v28 =	vld [tilespmem:s28+$0xFFFFF890];
	_ =	sdelay $0x4  }
0x820: {  	[tilespmem:v60+s18+$0x0] =	vst.idx.add.f32.msk $0xffff, v28  }
0x821: {  	v61 =	vor.u32 v13, v59;
	v28 =	vld [tilespmem:s28+$0xFFFFF8A0];
	_ =	sdelay $0x4  }
0x822: {  	[tilespmem:v61+s18+$0x0] =	vst.idx.add.f32.msk $0xffff, v28  }
0x823: {  	v62 =	vor.u32 v15, v59;
	v28 =	vld [tilespmem:s28+$0xFFFFF8B0];
	_ =	sdelay $0x4  }
0x824: {  	[tilespmem:v62+s18+$0x0] =	vst.idx.add.f32.msk $0xffff, v28  }
0x825: {  	v63 =	vor.u32 v17, v59;
	v28 =	vld [tilespmem:s28+$0xFFFFF8C0];
	_ =	sdelay $0x4  }
0x826: {  	[tilespmem:v63+s18+$0x0] =	vst.idx.add.f32.msk $0xffff, v28  }
0x827: {  	v32 =	vor.u32 v19, v59;
	v28 =	vld [tilespmem:s28+$0xFFFFF8D0];
	_ =	sdelay $0x4  }
0x828: {  	[tilespmem:v32+s18+$0x0] =	vst.idx.add.f32.msk $0xffff, v28  }
0x829: {  	v33 =	vor.u32 v21, v59;
	v28 =	vld [tilespmem:s28+$0xFFFFF8E0];
	_ =	sdelay $0x4  }
0x82a: {  	[tilespmem:v33+s18+$0x0] =	vst.idx.add.f32.msk $0xffff, v28  }
0x82b: {  	v34 =	vor.u32 v24, v59;
	v28 =	vld [tilespmem:s28+$0xFFFFF8F0];
	_ =	sdelay $0x4  }
0x82c: {  	[tilespmem:v34+s18+$0x0] =	vst.idx.add.f32.msk $0xffff, v28  }
0x82d: {  	v35 =	vor.u32 v25, v59;
	v28 =	vld [tilespmem:s28+$0xFFFFF900];
	_ =	sdelay $0x3  }
0x82e: {  	v36 =	vbroadcast v27, $0x2  }
0x82f: {  	[tilespmem:v35+s18+$0x0] =	vst.idx.add.f32.msk $0xffff, v28  }
0x830: {  	v37 =	vor.u32 v11, v36;
	v28 =	vld [tilespmem:s28+$0xFFFFF910];
	_ =	sdelay $0x4  }
0x831: {  	[tilespmem:v37+s18+$0x0] =	vst.idx.add.f32.msk $0xffff, v28  }
0x832: {  	v38 =	vor.u32 v13, v36;
	v28 =	vld [tilespmem:s28+$0xFFFFF920];
	_ =	sdelay $0x4  }
0x833: {  	[tilespmem:v38+s18+$0x0] =	vst.idx.add.f32.msk $0xffff, v28  }
0x834: {  	v39 =	vor.u32 v15, v36;
	v28 =	vld [tilespmem:s28+$0xFFFFF930];
	_ =	sdelay $0x4  }
0x835: {  	[tilespmem:v39+s18+$0x0] =	vst.idx.add.f32.msk $0xffff, v28  }
0x836: {  	v40 =	vor.u32 v17, v36;
	v28 =	vld [tilespmem:s28+$0xFFFFF940];
	_ =	sdelay $0x4  }
0x837: {  	[tilespmem:v40+s18+$0x0] =	vst.idx.add.f32.msk $0xffff, v28  }
0x838: {  	v41 =	vor.u32 v19, v36;
	v28 =	vld [tilespmem:s28+$0xFFFFF950];
	_ =	sdelay $0x4  }
0x839: {  	[tilespmem:v41+s18+$0x0] =	vst.idx.add.f32.msk $0xffff, v28  }
0x83a: {  	v42 =	vor.u32 v21, v36;
	v28 =	vld [tilespmem:s28+$0xFFFFF960];
	_ =	sdelay $0x4  }
0x83b: {  	[tilespmem:v42+s18+$0x0] =	vst.idx.add.f32.msk $0xffff, v28  }
0x83c: {  	v43 =	vor.u32 v24, v36;
	v28 =	vld [tilespmem:s28+$0xFFFFF970];
	_ =	sdelay $0x4  }
0x83d: {  	[tilespmem:v43+s18+$0x0] =	vst.idx.add.f32.msk $0xffff, v28  }
0x83e: {  	v44 =	vor.u32 v25, v36;
	v28 =	vld [tilespmem:s28+$0xFFFFF980];
	_ =	sdelay $0x3  }
0x83f: {  	v45 =	vbroadcast v27, $0x3  }
0x840: {  	[tilespmem:v44+s18+$0x0] =	vst.idx.add.f32.msk $0xffff, v28  }
0x841: {  	v46 =	vor.u32 v11, v45;
	v28 =	vld [tilespmem:s28+$0xFFFFF990];
	_ =	sdelay $0x4  }
0x842: {  	[tilespmem:v46+s18+$0x0] =	vst.idx.add.f32.msk $0xffff, v28  }
0x843: {  	v47 =	vor.u32 v13, v45;
	v28 =	vld [tilespmem:s28+$0xFFFFF9A0];
	_ =	sdelay $0x4  }
0x844: {  	[tilespmem:v47+s18+$0x0] =	vst.idx.add.f32.msk $0xffff, v28  }
0x845: {  	v48 =	vor.u32 v15, v45;
	v28 =	vld [tilespmem:s28+$0xFFFFF9B0];
	_ =	sdelay $0x4  }
0x846: {  	[tilespmem:v48+s18+$0x0] =	vst.idx.add.f32.msk $0xffff, v28  }
0x847: {  	v49 =	vor.u32 v17, v45;
	v28 =	vld [tilespmem:s28+$0xFFFFF9C0];
	_ =	sdelay $0x4  }
0x848: {  	[tilespmem:v49+s18+$0x0] =	vst.idx.add.f32.msk $0xffff, v28  }
0x849: {  	v50 =	vor.u32 v19, v45;
	v28 =	vld [tilespmem:s28+$0xFFFFF9D0];
	_ =	sdelay $0x4  }
0x84a: {  	[tilespmem:v50+s18+$0x0] =	vst.idx.add.f32.msk $0xffff, v28  }
0x84b: {  	v51 =	vor.u32 v21, v45;
	v28 =	vld [tilespmem:s28+$0xFFFFF9E0];
	_ =	sdelay $0x4  }
0x84c: {  	[tilespmem:v51+s18+$0x0] =	vst.idx.add.f32.msk $0xffff, v28  }
0x84d: {  	v52 =	vor.u32 v24, v45;
	v28 =	vld [tilespmem:s28+$0xFFFFF9F0];
	_ =	sdelay $0x4  }
0x84e: {  	[tilespmem:v52+s18+$0x0] =	vst.idx.add.f32.msk $0xffff, v28  }
0x84f: {  	v53 =	vor.u32 v25, v45;
	v28 =	vld [tilespmem:s28+$0xFFFFFA00];
	_ =	sdelay $0x3  }
0x850: {  	v54 =	vbroadcast v27, $0x4  }
0x851: {  	[tilespmem:v53+s18+$0x0] =	vst.idx.add.f32.msk $0xffff, v28  }
0x852: {  	v55 =	vor.u32 v11, v54;
	v28 =	vld [tilespmem:s28+$0xFFFFFA10];
	_ =	sdelay $0x4  }
0x853: {  	[tilespmem:v55+s18+$0x0] =	vst.idx.add.f32.msk $0xffff, v28  }
0x854: {  	v56 =	vor.u32 v13, v54;
	v28 =	vld [tilespmem:s28+$0xFFFFFA20];
	_ =	sdelay $0x4  }
0x855: {  	[tilespmem:v56+s18+$0x0] =	vst.idx.add.f32.msk $0xffff, v28  }
0x856: {  	v57 =	vor.u32 v15, v54;
	v28 =	vld [tilespmem:s28+$0xFFFFFA30];
	_ =	sdelay $0x4  }
0x857: {  	[tilespmem:v57+s18+$0x0] =	vst.idx.add.f32.msk $0xffff, v28  }
0x858: {  	v58 =	vor.u32 v17, v54;
	v28 =	vld [tilespmem:s28+$0xFFFFFA40];
	_ =	sdelay $0x4  }
0x859: {  	[tilespmem:v58+s18+$0x0] =	vst.idx.add.f32.msk $0xffff, v28  }
0x85a: {  	v59 =	vor.u32 v19, v54;
	v28 =	vld [tilespmem:s28+$0xFFFFFA50];
	_ =	sdelay $0x4  }
0x85b: {  	[tilespmem:v59+s18+$0x0] =	vst.idx.add.f32.msk $0xffff, v28  }
0x85c: {  	v60 =	vor.u32 v21, v54;
	v28 =	vld [tilespmem:s28+$0xFFFFFA60];
	_ =	sdelay $0x4  }
0x85d: {  	[tilespmem:v60+s18+$0x0] =	vst.idx.add.f32.msk $0xffff, v28  }
0x85e: {  	v61 =	vor.u32 v24, v54;
	v28 =	vld [tilespmem:s28+$0xFFFFFA70];
	_ =	sdelay $0x4  }
0x85f: {  	[tilespmem:v61+s18+$0x0] =	vst.idx.add.f32.msk $0xffff, v28  }
0x860: {  	v62 =	vor.u32 v25, v54;
	v28 =	vld [tilespmem:s28+$0xFFFFFA80];
	_ =	sdelay $0x3  }
0x861: {  	v63 =	vbroadcast v27, $0x5  }
0x862: {  	[tilespmem:v62+s18+$0x0] =	vst.idx.add.f32.msk $0xffff, v28  }
0x863: {  	v32 =	vor.u32 v11, v63;
	v28 =	vld [tilespmem:s28+$0xFFFFFA90];
	_ =	sdelay $0x4  }
0x864: {  	[tilespmem:v32+s18+$0x0] =	vst.idx.add.f32.msk $0xffff, v28  }
0x865: {  	v33 =	vor.u32 v13, v63;
	v28 =	vld [tilespmem:s28+$0xFFFFFAA0];
	_ =	sdelay $0x4  }
0x866: {  	[tilespmem:v33+s18+$0x0] =	vst.idx.add.f32.msk $0xffff, v28  }
0x867: {  	v34 =	vor.u32 v15, v63;
	v28 =	vld [tilespmem:s28+$0xFFFFFAB0];
	_ =	sdelay $0x4  }
0x868: {  	[tilespmem:v34+s18+$0x0] =	vst.idx.add.f32.msk $0xffff, v28  }
0x869: {  	v35 =	vor.u32 v17, v63;
	v28 =	vld [tilespmem:s28+$0xFFFFFAC0];
	_ =	sdelay $0x4  }
0x86a: {  	[tilespmem:v35+s18+$0x0] =	vst.idx.add.f32.msk $0xffff, v28  }
0x86b: {  	v36 =	vor.u32 v19, v63;
	v28 =	vld [tilespmem:s28+$0xFFFFFAD0];
	_ =	sdelay $0x4  }
0x86c: {  	[tilespmem:v36+s18+$0x0] =	vst.idx.add.f32.msk $0xffff, v28  }
0x86d: {  	v37 =	vor.u32 v21, v63;
	v28 =	vld [tilespmem:s28+$0xFFFFFAE0];
	_ =	sdelay $0x4  }
0x86e: {  	[tilespmem:v37+s18+$0x0] =	vst.idx.add.f32.msk $0xffff, v28  }
0x86f: {  	v38 =	vor.u32 v24, v63;
	v28 =	vld [tilespmem:s28+$0xFFFFFAF0];
	_ =	sdelay $0x4  }
0x870: {  	[tilespmem:v38+s18+$0x0] =	vst.idx.add.f32.msk $0xffff, v28  }
0x871: {  	v39 =	vor.u32 v25, v63;
	v28 =	vld [tilespmem:s28+$0xFFFFFB00];
	_ =	sdelay $0x3  }
0x872: {  	v40 =	vbroadcast v27, $0x6  }
0x873: {  	[tilespmem:v39+s18+$0x0] =	vst.idx.add.f32.msk $0xffff, v28  }
0x874: {  	v41 =	vor.u32 v11, v40;
	v28 =	vld [tilespmem:s28+$0xFFFFFB10];
	_ =	sdelay $0x4  }
0x875: {  	[tilespmem:v41+s18+$0x0] =	vst.idx.add.f32.msk $0xffff, v28  }
0x876: {  	v42 =	vor.u32 v13, v40;
	v28 =	vld [tilespmem:s28+$0xFFFFFB20];
	_ =	sdelay $0x4  }
0x877: {  	[tilespmem:v42+s18+$0x0] =	vst.idx.add.f32.msk $0xffff, v28  }
0x878: {  	v43 =	vor.u32 v15, v40;
	v28 =	vld [tilespmem:s28+$0xFFFFFB30];
	_ =	sdelay $0x4  }
0x879: {  	[tilespmem:v43+s18+$0x0] =	vst.idx.add.f32.msk $0xffff, v28  }
0x87a: {  	v44 =	vor.u32 v17, v40;
	v28 =	vld [tilespmem:s28+$0xFFFFFB40];
	_ =	sdelay $0x4  }
0x87b: {  	[tilespmem:v44+s18+$0x0] =	vst.idx.add.f32.msk $0xffff, v28  }
0x87c: {  	v45 =	vor.u32 v19, v40;
	v28 =	vld [tilespmem:s28+$0xFFFFFB50];
	_ =	sdelay $0x4  }
0x87d: {  	[tilespmem:v45+s18+$0x0] =	vst.idx.add.f32.msk $0xffff, v28  }
0x87e: {  	v46 =	vor.u32 v21, v40;
	v28 =	vld [tilespmem:s28+$0xFFFFFB60];
	_ =	sdelay $0x4  }
0x87f: {  	[tilespmem:v46+s18+$0x0] =	vst.idx.add.f32.msk $0xffff, v28  }
0x880: {  	v47 =	vor.u32 v24, v40;
	v28 =	vld [tilespmem:s28+$0xFFFFFB70];
	_ =	sdelay $0x4  }
0x881: {  	[tilespmem:v47+s18+$0x0] =	vst.idx.add.f32.msk $0xffff, v28  }
0x882: {  	v48 =	vor.u32 v25, v40;
	v28 =	vld [tilespmem:s28+$0xFFFFFB80];
	_ =	sdelay $0x3  }
0x883: {  	v49 =	vbroadcast v27, $0x7  }
0x884: {  	[tilespmem:v48+s18+$0x0] =	vst.idx.add.f32.msk $0xffff, v28  }
0x885: {  	v50 =	vor.u32 v11, v49;
	v28 =	vld [tilespmem:s28+$0xFFFFFB90];
	_ =	sdelay $0x4  }
0x886: {  	[tilespmem:v50+s18+$0x0] =	vst.idx.add.f32.msk $0xffff, v28  }
0x887: {  	v51 =	vor.u32 v13, v49;
	v28 =	vld [tilespmem:s28+$0xFFFFFBA0];
	_ =	sdelay $0x4  }
0x888: {  	[tilespmem:v51+s18+$0x0] =	vst.idx.add.f32.msk $0xffff, v28  }
0x889: {  	v52 =	vor.u32 v15, v49;
	v28 =	vld [tilespmem:s28+$0xFFFFFBB0];
	_ =	sdelay $0x4  }
0x88a: {  	[tilespmem:v52+s18+$0x0] =	vst.idx.add.f32.msk $0xffff, v28  }
0x88b: {  	v53 =	vor.u32 v17, v49;
	v28 =	vld [tilespmem:s28+$0xFFFFFBC0];
	_ =	sdelay $0x4  }
0x88c: {  	[tilespmem:v53+s18+$0x0] =	vst.idx.add.f32.msk $0xffff, v28  }
0x88d: {  	v54 =	vor.u32 v19, v49;
	v28 =	vld [tilespmem:s28+$0xFFFFFBD0];
	_ =	sdelay $0x4  }
0x88e: {  	[tilespmem:v54+s18+$0x0] =	vst.idx.add.f32.msk $0xffff, v28  }
0x88f: {  	v55 =	vor.u32 v21, v49;
	v28 =	vld [tilespmem:s28+$0xFFFFFBE0];
	_ =	sdelay $0x4  }
0x890: {  	[tilespmem:v55+s18+$0x0] =	vst.idx.add.f32.msk $0xffff, v28  }
0x891: {  	v56 =	vor.u32 v24, v49;
	v28 =	vld [tilespmem:s28+$0xFFFFFBF0];
	_ =	sdelay $0x4  }
0x892: {  	[tilespmem:v56+s18+$0x0] =	vst.idx.add.f32.msk $0xffff, v28  }
0x893: {  	v57 =	vor.u32 v25, v49;
	v28 =	vld [tilespmem:s28+$0xFFFFFC00];
	_ =	sdelay $0x3  }
0x894: {  	v58 =	vbroadcast v27, $0x8  }
0x895: {  	[tilespmem:v57+s18+$0x0] =	vst.idx.add.f32.msk $0xffff, v28  }
0x896: {  	v59 =	vor.u32 v11, v58;
	v28 =	vld [tilespmem:s28+$0xFFFFFC10];
	_ =	sdelay $0x4  }
0x897: {  	[tilespmem:v59+s18+$0x0] =	vst.idx.add.f32.msk $0xffff, v28  }
0x898: {  	v60 =	vor.u32 v13, v58;
	v28 =	vld [tilespmem:s28+$0xFFFFFC20];
	_ =	sdelay $0x4  }
0x899: {  	[tilespmem:v60+s18+$0x0] =	vst.idx.add.f32.msk $0xffff, v28  }
0x89a: {  	v61 =	vor.u32 v15, v58;
	v28 =	vld [tilespmem:s28+$0xFFFFFC30];
	_ =	sdelay $0x4  }
0x89b: {  	[tilespmem:v61+s18+$0x0] =	vst.idx.add.f32.msk $0xffff, v28  }
0x89c: {  	v62 =	vor.u32 v17, v58;
	v28 =	vld [tilespmem:s28+$0xFFFFFC40];
	_ =	sdelay $0x4  }
0x89d: {  	[tilespmem:v62+s18+$0x0] =	vst.idx.add.f32.msk $0xffff, v28  }
0x89e: {  	v63 =	vor.u32 v19, v58;
	v28 =	vld [tilespmem:s28+$0xFFFFFC50];
	_ =	sdelay $0x4  }
0x89f: {  	[tilespmem:v63+s18+$0x0] =	vst.idx.add.f32.msk $0xffff, v28  }
0x8a0: {  	v32 =	vor.u32 v21, v58;
	v28 =	vld [tilespmem:s28+$0xFFFFFC60];
	_ =	sdelay $0x4  }
0x8a1: {  	[tilespmem:v32+s18+$0x0] =	vst.idx.add.f32.msk $0xffff, v28  }
0x8a2: {  	v33 =	vor.u32 v24, v58;
	v28 =	vld [tilespmem:s28+$0xFFFFFC70];
	_ =	sdelay $0x4  }
0x8a3: {  	[tilespmem:v33+s18+$0x0] =	vst.idx.add.f32.msk $0xffff, v28  }
0x8a4: {  	v34 =	vor.u32 v25, v58;
	v28 =	vld [tilespmem:s28+$0xFFFFFC80];
	_ =	sdelay $0x3  }
0x8a5: {  	v35 =	vbroadcast v27, $0x9  }
0x8a6: {  	[tilespmem:v34+s18+$0x0] =	vst.idx.add.f32.msk $0xffff, v28  }
0x8a7: {  	v36 =	vor.u32 v11, v35;
	v28 =	vld [tilespmem:s28+$0xFFFFFC90];
	_ =	sdelay $0x4  }
0x8a8: {  	[tilespmem:v36+s18+$0x0] =	vst.idx.add.f32.msk $0xffff, v28  }
0x8a9: {  	v37 =	vor.u32 v13, v35;
	v28 =	vld [tilespmem:s28+$0xFFFFFCA0];
	_ =	sdelay $0x4  }
0x8aa: {  	[tilespmem:v37+s18+$0x0] =	vst.idx.add.f32.msk $0xffff, v28  }
0x8ab: {  	v38 =	vor.u32 v15, v35;
	v28 =	vld [tilespmem:s28+$0xFFFFFCB0];
	_ =	sdelay $0x4  }
0x8ac: {  	[tilespmem:v38+s18+$0x0] =	vst.idx.add.f32.msk $0xffff, v28  }
0x8ad: {  	v39 =	vor.u32 v17, v35;
	v28 =	vld [tilespmem:s28+$0xFFFFFCC0];
	_ =	sdelay $0x4  }
0x8ae: {  	[tilespmem:v39+s18+$0x0] =	vst.idx.add.f32.msk $0xffff, v28  }
0x8af: {  	v40 =	vor.u32 v19, v35;
	v28 =	vld [tilespmem:s28+$0xFFFFFCD0];
	_ =	sdelay $0x4  }
0x8b0: {  	[tilespmem:v40+s18+$0x0] =	vst.idx.add.f32.msk $0xffff, v28  }
0x8b1: {  	v41 =	vor.u32 v21, v35;
	v28 =	vld [tilespmem:s28+$0xFFFFFCE0];
	_ =	sdelay $0x4  }
0x8b2: {  	[tilespmem:v41+s18+$0x0] =	vst.idx.add.f32.msk $0xffff, v28  }
0x8b3: {  	v42 =	vor.u32 v24, v35;
	v28 =	vld [tilespmem:s28+$0xFFFFFCF0];
	_ =	sdelay $0x4  }
0x8b4: {  	[tilespmem:v42+s18+$0x0] =	vst.idx.add.f32.msk $0xffff, v28  }
0x8b5: {  	v43 =	vor.u32 v25, v35;
	v28 =	vld [tilespmem:s28+$0xFFFFFD00];
	_ =	sdelay $0x3  }
0x8b6: {  	v44 =	vbroadcast v27, $0xA  }
0x8b7: {  	[tilespmem:v43+s18+$0x0] =	vst.idx.add.f32.msk $0xffff, v28  }
0x8b8: {  	v45 =	vor.u32 v11, v44;
	v28 =	vld [tilespmem:s28+$0xFFFFFD10];
	_ =	sdelay $0x4  }
0x8b9: {  	[tilespmem:v45+s18+$0x0] =	vst.idx.add.f32.msk $0xffff, v28  }
0x8ba: {  	v46 =	vor.u32 v13, v44;
	v28 =	vld [tilespmem:s28+$0xFFFFFD20];
	_ =	sdelay $0x4  }
0x8bb: {  	[tilespmem:v46+s18+$0x0] =	vst.idx.add.f32.msk $0xffff, v28  }
0x8bc: {  	v47 =	vor.u32 v15, v44;
	v28 =	vld [tilespmem:s28+$0xFFFFFD30];
	_ =	sdelay $0x4  }
0x8bd: {  	[tilespmem:v47+s18+$0x0] =	vst.idx.add.f32.msk $0xffff, v28  }
0x8be: {  	v48 =	vor.u32 v17, v44;
	v28 =	vld [tilespmem:s28+$0xFFFFFD40];
	_ =	sdelay $0x4  }
0x8bf: {  	[tilespmem:v48+s18+$0x0] =	vst.idx.add.f32.msk $0xffff, v28  }
0x8c0: {  	v49 =	vor.u32 v19, v44;
	v28 =	vld [tilespmem:s28+$0xFFFFFD50];
	_ =	sdelay $0x4  }
0x8c1: {  	[tilespmem:v49+s18+$0x0] =	vst.idx.add.f32.msk $0xffff, v28  }
0x8c2: {  	v50 =	vor.u32 v21, v44;
	v28 =	vld [tilespmem:s28+$0xFFFFFD60];
	_ =	sdelay $0x4  }
0x8c3: {  	[tilespmem:v50+s18+$0x0] =	vst.idx.add.f32.msk $0xffff, v28  }
0x8c4: {  	v51 =	vor.u32 v24, v44;
	v28 =	vld [tilespmem:s28+$0xFFFFFD70];
	_ =	sdelay $0x4  }
0x8c5: {  	[tilespmem:v51+s18+$0x0] =	vst.idx.add.f32.msk $0xffff, v28  }
0x8c6: {  	v52 =	vor.u32 v25, v44;
	v28 =	vld [tilespmem:s28+$0xFFFFFD80];
	_ =	sdelay $0x3  }
0x8c7: {  	v53 =	vbroadcast v27, $0xB  }
0x8c8: {  	[tilespmem:v52+s18+$0x0] =	vst.idx.add.f32.msk $0xffff, v28  }
0x8c9: {  	v54 =	vor.u32 v11, v53;
	v28 =	vld [tilespmem:s28+$0xFFFFFD90];
	_ =	sdelay $0x4  }
0x8ca: {  	[tilespmem:v54+s18+$0x0] =	vst.idx.add.f32.msk $0xffff, v28  }
0x8cb: {  	v55 =	vor.u32 v13, v53;
	v28 =	vld [tilespmem:s28+$0xFFFFFDA0];
	_ =	sdelay $0x4  }
0x8cc: {  	[tilespmem:v55+s18+$0x0] =	vst.idx.add.f32.msk $0xffff, v28  }
0x8cd: {  	v56 =	vor.u32 v15, v53;
	v28 =	vld [tilespmem:s28+$0xFFFFFDB0];
	_ =	sdelay $0x4  }
0x8ce: {  	[tilespmem:v56+s18+$0x0] =	vst.idx.add.f32.msk $0xffff, v28  }
0x8cf: {  	v57 =	vor.u32 v17, v53;
	v28 =	vld [tilespmem:s28+$0xFFFFFDC0];
	_ =	sdelay $0x4  }
0x8d0: {  	[tilespmem:v57+s18+$0x0] =	vst.idx.add.f32.msk $0xffff, v28  }
0x8d1: {  	v58 =	vor.u32 v19, v53;
	v28 =	vld [tilespmem:s28+$0xFFFFFDD0];
	_ =	sdelay $0x4  }
0x8d2: {  	[tilespmem:v58+s18+$0x0] =	vst.idx.add.f32.msk $0xffff, v28  }
0x8d3: {  	v59 =	vor.u32 v21, v53;
	v28 =	vld [tilespmem:s28+$0xFFFFFDE0];
	_ =	sdelay $0x4  }
0x8d4: {  	[tilespmem:v59+s18+$0x0] =	vst.idx.add.f32.msk $0xffff, v28  }
0x8d5: {  	v60 =	vor.u32 v24, v53;
	v28 =	vld [tilespmem:s28+$0xFFFFFDF0];
	_ =	sdelay $0x4  }
0x8d6: {  	[tilespmem:v60+s18+$0x0] =	vst.idx.add.f32.msk $0xffff, v28  }
0x8d7: {  	v61 =	vor.u32 v25, v53;
	v28 =	vld [tilespmem:s28+$0xFFFFFE00];
	_ =	sdelay $0x3  }
0x8d8: {  	v62 =	vbroadcast v27, $0xC  }
0x8d9: {  	[tilespmem:v61+s18+$0x0] =	vst.idx.add.f32.msk $0xffff, v28  }
0x8da: {  	v63 =	vor.u32 v11, v62;
	v28 =	vld [tilespmem:s28+$0xFFFFFE10];
	_ =	sdelay $0x4  }
0x8db: {  	[tilespmem:v63+s18+$0x0] =	vst.idx.add.f32.msk $0xffff, v28  }
0x8dc: {  	v32 =	vor.u32 v13, v62;
	v28 =	vld [tilespmem:s28+$0xFFFFFE20];
	_ =	sdelay $0x4  }
0x8dd: {  	[tilespmem:v32+s18+$0x0] =	vst.idx.add.f32.msk $0xffff, v28  }
0x8de: {  	v33 =	vor.u32 v15, v62;
	v28 =	vld [tilespmem:s28+$0xFFFFFE30];
	_ =	sdelay $0x4  }
0x8df: {  	[tilespmem:v33+s18+$0x0] =	vst.idx.add.f32.msk $0xffff, v28  }
0x8e0: {  	v34 =	vor.u32 v17, v62;
	v28 =	vld [tilespmem:s28+$0xFFFFFE40];
	_ =	sdelay $0x4  }
0x8e1: {  	[tilespmem:v34+s18+$0x0] =	vst.idx.add.f32.msk $0xffff, v28  }
0x8e2: {  	v35 =	vor.u32 v19, v62;
	v28 =	vld [tilespmem:s28+$0xFFFFFE50];
	_ =	sdelay $0x4  }
0x8e3: {  	[tilespmem:v35+s18+$0x0] =	vst.idx.add.f32.msk $0xffff, v28  }
0x8e4: {  	v36 =	vor.u32 v21, v62;
	v28 =	vld [tilespmem:s28+$0xFFFFFE60];
	_ =	sdelay $0x4  }
0x8e5: {  	[tilespmem:v36+s18+$0x0] =	vst.idx.add.f32.msk $0xffff, v28  }
0x8e6: {  	v37 =	vor.u32 v24, v62;
	v28 =	vld [tilespmem:s28+$0xFFFFFE70];
	_ =	sdelay $0x4  }
0x8e7: {  	[tilespmem:v37+s18+$0x0] =	vst.idx.add.f32.msk $0xffff, v28  }
0x8e8: {  	v38 =	vor.u32 v25, v62;
	v28 =	vld [tilespmem:s28+$0xFFFFFE80];
	_ =	sdelay $0x3  }
0x8e9: {  	v39 =	vbroadcast v27, $0xD  }
0x8ea: {  	[tilespmem:v38+s18+$0x0] =	vst.idx.add.f32.msk $0xffff, v28  }
0x8eb: {  	v40 =	vor.u32 v11, v39;
	v28 =	vld [tilespmem:s28+$0xFFFFFE90];
	_ =	sdelay $0x4  }
0x8ec: {  	[tilespmem:v40+s18+$0x0] =	vst.idx.add.f32.msk $0xffff, v28  }
0x8ed: {  	v41 =	vor.u32 v13, v39;
	v28 =	vld [tilespmem:s28+$0xFFFFFEA0];
	_ =	sdelay $0x4  }
0x8ee: {  	[tilespmem:v41+s18+$0x0] =	vst.idx.add.f32.msk $0xffff, v28  }
0x8ef: {  	v42 =	vor.u32 v15, v39;
	v28 =	vld [tilespmem:s28+$0xFFFFFEB0];
	_ =	sdelay $0x4  }
0x8f0: {  	[tilespmem:v42+s18+$0x0] =	vst.idx.add.f32.msk $0xffff, v28  }
0x8f1: {  	v43 =	vor.u32 v17, v39;
	v28 =	vld [tilespmem:s28+$0xFFFFFEC0];
	_ =	sdelay $0x4  }
0x8f2: {  	[tilespmem:v43+s18+$0x0] =	vst.idx.add.f32.msk $0xffff, v28  }
0x8f3: {  	v44 =	vor.u32 v19, v39;
	v28 =	vld [tilespmem:s28+$0xFFFFFED0];
	_ =	sdelay $0x4  }
0x8f4: {  	[tilespmem:v44+s18+$0x0] =	vst.idx.add.f32.msk $0xffff, v28  }
0x8f5: {  	v45 =	vor.u32 v21, v39;
	v28 =	vld [tilespmem:s28+$0xFFFFFEE0];
	_ =	sdelay $0x4  }
0x8f6: {  	[tilespmem:v45+s18+$0x0] =	vst.idx.add.f32.msk $0xffff, v28  }
0x8f7: {  	v46 =	vor.u32 v24, v39;
	v28 =	vld [tilespmem:s28+$0xFFFFFEF0];
	_ =	sdelay $0x4  }
0x8f8: {  	[tilespmem:v46+s18+$0x0] =	vst.idx.add.f32.msk $0xffff, v28  }
0x8f9: {  	v47 =	vor.u32 v25, v39;
	v28 =	vld [tilespmem:s28+$0xFFFFFF00];
	_ =	sdelay $0x3  }
0x8fa: {  	v48 =	vbroadcast v27, $0xE  }
0x8fb: {  	[tilespmem:v47+s18+$0x0] =	vst.idx.add.f32.msk $0xffff, v28  }
0x8fc: {  	v49 =	vor.u32 v11, v48;
	v28 =	vld [tilespmem:s28+$0xFFFFFF10];
	_ =	sdelay $0x4  }
0x8fd: {  	[tilespmem:v49+s18+$0x0] =	vst.idx.add.f32.msk $0xffff, v28  }
0x8fe: {  	v50 =	vor.u32 v13, v48;
	v28 =	vld [tilespmem:s28+$0xFFFFFF20];
	_ =	sdelay $0x4  }
0x8ff: {  	[tilespmem:v50+s18+$0x0] =	vst.idx.add.f32.msk $0xffff, v28  }
0x900: {  	v51 =	vor.u32 v15, v48;
	v28 =	vld [tilespmem:s28+$0xFFFFFF30];
	_ =	sdelay $0x4  }
0x901: {  	[tilespmem:v51+s18+$0x0] =	vst.idx.add.f32.msk $0xffff, v28  }
0x902: {  	v52 =	vor.u32 v17, v48;
	v28 =	vld [tilespmem:s28+$0xFFFFFF40];
	_ =	sdelay $0x4  }
0x903: {  	[tilespmem:v52+s18+$0x0] =	vst.idx.add.f32.msk $0xffff, v28  }
0x904: {  	v53 =	vor.u32 v19, v48;
	v28 =	vld [tilespmem:s28+$0xFFFFFF50];
	_ =	sdelay $0x4  }
0x905: {  	[tilespmem:v53+s18+$0x0] =	vst.idx.add.f32.msk $0xffff, v28  }
0x906: {  	v54 =	vor.u32 v21, v48;
	v28 =	vld [tilespmem:s28+$0xFFFFFF60];
	_ =	sdelay $0x4  }
0x907: {  	[tilespmem:v54+s18+$0x0] =	vst.idx.add.f32.msk $0xffff, v28  }
0x908: {  	v55 =	vor.u32 v24, v48;
	v28 =	vld [tilespmem:s28+$0xFFFFFF70];
	_ =	sdelay $0x4  }
0x909: {  	[tilespmem:v55+s18+$0x0] =	vst.idx.add.f32.msk $0xffff, v28  }
0x90a: {  	v56 =	vor.u32 v25, v48;
	v28 =	vld [tilespmem:s28+$0xFFFFFF80];
	_ =	sdelay $0x3  }
0x90b: {  	v27 =	vbroadcast v27, $0xF  }
0x90c: {  	[tilespmem:v56+s18+$0x0] =	vst.idx.add.f32.msk $0xffff, v28  }
0x90d: {  	v57 =	vor.u32 v11, v27;
	v28 =	vld [tilespmem:s28+$0xFFFFFF90];
	_ =	sdelay $0x4  }
0x90e: {  	[tilespmem:v57+s18+$0x0] =	vst.idx.add.f32.msk $0xffff, v28  }
0x90f: {  	v58 =	vor.u32 v13, v27;
	v28 =	vld [tilespmem:s28+$0xFFFFFFA0];
	_ =	sdelay $0x4  }
0x910: {  	[tilespmem:v58+s18+$0x0] =	vst.idx.add.f32.msk $0xffff, v28  }
0x911: {  	v59 =	vor.u32 v15, v27;
	v28 =	vld [tilespmem:s28+$0xFFFFFFB0];
	_ =	sdelay $0x4  }
0x912: {  	[tilespmem:v59+s18+$0x0] =	vst.idx.add.f32.msk $0xffff, v28  }
0x913: {  	v60 =	vor.u32 v17, v27;
	v28 =	vld [tilespmem:s28+$0xFFFFFFC0];
	_ =	sdelay $0x4  }
0x914: {  	[tilespmem:v60+s18+$0x0] =	vst.idx.add.f32.msk $0xffff, v28  }
0x915: {  	v61 =	vor.u32 v19, v27;
	v28 =	vld [tilespmem:s28+$0xFFFFFFD0];
	_ =	sdelay $0x4  }
0x916: {  	[tilespmem:v61+s18+$0x0] =	vst.idx.add.f32.msk $0xffff, v28  }
0x917: {  	v62 =	vor.u32 v21, v27;
	v28 =	vld [tilespmem:s28+$0xFFFFFFE0];
	_ =	sdelay $0x4  }
0x918: {  	[tilespmem:v62+s18+$0x0] =	vst.idx.add.f32.msk $0xffff, v28  }
0x919: {  	v63 =	vor.u32 v24, v27;
	v28 =	vld [tilespmem:s28+$0xFFFFFFF0];
	_ =	sdelay $0x4  }
0x91a: {  	[tilespmem:v63+s18+$0x0] =	vst.idx.add.f32.msk $0xffff, v28  }
0x91b: {  	p1 =	sne.s32 s25, $0x40;
	v27 =	vor.u32 v25, v27;
	v28 =	vld [tilespmem:s28+$0x0]  }
.Ltmp6:
0x91c: {  	_ = 	snop;
	(pc) =	sbr.rel @p1 .LBB2_9-.Ltmp6, $2  }
0x91d: {  	_ =	sdelay $0x2  }
0x91e: {  	s25 =	sadd.s32 $0x40, s25;
	s28 =	sadd.s32 $0x800, s28;
	[tilespmem:v27+s18+$0x0] =	vst.idx.add.f32.msk $0xffff, v28  }
.Ltmp7:
0x91f: {  	(pc) =	sbr.rel @p0 .LBB2_12-.Ltmp7, $1  }
0x920: {  	_ =	sdelay $0x3  }
0x921: {  	s0 =	sadd.s32 $0x3, s24  }
0x922: {  	s24 =	sshll.u32 s0, $0x11  }
0x923: {  	s24 =	sadd.s32 s6, s24  }
.Ltmp8:
0x924: {  	s24 =	sshrl.u32 s24, $0x3;
	(pc) =	sbr.rel .LBB2_4-.Ltmp8, $4  }
0x925: {  	s0 =	sshll.u32 s0, $0x4;
	s24 =	sadd.s32 s1, s24  }
0x926: {  	[tilespmem:s15], [sflag:$0x2] =	stream.strided.gather [hbm4b:s24+s12], $0x4000, s13, s12, $0x38;
	[tilespmem:$0x18500] =	vst v63  }
0x927: {  	s23 =	sadd.s32 $0x1, s23;
	s0 =	sadd.s32 s2, s0  }
0x928: {  	[tilespmem:s16], [sflag:$0x4] =	stream.linear.gather [hbm4b:s0+s4], $0x80, $0x38;
	[tilespmem:$0x18500] =	vst v63  }
.LBB2_13:
0x929: {  	_ =	sfence.sel $0x180000  }
0x92a: {  	[bflag:$0x0] =	sbarrier.arrive $0xFFFF  }
0x92b: {  	_ =	strace $0x90000047  }
0x92c: {  	[bflag:$0x2] =	sbarrier.arrive $0xFFFF  }
0x92d: {  	p0 =	sne.s32 s3, $0x0;
	s0 =	rddreg [dreg:$0x3]  }
0x92e: {  	s0 =	sadd.s32 @!p0 $0x100000, s0  }
0x92f: {  	[sflag:s0] =	ssyncadd.tile.s32 @!p0 $0x1;
	_ =	shalt  }
.Lfunc_end2:
_tile_overlayer_lowered:
.L_overlay_start_2:
0x930: {  	(tag) =	ssettag $0x2  }
0x931: {  	s0 =	rddreg [dreg:$0x0];
	s2 =	stileid.u32  }
0x932: {  	s1 =	rddreg [dreg:$0x1];
	p0 =	sne.s32 s2, $0x0  }
0x933: {  	s3 =	rddreg [dreg:$0x2];
	[bflag:$0x3] =	sbarrier.arrive $0xFFFF;
	s2 =	simm.s32 @!p0 $0x1C05  }
0x934: {  	[timem:s3], [sflag:s2] =	dma.local @!p0 [hbm:s0], s1  }
0x935: {  	s0 =	simm.s32 @!p0 $0x5  }
0x936: {  	_ =	swait.ge @!p0 [sflag:s0], s1  }
0x937: {  	s1 =	ssub.s32 @!p0 $0x0, s1;
	[sflag:s0] =	ssyncset.done @!p0 $0x0  }
0x938: {  	[sflag:s0] =	ssyncadd.s32 @!p0 s1  }
0x939: {  	[bflag:$0x3] =	sbarrier.arrive $0xFFFF  }
0x93a: {  	_ =	shalt  }

</sc_bundles>
